<compile_context>
chip_gen: v7x
topology: tpu7x:2x2x1
jax: 0.10.2.dev20260603
libtpu: 0.0.44.dev20260713+nightly
codegen_flags: <defaults>
</compile_context>

<pallas_src>
import jax
import jax.numpy as jnp
from jax import lax
from jax.experimental import pallas as pl
from jax.experimental.pallas import tpu as pltpu
from jax.experimental.pallas import tpu_sc as plsc

NC = 2
NS = 16
NW = NC * NS
CH = 128
NBUF = 3
NNODE = 10000
FDIM = 128
RPS = 632
RPS_LAST = NNODE - (NS - 1) * RPS

NCHUNK = -(-320000 // CH)
QBASE = NCHUNK // NW
QREM = NCHUNK % NW


def _seg_loop(with_cnt, q, off_e, feat, edges, acc_sh, cnt_sh, ones_v,
              isrc, idst, rows, isem, dsem, gsem, ssem, csem):
  nb = len(isrc)
  ng = q // nb

  def _isrc(j, b):
    return pltpu.make_async_copy(
        edges.at[0, pl.ds(off_e + j * CH, CH)], isrc[b], isem.at[b])

  def _idst(j, b):
    return pltpu.make_async_copy(
        edges.at[pl.ds(1, 1), pl.ds(off_e + j * CH, CH)], idst[b],
        dsem.at[b])

  def _gather(b):
    return pltpu.make_async_copy(feat.at[isrc[b]], rows[b], gsem.at[b])

  def _gather_start(b):
    _gather(b).start()

  def _gather_wait(b):
    _gather(b).wait()

  def _scat(b):
    return pltpu.async_copy(rows[b], acc_sh.at[idst[b].at[0]], ssem.at[b],
                            add=True)

  def _cnt(b):
    return pltpu.async_copy(ones_v, cnt_sh.at[idst[b].at[0]], csem.at[b],
                            add=True)

  for b in range(nb):
    _isrc(b, b).start()
    _idst(b, b).start()
    _isrc(b, b).wait()
    _gather_start(b)

  def group(t, carry):
    base = t * nb
    descs = []
    for b in range(nb):
      j = base + b
      _gather_wait(b)
      _idst(j, b).wait()
      sd = _scat(b)
      cd = _cnt(b) if with_cnt else None
      descs.append((sd, cd))
      _isrc((j + nb) % q, b).start()
    for b in range(nb):
      j = base + b
      sd, cd = descs[b]
      sd.wait()
      if cd is not None:
        cd.wait()
      _idst((j + nb) % q, b).start()
      _isrc(j, b).wait()
      _gather_start(b)
    return carry

  lax.fori_loop(0, ng, group, 0)
  for b in range(nb):
    _gather_wait(b)
    _idst(b, b).wait()

  def tail(j, carry):
    _isrc(j, 0).start()
    _idst(j, 0).start()
    _isrc(j, 0).wait()
    _idst(j, 0).wait()
    _gather_start(0)
    _gather_wait(0)
    _scat(0).wait()
    if with_cnt:
      _cnt(0).wait()
    return carry

  lax.fori_loop(ng * nb, q, tail, 0)


def _tile_quota(c, s):
  w = s * NC + c
  q = QBASE + jnp.where(w < QREM, 1, 0)
  off_e = (w * QBASE + jnp.minimum(w, QREM)) * CH
  return q, off_e


def _slab(s, copy):
  base = s * RPS

  @pl.when(s < NS - 1)
  def _():
    copy(pl.ds(base, RPS))

  @pl.when(s == NS - 1)
  def _():
    copy(pl.ds(base, RPS_LAST))


def _seg_sum_cnt_body(feat, edges, z2d, z1d, ones_h, out_p, out_c,
                      acc_sh, cnt_sh, ones_v,
                      isrc0, isrc1, isrc2, idst0, idst1, idst2,
                      rows0, rows1, rows2,
                      isem, dsem, gsem, ssem, csem):
  c = lax.axis_index("c")
  s = lax.axis_index("s")
  q, off_e = _tile_quota(c, s)
  _slab(s, lambda d: pltpu.sync_copy(z2d.at[d], acc_sh.at[d]))

  @pl.when(s == 0)
  def _():
    pltpu.sync_copy(z1d, cnt_sh)

  pltpu.sync_copy(ones_h, ones_v)
  plsc.subcore_barrier()
  _seg_loop(True, q, off_e, feat, edges, acc_sh, cnt_sh, ones_v,
            (isrc0, isrc1, isrc2), (idst0, idst1, idst2),
            (rows0, rows1, rows2), isem, dsem, gsem, ssem, csem)
  plsc.subcore_barrier()
  _slab(s, lambda d: pltpu.sync_copy(acc_sh.at[d], out_p.at[c, d]))

  @pl.when(s == 0)
  def _():
    pltpu.sync_copy(cnt_sh, out_c.at[c])


def _seg_sum_body(feat, edges, z2d, out_p,
                  acc_sh,
                  isrc0, isrc1, isrc2, idst0, idst1, idst2,
                  rows0, rows1, rows2,
                  isem, dsem, gsem, ssem):
  c = lax.axis_index("c")
  s = lax.axis_index("s")
  q, off_e = _tile_quota(c, s)
  _slab(s, lambda d: pltpu.sync_copy(z2d.at[d], acc_sh.at[d]))
  plsc.subcore_barrier()
  _seg_loop(False, q, off_e, feat, edges, acc_sh, None, None,
            (isrc0, isrc1, isrc2), (idst0, idst1, idst2),
            (rows0, rows1, rows2), isem, dsem, gsem, ssem, None)
  plsc.subcore_barrier()
  _slab(s, lambda d: pltpu.sync_copy(acc_sh.at[d], out_p.at[c, d]))


def _ring_bufs(nb):
  return (
      [pltpu.VMEM((CH,), jnp.int32) for _ in range(nb)] +
      [pltpu.VMEM((1, CH), jnp.int32) for _ in range(nb)] +
      [pltpu.VMEM((CH, FDIM), jnp.float32) for _ in range(nb)])


def _make_seg_kernels():
  mesh = plsc.VectorSubcoreMesh(core_axis_name="c", subcore_axis_name="s")
  seg_cnt = pl.kernel(
      _seg_sum_cnt_body,
      out_type=(jax.ShapeDtypeStruct((NC, NNODE, FDIM), jnp.float32),
                jax.ShapeDtypeStruct((NC, NNODE), jnp.float32)),
      mesh=mesh,
      scratch_types=[
          pltpu.VMEM_SHARED((NNODE, FDIM), jnp.float32),
          pltpu.VMEM_SHARED((NNODE,), jnp.float32),
          pltpu.VMEM((CH,), jnp.float32),
      ] + _ring_bufs(NBUF) + [
          pltpu.SemaphoreType.DMA((NBUF,)),
          pltpu.SemaphoreType.DMA((NBUF,)),
          pltpu.SemaphoreType.DMA((NBUF,)),
          pltpu.SemaphoreType.DMA((NBUF,)),
          pltpu.SemaphoreType.DMA((NBUF,)),
      ],
      name="sage_seg_sum_cnt",
  )
  seg = pl.kernel(
      _seg_sum_body,
      out_type=jax.ShapeDtypeStruct((NC, NNODE, FDIM), jnp.float32),
      mesh=mesh,
      scratch_types=[
          pltpu.VMEM_SHARED((NNODE, FDIM), jnp.float32),
      ] + _ring_bufs(NBUF) + [
          pltpu.SemaphoreType.DMA((NBUF,)),
          pltpu.SemaphoreType.DMA((NBUF,)),
          pltpu.SemaphoreType.DMA((NBUF,)),
          pltpu.SemaphoreType.DMA((NBUF,)),
      ],
      name="sage_seg_sum",
  )
  return seg_cnt, seg


BR = 2000


def _pre_body(x_ref, ws_ref, b_ref, o_ref):
  o_ref[...] = (jnp.dot(x_ref[...], ws_ref[...],
                        preferred_element_type=jnp.float32) + b_ref[...])


def _pre(x, ws, b):
  return pl.pallas_call(
      _pre_body,
      grid=(NNODE // BR,),
      in_specs=[
          pl.BlockSpec((BR, FDIM), lambda i: (i, 0)),
          pl.BlockSpec((FDIM, FDIM), lambda i: (0, 0)),
          pl.BlockSpec((1, FDIM), lambda i: (0, 0)),
      ],
      out_specs=pl.BlockSpec((BR, FDIM), lambda i: (i, 0)),
      out_shape=jax.ShapeDtypeStruct((NNODE, FDIM), jnp.float32),
  )(x, ws, b.reshape(1, FDIM))


def _comb_body(pre_ref, p_ref, c_ref, wn_ref, o_ref):
  agg = (p_ref[0] + p_ref[1]) / jnp.maximum(c_ref[0] + c_ref[1], 1.0)
  o_ref[...] = jnp.maximum(
      pre_ref[...] + jnp.dot(agg, wn_ref[...],
                             preferred_element_type=jnp.float32), 0.0)


def _comb(pre, p, cnt3, wn):
  return pl.pallas_call(
      _comb_body,
      grid=(NNODE // BR,),
      in_specs=[
          pl.BlockSpec((BR, FDIM), lambda i: (i, 0)),
          pl.BlockSpec((NC, BR, FDIM), lambda i: (0, i, 0)),
          pl.BlockSpec((NC, BR, 1), lambda i: (0, i, 0)),
          pl.BlockSpec((FDIM, FDIM), lambda i: (0, 0)),
      ],
      out_specs=pl.BlockSpec((BR, FDIM), lambda i: (i, 0)),
      out_shape=jax.ShapeDtypeStruct((NNODE, FDIM), jnp.float32),
  )(pre, p, cnt3, wn)


def kernel(x, edge_index, W_self1, W_neigh1, b1, W_self2, W_neigh2, b2):
  z2d = jnp.zeros((NNODE, FDIM), jnp.float32)
  z1d = jnp.zeros((NNODE,), jnp.float32)
  ones_h = jnp.ones((CH,), jnp.float32)

  seg_cnt, seg = _make_seg_kernels()
  p1, cnts = seg_cnt(x, edge_index, z2d, z1d, ones_h)
  pre1 = _pre(x, W_self1, b1)
  cnt3 = cnts.reshape(NC, NNODE, 1)
  h = _comb(pre1, p1, cnt3, W_neigh1)
  p2 = seg(h, edge_index, z2d)
  pre2 = _pre(h, W_self2, b2)
  return _comb(pre2, p2, cnt3, W_neigh2)

# --- scband reference (transcript-rebuilt; emitter-appended) ---
"""Pipeline reference for scband-graph-sage-86268713107998 (READ-ONLY COPY).

The authoritative reference and input builder live on the scoring server;
editing this copy changes nothing except your own understanding.
"""

import jax, jax.numpy as jnp
import numpy as np

N = 10000
E = 320000
D = 128
H = 128


def setup_inputs(seed: int = 0) -> dict:
    key = jax.random.key(seed)
    ks = jax.random.split(key, 10)
    x = jax.random.normal(ks[0], (N, D), dtype=jnp.float32)
    edge_index = jax.random.randint(ks[1], (2, E), 0, N, dtype=jnp.int32)
    s1 = 1.0 / np.sqrt(D)
    s2 = 1.0 / np.sqrt(H)
    W_self1 = jax.random.normal(ks[2], (D, H), dtype=jnp.float32) * s1
    W_neigh1 = jax.random.normal(ks[3], (D, H), dtype=jnp.float32) * s1
    b1 = jnp.zeros((H,), dtype=jnp.float32)
    W_self2 = jax.random.normal(ks[4], (H, H), dtype=jnp.float32) * s2
    W_neigh2 = jax.random.normal(ks[5], (H, H), dtype=jnp.float32) * s2
    b2 = jnp.zeros((H,), dtype=jnp.float32)
    return {
        'x': x,
        'edge_index': edge_index,
        'W_self1': W_self1,
        'W_neigh1': W_neigh1,
        'b1': b1,
        'W_self2': W_self2,
        'W_neigh2': W_neigh2,
        'b2': b2,
    }


def _sage_conv(x, src, dst, W_self, W_neigh, b):
    # PyG SAGEConv with mean aggregation:
    #   out_i = W_self @ x_i + W_neigh @ mean_{j in N(i)} x_j + b
    msgs = jnp.take(x, src, axis=0)
    agg = jax.ops.segment_sum(msgs, dst, num_segments=N)
    cnt = jax.ops.segment_sum(jnp.ones((src.shape[0], 1), dtype=x.dtype), dst, num_segments=N)
    agg = agg / jnp.clip(cnt, 1.0)
    return x @ W_self + agg @ W_neigh + b


def reference(x, edge_index, W_self1, W_neigh1, b1, W_self2, W_neigh2, b2):
    src = edge_index[0]
    dst = edge_index[1]
    # layer 1 (in_channels -> hidden_channels), relu, dropout(p=0, eval) = identity
    h = jax.nn.relu(_sage_conv(x, src, dst, W_self1, W_neigh1, b1))
    # layer 2 (hidden_channels -> hidden_channels), relu
    h = jax.nn.relu(_sage_conv(h, src, dst, W_self2, W_neigh2, b2))
    return h

if __name__ == "__main__":
    import jax
    _d = setup_inputs()
    print(jax.jit(kernel)(*tuple(_d.values())))

</pallas_src>

<mosaic_0001>
#map = affine_map<(d0, d1) -> (0, 0)>
#map1 = affine_map<(d0, d1) -> (0)>
#map2 = affine_map<(d0, d1) -> (0, 0, 0)>
module attributes {stable_mosaic.version = 14 : i64} {
  func.func @sage_seg_sum_cnt(%arg0: i32, %arg1: i32, %arg2: memref<10000x128xf32, #tpu.memory_space<hbm>>, %arg3: memref<2x320000xi32, #tpu.memory_space<hbm>>, %arg4: memref<10000x128xf32, #tpu.memory_space<hbm>>, %arg5: memref<10000xf32, #tpu.memory_space<hbm>>, %arg6: memref<128xf32, #tpu.memory_space<hbm>>, %arg7: memref<2x10000x128xf32, #tpu.memory_space<hbm>>, %arg8: memref<2x10000xf32, #tpu.memory_space<hbm>>, %arg9: memref<10000x128xf32, #tpu.memory_space<vmem_shared>>, %arg10: memref<10000xf32, #tpu.memory_space<vmem_shared>>, %arg11: memref<128xf32, #tpu.memory_space<vmem>>, %arg12: memref<128xi32, #tpu.memory_space<vmem>>, %arg13: memref<128xi32, #tpu.memory_space<vmem>>, %arg14: memref<128xi32, #tpu.memory_space<vmem>>, %arg15: memref<1x128xi32, #tpu.memory_space<vmem>>, %arg16: memref<1x128xi32, #tpu.memory_space<vmem>>, %arg17: memref<1x128xi32, #tpu.memory_space<vmem>>, %arg18: memref<128x128xf32, #tpu.memory_space<vmem>>, %arg19: memref<128x128xf32, #tpu.memory_space<vmem>>, %arg20: memref<128x128xf32, #tpu.memory_space<vmem>>, %arg21: memref<3x!tpu.dma_semaphore, #tpu.memory_space<semaphore_mem>>, %arg22: memref<3x!tpu.dma_semaphore, #tpu.memory_space<semaphore_mem>>, %arg23: memref<3x!tpu.dma_semaphore, #tpu.memory_space<semaphore_mem>>, %arg24: memref<3x!tpu.dma_semaphore, #tpu.memory_space<semaphore_mem>>, %arg25: memref<3x!tpu.dma_semaphore, #tpu.memory_space<semaphore_mem>>) attributes {dimension_semantics = [#tpu.dimension_semantics<core_parallel>, #tpu.dimension_semantics<subcore_parallel>], iteration_bounds = array<i64: 2, 16>, scalar_prefetch = 0 : i64, scratch_operands = 17 : i64, tpu.core_type = #tpu.core_type<sc_vector_subcore>, window_params = [{transform_indices = #map}, {transform_indices = #map}, {transform_indices = #map}, {transform_indices = #map1}, {transform_indices = #map1}, {transform_indices = #map2}, {transform_indices = #map}]} {
    %mul3A = arith.constant 2 : i32
    %mul3A_0 = arith.muli %arg1, %mul3A : i32
    %add3A = arith.addi %mul3A_0, %arg0 : i32
    %lt3A = arith.constant 4 : i32
    %lt3A_1 = arith.cmpi slt, %add3A, %lt3A : i32
    %jit3A = arith.constant 1 : i32
    %jit3A_2 = arith.constant 0 : i32
    %select_n3A = arith.select %lt3A_1, %jit3A, %jit3A_2 : i32
    %add3A_3 = arith.constant 78 : i32
    %add3A_4 = arith.addi %add3A_3, %select_n3A : i32
    %mul3A_5 = arith.constant 78 : i32
    %mul3A_6 = arith.muli %add3A, %mul3A_5 : i32
    %min3A = arith.constant 4 : i32
    %min3A_7 = arith.minsi %add3A, %min3A : i32
    %add3A_8 = arith.addi %mul3A_6, %min3A_7 : i32
    %mul3A_9 = arith.constant 128 : i32
    %mul3A_10 = arith.muli %add3A_8, %mul3A_9 : i32
    %mul3A_11 = arith.constant 632 : i32
    %mul3A_12 = arith.muli %arg1, %mul3A_11 : i32
    %lt3A_13 = arith.constant 15 : i32
    %lt3A_14 = arith.cmpi slt, %arg1, %lt3A_13 : i32
    %convert_element_type3A = arith.extui %lt3A_14 : i1 to i32
    %cond3A = arith.constant 0 : i32
    %cond3A_15 = arith.cmpi ne, %convert_element_type3A, %cond3A : i32
    scf.if %cond3A_15 {
      "tpu.region"() ({
        %run_scoped3A = tpu.sem_alloc : memref<!tpu.dma_semaphore, #tpu.memory_space<semaphore_mem>>
        %dma_start3A_229 = arith.constant 0 : i32
        %dma_start3A_230 = tpu.memref_slice %arg9[%mul3A_12, %dma_start3A_229] : memref<10000x128xf32, #tpu.memory_space<vmem_shared>> -> memref<632x128xf32, #tpu.memory_space<vmem_shared>>
        %dma_start3A_231 = arith.constant 0 : i32
        %dma_start3A_232 = tpu.memref_slice %arg4[%mul3A_12, %dma_start3A_231] : memref<10000x128xf32, #tpu.memory_space<hbm>> -> memref<632x128xf32, #tpu.memory_space<hbm>>
        tpu.enqueue_dma source(%dma_start3A_232 : memref<632x128xf32, #tpu.memory_space<hbm>>) target(%dma_start3A_230 : memref<632x128xf32, #tpu.memory_space<vmem_shared>>) target_semaphore(%run_scoped3A : memref<!tpu.dma_semaphore, #tpu.memory_space<semaphore_mem>>)
        %dma_wait3A_233 = arith.constant 0 : i32
        %dma_wait3A_234 = tpu.memref_slice %arg9[%mul3A_12, %dma_wait3A_233] : memref<10000x128xf32, #tpu.memory_space<vmem_shared>> -> memref<632x128xf32, #tpu.memory_space<vmem_shared>>
        %dma_wait3A_235 = arith.constant 0 : i32
        %dma_wait3A_236 = tpu.memref_slice %arg4[%mul3A_12, %dma_wait3A_235] : memref<10000x128xf32, #tpu.memory_space<hbm>> -> memref<632x128xf32, #tpu.memory_space<hbm>>
        tpu.wait_dma2 semaphore(%run_scoped3A : memref<!tpu.dma_semaphore, #tpu.memory_space<semaphore_mem>>) src(%dma_wait3A_236 : memref<632x128xf32, #tpu.memory_space<hbm>>) dst(%dma_wait3A_234 : memref<632x128xf32, #tpu.memory_space<vmem_shared>>)
        tpu.yield
      }) : () -> ()
    } else {
    }
    %eq3A = arith.constant 15 : i32
    %eq3A_16 = arith.cmpi eq, %arg1, %eq3A : i32
    %convert_element_type3A_17 = arith.extui %eq3A_16 : i1 to i32
    %cond3A_18 = arith.constant 0 : i32
    %cond3A_19 = arith.cmpi ne, %convert_element_type3A_17, %cond3A_18 : i32
    scf.if %cond3A_19 {
      "tpu.region"() ({
        %run_scoped3A = tpu.sem_alloc : memref<!tpu.dma_semaphore, #tpu.memory_space<semaphore_mem>>
        %dma_start3A_229 = arith.constant 0 : i32
        %dma_start3A_230 = tpu.memref_slice %arg9[%mul3A_12, %dma_start3A_229] : memref<10000x128xf32, #tpu.memory_space<vmem_shared>> -> memref<520x128xf32, #tpu.memory_space<vmem_shared>>
        %dma_start3A_231 = arith.constant 0 : i32
        %dma_start3A_232 = tpu.memref_slice %arg4[%mul3A_12, %dma_start3A_231] : memref<10000x128xf32, #tpu.memory_space<hbm>> -> memref<520x128xf32, #tpu.memory_space<hbm>>
        tpu.enqueue_dma source(%dma_start3A_232 : memref<520x128xf32, #tpu.memory_space<hbm>>) target(%dma_start3A_230 : memref<520x128xf32, #tpu.memory_space<vmem_shared>>) target_semaphore(%run_scoped3A : memref<!tpu.dma_semaphore, #tpu.memory_space<semaphore_mem>>)
        %dma_wait3A_233 = arith.constant 0 : i32
        %dma_wait3A_234 = tpu.memref_slice %arg9[%mul3A_12, %dma_wait3A_233] : memref<10000x128xf32, #tpu.memory_space<vmem_shared>> -> memref<520x128xf32, #tpu.memory_space<vmem_shared>>
        %dma_wait3A_235 = arith.constant 0 : i32
        %dma_wait3A_236 = tpu.memref_slice %arg4[%mul3A_12, %dma_wait3A_235] : memref<10000x128xf32, #tpu.memory_space<hbm>> -> memref<520x128xf32, #tpu.memory_space<hbm>>
        tpu.wait_dma2 semaphore(%run_scoped3A : memref<!tpu.dma_semaphore, #tpu.memory_space<semaphore_mem>>) src(%dma_wait3A_236 : memref<520x128xf32, #tpu.memory_space<hbm>>) dst(%dma_wait3A_234 : memref<520x128xf32, #tpu.memory_space<vmem_shared>>)
        tpu.yield
      }) : () -> ()
    } else {
    }
    %eq3A_20 = arith.constant 0 : i32
    %eq3A_21 = arith.cmpi eq, %arg1, %eq3A_20 : i32
    %convert_element_type3A_22 = arith.extui %eq3A_21 : i1 to i32
    %cond3A_23 = arith.constant 0 : i32
    %cond3A_24 = arith.cmpi ne, %convert_element_type3A_22, %cond3A_23 : i32
    scf.if %cond3A_24 {
      "tpu.region"() ({
        %run_scoped3A = tpu.sem_alloc : memref<!tpu.dma_semaphore, #tpu.memory_space<semaphore_mem>>
        tpu.enqueue_dma source(%arg5 : memref<10000xf32, #tpu.memory_space<hbm>>) target(%arg10 : memref<10000xf32, #tpu.memory_space<vmem_shared>>) target_semaphore(%run_scoped3A : memref<!tpu.dma_semaphore, #tpu.memory_space<semaphore_mem>>)
        tpu.wait_dma2 semaphore(%run_scoped3A : memref<!tpu.dma_semaphore, #tpu.memory_space<semaphore_mem>>) src(%arg5 : memref<10000xf32, #tpu.memory_space<hbm>>) dst(%arg10 : memref<10000xf32, #tpu.memory_space<vmem_shared>>)
        tpu.yield
      }) : () -> ()
    } else {
    }
    "tpu.region"() ({
      %run_scoped3A = tpu.sem_alloc : memref<!tpu.dma_semaphore, #tpu.memory_space<semaphore_mem>>
      tpu.enqueue_dma source(%arg6 : memref<128xf32, #tpu.memory_space<hbm>>) target(%arg11 : memref<128xf32, #tpu.memory_space<vmem>>) target_semaphore(%run_scoped3A : memref<!tpu.dma_semaphore, #tpu.memory_space<semaphore_mem>>)
      tpu.wait_dma2 semaphore(%run_scoped3A : memref<!tpu.dma_semaphore, #tpu.memory_space<semaphore_mem>>) src(%arg6 : memref<128xf32, #tpu.memory_space<hbm>>) dst(%arg11 : memref<128xf32, #tpu.memory_space<vmem>>)
      tpu.yield
    }) : () -> ()
    %barrier3A = arith.constant 0 : index
    tpu.barrier barrier_id(%barrier3A)
    %jit3A_25 = arith.constant 3 : i32
    %div3A = arith.divsi %add3A_4, %jit3A_25 : i32
    %sign3A = arith.constant 0 : i32
    %sign3A_26 = arith.cmpi sgt, %add3A_4, %sign3A : i32
    %sign3A_27 = arith.extui %sign3A_26 : i1 to i32
    %sign3A_28 = arith.constant 0 : i32
    %sign3A_29 = arith.cmpi slt, %add3A_4, %sign3A_28 : i32
    %sign3A_30 = arith.extui %sign3A_29 : i1 to i32
    %sign3A_31 = arith.subi %sign3A_27, %sign3A_30 : i32
    %sign3A_32 = arith.constant 0 : i32
    %sign3A_33 = arith.cmpi sgt, %jit3A_25, %sign3A_32 : i32
    %sign3A_34 = arith.extui %sign3A_33 : i1 to i32
    %sign3A_35 = arith.constant 0 : i32
    %sign3A_36 = arith.cmpi slt, %jit3A_25, %sign3A_35 : i32
    %sign3A_37 = arith.extui %sign3A_36 : i1 to i32
    %sign3A_38 = arith.subi %sign3A_34, %sign3A_37 : i32
    %ne3A = arith.cmpi ne, %sign3A_31, %sign3A_38 : i32
    %rem3A = arith.remsi %add3A_4, %jit3A_25 : i32
    %ne3A_39 = arith.constant 0 : i32
    %ne3A_40 = arith.cmpi ne, %rem3A, %ne3A_39 : i32
    %and3A = arith.andi %ne3A, %ne3A_40 : i1
    %sub3A = arith.constant 1 : i32
    %sub3A_41 = arith.subi %div3A, %sub3A : i32
    %select_n3A_42 = arith.select %and3A, %sub3A_41, %div3A : i32
    %add3A_43 = arith.constant 0 : i32
    %add3A_44 = arith.addi %mul3A_10, %add3A_43 : i32
    %dma_start3A = arith.constant 0 : i32
    %dma_start3A_45 = arith.constant 0 : i32
    %dma_start3A_46 = tpu.memref_slice %arg3[%dma_start3A, %add3A_44] : memref<2x320000xi32, #tpu.memory_space<hbm>> -> memref<1x128xi32, #tpu.memory_space<hbm>>
    %dma_start3A_47 = tpu.memref_squeeze %dma_start3A_46 : memref<1x128xi32, #tpu.memory_space<hbm>> -> memref<128xi32, #tpu.memory_space<hbm>>
    %dma_start3A_48 = tpu.memref_slice %arg21[%dma_start3A_45] : memref<3x!tpu.dma_semaphore, #tpu.memory_space<semaphore_mem>> -> memref<1x!tpu.dma_semaphore, #tpu.memory_space<semaphore_mem>>
    %dma_start3A_49 = tpu.memref_squeeze %dma_start3A_48 : memref<1x!tpu.dma_semaphore, #tpu.memory_space<semaphore_mem>> -> memref<!tpu.dma_semaphore, #tpu.memory_space<semaphore_mem>>
    %dma_start3A_50 = tpu.memref_slice %arg3[%dma_start3A, %add3A_44] : memref<2x320000xi32, #tpu.memory_space<hbm>> -> memref<1x128xi32, #tpu.memory_space<hbm>>
    %dma_start3A_51 = tpu.memref_squeeze %dma_start3A_50 : memref<1x128xi32, #tpu.memory_space<hbm>> -> memref<128xi32, #tpu.memory_space<hbm>>
    tpu.enqueue_dma source(%dma_start3A_51 : memref<128xi32, #tpu.memory_space<hbm>>) target(%arg12 : memref<128xi32, #tpu.memory_space<vmem>>) target_semaphore(%dma_start3A_49 : memref<!tpu.dma_semaphore, #tpu.memory_space<semaphore_mem>>)
    %add3A_52 = arith.constant 0 : i32
    %add3A_53 = arith.addi %mul3A_10, %add3A_52 : i32
    %dma_start3A_54 = arith.constant 0 : i32
    %dma_start3A_55 = arith.constant 1 : i32
    %dma_start3A_56 = tpu.memref_slice %arg3[%dma_start3A_55, %add3A_53] : memref<2x320000xi32, #tpu.memory_space<hbm>> -> memref<1x128xi32, #tpu.memory_space<hbm>>
    %dma_start3A_57 = tpu.memref_slice %arg22[%dma_start3A_54] : memref<3x!tpu.dma_semaphore, #tpu.memory_space<semaphore_mem>> -> memref<1x!tpu.dma_semaphore, #tpu.memory_space<semaphore_mem>>
    %dma_start3A_58 = tpu.memref_squeeze %dma_start3A_57 : memref<1x!tpu.dma_semaphore, #tpu.memory_space<semaphore_mem>> -> memref<!tpu.dma_semaphore, #tpu.memory_space<semaphore_mem>>
    %dma_start3A_59 = arith.constant 1 : i32
    %dma_start3A_60 = tpu.memref_slice %arg3[%dma_start3A_59, %add3A_53] : memref<2x320000xi32, #tpu.memory_space<hbm>> -> memref<1x128xi32, #tpu.memory_space<hbm>>
    tpu.enqueue_dma source(%dma_start3A_60 : memref<1x128xi32, #tpu.memory_space<hbm>>) target(%arg15 : memref<1x128xi32, #tpu.memory_space<vmem>>) target_semaphore(%dma_start3A_58 : memref<!tpu.dma_semaphore, #tpu.memory_space<semaphore_mem>>)
    %add3A_61 = arith.constant 0 : i32
    %add3A_62 = arith.addi %mul3A_10, %add3A_61 : i32
    %dma_wait3A = arith.constant 0 : i32
    %dma_wait3A_63 = arith.constant 0 : i32
    %dma_wait3A_64 = tpu.memref_slice %arg3[%dma_wait3A, %add3A_62] : memref<2x320000xi32, #tpu.memory_space<hbm>> -> memref<1x128xi32, #tpu.memory_space<hbm>>
    %dma_wait3A_65 = tpu.memref_squeeze %dma_wait3A_64 : memref<1x128xi32, #tpu.memory_space<hbm>> -> memref<128xi32, #tpu.memory_space<hbm>>
    %dma_wait3A_66 = tpu.memref_slice %arg21[%dma_wait3A_63] : memref<3x!tpu.dma_semaphore, #tpu.memory_space<semaphore_mem>> -> memref<1x!tpu.dma_semaphore, #tpu.memory_space<semaphore_mem>>
    %dma_wait3A_67 = tpu.memref_squeeze %dma_wait3A_66 : memref<1x!tpu.dma_semaphore, #tpu.memory_space<semaphore_mem>> -> memref<!tpu.dma_semaphore, #tpu.memory_space<semaphore_mem>>
    %dma_wait3A_68 = tpu.memref_slice %arg3[%dma_wait3A, %add3A_62] : memref<2x320000xi32, #tpu.memory_space<hbm>> -> memref<1x128xi32, #tpu.memory_space<hbm>>
    %dma_wait3A_69 = tpu.memref_squeeze %dma_wait3A_68 : memref<1x128xi32, #tpu.memory_space<hbm>> -> memref<128xi32, #tpu.memory_space<hbm>>
    tpu.wait_dma2 semaphore(%dma_wait3A_67 : memref<!tpu.dma_semaphore, #tpu.memory_space<semaphore_mem>>) src(%dma_wait3A_69 : memref<128xi32, #tpu.memory_space<hbm>>) dst(%arg12 : memref<128xi32, #tpu.memory_space<vmem>>)
    %dma_start3A_70 = arith.constant 0 : i32
    %dma_start3A_71 = arith.constant 0 : i32
    %dma_start3A_72 = arith.constant 0 : i32
    %dma_start3A_73 = tpu.memref_slice %arg2[%dma_start3A_71, %dma_start3A_72] : memref<10000x128xf32, #tpu.memory_space<hbm>> -> memref<10000x128xf32, #tpu.memory_space<hbm>>
    %dma_start3A_74 = tpu.memref_slice %arg23[%dma_start3A_70] : memref<3x!tpu.dma_semaphore, #tpu.memory_space<semaphore_mem>> -> memref<1x!tpu.dma_semaphore, #tpu.memory_space<semaphore_mem>>
    %dma_start3A_75 = tpu.memref_squeeze %dma_start3A_74 : memref<1x!tpu.dma_semaphore, #tpu.memory_space<semaphore_mem>> -> memref<!tpu.dma_semaphore, #tpu.memory_space<semaphore_mem>>
    tpu.enqueue_indirect_dma source(%dma_start3A_73 : memref<10000x128xf32, #tpu.memory_space<hbm>>) target(%arg18 : memref<128x128xf32, #tpu.memory_space<vmem>>) offsets(%arg12 : memref<128xi32, #tpu.memory_space<vmem>>) semaphore(%dma_start3A_75 : memref<!tpu.dma_semaphore, #tpu.memory_space<semaphore_mem>>)
    %add3A_76 = arith.constant 128 : i32
    %add3A_77 = arith.addi %mul3A_10, %add3A_76 : i32
    %dma_start3A_78 = arith.constant 0 : i32
    %dma_start3A_79 = arith.constant 1 : i32
    %dma_start3A_80 = tpu.memref_slice %arg3[%dma_start3A_78, %add3A_77] : memref<2x320000xi32, #tpu.memory_space<hbm>> -> memref<1x128xi32, #tpu.memory_space<hbm>>
    %dma_start3A_81 = tpu.memref_squeeze %dma_start3A_80 : memref<1x128xi32, #tpu.memory_space<hbm>> -> memref<128xi32, #tpu.memory_space<hbm>>
    %dma_start3A_82 = tpu.memref_slice %arg21[%dma_start3A_79] : memref<3x!tpu.dma_semaphore, #tpu.memory_space<semaphore_mem>> -> memref<1x!tpu.dma_semaphore, #tpu.memory_space<semaphore_mem>>
    %dma_start3A_83 = tpu.memref_squeeze %dma_start3A_82 : memref<1x!tpu.dma_semaphore, #tpu.memory_space<semaphore_mem>> -> memref<!tpu.dma_semaphore, #tpu.memory_space<semaphore_mem>>
    %dma_start3A_84 = tpu.memref_slice %arg3[%dma_start3A_78, %add3A_77] : memref<2x320000xi32, #tpu.memory_space<hbm>> -> memref<1x128xi32, #tpu.memory_space<hbm>>
    %dma_start3A_85 = tpu.memref_squeeze %dma_start3A_84 : memref<1x128xi32, #tpu.memory_space<hbm>> -> memref<128xi32, #tpu.memory_space<hbm>>
    tpu.enqueue_dma source(%dma_start3A_85 : memref<128xi32, #tpu.memory_space<hbm>>) target(%arg13 : memref<128xi32, #tpu.memory_space<vmem>>) target_semaphore(%dma_start3A_83 : memref<!tpu.dma_semaphore, #tpu.memory_space<semaphore_mem>>)
    %add3A_86 = arith.constant 128 : i32
    %add3A_87 = arith.addi %mul3A_10, %add3A_86 : i32
    %dma_start3A_88 = arith.constant 1 : i32
    %dma_start3A_89 = arith.constant 1 : i32
    %dma_start3A_90 = tpu.memref_slice %arg3[%dma_start3A_89, %add3A_87] : memref<2x320000xi32, #tpu.memory_space<hbm>> -> memref<1x128xi32, #tpu.memory_space<hbm>>
    %dma_start3A_91 = tpu.memref_slice %arg22[%dma_start3A_88] : memref<3x!tpu.dma_semaphore, #tpu.memory_space<semaphore_mem>> -> memref<1x!tpu.dma_semaphore, #tpu.memory_space<semaphore_mem>>
    %dma_start3A_92 = tpu.memref_squeeze %dma_start3A_91 : memref<1x!tpu.dma_semaphore, #tpu.memory_space<semaphore_mem>> -> memref<!tpu.dma_semaphore, #tpu.memory_space<semaphore_mem>>
    %dma_start3A_93 = arith.constant 1 : i32
    %dma_start3A_94 = tpu.memref_slice %arg3[%dma_start3A_93, %add3A_87] : memref<2x320000xi32, #tpu.memory_space<hbm>> -> memref<1x128xi32, #tpu.memory_space<hbm>>
    tpu.enqueue_dma source(%dma_start3A_94 : memref<1x128xi32, #tpu.memory_space<hbm>>) target(%arg16 : memref<1x128xi32, #tpu.memory_space<vmem>>) target_semaphore(%dma_start3A_92 : memref<!tpu.dma_semaphore, #tpu.memory_space<semaphore_mem>>)
    %add3A_95 = arith.constant 128 : i32
    %add3A_96 = arith.addi %mul3A_10, %add3A_95 : i32
    %dma_wait3A_97 = arith.constant 0 : i32
    %dma_wait3A_98 = arith.constant 1 : i32
    %dma_wait3A_99 = tpu.memref_slice %arg3[%dma_wait3A_97, %add3A_96] : memref<2x320000xi32, #tpu.memory_space<hbm>> -> memref<1x128xi32, #tpu.memory_space<hbm>>
    %dma_wait3A_100 = tpu.memref_squeeze %dma_wait3A_99 : memref<1x128xi32, #tpu.memory_space<hbm>> -> memref<128xi32, #tpu.memory_space<hbm>>
    %dma_wait3A_101 = tpu.memref_slice %arg21[%dma_wait3A_98] : memref<3x!tpu.dma_semaphore, #tpu.memory_space<semaphore_mem>> -> memref<1x!tpu.dma_semaphore, #tpu.memory_space<semaphore_mem>>
    %dma_wait3A_102 = tpu.memref_squeeze %dma_wait3A_101 : memref<1x!tpu.dma_semaphore, #tpu.memory_space<semaphore_mem>> -> memref<!tpu.dma_semaphore, #tpu.memory_space<semaphore_mem>>
    %dma_wait3A_103 = tpu.memref_slice %arg3[%dma_wait3A_97, %add3A_96] : memref<2x320000xi32, #tpu.memory_space<hbm>> -> memref<1x128xi32, #tpu.memory_space<hbm>>
    %dma_wait3A_104 = tpu.memref_squeeze %dma_wait3A_103 : memref<1x128xi32, #tpu.memory_space<hbm>> -> memref<128xi32, #tpu.memory_space<hbm>>
    tpu.wait_dma2 semaphore(%dma_wait3A_102 : memref<!tpu.dma_semaphore, #tpu.memory_space<semaphore_mem>>) src(%dma_wait3A_104 : memref<128xi32, #tpu.memory_space<hbm>>) dst(%arg13 : memref<128xi32, #tpu.memory_space<vmem>>)
    %dma_start3A_105 = arith.constant 1 : i32
    %dma_start3A_106 = arith.constant 0 : i32
    %dma_start3A_107 = arith.constant 0 : i32
    %dma_start3A_108 = tpu.memref_slice %arg2[%dma_start3A_106, %dma_start3A_107] : memref<10000x128xf32, #tpu.memory_space<hbm>> -> memref<10000x128xf32, #tpu.memory_space<hbm>>
    %dma_start3A_109 = tpu.memref_slice %arg23[%dma_start3A_105] : memref<3x!tpu.dma_semaphore, #tpu.memory_space<semaphore_mem>> -> memref<1x!tpu.dma_semaphore, #tpu.memory_space<semaphore_mem>>
    %dma_start3A_110 = tpu.memref_squeeze %dma_start3A_109 : memref<1x!tpu.dma_semaphore, #tpu.memory_space<semaphore_mem>> -> memref<!tpu.dma_semaphore, #tpu.memory_space<semaphore_mem>>
    tpu.enqueue_indirect_dma source(%dma_start3A_108 : memref<10000x128xf32, #tpu.memory_space<hbm>>) target(%arg19 : memref<128x128xf32, #tpu.memory_space<vmem>>) offsets(%arg13 : memref<128xi32, #tpu.memory_space<vmem>>) semaphore(%dma_start3A_110 : memref<!tpu.dma_semaphore, #tpu.memory_space<semaphore_mem>>)
    %add3A_111 = arith.constant 256 : i32
    %add3A_112 = arith.addi %mul3A_10, %add3A_111 : i32
    %dma_start3A_113 = arith.constant 0 : i32
    %dma_start3A_114 = arith.constant 2 : i32
    %dma_start3A_115 = tpu.memref_slice %arg3[%dma_start3A_113, %add3A_112] : memref<2x320000xi32, #tpu.memory_space<hbm>> -> memref<1x128xi32, #tpu.memory_space<hbm>>
    %dma_start3A_116 = tpu.memref_squeeze %dma_start3A_115 : memref<1x128xi32, #tpu.memory_space<hbm>> -> memref<128xi32, #tpu.memory_space<hbm>>
    %dma_start3A_117 = tpu.memref_slice %arg21[%dma_start3A_114] : memref<3x!tpu.dma_semaphore, #tpu.memory_space<semaphore_mem>> -> memref<1x!tpu.dma_semaphore, #tpu.memory_space<semaphore_mem>>
    %dma_start3A_118 = tpu.memref_squeeze %dma_start3A_117 : memref<1x!tpu.dma_semaphore, #tpu.memory_space<semaphore_mem>> -> memref<!tpu.dma_semaphore, #tpu.memory_space<semaphore_mem>>
    %dma_start3A_119 = tpu.memref_slice %arg3[%dma_start3A_113, %add3A_112] : memref<2x320000xi32, #tpu.memory_space<hbm>> -> memref<1x128xi32, #tpu.memory_space<hbm>>
    %dma_start3A_120 = tpu.memref_squeeze %dma_start3A_119 : memref<1x128xi32, #tpu.memory_space<hbm>> -> memref<128xi32, #tpu.memory_space<hbm>>
    tpu.enqueue_dma source(%dma_start3A_120 : memref<128xi32, #tpu.memory_space<hbm>>) target(%arg14 : memref<128xi32, #tpu.memory_space<vmem>>) target_semaphore(%dma_start3A_118 : memref<!tpu.dma_semaphore, #tpu.memory_space<semaphore_mem>>)
    %add3A_121 = arith.constant 256 : i32
    %add3A_122 = arith.addi %mul3A_10, %add3A_121 : i32
    %dma_start3A_123 = arith.constant 2 : i32
    %dma_start3A_124 = arith.constant 1 : i32
    %dma_start3A_125 = tpu.memref_slice %arg3[%dma_start3A_124, %add3A_122] : memref<2x320000xi32, #tpu.memory_space<hbm>> -> memref<1x128xi32, #tpu.memory_space<hbm>>
    %dma_start3A_126 = tpu.memref_slice %arg22[%dma_start3A_123] : memref<3x!tpu.dma_semaphore, #tpu.memory_space<semaphore_mem>> -> memref<1x!tpu.dma_semaphore, #tpu.memory_space<semaphore_mem>>
    %dma_start3A_127 = tpu.memref_squeeze %dma_start3A_126 : memref<1x!tpu.dma_semaphore, #tpu.memory_space<semaphore_mem>> -> memref<!tpu.dma_semaphore, #tpu.memory_space<semaphore_mem>>
    %dma_start3A_128 = arith.constant 1 : i32
    %dma_start3A_129 = tpu.memref_slice %arg3[%dma_start3A_128, %add3A_122] : memref<2x320000xi32, #tpu.memory_space<hbm>> -> memref<1x128xi32, #tpu.memory_space<hbm>>
    tpu.enqueue_dma source(%dma_start3A_129 : memref<1x128xi32, #tpu.memory_space<hbm>>) target(%arg17 : memref<1x128xi32, #tpu.memory_space<vmem>>) target_semaphore(%dma_start3A_127 : memref<!tpu.dma_semaphore, #tpu.memory_space<semaphore_mem>>)
    %add3A_130 = arith.constant 256 : i32
    %add3A_131 = arith.addi %mul3A_10, %add3A_130 : i32
    %dma_wait3A_132 = arith.constant 0 : i32
    %dma_wait3A_133 = arith.constant 2 : i32
    %dma_wait3A_134 = tpu.memref_slice %arg3[%dma_wait3A_132, %add3A_131] : memref<2x320000xi32, #tpu.memory_space<hbm>> -> memref<1x128xi32, #tpu.memory_space<hbm>>
    %dma_wait3A_135 = tpu.memref_squeeze %dma_wait3A_134 : memref<1x128xi32, #tpu.memory_space<hbm>> -> memref<128xi32, #tpu.memory_space<hbm>>
    %dma_wait3A_136 = tpu.memref_slice %arg21[%dma_wait3A_133] : memref<3x!tpu.dma_semaphore, #tpu.memory_space<semaphore_mem>> -> memref<1x!tpu.dma_semaphore, #tpu.memory_space<semaphore_mem>>
    %dma_wait3A_137 = tpu.memref_squeeze %dma_wait3A_136 : memref<1x!tpu.dma_semaphore, #tpu.memory_space<semaphore_mem>> -> memref<!tpu.dma_semaphore, #tpu.memory_space<semaphore_mem>>
    %dma_wait3A_138 = tpu.memref_slice %arg3[%dma_wait3A_132, %add3A_131] : memref<2x320000xi32, #tpu.memory_space<hbm>> -> memref<1x128xi32, #tpu.memory_space<hbm>>
    %dma_wait3A_139 = tpu.memref_squeeze %dma_wait3A_138 : memref<1x128xi32, #tpu.memory_space<hbm>> -> memref<128xi32, #tpu.memory_space<hbm>>
    tpu.wait_dma2 semaphore(%dma_wait3A_137 : memref<!tpu.dma_semaphore, #tpu.memory_space<semaphore_mem>>) src(%dma_wait3A_139 : memref<128xi32, #tpu.memory_space<hbm>>) dst(%arg14 : memref<128xi32, #tpu.memory_space<vmem>>)
    %dma_start3A_140 = arith.constant 2 : i32
    %dma_start3A_141 = arith.constant 0 : i32
    %dma_start3A_142 = arith.constant 0 : i32
    %dma_start3A_143 = tpu.memref_slice %arg2[%dma_start3A_141, %dma_start3A_142] : memref<10000x128xf32, #tpu.memory_space<hbm>> -> memref<10000x128xf32, #tpu.memory_space<hbm>>
    %dma_start3A_144 = tpu.memref_slice %arg23[%dma_start3A_140] : memref<3x!tpu.dma_semaphore, #tpu.memory_space<semaphore_mem>> -> memref<1x!tpu.dma_semaphore, #tpu.memory_space<semaphore_mem>>
    %dma_start3A_145 = tpu.memref_squeeze %dma_start3A_144 : memref<1x!tpu.dma_semaphore, #tpu.memory_space<semaphore_mem>> -> memref<!tpu.dma_semaphore, #tpu.memory_space<semaphore_mem>>
    tpu.enqueue_indirect_dma source(%dma_start3A_143 : memref<10000x128xf32, #tpu.memory_space<hbm>>) target(%arg20 : memref<128x128xf32, #tpu.memory_space<vmem>>) offsets(%arg14 : memref<128xi32, #tpu.memory_space<vmem>>) semaphore(%dma_start3A_145 : memref<!tpu.dma_semaphore, #tpu.memory_space<semaphore_mem>>)
    %while3A = arith.constant 0 : i32
    %while3A_146 = arith.constant 0 : i32
    %while3A_147 = arith.subi %select_n3A_42, %while3A_146 : i32
    %while3A_148 = arith.addi %while3A_146, %while3A_147 : i32
    %while3A_149 = arith.constant 1 : i32
    %while3A_150 = arith.divsi %while3A_147, %while3A_149 : i32
    %while3A_151 = arith.muli %while3A_150, %while3A_149 : i32
    %while3A_152 = arith.addi %while3A_146, %while3A_151 : i32
    %while3A_153 = arith.constant 1 : i32
    scf.for %while3A_229 = %while3A_146 to %while3A_152 step %while3A_153  : i32 {
      %mul3A_230 = arith.constant 3 : i32
      %mul3A_231 = arith.muli %while3A_229, %mul3A_230 : i32
      %add3A_232 = arith.constant 0 : i32
      %add3A_233 = arith.addi %mul3A_231, %add3A_232 : i32
      %dma_wait3A_234 = arith.constant 0 : i32
      %dma_wait3A_235 = arith.constant 0 : i32
      %dma_wait3A_236 = arith.constant 0 : i32
      %dma_wait3A_237 = tpu.memref_slice %arg2[%dma_wait3A_235, %dma_wait3A_236] : memref<10000x128xf32, #tpu.memory_space<hbm>> -> memref<10000x128xf32, #tpu.memory_space<hbm>>
      %dma_wait3A_238 = tpu.memref_slice %arg23[%dma_wait3A_234] : memref<3x!tpu.dma_semaphore, #tpu.memory_space<semaphore_mem>> -> memref<1x!tpu.dma_semaphore, #tpu.memory_space<semaphore_mem>>
      %dma_wait3A_239 = tpu.memref_squeeze %dma_wait3A_238 : memref<1x!tpu.dma_semaphore, #tpu.memory_space<semaphore_mem>> -> memref<!tpu.dma_semaphore, #tpu.memory_space<semaphore_mem>>
      tpu.wait_indirect_dma semaphore(%dma_wait3A_239 : memref<!tpu.dma_semaphore, #tpu.memory_space<semaphore_mem>>) src(%dma_wait3A_237 : memref<10000x128xf32, #tpu.memory_space<hbm>>) dst(%arg18 : memref<128x128xf32, #tpu.memory_space<vmem>>)
      %mul3A_240 = arith.constant 128 : i32
      %mul3A_241 = arith.muli %add3A_233, %mul3A_240 : i32
      %add3A_242 = arith.addi %mul3A_10, %mul3A_241 : i32
      %dma_wait3A_243 = arith.constant 0 : i32
      %dma_wait3A_244 = arith.constant 1 : i32
      %dma_wait3A_245 = tpu.memref_slice %arg3[%dma_wait3A_244, %add3A_242] : memref<2x320000xi32, #tpu.memory_space<hbm>> -> memref<1x128xi32, #tpu.memory_space<hbm>>
      %dma_wait3A_246 = tpu.memref_slice %arg22[%dma_wait3A_243] : memref<3x!tpu.dma_semaphore, #tpu.memory_space<semaphore_mem>> -> memref<1x!tpu.dma_semaphore, #tpu.memory_space<semaphore_mem>>
      %dma_wait3A_247 = tpu.memref_squeeze %dma_wait3A_246 : memref<1x!tpu.dma_semaphore, #tpu.memory_space<semaphore_mem>> -> memref<!tpu.dma_semaphore, #tpu.memory_space<semaphore_mem>>
      %dma_wait3A_248 = arith.constant 1 : i32
      %dma_wait3A_249 = tpu.memref_slice %arg3[%dma_wait3A_248, %add3A_242] : memref<2x320000xi32, #tpu.memory_space<hbm>> -> memref<1x128xi32, #tpu.memory_space<hbm>>
      tpu.wait_dma2 semaphore(%dma_wait3A_247 : memref<!tpu.dma_semaphore, #tpu.memory_space<semaphore_mem>>) src(%dma_wait3A_249 : memref<1x128xi32, #tpu.memory_space<hbm>>) dst(%arg15 : memref<1x128xi32, #tpu.memory_space<vmem>>)
      %dma_start3A_250 = arith.constant 0 : i32
      %dma_start3A_251 = arith.constant 0 : i32
      %dma_start3A_252 = arith.constant 0 : i32
      %dma_start3A_253 = tpu.memref_slice %arg15[%dma_start3A_250, %dma_start3A_252] : memref<1x128xi32, #tpu.memory_space<vmem>> -> memref<1x128xi32, #tpu.memory_space<vmem>>
      %dma_start3A_254 = tpu.memref_squeeze %dma_start3A_253 : memref<1x128xi32, #tpu.memory_space<vmem>> -> memref<128xi32, #tpu.memory_space<vmem>>
      %dma_start3A_255 = arith.constant 0 : i32
      %dma_start3A_256 = arith.constant 0 : i32
      %dma_start3A_257 = tpu.memref_slice %arg9[%dma_start3A_255, %dma_start3A_256] : memref<10000x128xf32, #tpu.memory_space<vmem_shared>> -> memref<10000x128xf32, #tpu.memory_space<vmem_shared>>
      %dma_start3A_258 = tpu.memref_slice %arg24[%dma_start3A_251] : memref<3x!tpu.dma_semaphore, #tpu.memory_space<semaphore_mem>> -> memref<1x!tpu.dma_semaphore, #tpu.memory_space<semaphore_mem>>
      %dma_start3A_259 = tpu.memref_squeeze %dma_start3A_258 : memref<1x!tpu.dma_semaphore, #tpu.memory_space<semaphore_mem>> -> memref<!tpu.dma_semaphore, #tpu.memory_space<semaphore_mem>>
      tpu.enqueue_indirect_dma source(%arg18 : memref<128x128xf32, #tpu.memory_space<vmem>>) target(%dma_start3A_257 : memref<10000x128xf32, #tpu.memory_space<vmem_shared>>) offsets(%dma_start3A_254 : memref<128xi32, #tpu.memory_space<vmem>>) semaphore(%dma_start3A_259 : memref<!tpu.dma_semaphore, #tpu.memory_space<semaphore_mem>>) {add = true}
      %dma_start3A_260 = arith.constant 0 : i32
      %dma_start3A_261 = arith.constant 0 : i32
      %dma_start3A_262 = arith.constant 0 : i32
      %dma_start3A_263 = tpu.memref_slice %arg15[%dma_start3A_260, %dma_start3A_262] : memref<1x128xi32, #tpu.memory_space<vmem>> -> memref<1x128xi32, #tpu.memory_space<vmem>>
      %dma_start3A_264 = tpu.memref_squeeze %dma_start3A_263 : memref<1x128xi32, #tpu.memory_space<vmem>> -> memref<128xi32, #tpu.memory_space<vmem>>
      %dma_start3A_265 = arith.constant 0 : i32
      %dma_start3A_266 = tpu.memref_slice %arg10[%dma_start3A_265] : memref<10000xf32, #tpu.memory_space<vmem_shared>> -> memref<10000xf32, #tpu.memory_space<vmem_shared>>
      %dma_start3A_267 = tpu.memref_slice %arg25[%dma_start3A_261] : memref<3x!tpu.dma_semaphore, #tpu.memory_space<semaphore_mem>> -> memref<1x!tpu.dma_semaphore, #tpu.memory_space<semaphore_mem>>
      %dma_start3A_268 = tpu.memref_squeeze %dma_start3A_267 : memref<1x!tpu.dma_semaphore, #tpu.memory_space<semaphore_mem>> -> memref<!tpu.dma_semaphore, #tpu.memory_space<semaphore_mem>>
      tpu.enqueue_indirect_dma source(%arg11 : memref<128xf32, #tpu.memory_space<vmem>>) target(%dma_start3A_266 : memref<10000xf32, #tpu.memory_space<vmem_shared>>) offsets(%dma_start3A_264 : memref<128xi32, #tpu.memory_space<vmem>>) semaphore(%dma_start3A_268 : memref<!tpu.dma_semaphore, #tpu.memory_space<semaphore_mem>>) {add = true}
      %add3A_269 = arith.constant 3 : i32
      %add3A_270 = arith.addi %add3A_233, %add3A_269 : i32
      %eq3A_271 = arith.constant 0 : i32
      %eq3A_272 = arith.cmpi eq, %add3A_4, %eq3A_271 : i32
      %jit3A_273 = arith.constant 1 : i32
      %select_n3A_274 = arith.select %eq3A_272, %jit3A_273, %add3A_4 : i32
      %rem3A_275 = arith.remsi %add3A_270, %select_n3A_274 : i32
      %ne3A_276 = arith.constant 0 : i32
      %ne3A_277 = arith.cmpi ne, %rem3A_275, %ne3A_276 : i32
      %lt3A_278 = arith.constant 0 : i32
      %lt3A_279 = arith.cmpi slt, %rem3A_275, %lt3A_278 : i32
      %lt3A_280 = arith.constant 0 : i32
      %lt3A_281 = arith.cmpi slt, %select_n3A_274, %lt3A_280 : i32
      %ne3A_282 = arith.xori %lt3A_279, %lt3A_281 : i1
      %and3A_283 = arith.andi %ne3A_282, %ne3A_277 : i1
      %add3A_284 = arith.addi %rem3A_275, %select_n3A_274 : i32
      %select_n3A_285 = arith.select %and3A_283, %add3A_284, %rem3A_275 : i32
      %mul3A_286 = arith.constant 128 : i32
      %mul3A_287 = arith.muli %select_n3A_285, %mul3A_286 : i32
      %add3A_288 = arith.addi %mul3A_10, %mul3A_287 : i32
      %dma_start3A_289 = arith.constant 0 : i32
      %dma_start3A_290 = arith.constant 0 : i32
      %dma_start3A_291 = tpu.memref_slice %arg3[%dma_start3A_289, %add3A_288] : memref<2x320000xi32, #tpu.memory_space<hbm>> -> memref<1x128xi32, #tpu.memory_space<hbm>>
      %dma_start3A_292 = tpu.memref_squeeze %dma_start3A_291 : memref<1x128xi32, #tpu.memory_space<hbm>> -> memref<128xi32, #tpu.memory_space<hbm>>
      %dma_start3A_293 = tpu.memref_slice %arg21[%dma_start3A_290] : memref<3x!tpu.dma_semaphore, #tpu.memory_space<semaphore_mem>> -> memref<1x!tpu.dma_semaphore, #tpu.memory_space<semaphore_mem>>
      %dma_start3A_294 = tpu.memref_squeeze %dma_start3A_293 : memref<1x!tpu.dma_semaphore, #tpu.memory_space<semaphore_mem>> -> memref<!tpu.dma_semaphore, #tpu.memory_space<semaphore_mem>>
      %dma_start3A_295 = tpu.memref_slice %arg3[%dma_start3A_289, %add3A_288] : memref<2x320000xi32, #tpu.memory_space<hbm>> -> memref<1x128xi32, #tpu.memory_space<hbm>>
      %dma_start3A_296 = tpu.memref_squeeze %dma_start3A_295 : memref<1x128xi32, #tpu.memory_space<hbm>> -> memref<128xi32, #tpu.memory_space<hbm>>
      tpu.enqueue_dma source(%dma_start3A_296 : memref<128xi32, #tpu.memory_space<hbm>>) target(%arg12 : memref<128xi32, #tpu.memory_space<vmem>>) target_semaphore(%dma_start3A_294 : memref<!tpu.dma_semaphore, #tpu.memory_space<semaphore_mem>>)
      %add3A_297 = arith.constant 1 : i32
      %add3A_298 = arith.addi %mul3A_231, %add3A_297 : i32
      %dma_wait3A_299 = arith.constant 1 : i32
      %dma_wait3A_300 = arith.constant 0 : i32
      %dma_wait3A_301 = arith.constant 0 : i32
      %dma_wait3A_302 = tpu.memref_slice %arg2[%dma_wait3A_300, %dma_wait3A_301] : memref<10000x128xf32, #tpu.memory_space<hbm>> -> memref<10000x128xf32, #tpu.memory_space<hbm>>
      %dma_wait3A_303 = tpu.memref_slice %arg23[%dma_wait3A_299] : memref<3x!tpu.dma_semaphore, #tpu.memory_space<semaphore_mem>> -> memref<1x!tpu.dma_semaphore, #tpu.memory_space<semaphore_mem>>
      %dma_wait3A_304 = tpu.memref_squeeze %dma_wait3A_303 : memref<1x!tpu.dma_semaphore, #tpu.memory_space<semaphore_mem>> -> memref<!tpu.dma_semaphore, #tpu.memory_space<semaphore_mem>>
      tpu.wait_indirect_dma semaphore(%dma_wait3A_304 : memref<!tpu.dma_semaphore, #tpu.memory_space<semaphore_mem>>) src(%dma_wait3A_302 : memref<10000x128xf32, #tpu.memory_space<hbm>>) dst(%arg19 : memref<128x128xf32, #tpu.memory_space<vmem>>)
      %mul3A_305 = arith.constant 128 : i32
      %mul3A_306 = arith.muli %add3A_298, %mul3A_305 : i32
      %add3A_307 = arith.addi %mul3A_10, %mul3A_306 : i32
      %dma_wait3A_308 = arith.constant 1 : i32
      %dma_wait3A_309 = arith.constant 1 : i32
      %dma_wait3A_310 = tpu.memref_slice %arg3[%dma_wait3A_309, %add3A_307] : memref<2x320000xi32, #tpu.memory_space<hbm>> -> memref<1x128xi32, #tpu.memory_space<hbm>>
      %dma_wait3A_311 = tpu.memref_slice %arg22[%dma_wait3A_308] : memref<3x!tpu.dma_semaphore, #tpu.memory_space<semaphore_mem>> -> memref<1x!tpu.dma_semaphore, #tpu.memory_space<semaphore_mem>>
      %dma_wait3A_312 = tpu.memref_squeeze %dma_wait3A_311 : memref<1x!tpu.dma_semaphore, #tpu.memory_space<semaphore_mem>> -> memref<!tpu.dma_semaphore, #tpu.memory_space<semaphore_mem>>
      %dma_wait3A_313 = arith.constant 1 : i32
      %dma_wait3A_314 = tpu.memref_slice %arg3[%dma_wait3A_313, %add3A_307] : memref<2x320000xi32, #tpu.memory_space<hbm>> -> memref<1x128xi32, #tpu.memory_space<hbm>>
      tpu.wait_dma2 semaphore(%dma_wait3A_312 : memref<!tpu.dma_semaphore, #tpu.memory_space<semaphore_mem>>) src(%dma_wait3A_314 : memref<1x128xi32, #tpu.memory_space<hbm>>) dst(%arg16 : memref<1x128xi32, #tpu.memory_space<vmem>>)
      %dma_start3A_315 = arith.constant 0 : i32
      %dma_start3A_316 = arith.constant 1 : i32
      %dma_start3A_317 = arith.constant 0 : i32
      %dma_start3A_318 = tpu.memref_slice %arg16[%dma_start3A_315, %dma_start3A_317] : memref<1x128xi32, #tpu.memory_space<vmem>> -> memref<1x128xi32, #tpu.memory_space<vmem>>
      %dma_start3A_319 = tpu.memref_squeeze %dma_start3A_318 : memref<1x128xi32, #tpu.memory_space<vmem>> -> memref<128xi32, #tpu.memory_space<vmem>>
      %dma_start3A_320 = arith.constant 0 : i32
      %dma_start3A_321 = arith.constant 0 : i32
      %dma_start3A_322 = tpu.memref_slice %arg9[%dma_start3A_320, %dma_start3A_321] : memref<10000x128xf32, #tpu.memory_space<vmem_shared>> -> memref<10000x128xf32, #tpu.memory_space<vmem_shared>>
      %dma_start3A_323 = tpu.memref_slice %arg24[%dma_start3A_316] : memref<3x!tpu.dma_semaphore, #tpu.memory_space<semaphore_mem>> -> memref<1x!tpu.dma_semaphore, #tpu.memory_space<semaphore_mem>>
      %dma_start3A_324 = tpu.memref_squeeze %dma_start3A_323 : memref<1x!tpu.dma_semaphore, #tpu.memory_space<semaphore_mem>> -> memref<!tpu.dma_semaphore, #tpu.memory_space<semaphore_mem>>
      tpu.enqueue_indirect_dma source(%arg19 : memref<128x128xf32, #tpu.memory_space<vmem>>) target(%dma_start3A_322 : memref<10000x128xf32, #tpu.memory_space<vmem_shared>>) offsets(%dma_start3A_319 : memref<128xi32, #tpu.memory_space<vmem>>) semaphore(%dma_start3A_324 : memref<!tpu.dma_semaphore, #tpu.memory_space<semaphore_mem>>) {add = true}
      %dma_start3A_325 = arith.constant 0 : i32
      %dma_start3A_326 = arith.constant 1 : i32
      %dma_start3A_327 = arith.constant 0 : i32
      %dma_start3A_328 = tpu.memref_slice %arg16[%dma_start3A_325, %dma_start3A_327] : memref<1x128xi32, #tpu.memory_space<vmem>> -> memref<1x128xi32, #tpu.memory_space<vmem>>
      %dma_start3A_329 = tpu.memref_squeeze %dma_start3A_328 : memref<1x128xi32, #tpu.memory_space<vmem>> -> memref<128xi32, #tpu.memory_space<vmem>>
      %dma_start3A_330 = arith.constant 0 : i32
      %dma_start3A_331 = tpu.memref_slice %arg10[%dma_start3A_330] : memref<10000xf32, #tpu.memory_space<vmem_shared>> -> memref<10000xf32, #tpu.memory_space<vmem_shared>>
      %dma_start3A_332 = tpu.memref_slice %arg25[%dma_start3A_326] : memref<3x!tpu.dma_semaphore, #tpu.memory_space<semaphore_mem>> -> memref<1x!tpu.dma_semaphore, #tpu.memory_space<semaphore_mem>>
      %dma_start3A_333 = tpu.memref_squeeze %dma_start3A_332 : memref<1x!tpu.dma_semaphore, #tpu.memory_space<semaphore_mem>> -> memref<!tpu.dma_semaphore, #tpu.memory_space<semaphore_mem>>
      tpu.enqueue_indirect_dma source(%arg11 : memref<128xf32, #tpu.memory_space<vmem>>) target(%dma_start3A_331 : memref<10000xf32, #tpu.memory_space<vmem_shared>>) offsets(%dma_start3A_329 : memref<128xi32, #tpu.memory_space<vmem>>) semaphore(%dma_start3A_333 : memref<!tpu.dma_semaphore, #tpu.memory_space<semaphore_mem>>) {add = true}
      %add3A_334 = arith.constant 3 : i32
      %add3A_335 = arith.addi %add3A_298, %add3A_334 : i32
      %eq3A_336 = arith.constant 0 : i32
      %eq3A_337 = arith.cmpi eq, %add3A_4, %eq3A_336 : i32
      %jit3A_338 = arith.constant 1 : i32
      %select_n3A_339 = arith.select %eq3A_337, %jit3A_338, %add3A_4 : i32
      %rem3A_340 = arith.remsi %add3A_335, %select_n3A_339 : i32
      %ne3A_341 = arith.constant 0 : i32
      %ne3A_342 = arith.cmpi ne, %rem3A_340, %ne3A_341 : i32
      %lt3A_343 = arith.constant 0 : i32
      %lt3A_344 = arith.cmpi slt, %rem3A_340, %lt3A_343 : i32
      %lt3A_345 = arith.constant 0 : i32
      %lt3A_346 = arith.cmpi slt, %select_n3A_339, %lt3A_345 : i32
      %ne3A_347 = arith.xori %lt3A_344, %lt3A_346 : i1
      %and3A_348 = arith.andi %ne3A_347, %ne3A_342 : i1
      %add3A_349 = arith.addi %rem3A_340, %select_n3A_339 : i32
      %select_n3A_350 = arith.select %and3A_348, %add3A_349, %rem3A_340 : i32
      %mul3A_351 = arith.constant 128 : i32
      %mul3A_352 = arith.muli %select_n3A_350, %mul3A_351 : i32
      %add3A_353 = arith.addi %mul3A_10, %mul3A_352 : i32
      %dma_start3A_354 = arith.constant 0 : i32
      %dma_start3A_355 = arith.constant 1 : i32
      %dma_start3A_356 = tpu.memref_slice %arg3[%dma_start3A_354, %add3A_353] : memref<2x320000xi32, #tpu.memory_space<hbm>> -> memref<1x128xi32, #tpu.memory_space<hbm>>
      %dma_start3A_357 = tpu.memref_squeeze %dma_start3A_356 : memref<1x128xi32, #tpu.memory_space<hbm>> -> memref<128xi32, #tpu.memory_space<hbm>>
      %dma_start3A_358 = tpu.memref_slice %arg21[%dma_start3A_355] : memref<3x!tpu.dma_semaphore, #tpu.memory_space<semaphore_mem>> -> memref<1x!tpu.dma_semaphore, #tpu.memory_space<semaphore_mem>>
      %dma_start3A_359 = tpu.memref_squeeze %dma_start3A_358 : memref<1x!tpu.dma_semaphore, #tpu.memory_space<semaphore_mem>> -> memref<!tpu.dma_semaphore, #tpu.memory_space<semaphore_mem>>
      %dma_start3A_360 = tpu.memref_slice %arg3[%dma_start3A_354, %add3A_353] : memref<2x320000xi32, #tpu.memory_space<hbm>> -> memref<1x128xi32, #tpu.memory_space<hbm>>
      %dma_start3A_361 = tpu.memref_squeeze %dma_start3A_360 : memref<1x128xi32, #tpu.memory_space<hbm>> -> memref<128xi32, #tpu.memory_space<hbm>>
      tpu.enqueue_dma source(%dma_start3A_361 : memref<128xi32, #tpu.memory_space<hbm>>) target(%arg13 : memref<128xi32, #tpu.memory_space<vmem>>) target_semaphore(%dma_start3A_359 : memref<!tpu.dma_semaphore, #tpu.memory_space<semaphore_mem>>)
      %add3A_362 = arith.constant 2 : i32
      %add3A_363 = arith.addi %mul3A_231, %add3A_362 : i32
      %dma_wait3A_364 = arith.constant 2 : i32
      %dma_wait3A_365 = arith.constant 0 : i32
      %dma_wait3A_366 = arith.constant 0 : i32
      %dma_wait3A_367 = tpu.memref_slice %arg2[%dma_wait3A_365, %dma_wait3A_366] : memref<10000x128xf32, #tpu.memory_space<hbm>> -> memref<10000x128xf32, #tpu.memory_space<hbm>>
      %dma_wait3A_368 = tpu.memref_slice %arg23[%dma_wait3A_364] : memref<3x!tpu.dma_semaphore, #tpu.memory_space<semaphore_mem>> -> memref<1x!tpu.dma_semaphore, #tpu.memory_space<semaphore_mem>>
      %dma_wait3A_369 = tpu.memref_squeeze %dma_wait3A_368 : memref<1x!tpu.dma_semaphore, #tpu.memory_space<semaphore_mem>> -> memref<!tpu.dma_semaphore, #tpu.memory_space<semaphore_mem>>
      tpu.wait_indirect_dma semaphore(%dma_wait3A_369 : memref<!tpu.dma_semaphore, #tpu.memory_space<semaphore_mem>>) src(%dma_wait3A_367 : memref<10000x128xf32, #tpu.memory_space<hbm>>) dst(%arg20 : memref<128x128xf32, #tpu.memory_space<vmem>>)
      %mul3A_370 = arith.constant 128 : i32
      %mul3A_371 = arith.muli %add3A_363, %mul3A_370 : i32
      %add3A_372 = arith.addi %mul3A_10, %mul3A_371 : i32
      %dma_wait3A_373 = arith.constant 2 : i32
      %dma_wait3A_374 = arith.constant 1 : i32
      %dma_wait3A_375 = tpu.memref_slice %arg3[%dma_wait3A_374, %add3A_372] : memref<2x320000xi32, #tpu.memory_space<hbm>> -> memref<1x128xi32, #tpu.memory_space<hbm>>
      %dma_wait3A_376 = tpu.memref_slice %arg22[%dma_wait3A_373] : memref<3x!tpu.dma_semaphore, #tpu.memory_space<semaphore_mem>> -> memref<1x!tpu.dma_semaphore, #tpu.memory_space<semaphore_mem>>
      %dma_wait3A_377 = tpu.memref_squeeze %dma_wait3A_376 : memref<1x!tpu.dma_semaphore, #tpu.memory_space<semaphore_mem>> -> memref<!tpu.dma_semaphore, #tpu.memory_space<semaphore_mem>>
      %dma_wait3A_378 = arith.constant 1 : i32
      %dma_wait3A_379 = tpu.memref_slice %arg3[%dma_wait3A_378, %add3A_372] : memref<2x320000xi32, #tpu.memory_space<hbm>> -> memref<1x128xi32, #tpu.memory_space<hbm>>
      tpu.wait_dma2 semaphore(%dma_wait3A_377 : memref<!tpu.dma_semaphore, #tpu.memory_space<semaphore_mem>>) src(%dma_wait3A_379 : memref<1x128xi32, #tpu.memory_space<hbm>>) dst(%arg17 : memref<1x128xi32, #tpu.memory_space<vmem>>)
      %dma_start3A_380 = arith.constant 0 : i32
      %dma_start3A_381 = arith.constant 2 : i32
      %dma_start3A_382 = arith.constant 0 : i32
      %dma_start3A_383 = tpu.memref_slice %arg17[%dma_start3A_380, %dma_start3A_382] : memref<1x128xi32, #tpu.memory_space<vmem>> -> memref<1x128xi32, #tpu.memory_space<vmem>>
      %dma_start3A_384 = tpu.memref_squeeze %dma_start3A_383 : memref<1x128xi32, #tpu.memory_space<vmem>> -> memref<128xi32, #tpu.memory_space<vmem>>
      %dma_start3A_385 = arith.constant 0 : i32
      %dma_start3A_386 = arith.constant 0 : i32
      %dma_start3A_387 = tpu.memref_slice %arg9[%dma_start3A_385, %dma_start3A_386] : memref<10000x128xf32, #tpu.memory_space<vmem_shared>> -> memref<10000x128xf32, #tpu.memory_space<vmem_shared>>
      %dma_start3A_388 = tpu.memref_slice %arg24[%dma_start3A_381] : memref<3x!tpu.dma_semaphore, #tpu.memory_space<semaphore_mem>> -> memref<1x!tpu.dma_semaphore, #tpu.memory_space<semaphore_mem>>
      %dma_start3A_389 = tpu.memref_squeeze %dma_start3A_388 : memref<1x!tpu.dma_semaphore, #tpu.memory_space<semaphore_mem>> -> memref<!tpu.dma_semaphore, #tpu.memory_space<semaphore_mem>>
      tpu.enqueue_indirect_dma source(%arg20 : memref<128x128xf32, #tpu.memory_space<vmem>>) target(%dma_start3A_387 : memref<10000x128xf32, #tpu.memory_space<vmem_shared>>) offsets(%dma_start3A_384 : memref<128xi32, #tpu.memory_space<vmem>>) semaphore(%dma_start3A_389 : memref<!tpu.dma_semaphore, #tpu.memory_space<semaphore_mem>>) {add = true}
      %dma_start3A_390 = arith.constant 0 : i32
      %dma_start3A_391 = arith.constant 2 : i32
      %dma_start3A_392 = arith.constant 0 : i32
      %dma_start3A_393 = tpu.memref_slice %arg17[%dma_start3A_390, %dma_start3A_392] : memref<1x128xi32, #tpu.memory_space<vmem>> -> memref<1x128xi32, #tpu.memory_space<vmem>>
      %dma_start3A_394 = tpu.memref_squeeze %dma_start3A_393 : memref<1x128xi32, #tpu.memory_space<vmem>> -> memref<128xi32, #tpu.memory_space<vmem>>
      %dma_start3A_395 = arith.constant 0 : i32
      %dma_start3A_396 = tpu.memref_slice %arg10[%dma_start3A_395] : memref<10000xf32, #tpu.memory_space<vmem_shared>> -> memref<10000xf32, #tpu.memory_space<vmem_shared>>
      %dma_start3A_397 = tpu.memref_slice %arg25[%dma_start3A_391] : memref<3x!tpu.dma_semaphore, #tpu.memory_space<semaphore_mem>> -> memref<1x!tpu.dma_semaphore, #tpu.memory_space<semaphore_mem>>
      %dma_start3A_398 = tpu.memref_squeeze %dma_start3A_397 : memref<1x!tpu.dma_semaphore, #tpu.memory_space<semaphore_mem>> -> memref<!tpu.dma_semaphore, #tpu.memory_space<semaphore_mem>>
      tpu.enqueue_indirect_dma source(%arg11 : memref<128xf32, #tpu.memory_space<vmem>>) target(%dma_start3A_396 : memref<10000xf32, #tpu.memory_space<vmem_shared>>) offsets(%dma_start3A_394 : memref<128xi32, #tpu.memory_space<vmem>>) semaphore(%dma_start3A_398 : memref<!tpu.dma_semaphore, #tpu.memory_space<semaphore_mem>>) {add = true}
      %add3A_399 = arith.constant 3 : i32
      %add3A_400 = arith.addi %add3A_363, %add3A_399 : i32
      %eq3A_401 = arith.constant 0 : i32
      %eq3A_402 = arith.cmpi eq, %add3A_4, %eq3A_401 : i32
      %jit3A_403 = arith.constant 1 : i32
      %select_n3A_404 = arith.select %eq3A_402, %jit3A_403, %add3A_4 : i32
      %rem3A_405 = arith.remsi %add3A_400, %select_n3A_404 : i32
      %ne3A_406 = arith.constant 0 : i32
      %ne3A_407 = arith.cmpi ne, %rem3A_405, %ne3A_406 : i32
      %lt3A_408 = arith.constant 0 : i32
      %lt3A_409 = arith.cmpi slt, %rem3A_405, %lt3A_408 : i32
      %lt3A_410 = arith.constant 0 : i32
      %lt3A_411 = arith.cmpi slt, %select_n3A_404, %lt3A_410 : i32
      %ne3A_412 = arith.xori %lt3A_409, %lt3A_411 : i1
      %and3A_413 = arith.andi %ne3A_412, %ne3A_407 : i1
      %add3A_414 = arith.addi %rem3A_405, %select_n3A_404 : i32
      %select_n3A_415 = arith.select %and3A_413, %add3A_414, %rem3A_405 : i32
      %mul3A_416 = arith.constant 128 : i32
      %mul3A_417 = arith.muli %select_n3A_415, %mul3A_416 : i32
      %add3A_418 = arith.addi %mul3A_10, %mul3A_417 : i32
      %dma_start3A_419 = arith.constant 0 : i32
      %dma_start3A_420 = arith.constant 2 : i32
      %dma_start3A_421 = tpu.memref_slice %arg3[%dma_start3A_419, %add3A_418] : memref<2x320000xi32, #tpu.memory_space<hbm>> -> memref<1x128xi32, #tpu.memory_space<hbm>>
      %dma_start3A_422 = tpu.memref_squeeze %dma_start3A_421 : memref<1x128xi32, #tpu.memory_space<hbm>> -> memref<128xi32, #tpu.memory_space<hbm>>
      %dma_start3A_423 = tpu.memref_slice %arg21[%dma_start3A_420] : memref<3x!tpu.dma_semaphore, #tpu.memory_space<semaphore_mem>> -> memref<1x!tpu.dma_semaphore, #tpu.memory_space<semaphore_mem>>
      %dma_start3A_424 = tpu.memref_squeeze %dma_start3A_423 : memref<1x!tpu.dma_semaphore, #tpu.memory_space<semaphore_mem>> -> memref<!tpu.dma_semaphore, #tpu.memory_space<semaphore_mem>>
      %dma_start3A_425 = tpu.memref_slice %arg3[%dma_start3A_419, %add3A_418] : memref<2x320000xi32, #tpu.memory_space<hbm>> -> memref<1x128xi32, #tpu.memory_space<hbm>>
      %dma_start3A_426 = tpu.memref_squeeze %dma_start3A_425 : memref<1x128xi32, #tpu.memory_space<hbm>> -> memref<128xi32, #tpu.memory_space<hbm>>
      tpu.enqueue_dma source(%dma_start3A_426 : memref<128xi32, #tpu.memory_space<hbm>>) target(%arg14 : memref<128xi32, #tpu.memory_space<vmem>>) target_semaphore(%dma_start3A_424 : memref<!tpu.dma_semaphore, #tpu.memory_space<semaphore_mem>>)
      %add3A_427 = arith.constant 0 : i32
      %add3A_428 = arith.addi %mul3A_231, %add3A_427 : i32
      %dma_wait3A_429 = arith.constant 0 : i32
      %dma_wait3A_430 = arith.constant 0 : i32
      %dma_wait3A_431 = arith.constant 0 : i32
      %dma_wait3A_432 = tpu.memref_slice %arg15[%dma_wait3A_429, %dma_wait3A_431] : memref<1x128xi32, #tpu.memory_space<vmem>> -> memref<1x128xi32, #tpu.memory_space<vmem>>
      %dma_wait3A_433 = tpu.memref_squeeze %dma_wait3A_432 : memref<1x128xi32, #tpu.memory_space<vmem>> -> memref<128xi32, #tpu.memory_space<vmem>>
      %dma_wait3A_434 = arith.constant 0 : i32
      %dma_wait3A_435 = arith.constant 0 : i32
      %dma_wait3A_436 = tpu.memref_slice %arg9[%dma_wait3A_434, %dma_wait3A_435] : memref<10000x128xf32, #tpu.memory_space<vmem_shared>> -> memref<10000x128xf32, #tpu.memory_space<vmem_shared>>
      %dma_wait3A_437 = tpu.memref_slice %arg24[%dma_wait3A_430] : memref<3x!tpu.dma_semaphore, #tpu.memory_space<semaphore_mem>> -> memref<1x!tpu.dma_semaphore, #tpu.memory_space<semaphore_mem>>
      %dma_wait3A_438 = tpu.memref_squeeze %dma_wait3A_437 : memref<1x!tpu.dma_semaphore, #tpu.memory_space<semaphore_mem>> -> memref<!tpu.dma_semaphore, #tpu.memory_space<semaphore_mem>>
      tpu.wait_indirect_dma semaphore(%dma_wait3A_438 : memref<!tpu.dma_semaphore, #tpu.memory_space<semaphore_mem>>) src(%arg18 : memref<128x128xf32, #tpu.memory_space<vmem>>) dst(%dma_wait3A_436 : memref<10000x128xf32, #tpu.memory_space<vmem_shared>>)
      %dma_wait3A_439 = arith.constant 0 : i32
      %dma_wait3A_440 = arith.constant 0 : i32
      %dma_wait3A_441 = arith.constant 0 : i32
      %dma_wait3A_442 = tpu.memref_slice %arg15[%dma_wait3A_439, %dma_wait3A_441] : memref<1x128xi32, #tpu.memory_space<vmem>> -> memref<1x128xi32, #tpu.memory_space<vmem>>
      %dma_wait3A_443 = tpu.memref_squeeze %dma_wait3A_442 : memref<1x128xi32, #tpu.memory_space<vmem>> -> memref<128xi32, #tpu.memory_space<vmem>>
      %dma_wait3A_444 = arith.constant 0 : i32
      %dma_wait3A_445 = tpu.memref_slice %arg10[%dma_wait3A_444] : memref<10000xf32, #tpu.memory_space<vmem_shared>> -> memref<10000xf32, #tpu.memory_space<vmem_shared>>
      %dma_wait3A_446 = tpu.memref_slice %arg25[%dma_wait3A_440] : memref<3x!tpu.dma_semaphore, #tpu.memory_space<semaphore_mem>> -> memref<1x!tpu.dma_semaphore, #tpu.memory_space<semaphore_mem>>
      %dma_wait3A_447 = tpu.memref_squeeze %dma_wait3A_446 : memref<1x!tpu.dma_semaphore, #tpu.memory_space<semaphore_mem>> -> memref<!tpu.dma_semaphore, #tpu.memory_space<semaphore_mem>>
      tpu.wait_indirect_dma semaphore(%dma_wait3A_447 : memref<!tpu.dma_semaphore, #tpu.memory_space<semaphore_mem>>) src(%arg11 : memref<128xf32, #tpu.memory_space<vmem>>) dst(%dma_wait3A_445 : memref<10000xf32, #tpu.memory_space<vmem_shared>>)
      %add3A_448 = arith.constant 3 : i32
      %add3A_449 = arith.addi %add3A_428, %add3A_448 : i32
      %eq3A_450 = arith.constant 0 : i32
      %eq3A_451 = arith.cmpi eq, %add3A_4, %eq3A_450 : i32
      %jit3A_452 = arith.constant 1 : i32
      %select_n3A_453 = arith.select %eq3A_451, %jit3A_452, %add3A_4 : i32
      %rem3A_454 = arith.remsi %add3A_449, %select_n3A_453 : i32
      %ne3A_455 = arith.constant 0 : i32
      %ne3A_456 = arith.cmpi ne, %rem3A_454, %ne3A_455 : i32
      %lt3A_457 = arith.constant 0 : i32
      %lt3A_458 = arith.cmpi slt, %rem3A_454, %lt3A_457 : i32
      %lt3A_459 = arith.constant 0 : i32
      %lt3A_460 = arith.cmpi slt, %select_n3A_453, %lt3A_459 : i32
      %ne3A_461 = arith.xori %lt3A_458, %lt3A_460 : i1
      %and3A_462 = arith.andi %ne3A_461, %ne3A_456 : i1
      %add3A_463 = arith.addi %rem3A_454, %select_n3A_453 : i32
      %select_n3A_464 = arith.select %and3A_462, %add3A_463, %rem3A_454 : i32
      %mul3A_465 = arith.constant 128 : i32
      %mul3A_466 = arith.muli %select_n3A_464, %mul3A_465 : i32
      %add3A_467 = arith.addi %mul3A_10, %mul3A_466 : i32
      %dma_start3A_468 = arith.constant 0 : i32
      %dma_start3A_469 = arith.constant 1 : i32
      %dma_start3A_470 = tpu.memref_slice %arg3[%dma_start3A_469, %add3A_467] : memref<2x320000xi32, #tpu.memory_space<hbm>> -> memref<1x128xi32, #tpu.memory_space<hbm>>
      %dma_start3A_471 = tpu.memref_slice %arg22[%dma_start3A_468] : memref<3x!tpu.dma_semaphore, #tpu.memory_space<semaphore_mem>> -> memref<1x!tpu.dma_semaphore, #tpu.memory_space<semaphore_mem>>
      %dma_start3A_472 = tpu.memref_squeeze %dma_start3A_471 : memref<1x!tpu.dma_semaphore, #tpu.memory_space<semaphore_mem>> -> memref<!tpu.dma_semaphore, #tpu.memory_space<semaphore_mem>>
      %dma_start3A_473 = arith.constant 1 : i32
      %dma_start3A_474 = tpu.memref_slice %arg3[%dma_start3A_473, %add3A_467] : memref<2x320000xi32, #tpu.memory_space<hbm>> -> memref<1x128xi32, #tpu.memory_space<hbm>>
      tpu.enqueue_dma source(%dma_start3A_474 : memref<1x128xi32, #tpu.memory_space<hbm>>) target(%arg15 : memref<1x128xi32, #tpu.memory_space<vmem>>) target_semaphore(%dma_start3A_472 : memref<!tpu.dma_semaphore, #tpu.memory_space<semaphore_mem>>)
      %mul3A_475 = arith.constant 128 : i32
      %mul3A_476 = arith.muli %add3A_428, %mul3A_475 : i32
      %add3A_477 = arith.addi %mul3A_10, %mul3A_476 : i32
      %dma_wait3A_478 = arith.constant 0 : i32
      %dma_wait3A_479 = arith.constant 0 : i32
      %dma_wait3A_480 = tpu.memref_slice %arg3[%dma_wait3A_478, %add3A_477] : memref<2x320000xi32, #tpu.memory_space<hbm>> -> memref<1x128xi32, #tpu.memory_space<hbm>>
      %dma_wait3A_481 = tpu.memref_squeeze %dma_wait3A_480 : memref<1x128xi32, #tpu.memory_space<hbm>> -> memref<128xi32, #tpu.memory_space<hbm>>
      %dma_wait3A_482 = tpu.memref_slice %arg21[%dma_wait3A_479] : memref<3x!tpu.dma_semaphore, #tpu.memory_space<semaphore_mem>> -> memref<1x!tpu.dma_semaphore, #tpu.memory_space<semaphore_mem>>
      %dma_wait3A_483 = tpu.memref_squeeze %dma_wait3A_482 : memref<1x!tpu.dma_semaphore, #tpu.memory_space<semaphore_mem>> -> memref<!tpu.dma_semaphore, #tpu.memory_space<semaphore_mem>>
      %dma_wait3A_484 = tpu.memref_slice %arg3[%dma_wait3A_478, %add3A_477] : memref<2x320000xi32, #tpu.memory_space<hbm>> -> memref<1x128xi32, #tpu.memory_space<hbm>>
      %dma_wait3A_485 = tpu.memref_squeeze %dma_wait3A_484 : memref<1x128xi32, #tpu.memory_space<hbm>> -> memref<128xi32, #tpu.memory_space<hbm>>
      tpu.wait_dma2 semaphore(%dma_wait3A_483 : memref<!tpu.dma_semaphore, #tpu.memory_space<semaphore_mem>>) src(%dma_wait3A_485 : memref<128xi32, #tpu.memory_space<hbm>>) dst(%arg12 : memref<128xi32, #tpu.memory_space<vmem>>)
      %dma_start3A_486 = arith.constant 0 : i32
      %dma_start3A_487 = arith.constant 0 : i32
      %dma_start3A_488 = arith.constant 0 : i32
      %dma_start3A_489 = tpu.memref_slice %arg2[%dma_start3A_487, %dma_start3A_488] : memref<10000x128xf32, #tpu.memory_space<hbm>> -> memref<10000x128xf32, #tpu.memory_space<hbm>>
      %dma_start3A_490 = tpu.memref_slice %arg23[%dma_start3A_486] : memref<3x!tpu.dma_semaphore, #tpu.memory_space<semaphore_mem>> -> memref<1x!tpu.dma_semaphore, #tpu.memory_space<semaphore_mem>>
      %dma_start3A_491 = tpu.memref_squeeze %dma_start3A_490 : memref<1x!tpu.dma_semaphore, #tpu.memory_space<semaphore_mem>> -> memref<!tpu.dma_semaphore, #tpu.memory_space<semaphore_mem>>
      tpu.enqueue_indirect_dma source(%dma_start3A_489 : memref<10000x128xf32, #tpu.memory_space<hbm>>) target(%arg18 : memref<128x128xf32, #tpu.memory_space<vmem>>) offsets(%arg12 : memref<128xi32, #tpu.memory_space<vmem>>) semaphore(%dma_start3A_491 : memref<!tpu.dma_semaphore, #tpu.memory_space<semaphore_mem>>)
      %add3A_492 = arith.constant 1 : i32
      %add3A_493 = arith.addi %mul3A_231, %add3A_492 : i32
      %dma_wait3A_494 = arith.constant 0 : i32
      %dma_wait3A_495 = arith.constant 1 : i32
      %dma_wait3A_496 = arith.constant 0 : i32
      %dma_wait3A_497 = tpu.memref_slice %arg16[%dma_wait3A_494, %dma_wait3A_496] : memref<1x128xi32, #tpu.memory_space<vmem>> -> memref<1x128xi32, #tpu.memory_space<vmem>>
      %dma_wait3A_498 = tpu.memref_squeeze %dma_wait3A_497 : memref<1x128xi32, #tpu.memory_space<vmem>> -> memref<128xi32, #tpu.memory_space<vmem>>
      %dma_wait3A_499 = arith.constant 0 : i32
      %dma_wait3A_500 = arith.constant 0 : i32
      %dma_wait3A_501 = tpu.memref_slice %arg9[%dma_wait3A_499, %dma_wait3A_500] : memref<10000x128xf32, #tpu.memory_space<vmem_shared>> -> memref<10000x128xf32, #tpu.memory_space<vmem_shared>>
      %dma_wait3A_502 = tpu.memref_slice %arg24[%dma_wait3A_495] : memref<3x!tpu.dma_semaphore, #tpu.memory_space<semaphore_mem>> -> memref<1x!tpu.dma_semaphore, #tpu.memory_space<semaphore_mem>>
      %dma_wait3A_503 = tpu.memref_squeeze %dma_wait3A_502 : memref<1x!tpu.dma_semaphore, #tpu.memory_space<semaphore_mem>> -> memref<!tpu.dma_semaphore, #tpu.memory_space<semaphore_mem>>
      tpu.wait_indirect_dma semaphore(%dma_wait3A_503 : memref<!tpu.dma_semaphore, #tpu.memory_space<semaphore_mem>>) src(%arg19 : memref<128x128xf32, #tpu.memory_space<vmem>>) dst(%dma_wait3A_501 : memref<10000x128xf32, #tpu.memory_space<vmem_shared>>)
      %dma_wait3A_504 = arith.constant 0 : i32
      %dma_wait3A_505 = arith.constant 1 : i32
      %dma_wait3A_506 = arith.constant 0 : i32
      %dma_wait3A_507 = tpu.memref_slice %arg16[%dma_wait3A_504, %dma_wait3A_506] : memref<1x128xi32, #tpu.memory_space<vmem>> -> memref<1x128xi32, #tpu.memory_space<vmem>>
      %dma_wait3A_508 = tpu.memref_squeeze %dma_wait3A_507 : memref<1x128xi32, #tpu.memory_space<vmem>> -> memref<128xi32, #tpu.memory_space<vmem>>
      %dma_wait3A_509 = arith.constant 0 : i32
      %dma_wait3A_510 = tpu.memref_slice %arg10[%dma_wait3A_509] : memref<10000xf32, #tpu.memory_space<vmem_shared>> -> memref<10000xf32, #tpu.memory_space<vmem_shared>>
      %dma_wait3A_511 = tpu.memref_slice %arg25[%dma_wait3A_505] : memref<3x!tpu.dma_semaphore, #tpu.memory_space<semaphore_mem>> -> memref<1x!tpu.dma_semaphore, #tpu.memory_space<semaphore_mem>>
      %dma_wait3A_512 = tpu.memref_squeeze %dma_wait3A_511 : memref<1x!tpu.dma_semaphore, #tpu.memory_space<semaphore_mem>> -> memref<!tpu.dma_semaphore, #tpu.memory_space<semaphore_mem>>
      tpu.wait_indirect_dma semaphore(%dma_wait3A_512 : memref<!tpu.dma_semaphore, #tpu.memory_space<semaphore_mem>>) src(%arg11 : memref<128xf32, #tpu.memory_space<vmem>>) dst(%dma_wait3A_510 : memref<10000xf32, #tpu.memory_space<vmem_shared>>)
      %add3A_513 = arith.constant 3 : i32
      %add3A_514 = arith.addi %add3A_493, %add3A_513 : i32
      %eq3A_515 = arith.constant 0 : i32
      %eq3A_516 = arith.cmpi eq, %add3A_4, %eq3A_515 : i32
      %jit3A_517 = arith.constant 1 : i32
      %select_n3A_518 = arith.select %eq3A_516, %jit3A_517, %add3A_4 : i32
      %rem3A_519 = arith.remsi %add3A_514, %select_n3A_518 : i32
      %ne3A_520 = arith.constant 0 : i32
      %ne3A_521 = arith.cmpi ne, %rem3A_519, %ne3A_520 : i32
      %lt3A_522 = arith.constant 0 : i32
      %lt3A_523 = arith.cmpi slt, %rem3A_519, %lt3A_522 : i32
      %lt3A_524 = arith.constant 0 : i32
      %lt3A_525 = arith.cmpi slt, %select_n3A_518, %lt3A_524 : i32
      %ne3A_526 = arith.xori %lt3A_523, %lt3A_525 : i1
      %and3A_527 = arith.andi %ne3A_526, %ne3A_521 : i1
      %add3A_528 = arith.addi %rem3A_519, %select_n3A_518 : i32
      %select_n3A_529 = arith.select %and3A_527, %add3A_528, %rem3A_519 : i32
      %mul3A_530 = arith.constant 128 : i32
      %mul3A_531 = arith.muli %select_n3A_529, %mul3A_530 : i32
      %add3A_532 = arith.addi %mul3A_10, %mul3A_531 : i32
      %dma_start3A_533 = arith.constant 1 : i32
      %dma_start3A_534 = arith.constant 1 : i32
      %dma_start3A_535 = tpu.memref_slice %arg3[%dma_start3A_534, %add3A_532] : memref<2x320000xi32, #tpu.memory_space<hbm>> -> memref<1x128xi32, #tpu.memory_space<hbm>>
      %dma_start3A_536 = tpu.memref_slice %arg22[%dma_start3A_533] : memref<3x!tpu.dma_semaphore, #tpu.memory_space<semaphore_mem>> -> memref<1x!tpu.dma_semaphore, #tpu.memory_space<semaphore_mem>>
      %dma_start3A_537 = tpu.memref_squeeze %dma_start3A_536 : memref<1x!tpu.dma_semaphore, #tpu.memory_space<semaphore_mem>> -> memref<!tpu.dma_semaphore, #tpu.memory_space<semaphore_mem>>
      %dma_start3A_538 = arith.constant 1 : i32
      %dma_start3A_539 = tpu.memref_slice %arg3[%dma_start3A_538, %add3A_532] : memref<2x320000xi32, #tpu.memory_space<hbm>> -> memref<1x128xi32, #tpu.memory_space<hbm>>
      tpu.enqueue_dma source(%dma_start3A_539 : memref<1x128xi32, #tpu.memory_space<hbm>>) target(%arg16 : memref<1x128xi32, #tpu.memory_space<vmem>>) target_semaphore(%dma_start3A_537 : memref<!tpu.dma_semaphore, #tpu.memory_space<semaphore_mem>>)
      %mul3A_540 = arith.constant 128 : i32
      %mul3A_541 = arith.muli %add3A_493, %mul3A_540 : i32
      %add3A_542 = arith.addi %mul3A_10, %mul3A_541 : i32
      %dma_wait3A_543 = arith.constant 0 : i32
      %dma_wait3A_544 = arith.constant 1 : i32
      %dma_wait3A_545 = tpu.memref_slice %arg3[%dma_wait3A_543, %add3A_542] : memref<2x320000xi32, #tpu.memory_space<hbm>> -> memref<1x128xi32, #tpu.memory_space<hbm>>
      %dma_wait3A_546 = tpu.memref_squeeze %dma_wait3A_545 : memref<1x128xi32, #tpu.memory_space<hbm>> -> memref<128xi32, #tpu.memory_space<hbm>>
      %dma_wait3A_547 = tpu.memref_slice %arg21[%dma_wait3A_544] : memref<3x!tpu.dma_semaphore, #tpu.memory_space<semaphore_mem>> -> memref<1x!tpu.dma_semaphore, #tpu.memory_space<semaphore_mem>>
      %dma_wait3A_548 = tpu.memref_squeeze %dma_wait3A_547 : memref<1x!tpu.dma_semaphore, #tpu.memory_space<semaphore_mem>> -> memref<!tpu.dma_semaphore, #tpu.memory_space<semaphore_mem>>
      %dma_wait3A_549 = tpu.memref_slice %arg3[%dma_wait3A_543, %add3A_542] : memref<2x320000xi32, #tpu.memory_space<hbm>> -> memref<1x128xi32, #tpu.memory_space<hbm>>
      %dma_wait3A_550 = tpu.memref_squeeze %dma_wait3A_549 : memref<1x128xi32, #tpu.memory_space<hbm>> -> memref<128xi32, #tpu.memory_space<hbm>>
      tpu.wait_dma2 semaphore(%dma_wait3A_548 : memref<!tpu.dma_semaphore, #tpu.memory_space<semaphore_mem>>) src(%dma_wait3A_550 : memref<128xi32, #tpu.memory_space<hbm>>) dst(%arg13 : memref<128xi32, #tpu.memory_space<vmem>>)
      %dma_start3A_551 = arith.constant 1 : i32
      %dma_start3A_552 = arith.constant 0 : i32
      %dma_start3A_553 = arith.constant 0 : i32
      %dma_start3A_554 = tpu.memref_slice %arg2[%dma_start3A_552, %dma_start3A_553] : memref<10000x128xf32, #tpu.memory_space<hbm>> -> memref<10000x128xf32, #tpu.memory_space<hbm>>
      %dma_start3A_555 = tpu.memref_slice %arg23[%dma_start3A_551] : memref<3x!tpu.dma_semaphore, #tpu.memory_space<semaphore_mem>> -> memref<1x!tpu.dma_semaphore, #tpu.memory_space<semaphore_mem>>
      %dma_start3A_556 = tpu.memref_squeeze %dma_start3A_555 : memref<1x!tpu.dma_semaphore, #tpu.memory_space<semaphore_mem>> -> memref<!tpu.dma_semaphore, #tpu.memory_space<semaphore_mem>>
      tpu.enqueue_indirect_dma source(%dma_start3A_554 : memref<10000x128xf32, #tpu.memory_space<hbm>>) target(%arg19 : memref<128x128xf32, #tpu.memory_space<vmem>>) offsets(%arg13 : memref<128xi32, #tpu.memory_space<vmem>>) semaphore(%dma_start3A_556 : memref<!tpu.dma_semaphore, #tpu.memory_space<semaphore_mem>>)
      %add3A_557 = arith.constant 2 : i32
      %add3A_558 = arith.addi %mul3A_231, %add3A_557 : i32
      %dma_wait3A_559 = arith.constant 0 : i32
      %dma_wait3A_560 = arith.constant 2 : i32
      %dma_wait3A_561 = arith.constant 0 : i32
      %dma_wait3A_562 = tpu.memref_slice %arg17[%dma_wait3A_559, %dma_wait3A_561] : memref<1x128xi32, #tpu.memory_space<vmem>> -> memref<1x128xi32, #tpu.memory_space<vmem>>
      %dma_wait3A_563 = tpu.memref_squeeze %dma_wait3A_562 : memref<1x128xi32, #tpu.memory_space<vmem>> -> memref<128xi32, #tpu.memory_space<vmem>>
      %dma_wait3A_564 = arith.constant 0 : i32
      %dma_wait3A_565 = arith.constant 0 : i32
      %dma_wait3A_566 = tpu.memref_slice %arg9[%dma_wait3A_564, %dma_wait3A_565] : memref<10000x128xf32, #tpu.memory_space<vmem_shared>> -> memref<10000x128xf32, #tpu.memory_space<vmem_shared>>
      %dma_wait3A_567 = tpu.memref_slice %arg24[%dma_wait3A_560] : memref<3x!tpu.dma_semaphore, #tpu.memory_space<semaphore_mem>> -> memref<1x!tpu.dma_semaphore, #tpu.memory_space<semaphore_mem>>
      %dma_wait3A_568 = tpu.memref_squeeze %dma_wait3A_567 : memref<1x!tpu.dma_semaphore, #tpu.memory_space<semaphore_mem>> -> memref<!tpu.dma_semaphore, #tpu.memory_space<semaphore_mem>>
      tpu.wait_indirect_dma semaphore(%dma_wait3A_568 : memref<!tpu.dma_semaphore, #tpu.memory_space<semaphore_mem>>) src(%arg20 : memref<128x128xf32, #tpu.memory_space<vmem>>) dst(%dma_wait3A_566 : memref<10000x128xf32, #tpu.memory_space<vmem_shared>>)
      %dma_wait3A_569 = arith.constant 0 : i32
      %dma_wait3A_570 = arith.constant 2 : i32
      %dma_wait3A_571 = arith.constant 0 : i32
      %dma_wait3A_572 = tpu.memref_slice %arg17[%dma_wait3A_569, %dma_wait3A_571] : memref<1x128xi32, #tpu.memory_space<vmem>> -> memref<1x128xi32, #tpu.memory_space<vmem>>
      %dma_wait3A_573 = tpu.memref_squeeze %dma_wait3A_572 : memref<1x128xi32, #tpu.memory_space<vmem>> -> memref<128xi32, #tpu.memory_space<vmem>>
      %dma_wait3A_574 = arith.constant 0 : i32
      %dma_wait3A_575 = tpu.memref_slice %arg10[%dma_wait3A_574] : memref<10000xf32, #tpu.memory_space<vmem_shared>> -> memref<10000xf32, #tpu.memory_space<vmem_shared>>
      %dma_wait3A_576 = tpu.memref_slice %arg25[%dma_wait3A_570] : memref<3x!tpu.dma_semaphore, #tpu.memory_space<semaphore_mem>> -> memref<1x!tpu.dma_semaphore, #tpu.memory_space<semaphore_mem>>
      %dma_wait3A_577 = tpu.memref_squeeze %dma_wait3A_576 : memref<1x!tpu.dma_semaphore, #tpu.memory_space<semaphore_mem>> -> memref<!tpu.dma_semaphore, #tpu.memory_space<semaphore_mem>>
      tpu.wait_indirect_dma semaphore(%dma_wait3A_577 : memref<!tpu.dma_semaphore, #tpu.memory_space<semaphore_mem>>) src(%arg11 : memref<128xf32, #tpu.memory_space<vmem>>) dst(%dma_wait3A_575 : memref<10000xf32, #tpu.memory_space<vmem_shared>>)
      %add3A_578 = arith.constant 3 : i32
      %add3A_579 = arith.addi %add3A_558, %add3A_578 : i32
      %eq3A_580 = arith.constant 0 : i32
      %eq3A_581 = arith.cmpi eq, %add3A_4, %eq3A_580 : i32
      %jit3A_582 = arith.constant 1 : i32
      %select_n3A_583 = arith.select %eq3A_581, %jit3A_582, %add3A_4 : i32
      %rem3A_584 = arith.remsi %add3A_579, %select_n3A_583 : i32
      %ne3A_585 = arith.constant 0 : i32
      %ne3A_586 = arith.cmpi ne, %rem3A_584, %ne3A_585 : i32
      %lt3A_587 = arith.constant 0 : i32
      %lt3A_588 = arith.cmpi slt, %rem3A_584, %lt3A_587 : i32
      %lt3A_589 = arith.constant 0 : i32
      %lt3A_590 = arith.cmpi slt, %select_n3A_583, %lt3A_589 : i32
      %ne3A_591 = arith.xori %lt3A_588, %lt3A_590 : i1
      %and3A_592 = arith.andi %ne3A_591, %ne3A_586 : i1
      %add3A_593 = arith.addi %rem3A_584, %select_n3A_583 : i32
      %select_n3A_594 = arith.select %and3A_592, %add3A_593, %rem3A_584 : i32
      %mul3A_595 = arith.constant 128 : i32
      %mul3A_596 = arith.muli %select_n3A_594, %mul3A_595 : i32
      %add3A_597 = arith.addi %mul3A_10, %mul3A_596 : i32
      %dma_start3A_598 = arith.constant 2 : i32
      %dma_start3A_599 = arith.constant 1 : i32
      %dma_start3A_600 = tpu.memref_slice %arg3[%dma_start3A_599, %add3A_597] : memref<2x320000xi32, #tpu.memory_space<hbm>> -> memref<1x128xi32, #tpu.memory_space<hbm>>
      %dma_start3A_601 = tpu.memref_slice %arg22[%dma_start3A_598] : memref<3x!tpu.dma_semaphore, #tpu.memory_space<semaphore_mem>> -> memref<1x!tpu.dma_semaphore, #tpu.memory_space<semaphore_mem>>
      %dma_start3A_602 = tpu.memref_squeeze %dma_start3A_601 : memref<1x!tpu.dma_semaphore, #tpu.memory_space<semaphore_mem>> -> memref<!tpu.dma_semaphore, #tpu.memory_space<semaphore_mem>>
      %dma_start3A_603 = arith.constant 1 : i32
      %dma_start3A_604 = tpu.memref_slice %arg3[%dma_start3A_603, %add3A_597] : memref<2x320000xi32, #tpu.memory_space<hbm>> -> memref<1x128xi32, #tpu.memory_space<hbm>>
      tpu.enqueue_dma source(%dma_start3A_604 : memref<1x128xi32, #tpu.memory_space<hbm>>) target(%arg17 : memref<1x128xi32, #tpu.memory_space<vmem>>) target_semaphore(%dma_start3A_602 : memref<!tpu.dma_semaphore, #tpu.memory_space<semaphore_mem>>)
      %mul3A_605 = arith.constant 128 : i32
      %mul3A_606 = arith.muli %add3A_558, %mul3A_605 : i32
      %add3A_607 = arith.addi %mul3A_10, %mul3A_606 : i32
      %dma_wait3A_608 = arith.constant 0 : i32
      %dma_wait3A_609 = arith.constant 2 : i32
      %dma_wait3A_610 = tpu.memref_slice %arg3[%dma_wait3A_608, %add3A_607] : memref<2x320000xi32, #tpu.memory_space<hbm>> -> memref<1x128xi32, #tpu.memory_space<hbm>>
      %dma_wait3A_611 = tpu.memref_squeeze %dma_wait3A_610 : memref<1x128xi32, #tpu.memory_space<hbm>> -> memref<128xi32, #tpu.memory_space<hbm>>
      %dma_wait3A_612 = tpu.memref_slice %arg21[%dma_wait3A_609] : memref<3x!tpu.dma_semaphore, #tpu.memory_space<semaphore_mem>> -> memref<1x!tpu.dma_semaphore, #tpu.memory_space<semaphore_mem>>
      %dma_wait3A_613 = tpu.memref_squeeze %dma_wait3A_612 : memref<1x!tpu.dma_semaphore, #tpu.memory_space<semaphore_mem>> -> memref<!tpu.dma_semaphore, #tpu.memory_space<semaphore_mem>>
      %dma_wait3A_614 = tpu.memref_slice %arg3[%dma_wait3A_608, %add3A_607] : memref<2x320000xi32, #tpu.memory_space<hbm>> -> memref<1x128xi32, #tpu.memory_space<hbm>>
      %dma_wait3A_615 = tpu.memref_squeeze %dma_wait3A_614 : memref<1x128xi32, #tpu.memory_space<hbm>> -> memref<128xi32, #tpu.memory_space<hbm>>
      tpu.wait_dma2 semaphore(%dma_wait3A_613 : memref<!tpu.dma_semaphore, #tpu.memory_space<semaphore_mem>>) src(%dma_wait3A_615 : memref<128xi32, #tpu.memory_space<hbm>>) dst(%arg14 : memref<128xi32, #tpu.memory_space<vmem>>)
      %dma_start3A_616 = arith.constant 2 : i32
      %dma_start3A_617 = arith.constant 0 : i32
      %dma_start3A_618 = arith.constant 0 : i32
      %dma_start3A_619 = tpu.memref_slice %arg2[%dma_start3A_617, %dma_start3A_618] : memref<10000x128xf32, #tpu.memory_space<hbm>> -> memref<10000x128xf32, #tpu.memory_space<hbm>>
      %dma_start3A_620 = tpu.memref_slice %arg23[%dma_start3A_616] : memref<3x!tpu.dma_semaphore, #tpu.memory_space<semaphore_mem>> -> memref<1x!tpu.dma_semaphore, #tpu.memory_space<semaphore_mem>>
      %dma_start3A_621 = tpu.memref_squeeze %dma_start3A_620 : memref<1x!tpu.dma_semaphore, #tpu.memory_space<semaphore_mem>> -> memref<!tpu.dma_semaphore, #tpu.memory_space<semaphore_mem>>
      tpu.enqueue_indirect_dma source(%dma_start3A_619 : memref<10000x128xf32, #tpu.memory_space<hbm>>) target(%arg20 : memref<128x128xf32, #tpu.memory_space<vmem>>) offsets(%arg14 : memref<128xi32, #tpu.memory_space<vmem>>) semaphore(%dma_start3A_621 : memref<!tpu.dma_semaphore, #tpu.memory_space<semaphore_mem>>)
    }
    %while3A_154 = arith.constant 1 : i32
    scf.for %while3A_229 = %while3A_152 to %while3A_148 step %while3A_154  : i32 {
      %mul3A_230 = arith.constant 3 : i32
      %mul3A_231 = arith.muli %while3A_229, %mul3A_230 : i32
      %add3A_232 = arith.constant 0 : i32
      %add3A_233 = arith.addi %mul3A_231, %add3A_232 : i32
      %dma_wait3A_234 = arith.constant 0 : i32
      %dma_wait3A_235 = arith.constant 0 : i32
      %dma_wait3A_236 = arith.constant 0 : i32
      %dma_wait3A_237 = tpu.memref_slice %arg2[%dma_wait3A_235, %dma_wait3A_236] : memref<10000x128xf32, #tpu.memory_space<hbm>> -> memref<10000x128xf32, #tpu.memory_space<hbm>>
      %dma_wait3A_238 = tpu.memref_slice %arg23[%dma_wait3A_234] : memref<3x!tpu.dma_semaphore, #tpu.memory_space<semaphore_mem>> -> memref<1x!tpu.dma_semaphore, #tpu.memory_space<semaphore_mem>>
      %dma_wait3A_239 = tpu.memref_squeeze %dma_wait3A_238 : memref<1x!tpu.dma_semaphore, #tpu.memory_space<semaphore_mem>> -> memref<!tpu.dma_semaphore, #tpu.memory_space<semaphore_mem>>
      tpu.wait_indirect_dma semaphore(%dma_wait3A_239 : memref<!tpu.dma_semaphore, #tpu.memory_space<semaphore_mem>>) src(%dma_wait3A_237 : memref<10000x128xf32, #tpu.memory_space<hbm>>) dst(%arg18 : memref<128x128xf32, #tpu.memory_space<vmem>>)
      %mul3A_240 = arith.constant 128 : i32
      %mul3A_241 = arith.muli %add3A_233, %mul3A_240 : i32
      %add3A_242 = arith.addi %mul3A_10, %mul3A_241 : i32
      %dma_wait3A_243 = arith.constant 0 : i32
      %dma_wait3A_244 = arith.constant 1 : i32
      %dma_wait3A_245 = tpu.memref_slice %arg3[%dma_wait3A_244, %add3A_242] : memref<2x320000xi32, #tpu.memory_space<hbm>> -> memref<1x128xi32, #tpu.memory_space<hbm>>
      %dma_wait3A_246 = tpu.memref_slice %arg22[%dma_wait3A_243] : memref<3x!tpu.dma_semaphore, #tpu.memory_space<semaphore_mem>> -> memref<1x!tpu.dma_semaphore, #tpu.memory_space<semaphore_mem>>
      %dma_wait3A_247 = tpu.memref_squeeze %dma_wait3A_246 : memref<1x!tpu.dma_semaphore, #tpu.memory_space<semaphore_mem>> -> memref<!tpu.dma_semaphore, #tpu.memory_space<semaphore_mem>>
      %dma_wait3A_248 = arith.constant 1 : i32
      %dma_wait3A_249 = tpu.memref_slice %arg3[%dma_wait3A_248, %add3A_242] : memref<2x320000xi32, #tpu.memory_space<hbm>> -> memref<1x128xi32, #tpu.memory_space<hbm>>
      tpu.wait_dma2 semaphore(%dma_wait3A_247 : memref<!tpu.dma_semaphore, #tpu.memory_space<semaphore_mem>>) src(%dma_wait3A_249 : memref<1x128xi32, #tpu.memory_space<hbm>>) dst(%arg15 : memref<1x128xi32, #tpu.memory_space<vmem>>)
      %dma_start3A_250 = arith.constant 0 : i32
      %dma_start3A_251 = arith.constant 0 : i32
      %dma_start3A_252 = arith.constant 0 : i32
      %dma_start3A_253 = tpu.memref_slice %arg15[%dma_start3A_250, %dma_start3A_252] : memref<1x128xi32, #tpu.memory_space<vmem>> -> memref<1x128xi32, #tpu.memory_space<vmem>>
      %dma_start3A_254 = tpu.memref_squeeze %dma_start3A_253 : memref<1x128xi32, #tpu.memory_space<vmem>> -> memref<128xi32, #tpu.memory_space<vmem>>
      %dma_start3A_255 = arith.constant 0 : i32
      %dma_start3A_256 = arith.constant 0 : i32
      %dma_start3A_257 = tpu.memref_slice %arg9[%dma_start3A_255, %dma_start3A_256] : memref<10000x128xf32, #tpu.memory_space<vmem_shared>> -> memref<10000x128xf32, #tpu.memory_space<vmem_shared>>
      %dma_start3A_258 = tpu.memref_slice %arg24[%dma_start3A_251] : memref<3x!tpu.dma_semaphore, #tpu.memory_space<semaphore_mem>> -> memref<1x!tpu.dma_semaphore, #tpu.memory_space<semaphore_mem>>
      %dma_start3A_259 = tpu.memref_squeeze %dma_start3A_258 : memref<1x!tpu.dma_semaphore, #tpu.memory_space<semaphore_mem>> -> memref<!tpu.dma_semaphore, #tpu.memory_space<semaphore_mem>>
      tpu.enqueue_indirect_dma source(%arg18 : memref<128x128xf32, #tpu.memory_space<vmem>>) target(%dma_start3A_257 : memref<10000x128xf32, #tpu.memory_space<vmem_shared>>) offsets(%dma_start3A_254 : memref<128xi32, #tpu.memory_space<vmem>>) semaphore(%dma_start3A_259 : memref<!tpu.dma_semaphore, #tpu.memory_space<semaphore_mem>>) {add = true}
      %dma_start3A_260 = arith.constant 0 : i32
      %dma_start3A_261 = arith.constant 0 : i32
      %dma_start3A_262 = arith.constant 0 : i32
      %dma_start3A_263 = tpu.memref_slice %arg15[%dma_start3A_260, %dma_start3A_262] : memref<1x128xi32, #tpu.memory_space<vmem>> -> memref<1x128xi32, #tpu.memory_space<vmem>>
      %dma_start3A_264 = tpu.memref_squeeze %dma_start3A_263 : memref<1x128xi32, #tpu.memory_space<vmem>> -> memref<128xi32, #tpu.memory_space<vmem>>
      %dma_start3A_265 = arith.constant 0 : i32
      %dma_start3A_266 = tpu.memref_slice %arg10[%dma_start3A_265] : memref<10000xf32, #tpu.memory_space<vmem_shared>> -> memref<10000xf32, #tpu.memory_space<vmem_shared>>
      %dma_start3A_267 = tpu.memref_slice %arg25[%dma_start3A_261] : memref<3x!tpu.dma_semaphore, #tpu.memory_space<semaphore_mem>> -> memref<1x!tpu.dma_semaphore, #tpu.memory_space<semaphore_mem>>
      %dma_start3A_268 = tpu.memref_squeeze %dma_start3A_267 : memref<1x!tpu.dma_semaphore, #tpu.memory_space<semaphore_mem>> -> memref<!tpu.dma_semaphore, #tpu.memory_space<semaphore_mem>>
      tpu.enqueue_indirect_dma source(%arg11 : memref<128xf32, #tpu.memory_space<vmem>>) target(%dma_start3A_266 : memref<10000xf32, #tpu.memory_space<vmem_shared>>) offsets(%dma_start3A_264 : memref<128xi32, #tpu.memory_space<vmem>>) semaphore(%dma_start3A_268 : memref<!tpu.dma_semaphore, #tpu.memory_space<semaphore_mem>>) {add = true}
      %add3A_269 = arith.constant 3 : i32
      %add3A_270 = arith.addi %add3A_233, %add3A_269 : i32
      %eq3A_271 = arith.constant 0 : i32
      %eq3A_272 = arith.cmpi eq, %add3A_4, %eq3A_271 : i32
      %jit3A_273 = arith.constant 1 : i32
      %select_n3A_274 = arith.select %eq3A_272, %jit3A_273, %add3A_4 : i32
      %rem3A_275 = arith.remsi %add3A_270, %select_n3A_274 : i32
      %ne3A_276 = arith.constant 0 : i32
      %ne3A_277 = arith.cmpi ne, %rem3A_275, %ne3A_276 : i32
      %lt3A_278 = arith.constant 0 : i32
      %lt3A_279 = arith.cmpi slt, %rem3A_275, %lt3A_278 : i32
      %lt3A_280 = arith.constant 0 : i32
      %lt3A_281 = arith.cmpi slt, %select_n3A_274, %lt3A_280 : i32
      %ne3A_282 = arith.xori %lt3A_279, %lt3A_281 : i1
      %and3A_283 = arith.andi %ne3A_282, %ne3A_277 : i1
      %add3A_284 = arith.addi %rem3A_275, %select_n3A_274 : i32
      %select_n3A_285 = arith.select %and3A_283, %add3A_284, %rem3A_275 : i32
      %mul3A_286 = arith.constant 128 : i32
      %mul3A_287 = arith.muli %select_n3A_285, %mul3A_286 : i32
      %add3A_288 = arith.addi %mul3A_10, %mul3A_287 : i32
      %dma_start3A_289 = arith.constant 0 : i32
      %dma_start3A_290 = arith.constant 0 : i32
      %dma_start3A_291 = tpu.memref_slice %arg3[%dma_start3A_289, %add3A_288] : memref<2x320000xi32, #tpu.memory_space<hbm>> -> memref<1x128xi32, #tpu.memory_space<hbm>>
      %dma_start3A_292 = tpu.memref_squeeze %dma_start3A_291 : memref<1x128xi32, #tpu.memory_space<hbm>> -> memref<128xi32, #tpu.memory_space<hbm>>
      %dma_start3A_293 = tpu.memref_slice %arg21[%dma_start3A_290] : memref<3x!tpu.dma_semaphore, #tpu.memory_space<semaphore_mem>> -> memref<1x!tpu.dma_semaphore, #tpu.memory_space<semaphore_mem>>
      %dma_start3A_294 = tpu.memref_squeeze %dma_start3A_293 : memref<1x!tpu.dma_semaphore, #tpu.memory_space<semaphore_mem>> -> memref<!tpu.dma_semaphore, #tpu.memory_space<semaphore_mem>>
      %dma_start3A_295 = tpu.memref_slice %arg3[%dma_start3A_289, %add3A_288] : memref<2x320000xi32, #tpu.memory_space<hbm>> -> memref<1x128xi32, #tpu.memory_space<hbm>>
      %dma_start3A_296 = tpu.memref_squeeze %dma_start3A_295 : memref<1x128xi32, #tpu.memory_space<hbm>> -> memref<128xi32, #tpu.memory_space<hbm>>
      tpu.enqueue_dma source(%dma_start3A_296 : memref<128xi32, #tpu.memory_space<hbm>>) target(%arg12 : memref<128xi32, #tpu.memory_space<vmem>>) target_semaphore(%dma_start3A_294 : memref<!tpu.dma_semaphore, #tpu.memory_space<semaphore_mem>>)
      %add3A_297 = arith.constant 1 : i32
      %add3A_298 = arith.addi %mul3A_231, %add3A_297 : i32
      %dma_wait3A_299 = arith.constant 1 : i32
      %dma_wait3A_300 = arith.constant 0 : i32
      %dma_wait3A_301 = arith.constant 0 : i32
      %dma_wait3A_302 = tpu.memref_slice %arg2[%dma_wait3A_300, %dma_wait3A_301] : memref<10000x128xf32, #tpu.memory_space<hbm>> -> memref<10000x128xf32, #tpu.memory_space<hbm>>
      %dma_wait3A_303 = tpu.memref_slice %arg23[%dma_wait3A_299] : memref<3x!tpu.dma_semaphore, #tpu.memory_space<semaphore_mem>> -> memref<1x!tpu.dma_semaphore, #tpu.memory_space<semaphore_mem>>
      %dma_wait3A_304 = tpu.memref_squeeze %dma_wait3A_303 : memref<1x!tpu.dma_semaphore, #tpu.memory_space<semaphore_mem>> -> memref<!tpu.dma_semaphore, #tpu.memory_space<semaphore_mem>>
      tpu.wait_indirect_dma semaphore(%dma_wait3A_304 : memref<!tpu.dma_semaphore, #tpu.memory_space<semaphore_mem>>) src(%dma_wait3A_302 : memref<10000x128xf32, #tpu.memory_space<hbm>>) dst(%arg19 : memref<128x128xf32, #tpu.memory_space<vmem>>)
      %mul3A_305 = arith.constant 128 : i32
      %mul3A_306 = arith.muli %add3A_298, %mul3A_305 : i32
      %add3A_307 = arith.addi %mul3A_10, %mul3A_306 : i32
      %dma_wait3A_308 = arith.constant 1 : i32
      %dma_wait3A_309 = arith.constant 1 : i32
      %dma_wait3A_310 = tpu.memref_slice %arg3[%dma_wait3A_309, %add3A_307] : memref<2x320000xi32, #tpu.memory_space<hbm>> -> memref<1x128xi32, #tpu.memory_space<hbm>>
      %dma_wait3A_311 = tpu.memref_slice %arg22[%dma_wait3A_308] : memref<3x!tpu.dma_semaphore, #tpu.memory_space<semaphore_mem>> -> memref<1x!tpu.dma_semaphore, #tpu.memory_space<semaphore_mem>>
      %dma_wait3A_312 = tpu.memref_squeeze %dma_wait3A_311 : memref<1x!tpu.dma_semaphore, #tpu.memory_space<semaphore_mem>> -> memref<!tpu.dma_semaphore, #tpu.memory_space<semaphore_mem>>
      %dma_wait3A_313 = arith.constant 1 : i32
      %dma_wait3A_314 = tpu.memref_slice %arg3[%dma_wait3A_313, %add3A_307] : memref<2x320000xi32, #tpu.memory_space<hbm>> -> memref<1x128xi32, #tpu.memory_space<hbm>>
      tpu.wait_dma2 semaphore(%dma_wait3A_312 : memref<!tpu.dma_semaphore, #tpu.memory_space<semaphore_mem>>) src(%dma_wait3A_314 : memref<1x128xi32, #tpu.memory_space<hbm>>) dst(%arg16 : memref<1x128xi32, #tpu.memory_space<vmem>>)
      %dma_start3A_315 = arith.constant 0 : i32
      %dma_start3A_316 = arith.constant 1 : i32
      %dma_start3A_317 = arith.constant 0 : i32
      %dma_start3A_318 = tpu.memref_slice %arg16[%dma_start3A_315, %dma_start3A_317] : memref<1x128xi32, #tpu.memory_space<vmem>> -> memref<1x128xi32, #tpu.memory_space<vmem>>
      %dma_start3A_319 = tpu.memref_squeeze %dma_start3A_318 : memref<1x128xi32, #tpu.memory_space<vmem>> -> memref<128xi32, #tpu.memory_space<vmem>>
      %dma_start3A_320 = arith.constant 0 : i32
      %dma_start3A_321 = arith.constant 0 : i32
      %dma_start3A_322 = tpu.memref_slice %arg9[%dma_start3A_320, %dma_start3A_321] : memref<10000x128xf32, #tpu.memory_space<vmem_shared>> -> memref<10000x128xf32, #tpu.memory_space<vmem_shared>>
      %dma_start3A_323 = tpu.memref_slice %arg24[%dma_start3A_316] : memref<3x!tpu.dma_semaphore, #tpu.memory_space<semaphore_mem>> -> memref<1x!tpu.dma_semaphore, #tpu.memory_space<semaphore_mem>>
      %dma_start3A_324 = tpu.memref_squeeze %dma_start3A_323 : memref<1x!tpu.dma_semaphore, #tpu.memory_space<semaphore_mem>> -> memref<!tpu.dma_semaphore, #tpu.memory_space<semaphore_mem>>
      tpu.enqueue_indirect_dma source(%arg19 : memref<128x128xf32, #tpu.memory_space<vmem>>) target(%dma_start3A_322 : memref<10000x128xf32, #tpu.memory_space<vmem_shared>>) offsets(%dma_start3A_319 : memref<128xi32, #tpu.memory_space<vmem>>) semaphore(%dma_start3A_324 : memref<!tpu.dma_semaphore, #tpu.memory_space<semaphore_mem>>) {add = true}
      %dma_start3A_325 = arith.constant 0 : i32
      %dma_start3A_326 = arith.constant 1 : i32
      %dma_start3A_327 = arith.constant 0 : i32
      %dma_start3A_328 = tpu.memref_slice %arg16[%dma_start3A_325, %dma_start3A_327] : memref<1x128xi32, #tpu.memory_space<vmem>> -> memref<1x128xi32, #tpu.memory_space<vmem>>
      %dma_start3A_329 = tpu.memref_squeeze %dma_start3A_328 : memref<1x128xi32, #tpu.memory_space<vmem>> -> memref<128xi32, #tpu.memory_space<vmem>>
      %dma_start3A_330 = arith.constant 0 : i32
      %dma_start3A_331 = tpu.memref_slice %arg10[%dma_start3A_330] : memref<10000xf32, #tpu.memory_space<vmem_shared>> -> memref<10000xf32, #tpu.memory_space<vmem_shared>>
      %dma_start3A_332 = tpu.memref_slice %arg25[%dma_start3A_326] : memref<3x!tpu.dma_semaphore, #tpu.memory_space<semaphore_mem>> -> memref<1x!tpu.dma_semaphore, #tpu.memory_space<semaphore_mem>>
      %dma_start3A_333 = tpu.memref_squeeze %dma_start3A_332 : memref<1x!tpu.dma_semaphore, #tpu.memory_space<semaphore_mem>> -> memref<!tpu.dma_semaphore, #tpu.memory_space<semaphore_mem>>
      tpu.enqueue_indirect_dma source(%arg11 : memref<128xf32, #tpu.memory_space<vmem>>) target(%dma_start3A_331 : memref<10000xf32, #tpu.memory_space<vmem_shared>>) offsets(%dma_start3A_329 : memref<128xi32, #tpu.memory_space<vmem>>) semaphore(%dma_start3A_333 : memref<!tpu.dma_semaphore, #tpu.memory_space<semaphore_mem>>) {add = true}
      %add3A_334 = arith.constant 3 : i32
      %add3A_335 = arith.addi %add3A_298, %add3A_334 : i32
      %eq3A_336 = arith.constant 0 : i32
      %eq3A_337 = arith.cmpi eq, %add3A_4, %eq3A_336 : i32
      %jit3A_338 = arith.constant 1 : i32
      %select_n3A_339 = arith.select %eq3A_337, %jit3A_338, %add3A_4 : i32
      %rem3A_340 = arith.remsi %add3A_335, %select_n3A_339 : i32
      %ne3A_341 = arith.constant 0 : i32
      %ne3A_342 = arith.cmpi ne, %rem3A_340, %ne3A_341 : i32
      %lt3A_343 = arith.constant 0 : i32
      %lt3A_344 = arith.cmpi slt, %rem3A_340, %lt3A_343 : i32
      %lt3A_345 = arith.constant 0 : i32
      %lt3A_346 = arith.cmpi slt, %select_n3A_339, %lt3A_345 : i32
      %ne3A_347 = arith.xori %lt3A_344, %lt3A_346 : i1
      %and3A_348 = arith.andi %ne3A_347, %ne3A_342 : i1
      %add3A_349 = arith.addi %rem3A_340, %select_n3A_339 : i32
      %select_n3A_350 = arith.select %and3A_348, %add3A_349, %rem3A_340 : i32
      %mul3A_351 = arith.constant 128 : i32
      %mul3A_352 = arith.muli %select_n3A_350, %mul3A_351 : i32
      %add3A_353 = arith.addi %mul3A_10, %mul3A_352 : i32
      %dma_start3A_354 = arith.constant 0 : i32
      %dma_start3A_355 = arith.constant 1 : i32
      %dma_start3A_356 = tpu.memref_slice %arg3[%dma_start3A_354, %add3A_353] : memref<2x320000xi32, #tpu.memory_space<hbm>> -> memref<1x128xi32, #tpu.memory_space<hbm>>
      %dma_start3A_357 = tpu.memref_squeeze %dma_start3A_356 : memref<1x128xi32, #tpu.memory_space<hbm>> -> memref<128xi32, #tpu.memory_space<hbm>>
      %dma_start3A_358 = tpu.memref_slice %arg21[%dma_start3A_355] : memref<3x!tpu.dma_semaphore, #tpu.memory_space<semaphore_mem>> -> memref<1x!tpu.dma_semaphore, #tpu.memory_space<semaphore_mem>>
      %dma_start3A_359 = tpu.memref_squeeze %dma_start3A_358 : memref<1x!tpu.dma_semaphore, #tpu.memory_space<semaphore_mem>> -> memref<!tpu.dma_semaphore, #tpu.memory_space<semaphore_mem>>
      %dma_start3A_360 = tpu.memref_slice %arg3[%dma_start3A_354, %add3A_353] : memref<2x320000xi32, #tpu.memory_space<hbm>> -> memref<1x128xi32, #tpu.memory_space<hbm>>
      %dma_start3A_361 = tpu.memref_squeeze %dma_start3A_360 : memref<1x128xi32, #tpu.memory_space<hbm>> -> memref<128xi32, #tpu.memory_space<hbm>>
      tpu.enqueue_dma source(%dma_start3A_361 : memref<128xi32, #tpu.memory_space<hbm>>) target(%arg13 : memref<128xi32, #tpu.memory_space<vmem>>) target_semaphore(%dma_start3A_359 : memref<!tpu.dma_semaphore, #tpu.memory_space<semaphore_mem>>)
      %add3A_362 = arith.constant 2 : i32
      %add3A_363 = arith.addi %mul3A_231, %add3A_362 : i32
      %dma_wait3A_364 = arith.constant 2 : i32
      %dma_wait3A_365 = arith.constant 0 : i32
      %dma_wait3A_366 = arith.constant 0 : i32
      %dma_wait3A_367 = tpu.memref_slice %arg2[%dma_wait3A_365, %dma_wait3A_366] : memref<10000x128xf32, #tpu.memory_space<hbm>> -> memref<10000x128xf32, #tpu.memory_space<hbm>>
      %dma_wait3A_368 = tpu.memref_slice %arg23[%dma_wait3A_364] : memref<3x!tpu.dma_semaphore, #tpu.memory_space<semaphore_mem>> -> memref<1x!tpu.dma_semaphore, #tpu.memory_space<semaphore_mem>>
      %dma_wait3A_369 = tpu.memref_squeeze %dma_wait3A_368 : memref<1x!tpu.dma_semaphore, #tpu.memory_space<semaphore_mem>> -> memref<!tpu.dma_semaphore, #tpu.memory_space<semaphore_mem>>
      tpu.wait_indirect_dma semaphore(%dma_wait3A_369 : memref<!tpu.dma_semaphore, #tpu.memory_space<semaphore_mem>>) src(%dma_wait3A_367 : memref<10000x128xf32, #tpu.memory_space<hbm>>) dst(%arg20 : memref<128x128xf32, #tpu.memory_space<vmem>>)
      %mul3A_370 = arith.constant 128 : i32
      %mul3A_371 = arith.muli %add3A_363, %mul3A_370 : i32
      %add3A_372 = arith.addi %mul3A_10, %mul3A_371 : i32
      %dma_wait3A_373 = arith.constant 2 : i32
      %dma_wait3A_374 = arith.constant 1 : i32
      %dma_wait3A_375 = tpu.memref_slice %arg3[%dma_wait3A_374, %add3A_372] : memref<2x320000xi32, #tpu.memory_space<hbm>> -> memref<1x128xi32, #tpu.memory_space<hbm>>
      %dma_wait3A_376 = tpu.memref_slice %arg22[%dma_wait3A_373] : memref<3x!tpu.dma_semaphore, #tpu.memory_space<semaphore_mem>> -> memref<1x!tpu.dma_semaphore, #tpu.memory_space<semaphore_mem>>
      %dma_wait3A_377 = tpu.memref_squeeze %dma_wait3A_376 : memref<1x!tpu.dma_semaphore, #tpu.memory_space<semaphore_mem>> -> memref<!tpu.dma_semaphore, #tpu.memory_space<semaphore_mem>>
      %dma_wait3A_378 = arith.constant 1 : i32
      %dma_wait3A_379 = tpu.memref_slice %arg3[%dma_wait3A_378, %add3A_372] : memref<2x320000xi32, #tpu.memory_space<hbm>> -> memref<1x128xi32, #tpu.memory_space<hbm>>
      tpu.wait_dma2 semaphore(%dma_wait3A_377 : memref<!tpu.dma_semaphore, #tpu.memory_space<semaphore_mem>>) src(%dma_wait3A_379 : memref<1x128xi32, #tpu.memory_space<hbm>>) dst(%arg17 : memref<1x128xi32, #tpu.memory_space<vmem>>)
      %dma_start3A_380 = arith.constant 0 : i32
      %dma_start3A_381 = arith.constant 2 : i32
      %dma_start3A_382 = arith.constant 0 : i32
      %dma_start3A_383 = tpu.memref_slice %arg17[%dma_start3A_380, %dma_start3A_382] : memref<1x128xi32, #tpu.memory_space<vmem>> -> memref<1x128xi32, #tpu.memory_space<vmem>>
      %dma_start3A_384 = tpu.memref_squeeze %dma_start3A_383 : memref<1x128xi32, #tpu.memory_space<vmem>> -> memref<128xi32, #tpu.memory_space<vmem>>
      %dma_start3A_385 = arith.constant 0 : i32
      %dma_start3A_386 = arith.constant 0 : i32
      %dma_start3A_387 = tpu.memref_slice %arg9[%dma_start3A_385, %dma_start3A_386] : memref<10000x128xf32, #tpu.memory_space<vmem_shared>> -> memref<10000x128xf32, #tpu.memory_space<vmem_shared>>
      %dma_start3A_388 = tpu.memref_slice %arg24[%dma_start3A_381] : memref<3x!tpu.dma_semaphore, #tpu.memory_space<semaphore_mem>> -> memref<1x!tpu.dma_semaphore, #tpu.memory_space<semaphore_mem>>
      %dma_start3A_389 = tpu.memref_squeeze %dma_start3A_388 : memref<1x!tpu.dma_semaphore, #tpu.memory_space<semaphore_mem>> -> memref<!tpu.dma_semaphore, #tpu.memory_space<semaphore_mem>>
      tpu.enqueue_indirect_dma source(%arg20 : memref<128x128xf32, #tpu.memory_space<vmem>>) target(%dma_start3A_387 : memref<10000x128xf32, #tpu.memory_space<vmem_shared>>) offsets(%dma_start3A_384 : memref<128xi32, #tpu.memory_space<vmem>>) semaphore(%dma_start3A_389 : memref<!tpu.dma_semaphore, #tpu.memory_space<semaphore_mem>>) {add = true}
      %dma_start3A_390 = arith.constant 0 : i32
      %dma_start3A_391 = arith.constant 2 : i32
      %dma_start3A_392 = arith.constant 0 : i32
      %dma_start3A_393 = tpu.memref_slice %arg17[%dma_start3A_390, %dma_start3A_392] : memref<1x128xi32, #tpu.memory_space<vmem>> -> memref<1x128xi32, #tpu.memory_space<vmem>>
      %dma_start3A_394 = tpu.memref_squeeze %dma_start3A_393 : memref<1x128xi32, #tpu.memory_space<vmem>> -> memref<128xi32, #tpu.memory_space<vmem>>
      %dma_start3A_395 = arith.constant 0 : i32
      %dma_start3A_396 = tpu.memref_slice %arg10[%dma_start3A_395] : memref<10000xf32, #tpu.memory_space<vmem_shared>> -> memref<10000xf32, #tpu.memory_space<vmem_shared>>
      %dma_start3A_397 = tpu.memref_slice %arg25[%dma_start3A_391] : memref<3x!tpu.dma_semaphore, #tpu.memory_space<semaphore_mem>> -> memref<1x!tpu.dma_semaphore, #tpu.memory_space<semaphore_mem>>
      %dma_start3A_398 = tpu.memref_squeeze %dma_start3A_397 : memref<1x!tpu.dma_semaphore, #tpu.memory_space<semaphore_mem>> -> memref<!tpu.dma_semaphore, #tpu.memory_space<semaphore_mem>>
      tpu.enqueue_indirect_dma source(%arg11 : memref<128xf32, #tpu.memory_space<vmem>>) target(%dma_start3A_396 : memref<10000xf32, #tpu.memory_space<vmem_shared>>) offsets(%dma_start3A_394 : memref<128xi32, #tpu.memory_space<vmem>>) semaphore(%dma_start3A_398 : memref<!tpu.dma_semaphore, #tpu.memory_space<semaphore_mem>>) {add = true}
      %add3A_399 = arith.constant 3 : i32
      %add3A_400 = arith.addi %add3A_363, %add3A_399 : i32
      %eq3A_401 = arith.constant 0 : i32
      %eq3A_402 = arith.cmpi eq, %add3A_4, %eq3A_401 : i32
      %jit3A_403 = arith.constant 1 : i32
      %select_n3A_404 = arith.select %eq3A_402, %jit3A_403, %add3A_4 : i32
      %rem3A_405 = arith.remsi %add3A_400, %select_n3A_404 : i32
      %ne3A_406 = arith.constant 0 : i32
      %ne3A_407 = arith.cmpi ne, %rem3A_405, %ne3A_406 : i32
      %lt3A_408 = arith.constant 0 : i32
      %lt3A_409 = arith.cmpi slt, %rem3A_405, %lt3A_408 : i32
      %lt3A_410 = arith.constant 0 : i32
      %lt3A_411 = arith.cmpi slt, %select_n3A_404, %lt3A_410 : i32
      %ne3A_412 = arith.xori %lt3A_409, %lt3A_411 : i1
      %and3A_413 = arith.andi %ne3A_412, %ne3A_407 : i1
      %add3A_414 = arith.addi %rem3A_405, %select_n3A_404 : i32
      %select_n3A_415 = arith.select %and3A_413, %add3A_414, %rem3A_405 : i32
      %mul3A_416 = arith.constant 128 : i32
      %mul3A_417 = arith.muli %select_n3A_415, %mul3A_416 : i32
      %add3A_418 = arith.addi %mul3A_10, %mul3A_417 : i32
      %dma_start3A_419 = arith.constant 0 : i32
      %dma_start3A_420 = arith.constant 2 : i32
      %dma_start3A_421 = tpu.memref_slice %arg3[%dma_start3A_419, %add3A_418] : memref<2x320000xi32, #tpu.memory_space<hbm>> -> memref<1x128xi32, #tpu.memory_space<hbm>>
      %dma_start3A_422 = tpu.memref_squeeze %dma_start3A_421 : memref<1x128xi32, #tpu.memory_space<hbm>> -> memref<128xi32, #tpu.memory_space<hbm>>
      %dma_start3A_423 = tpu.memref_slice %arg21[%dma_start3A_420] : memref<3x!tpu.dma_semaphore, #tpu.memory_space<semaphore_mem>> -> memref<1x!tpu.dma_semaphore, #tpu.memory_space<semaphore_mem>>
      %dma_start3A_424 = tpu.memref_squeeze %dma_start3A_423 : memref<1x!tpu.dma_semaphore, #tpu.memory_space<semaphore_mem>> -> memref<!tpu.dma_semaphore, #tpu.memory_space<semaphore_mem>>
      %dma_start3A_425 = tpu.memref_slice %arg3[%dma_start3A_419, %add3A_418] : memref<2x320000xi32, #tpu.memory_space<hbm>> -> memref<1x128xi32, #tpu.memory_space<hbm>>
      %dma_start3A_426 = tpu.memref_squeeze %dma_start3A_425 : memref<1x128xi32, #tpu.memory_space<hbm>> -> memref<128xi32, #tpu.memory_space<hbm>>
      tpu.enqueue_dma source(%dma_start3A_426 : memref<128xi32, #tpu.memory_space<hbm>>) target(%arg14 : memref<128xi32, #tpu.memory_space<vmem>>) target_semaphore(%dma_start3A_424 : memref<!tpu.dma_semaphore, #tpu.memory_space<semaphore_mem>>)
      %add3A_427 = arith.constant 0 : i32
      %add3A_428 = arith.addi %mul3A_231, %add3A_427 : i32
      %dma_wait3A_429 = arith.constant 0 : i32
      %dma_wait3A_430 = arith.constant 0 : i32
      %dma_wait3A_431 = arith.constant 0 : i32
      %dma_wait3A_432 = tpu.memref_slice %arg15[%dma_wait3A_429, %dma_wait3A_431] : memref<1x128xi32, #tpu.memory_space<vmem>> -> memref<1x128xi32, #tpu.memory_space<vmem>>
      %dma_wait3A_433 = tpu.memref_squeeze %dma_wait3A_432 : memref<1x128xi32, #tpu.memory_space<vmem>> -> memref<128xi32, #tpu.memory_space<vmem>>
      %dma_wait3A_434 = arith.constant 0 : i32
      %dma_wait3A_435 = arith.constant 0 : i32
      %dma_wait3A_436 = tpu.memref_slice %arg9[%dma_wait3A_434, %dma_wait3A_435] : memref<10000x128xf32, #tpu.memory_space<vmem_shared>> -> memref<10000x128xf32, #tpu.memory_space<vmem_shared>>
      %dma_wait3A_437 = tpu.memref_slice %arg24[%dma_wait3A_430] : memref<3x!tpu.dma_semaphore, #tpu.memory_space<semaphore_mem>> -> memref<1x!tpu.dma_semaphore, #tpu.memory_space<semaphore_mem>>
      %dma_wait3A_438 = tpu.memref_squeeze %dma_wait3A_437 : memref<1x!tpu.dma_semaphore, #tpu.memory_space<semaphore_mem>> -> memref<!tpu.dma_semaphore, #tpu.memory_space<semaphore_mem>>
      tpu.wait_indirect_dma semaphore(%dma_wait3A_438 : memref<!tpu.dma_semaphore, #tpu.memory_space<semaphore_mem>>) src(%arg18 : memref<128x128xf32, #tpu.memory_space<vmem>>) dst(%dma_wait3A_436 : memref<10000x128xf32, #tpu.memory_space<vmem_shared>>)
      %dma_wait3A_439 = arith.constant 0 : i32
      %dma_wait3A_440 = arith.constant 0 : i32
      %dma_wait3A_441 = arith.constant 0 : i32
      %dma_wait3A_442 = tpu.memref_slice %arg15[%dma_wait3A_439, %dma_wait3A_441] : memref<1x128xi32, #tpu.memory_space<vmem>> -> memref<1x128xi32, #tpu.memory_space<vmem>>
      %dma_wait3A_443 = tpu.memref_squeeze %dma_wait3A_442 : memref<1x128xi32, #tpu.memory_space<vmem>> -> memref<128xi32, #tpu.memory_space<vmem>>
      %dma_wait3A_444 = arith.constant 0 : i32
      %dma_wait3A_445 = tpu.memref_slice %arg10[%dma_wait3A_444] : memref<10000xf32, #tpu.memory_space<vmem_shared>> -> memref<10000xf32, #tpu.memory_space<vmem_shared>>
      %dma_wait3A_446 = tpu.memref_slice %arg25[%dma_wait3A_440] : memref<3x!tpu.dma_semaphore, #tpu.memory_space<semaphore_mem>> -> memref<1x!tpu.dma_semaphore, #tpu.memory_space<semaphore_mem>>
      %dma_wait3A_447 = tpu.memref_squeeze %dma_wait3A_446 : memref<1x!tpu.dma_semaphore, #tpu.memory_space<semaphore_mem>> -> memref<!tpu.dma_semaphore, #tpu.memory_space<semaphore_mem>>
      tpu.wait_indirect_dma semaphore(%dma_wait3A_447 : memref<!tpu.dma_semaphore, #tpu.memory_space<semaphore_mem>>) src(%arg11 : memref<128xf32, #tpu.memory_space<vmem>>) dst(%dma_wait3A_445 : memref<10000xf32, #tpu.memory_space<vmem_shared>>)
      %add3A_448 = arith.constant 3 : i32
      %add3A_449 = arith.addi %add3A_428, %add3A_448 : i32
      %eq3A_450 = arith.constant 0 : i32
      %eq3A_451 = arith.cmpi eq, %add3A_4, %eq3A_450 : i32
      %jit3A_452 = arith.constant 1 : i32
      %select_n3A_453 = arith.select %eq3A_451, %jit3A_452, %add3A_4 : i32
      %rem3A_454 = arith.remsi %add3A_449, %select_n3A_453 : i32
      %ne3A_455 = arith.constant 0 : i32
      %ne3A_456 = arith.cmpi ne, %rem3A_454, %ne3A_455 : i32
      %lt3A_457 = arith.constant 0 : i32
      %lt3A_458 = arith.cmpi slt, %rem3A_454, %lt3A_457 : i32
      %lt3A_459 = arith.constant 0 : i32
      %lt3A_460 = arith.cmpi slt, %select_n3A_453, %lt3A_459 : i32
      %ne3A_461 = arith.xori %lt3A_458, %lt3A_460 : i1
      %and3A_462 = arith.andi %ne3A_461, %ne3A_456 : i1
      %add3A_463 = arith.addi %rem3A_454, %select_n3A_453 : i32
      %select_n3A_464 = arith.select %and3A_462, %add3A_463, %rem3A_454 : i32
      %mul3A_465 = arith.constant 128 : i32
      %mul3A_466 = arith.muli %select_n3A_464, %mul3A_465 : i32
      %add3A_467 = arith.addi %mul3A_10, %mul3A_466 : i32
      %dma_start3A_468 = arith.constant 0 : i32
      %dma_start3A_469 = arith.constant 1 : i32
      %dma_start3A_470 = tpu.memref_slice %arg3[%dma_start3A_469, %add3A_467] : memref<2x320000xi32, #tpu.memory_space<hbm>> -> memref<1x128xi32, #tpu.memory_space<hbm>>
      %dma_start3A_471 = tpu.memref_slice %arg22[%dma_start3A_468] : memref<3x!tpu.dma_semaphore, #tpu.memory_space<semaphore_mem>> -> memref<1x!tpu.dma_semaphore, #tpu.memory_space<semaphore_mem>>
      %dma_start3A_472 = tpu.memref_squeeze %dma_start3A_471 : memref<1x!tpu.dma_semaphore, #tpu.memory_space<semaphore_mem>> -> memref<!tpu.dma_semaphore, #tpu.memory_space<semaphore_mem>>
      %dma_start3A_473 = arith.constant 1 : i32
      %dma_start3A_474 = tpu.memref_slice %arg3[%dma_start3A_473, %add3A_467] : memref<2x320000xi32, #tpu.memory_space<hbm>> -> memref<1x128xi32, #tpu.memory_space<hbm>>
      tpu.enqueue_dma source(%dma_start3A_474 : memref<1x128xi32, #tpu.memory_space<hbm>>) target(%arg15 : memref<1x128xi32, #tpu.memory_space<vmem>>) target_semaphore(%dma_start3A_472 : memref<!tpu.dma_semaphore, #tpu.memory_space<semaphore_mem>>)
      %mul3A_475 = arith.constant 128 : i32
      %mul3A_476 = arith.muli %add3A_428, %mul3A_475 : i32
      %add3A_477 = arith.addi %mul3A_10, %mul3A_476 : i32
      %dma_wait3A_478 = arith.constant 0 : i32
      %dma_wait3A_479 = arith.constant 0 : i32
      %dma_wait3A_480 = tpu.memref_slice %arg3[%dma_wait3A_478, %add3A_477] : memref<2x320000xi32, #tpu.memory_space<hbm>> -> memref<1x128xi32, #tpu.memory_space<hbm>>
      %dma_wait3A_481 = tpu.memref_squeeze %dma_wait3A_480 : memref<1x128xi32, #tpu.memory_space<hbm>> -> memref<128xi32, #tpu.memory_space<hbm>>
      %dma_wait3A_482 = tpu.memref_slice %arg21[%dma_wait3A_479] : memref<3x!tpu.dma_semaphore, #tpu.memory_space<semaphore_mem>> -> memref<1x!tpu.dma_semaphore, #tpu.memory_space<semaphore_mem>>
      %dma_wait3A_483 = tpu.memref_squeeze %dma_wait3A_482 : memref<1x!tpu.dma_semaphore, #tpu.memory_space<semaphore_mem>> -> memref<!tpu.dma_semaphore, #tpu.memory_space<semaphore_mem>>
      %dma_wait3A_484 = tpu.memref_slice %arg3[%dma_wait3A_478, %add3A_477] : memref<2x320000xi32, #tpu.memory_space<hbm>> -> memref<1x128xi32, #tpu.memory_space<hbm>>
      %dma_wait3A_485 = tpu.memref_squeeze %dma_wait3A_484 : memref<1x128xi32, #tpu.memory_space<hbm>> -> memref<128xi32, #tpu.memory_space<hbm>>
      tpu.wait_dma2 semaphore(%dma_wait3A_483 : memref<!tpu.dma_semaphore, #tpu.memory_space<semaphore_mem>>) src(%dma_wait3A_485 : memref<128xi32, #tpu.memory_space<hbm>>) dst(%arg12 : memref<128xi32, #tpu.memory_space<vmem>>)
      %dma_start3A_486 = arith.constant 0 : i32
      %dma_start3A_487 = arith.constant 0 : i32
      %dma_start3A_488 = arith.constant 0 : i32
      %dma_start3A_489 = tpu.memref_slice %arg2[%dma_start3A_487, %dma_start3A_488] : memref<10000x128xf32, #tpu.memory_space<hbm>> -> memref<10000x128xf32, #tpu.memory_space<hbm>>
      %dma_start3A_490 = tpu.memref_slice %arg23[%dma_start3A_486] : memref<3x!tpu.dma_semaphore, #tpu.memory_space<semaphore_mem>> -> memref<1x!tpu.dma_semaphore, #tpu.memory_space<semaphore_mem>>
      %dma_start3A_491 = tpu.memref_squeeze %dma_start3A_490 : memref<1x!tpu.dma_semaphore, #tpu.memory_space<semaphore_mem>> -> memref<!tpu.dma_semaphore, #tpu.memory_space<semaphore_mem>>
      tpu.enqueue_indirect_dma source(%dma_start3A_489 : memref<10000x128xf32, #tpu.memory_space<hbm>>) target(%arg18 : memref<128x128xf32, #tpu.memory_space<vmem>>) offsets(%arg12 : memref<128xi32, #tpu.memory_space<vmem>>) semaphore(%dma_start3A_491 : memref<!tpu.dma_semaphore, #tpu.memory_space<semaphore_mem>>)
      %add3A_492 = arith.constant 1 : i32
      %add3A_493 = arith.addi %mul3A_231, %add3A_492 : i32
      %dma_wait3A_494 = arith.constant 0 : i32
      %dma_wait3A_495 = arith.constant 1 : i32
      %dma_wait3A_496 = arith.constant 0 : i32
      %dma_wait3A_497 = tpu.memref_slice %arg16[%dma_wait3A_494, %dma_wait3A_496] : memref<1x128xi32, #tpu.memory_space<vmem>> -> memref<1x128xi32, #tpu.memory_space<vmem>>
      %dma_wait3A_498 = tpu.memref_squeeze %dma_wait3A_497 : memref<1x128xi32, #tpu.memory_space<vmem>> -> memref<128xi32, #tpu.memory_space<vmem>>
      %dma_wait3A_499 = arith.constant 0 : i32
      %dma_wait3A_500 = arith.constant 0 : i32
      %dma_wait3A_501 = tpu.memref_slice %arg9[%dma_wait3A_499, %dma_wait3A_500] : memref<10000x128xf32, #tpu.memory_space<vmem_shared>> -> memref<10000x128xf32, #tpu.memory_space<vmem_shared>>
      %dma_wait3A_502 = tpu.memref_slice %arg24[%dma_wait3A_495] : memref<3x!tpu.dma_semaphore, #tpu.memory_space<semaphore_mem>> -> memref<1x!tpu.dma_semaphore, #tpu.memory_space<semaphore_mem>>
      %dma_wait3A_503 = tpu.memref_squeeze %dma_wait3A_502 : memref<1x!tpu.dma_semaphore, #tpu.memory_space<semaphore_mem>> -> memref<!tpu.dma_semaphore, #tpu.memory_space<semaphore_mem>>
      tpu.wait_indirect_dma semaphore(%dma_wait3A_503 : memref<!tpu.dma_semaphore, #tpu.memory_space<semaphore_mem>>) src(%arg19 : memref<128x128xf32, #tpu.memory_space<vmem>>) dst(%dma_wait3A_501 : memref<10000x128xf32, #tpu.memory_space<vmem_shared>>)
      %dma_wait3A_504 = arith.constant 0 : i32
      %dma_wait3A_505 = arith.constant 1 : i32
      %dma_wait3A_506 = arith.constant 0 : i32
      %dma_wait3A_507 = tpu.memref_slice %arg16[%dma_wait3A_504, %dma_wait3A_506] : memref<1x128xi32, #tpu.memory_space<vmem>> -> memref<1x128xi32, #tpu.memory_space<vmem>>
      %dma_wait3A_508 = tpu.memref_squeeze %dma_wait3A_507 : memref<1x128xi32, #tpu.memory_space<vmem>> -> memref<128xi32, #tpu.memory_space<vmem>>
      %dma_wait3A_509 = arith.constant 0 : i32
      %dma_wait3A_510 = tpu.memref_slice %arg10[%dma_wait3A_509] : memref<10000xf32, #tpu.memory_space<vmem_shared>> -> memref<10000xf32, #tpu.memory_space<vmem_shared>>
      %dma_wait3A_511 = tpu.memref_slice %arg25[%dma_wait3A_505] : memref<3x!tpu.dma_semaphore, #tpu.memory_space<semaphore_mem>> -> memref<1x!tpu.dma_semaphore, #tpu.memory_space<semaphore_mem>>
      %dma_wait3A_512 = tpu.memref_squeeze %dma_wait3A_511 : memref<1x!tpu.dma_semaphore, #tpu.memory_space<semaphore_mem>> -> memref<!tpu.dma_semaphore, #tpu.memory_space<semaphore_mem>>
      tpu.wait_indirect_dma semaphore(%dma_wait3A_512 : memref<!tpu.dma_semaphore, #tpu.memory_space<semaphore_mem>>) src(%arg11 : memref<128xf32, #tpu.memory_space<vmem>>) dst(%dma_wait3A_510 : memref<10000xf32, #tpu.memory_space<vmem_shared>>)
      %add3A_513 = arith.constant 3 : i32
      %add3A_514 = arith.addi %add3A_493, %add3A_513 : i32
      %eq3A_515 = arith.constant 0 : i32
      %eq3A_516 = arith.cmpi eq, %add3A_4, %eq3A_515 : i32
      %jit3A_517 = arith.constant 1 : i32
      %select_n3A_518 = arith.select %eq3A_516, %jit3A_517, %add3A_4 : i32
      %rem3A_519 = arith.remsi %add3A_514, %select_n3A_518 : i32
      %ne3A_520 = arith.constant 0 : i32
      %ne3A_521 = arith.cmpi ne, %rem3A_519, %ne3A_520 : i32
      %lt3A_522 = arith.constant 0 : i32
      %lt3A_523 = arith.cmpi slt, %rem3A_519, %lt3A_522 : i32
      %lt3A_524 = arith.constant 0 : i32
      %lt3A_525 = arith.cmpi slt, %select_n3A_518, %lt3A_524 : i32
      %ne3A_526 = arith.xori %lt3A_523, %lt3A_525 : i1
      %and3A_527 = arith.andi %ne3A_526, %ne3A_521 : i1
      %add3A_528 = arith.addi %rem3A_519, %select_n3A_518 : i32
      %select_n3A_529 = arith.select %and3A_527, %add3A_528, %rem3A_519 : i32
      %mul3A_530 = arith.constant 128 : i32
      %mul3A_531 = arith.muli %select_n3A_529, %mul3A_530 : i32
      %add3A_532 = arith.addi %mul3A_10, %mul3A_531 : i32
      %dma_start3A_533 = arith.constant 1 : i32
      %dma_start3A_534 = arith.constant 1 : i32
      %dma_start3A_535 = tpu.memref_slice %arg3[%dma_start3A_534, %add3A_532] : memref<2x320000xi32, #tpu.memory_space<hbm>> -> memref<1x128xi32, #tpu.memory_space<hbm>>
      %dma_start3A_536 = tpu.memref_slice %arg22[%dma_start3A_533] : memref<3x!tpu.dma_semaphore, #tpu.memory_space<semaphore_mem>> -> memref<1x!tpu.dma_semaphore, #tpu.memory_space<semaphore_mem>>
      %dma_start3A_537 = tpu.memref_squeeze %dma_start3A_536 : memref<1x!tpu.dma_semaphore, #tpu.memory_space<semaphore_mem>> -> memref<!tpu.dma_semaphore, #tpu.memory_space<semaphore_mem>>
      %dma_start3A_538 = arith.constant 1 : i32
      %dma_start3A_539 = tpu.memref_slice %arg3[%dma_start3A_538, %add3A_532] : memref<2x320000xi32, #tpu.memory_space<hbm>> -> memref<1x128xi32, #tpu.memory_space<hbm>>
      tpu.enqueue_dma source(%dma_start3A_539 : memref<1x128xi32, #tpu.memory_space<hbm>>) target(%arg16 : memref<1x128xi32, #tpu.memory_space<vmem>>) target_semaphore(%dma_start3A_537 : memref<!tpu.dma_semaphore, #tpu.memory_space<semaphore_mem>>)
      %mul3A_540 = arith.constant 128 : i32
      %mul3A_541 = arith.muli %add3A_493, %mul3A_540 : i32
      %add3A_542 = arith.addi %mul3A_10, %mul3A_541 : i32
      %dma_wait3A_543 = arith.constant 0 : i32
      %dma_wait3A_544 = arith.constant 1 : i32
      %dma_wait3A_545 = tpu.memref_slice %arg3[%dma_wait3A_543, %add3A_542] : memref<2x320000xi32, #tpu.memory_space<hbm>> -> memref<1x128xi32, #tpu.memory_space<hbm>>
      %dma_wait3A_546 = tpu.memref_squeeze %dma_wait3A_545 : memref<1x128xi32, #tpu.memory_space<hbm>> -> memref<128xi32, #tpu.memory_space<hbm>>
      %dma_wait3A_547 = tpu.memref_slice %arg21[%dma_wait3A_544] : memref<3x!tpu.dma_semaphore, #tpu.memory_space<semaphore_mem>> -> memref<1x!tpu.dma_semaphore, #tpu.memory_space<semaphore_mem>>
      %dma_wait3A_548 = tpu.memref_squeeze %dma_wait3A_547 : memref<1x!tpu.dma_semaphore, #tpu.memory_space<semaphore_mem>> -> memref<!tpu.dma_semaphore, #tpu.memory_space<semaphore_mem>>
      %dma_wait3A_549 = tpu.memref_slice %arg3[%dma_wait3A_543, %add3A_542] : memref<2x320000xi32, #tpu.memory_space<hbm>> -> memref<1x128xi32, #tpu.memory_space<hbm>>
      %dma_wait3A_550 = tpu.memref_squeeze %dma_wait3A_549 : memref<1x128xi32, #tpu.memory_space<hbm>> -> memref<128xi32, #tpu.memory_space<hbm>>
      tpu.wait_dma2 semaphore(%dma_wait3A_548 : memref<!tpu.dma_semaphore, #tpu.memory_space<semaphore_mem>>) src(%dma_wait3A_550 : memref<128xi32, #tpu.memory_space<hbm>>) dst(%arg13 : memref<128xi32, #tpu.memory_space<vmem>>)
      %dma_start3A_551 = arith.constant 1 : i32
      %dma_start3A_552 = arith.constant 0 : i32
      %dma_start3A_553 = arith.constant 0 : i32
      %dma_start3A_554 = tpu.memref_slice %arg2[%dma_start3A_552, %dma_start3A_553] : memref<10000x128xf32, #tpu.memory_space<hbm>> -> memref<10000x128xf32, #tpu.memory_space<hbm>>
      %dma_start3A_555 = tpu.memref_slice %arg23[%dma_start3A_551] : memref<3x!tpu.dma_semaphore, #tpu.memory_space<semaphore_mem>> -> memref<1x!tpu.dma_semaphore, #tpu.memory_space<semaphore_mem>>
      %dma_start3A_556 = tpu.memref_squeeze %dma_start3A_555 : memref<1x!tpu.dma_semaphore, #tpu.memory_space<semaphore_mem>> -> memref<!tpu.dma_semaphore, #tpu.memory_space<semaphore_mem>>
      tpu.enqueue_indirect_dma source(%dma_start3A_554 : memref<10000x128xf32, #tpu.memory_space<hbm>>) target(%arg19 : memref<128x128xf32, #tpu.memory_space<vmem>>) offsets(%arg13 : memref<128xi32, #tpu.memory_space<vmem>>) semaphore(%dma_start3A_556 : memref<!tpu.dma_semaphore, #tpu.memory_space<semaphore_mem>>)
      %add3A_557 = arith.constant 2 : i32
      %add3A_558 = arith.addi %mul3A_231, %add3A_557 : i32
      %dma_wait3A_559 = arith.constant 0 : i32
      %dma_wait3A_560 = arith.constant 2 : i32
      %dma_wait3A_561 = arith.constant 0 : i32
      %dma_wait3A_562 = tpu.memref_slice %arg17[%dma_wait3A_559, %dma_wait3A_561] : memref<1x128xi32, #tpu.memory_space<vmem>> -> memref<1x128xi32, #tpu.memory_space<vmem>>
      %dma_wait3A_563 = tpu.memref_squeeze %dma_wait3A_562 : memref<1x128xi32, #tpu.memory_space<vmem>> -> memref<128xi32, #tpu.memory_space<vmem>>
      %dma_wait3A_564 = arith.constant 0 : i32
      %dma_wait3A_565 = arith.constant 0 : i32
      %dma_wait3A_566 = tpu.memref_slice %arg9[%dma_wait3A_564, %dma_wait3A_565] : memref<10000x128xf32, #tpu.memory_space<vmem_shared>> -> memref<10000x128xf32, #tpu.memory_space<vmem_shared>>
      %dma_wait3A_567 = tpu.memref_slice %arg24[%dma_wait3A_560] : memref<3x!tpu.dma_semaphore, #tpu.memory_space<semaphore_mem>> -> memref<1x!tpu.dma_semaphore, #tpu.memory_space<semaphore_mem>>
      %dma_wait3A_568 = tpu.memref_squeeze %dma_wait3A_567 : memref<1x!tpu.dma_semaphore, #tpu.memory_space<semaphore_mem>> -> memref<!tpu.dma_semaphore, #tpu.memory_space<semaphore_mem>>
      tpu.wait_indirect_dma semaphore(%dma_wait3A_568 : memref<!tpu.dma_semaphore, #tpu.memory_space<semaphore_mem>>) src(%arg20 : memref<128x128xf32, #tpu.memory_space<vmem>>) dst(%dma_wait3A_566 : memref<10000x128xf32, #tpu.memory_space<vmem_shared>>)
      %dma_wait3A_569 = arith.constant 0 : i32
      %dma_wait3A_570 = arith.constant 2 : i32
      %dma_wait3A_571 = arith.constant 0 : i32
      %dma_wait3A_572 = tpu.memref_slice %arg17[%dma_wait3A_569, %dma_wait3A_571] : memref<1x128xi32, #tpu.memory_space<vmem>> -> memref<1x128xi32, #tpu.memory_space<vmem>>
      %dma_wait3A_573 = tpu.memref_squeeze %dma_wait3A_572 : memref<1x128xi32, #tpu.memory_space<vmem>> -> memref<128xi32, #tpu.memory_space<vmem>>
      %dma_wait3A_574 = arith.constant 0 : i32
      %dma_wait3A_575 = tpu.memref_slice %arg10[%dma_wait3A_574] : memref<10000xf32, #tpu.memory_space<vmem_shared>> -> memref<10000xf32, #tpu.memory_space<vmem_shared>>
      %dma_wait3A_576 = tpu.memref_slice %arg25[%dma_wait3A_570] : memref<3x!tpu.dma_semaphore, #tpu.memory_space<semaphore_mem>> -> memref<1x!tpu.dma_semaphore, #tpu.memory_space<semaphore_mem>>
      %dma_wait3A_577 = tpu.memref_squeeze %dma_wait3A_576 : memref<1x!tpu.dma_semaphore, #tpu.memory_space<semaphore_mem>> -> memref<!tpu.dma_semaphore, #tpu.memory_space<semaphore_mem>>
      tpu.wait_indirect_dma semaphore(%dma_wait3A_577 : memref<!tpu.dma_semaphore, #tpu.memory_space<semaphore_mem>>) src(%arg11 : memref<128xf32, #tpu.memory_space<vmem>>) dst(%dma_wait3A_575 : memref<10000xf32, #tpu.memory_space<vmem_shared>>)
      %add3A_578 = arith.constant 3 : i32
      %add3A_579 = arith.addi %add3A_558, %add3A_578 : i32
      %eq3A_580 = arith.constant 0 : i32
      %eq3A_581 = arith.cmpi eq, %add3A_4, %eq3A_580 : i32
      %jit3A_582 = arith.constant 1 : i32
      %select_n3A_583 = arith.select %eq3A_581, %jit3A_582, %add3A_4 : i32
      %rem3A_584 = arith.remsi %add3A_579, %select_n3A_583 : i32
      %ne3A_585 = arith.constant 0 : i32
      %ne3A_586 = arith.cmpi ne, %rem3A_584, %ne3A_585 : i32
      %lt3A_587 = arith.constant 0 : i32
      %lt3A_588 = arith.cmpi slt, %rem3A_584, %lt3A_587 : i32
      %lt3A_589 = arith.constant 0 : i32
      %lt3A_590 = arith.cmpi slt, %select_n3A_583, %lt3A_589 : i32
      %ne3A_591 = arith.xori %lt3A_588, %lt3A_590 : i1
      %and3A_592 = arith.andi %ne3A_591, %ne3A_586 : i1
      %add3A_593 = arith.addi %rem3A_584, %select_n3A_583 : i32
      %select_n3A_594 = arith.select %and3A_592, %add3A_593, %rem3A_584 : i32
      %mul3A_595 = arith.constant 128 : i32
      %mul3A_596 = arith.muli %select_n3A_594, %mul3A_595 : i32
      %add3A_597 = arith.addi %mul3A_10, %mul3A_596 : i32
      %dma_start3A_598 = arith.constant 2 : i32
      %dma_start3A_599 = arith.constant 1 : i32
      %dma_start3A_600 = tpu.memref_slice %arg3[%dma_start3A_599, %add3A_597] : memref<2x320000xi32, #tpu.memory_space<hbm>> -> memref<1x128xi32, #tpu.memory_space<hbm>>
      %dma_start3A_601 = tpu.memref_slice %arg22[%dma_start3A_598] : memref<3x!tpu.dma_semaphore, #tpu.memory_space<semaphore_mem>> -> memref<1x!tpu.dma_semaphore, #tpu.memory_space<semaphore_mem>>
      %dma_start3A_602 = tpu.memref_squeeze %dma_start3A_601 : memref<1x!tpu.dma_semaphore, #tpu.memory_space<semaphore_mem>> -> memref<!tpu.dma_semaphore, #tpu.memory_space<semaphore_mem>>
      %dma_start3A_603 = arith.constant 1 : i32
      %dma_start3A_604 = tpu.memref_slice %arg3[%dma_start3A_603, %add3A_597] : memref<2x320000xi32, #tpu.memory_space<hbm>> -> memref<1x128xi32, #tpu.memory_space<hbm>>
      tpu.enqueue_dma source(%dma_start3A_604 : memref<1x128xi32, #tpu.memory_space<hbm>>) target(%arg17 : memref<1x128xi32, #tpu.memory_space<vmem>>) target_semaphore(%dma_start3A_602 : memref<!tpu.dma_semaphore, #tpu.memory_space<semaphore_mem>>)
      %mul3A_605 = arith.constant 128 : i32
      %mul3A_606 = arith.muli %add3A_558, %mul3A_605 : i32
      %add3A_607 = arith.addi %mul3A_10, %mul3A_606 : i32
      %dma_wait3A_608 = arith.constant 0 : i32
      %dma_wait3A_609 = arith.constant 2 : i32
      %dma_wait3A_610 = tpu.memref_slice %arg3[%dma_wait3A_608, %add3A_607] : memref<2x320000xi32, #tpu.memory_space<hbm>> -> memref<1x128xi32, #tpu.memory_space<hbm>>
      %dma_wait3A_611 = tpu.memref_squeeze %dma_wait3A_610 : memref<1x128xi32, #tpu.memory_space<hbm>> -> memref<128xi32, #tpu.memory_space<hbm>>
      %dma_wait3A_612 = tpu.memref_slice %arg21[%dma_wait3A_609] : memref<3x!tpu.dma_semaphore, #tpu.memory_space<semaphore_mem>> -> memref<1x!tpu.dma_semaphore, #tpu.memory_space<semaphore_mem>>
      %dma_wait3A_613 = tpu.memref_squeeze %dma_wait3A_612 : memref<1x!tpu.dma_semaphore, #tpu.memory_space<semaphore_mem>> -> memref<!tpu.dma_semaphore, #tpu.memory_space<semaphore_mem>>
      %dma_wait3A_614 = tpu.memref_slice %arg3[%dma_wait3A_608, %add3A_607] : memref<2x320000xi32, #tpu.memory_space<hbm>> -> memref<1x128xi32, #tpu.memory_space<hbm>>
      %dma_wait3A_615 = tpu.memref_squeeze %dma_wait3A_614 : memref<1x128xi32, #tpu.memory_space<hbm>> -> memref<128xi32, #tpu.memory_space<hbm>>
      tpu.wait_dma2 semaphore(%dma_wait3A_613 : memref<!tpu.dma_semaphore, #tpu.memory_space<semaphore_mem>>) src(%dma_wait3A_615 : memref<128xi32, #tpu.memory_space<hbm>>) dst(%arg14 : memref<128xi32, #tpu.memory_space<vmem>>)
      %dma_start3A_616 = arith.constant 2 : i32
      %dma_start3A_617 = arith.constant 0 : i32
      %dma_start3A_618 = arith.constant 0 : i32
      %dma_start3A_619 = tpu.memref_slice %arg2[%dma_start3A_617, %dma_start3A_618] : memref<10000x128xf32, #tpu.memory_space<hbm>> -> memref<10000x128xf32, #tpu.memory_space<hbm>>
      %dma_start3A_620 = tpu.memref_slice %arg23[%dma_start3A_616] : memref<3x!tpu.dma_semaphore, #tpu.memory_space<semaphore_mem>> -> memref<1x!tpu.dma_semaphore, #tpu.memory_space<semaphore_mem>>
      %dma_start3A_621 = tpu.memref_squeeze %dma_start3A_620 : memref<1x!tpu.dma_semaphore, #tpu.memory_space<semaphore_mem>> -> memref<!tpu.dma_semaphore, #tpu.memory_space<semaphore_mem>>
      tpu.enqueue_indirect_dma source(%dma_start3A_619 : memref<10000x128xf32, #tpu.memory_space<hbm>>) target(%arg20 : memref<128x128xf32, #tpu.memory_space<vmem>>) offsets(%arg14 : memref<128xi32, #tpu.memory_space<vmem>>) semaphore(%dma_start3A_621 : memref<!tpu.dma_semaphore, #tpu.memory_space<semaphore_mem>>)
    }
    %dma_wait3A_155 = arith.constant 0 : i32
    %dma_wait3A_156 = arith.constant 0 : i32
    %dma_wait3A_157 = arith.constant 0 : i32
    %dma_wait3A_158 = tpu.memref_slice %arg2[%dma_wait3A_156, %dma_wait3A_157] : memref<10000x128xf32, #tpu.memory_space<hbm>> -> memref<10000x128xf32, #tpu.memory_space<hbm>>
    %dma_wait3A_159 = tpu.memref_slice %arg23[%dma_wait3A_155] : memref<3x!tpu.dma_semaphore, #tpu.memory_space<semaphore_mem>> -> memref<1x!tpu.dma_semaphore, #tpu.memory_space<semaphore_mem>>
    %dma_wait3A_160 = tpu.memref_squeeze %dma_wait3A_159 : memref<1x!tpu.dma_semaphore, #tpu.memory_space<semaphore_mem>> -> memref<!tpu.dma_semaphore, #tpu.memory_space<semaphore_mem>>
    tpu.wait_indirect_dma semaphore(%dma_wait3A_160 : memref<!tpu.dma_semaphore, #tpu.memory_space<semaphore_mem>>) src(%dma_wait3A_158 : memref<10000x128xf32, #tpu.memory_space<hbm>>) dst(%arg18 : memref<128x128xf32, #tpu.memory_space<vmem>>)
    %add3A_161 = arith.constant 0 : i32
    %add3A_162 = arith.addi %mul3A_10, %add3A_161 : i32
    %dma_wait3A_163 = arith.constant 0 : i32
    %dma_wait3A_164 = arith.constant 1 : i32
    %dma_wait3A_165 = tpu.memref_slice %arg3[%dma_wait3A_164, %add3A_162] : memref<2x320000xi32, #tpu.memory_space<hbm>> -> memref<1x128xi32, #tpu.memory_space<hbm>>
    %dma_wait3A_166 = tpu.memref_slice %arg22[%dma_wait3A_163] : memref<3x!tpu.dma_semaphore, #tpu.memory_space<semaphore_mem>> -> memref<1x!tpu.dma_semaphore, #tpu.memory_space<semaphore_mem>>
    %dma_wait3A_167 = tpu.memref_squeeze %dma_wait3A_166 : memref<1x!tpu.dma_semaphore, #tpu.memory_space<semaphore_mem>> -> memref<!tpu.dma_semaphore, #tpu.memory_space<semaphore_mem>>
    %dma_wait3A_168 = arith.constant 1 : i32
    %dma_wait3A_169 = tpu.memref_slice %arg3[%dma_wait3A_168, %add3A_162] : memref<2x320000xi32, #tpu.memory_space<hbm>> -> memref<1x128xi32, #tpu.memory_space<hbm>>
    tpu.wait_dma2 semaphore(%dma_wait3A_167 : memref<!tpu.dma_semaphore, #tpu.memory_space<semaphore_mem>>) src(%dma_wait3A_169 : memref<1x128xi32, #tpu.memory_space<hbm>>) dst(%arg15 : memref<1x128xi32, #tpu.memory_space<vmem>>)
    %dma_wait3A_170 = arith.constant 1 : i32
    %dma_wait3A_171 = arith.constant 0 : i32
    %dma_wait3A_172 = arith.constant 0 : i32
    %dma_wait3A_173 = tpu.memref_slice %arg2[%dma_wait3A_171, %dma_wait3A_172] : memref<10000x128xf32, #tpu.memory_space<hbm>> -> memref<10000x128xf32, #tpu.memory_space<hbm>>
    %dma_wait3A_174 = tpu.memref_slice %arg23[%dma_wait3A_170] : memref<3x!tpu.dma_semaphore, #tpu.memory_space<semaphore_mem>> -> memref<1x!tpu.dma_semaphore, #tpu.memory_space<semaphore_mem>>
    %dma_wait3A_175 = tpu.memref_squeeze %dma_wait3A_174 : memref<1x!tpu.dma_semaphore, #tpu.memory_space<semaphore_mem>> -> memref<!tpu.dma_semaphore, #tpu.memory_space<semaphore_mem>>
    tpu.wait_indirect_dma semaphore(%dma_wait3A_175 : memref<!tpu.dma_semaphore, #tpu.memory_space<semaphore_mem>>) src(%dma_wait3A_173 : memref<10000x128xf32, #tpu.memory_space<hbm>>) dst(%arg19 : memref<128x128xf32, #tpu.memory_space<vmem>>)
    %add3A_176 = arith.constant 128 : i32
    %add3A_177 = arith.addi %mul3A_10, %add3A_176 : i32
    %dma_wait3A_178 = arith.constant 1 : i32
    %dma_wait3A_179 = arith.constant 1 : i32
    %dma_wait3A_180 = tpu.memref_slice %arg3[%dma_wait3A_179, %add3A_177] : memref<2x320000xi32, #tpu.memory_space<hbm>> -> memref<1x128xi32, #tpu.memory_space<hbm>>
    %dma_wait3A_181 = tpu.memref_slice %arg22[%dma_wait3A_178] : memref<3x!tpu.dma_semaphore, #tpu.memory_space<semaphore_mem>> -> memref<1x!tpu.dma_semaphore, #tpu.memory_space<semaphore_mem>>
    %dma_wait3A_182 = tpu.memref_squeeze %dma_wait3A_181 : memref<1x!tpu.dma_semaphore, #tpu.memory_space<semaphore_mem>> -> memref<!tpu.dma_semaphore, #tpu.memory_space<semaphore_mem>>
    %dma_wait3A_183 = arith.constant 1 : i32
    %dma_wait3A_184 = tpu.memref_slice %arg3[%dma_wait3A_183, %add3A_177] : memref<2x320000xi32, #tpu.memory_space<hbm>> -> memref<1x128xi32, #tpu.memory_space<hbm>>
    tpu.wait_dma2 semaphore(%dma_wait3A_182 : memref<!tpu.dma_semaphore, #tpu.memory_space<semaphore_mem>>) src(%dma_wait3A_184 : memref<1x128xi32, #tpu.memory_space<hbm>>) dst(%arg16 : memref<1x128xi32, #tpu.memory_space<vmem>>)
    %dma_wait3A_185 = arith.constant 2 : i32
    %dma_wait3A_186 = arith.constant 0 : i32
    %dma_wait3A_187 = arith.constant 0 : i32
    %dma_wait3A_188 = tpu.memref_slice %arg2[%dma_wait3A_186, %dma_wait3A_187] : memref<10000x128xf32, #tpu.memory_space<hbm>> -> memref<10000x128xf32, #tpu.memory_space<hbm>>
    %dma_wait3A_189 = tpu.memref_slice %arg23[%dma_wait3A_185] : memref<3x!tpu.dma_semaphore, #tpu.memory_space<semaphore_mem>> -> memref<1x!tpu.dma_semaphore, #tpu.memory_space<semaphore_mem>>
    %dma_wait3A_190 = tpu.memref_squeeze %dma_wait3A_189 : memref<1x!tpu.dma_semaphore, #tpu.memory_space<semaphore_mem>> -> memref<!tpu.dma_semaphore, #tpu.memory_space<semaphore_mem>>
    tpu.wait_indirect_dma semaphore(%dma_wait3A_190 : memref<!tpu.dma_semaphore, #tpu.memory_space<semaphore_mem>>) src(%dma_wait3A_188 : memref<10000x128xf32, #tpu.memory_space<hbm>>) dst(%arg20 : memref<128x128xf32, #tpu.memory_space<vmem>>)
    %add3A_191 = arith.constant 256 : i32
    %add3A_192 = arith.addi %mul3A_10, %add3A_191 : i32
    %dma_wait3A_193 = arith.constant 2 : i32
    %dma_wait3A_194 = arith.constant 1 : i32
    %dma_wait3A_195 = tpu.memref_slice %arg3[%dma_wait3A_194, %add3A_192] : memref<2x320000xi32, #tpu.memory_space<hbm>> -> memref<1x128xi32, #tpu.memory_space<hbm>>
    %dma_wait3A_196 = tpu.memref_slice %arg22[%dma_wait3A_193] : memref<3x!tpu.dma_semaphore, #tpu.memory_space<semaphore_mem>> -> memref<1x!tpu.dma_semaphore, #tpu.memory_space<semaphore_mem>>
    %dma_wait3A_197 = tpu.memref_squeeze %dma_wait3A_196 : memref<1x!tpu.dma_semaphore, #tpu.memory_space<semaphore_mem>> -> memref<!tpu.dma_semaphore, #tpu.memory_space<semaphore_mem>>
    %dma_wait3A_198 = arith.constant 1 : i32
    %dma_wait3A_199 = tpu.memref_slice %arg3[%dma_wait3A_198, %add3A_192] : memref<2x320000xi32, #tpu.memory_space<hbm>> -> memref<1x128xi32, #tpu.memory_space<hbm>>
    tpu.wait_dma2 semaphore(%dma_wait3A_197 : memref<!tpu.dma_semaphore, #tpu.memory_space<semaphore_mem>>) src(%dma_wait3A_199 : memref<1x128xi32, #tpu.memory_space<hbm>>) dst(%arg17 : memref<1x128xi32, #tpu.memory_space<vmem>>)
    %mul3A_200 = arith.constant 3 : i32
    %mul3A_201 = arith.muli %select_n3A_42, %mul3A_200 : i32
    %while3A_202 = arith.constant 0 : i32
    %while3A_203 = arith.subi %add3A_4, %mul3A_201 : i32
    %while3A_204 = arith.addi %mul3A_201, %while3A_203 : i32
    %while3A_205 = arith.constant 1 : i32
    %while3A_206 = arith.divsi %while3A_203, %while3A_205 : i32
    %while3A_207 = arith.muli %while3A_206, %while3A_205 : i32
    %while3A_208 = arith.addi %mul3A_201, %while3A_207 : i32
    %while3A_209 = arith.constant 1 : i32
    scf.for %while3A_229 = %mul3A_201 to %while3A_208 step %while3A_209  : i32 {
      %mul3A_230 = arith.constant 128 : i32
      %mul3A_231 = arith.muli %while3A_229, %mul3A_230 : i32
      %add3A_232 = arith.addi %mul3A_10, %mul3A_231 : i32
      %dma_start3A_233 = arith.constant 0 : i32
      %dma_start3A_234 = arith.constant 0 : i32
      %dma_start3A_235 = tpu.memref_slice %arg3[%dma_start3A_233, %add3A_232] : memref<2x320000xi32, #tpu.memory_space<hbm>> -> memref<1x128xi32, #tpu.memory_space<hbm>>
      %dma_start3A_236 = tpu.memref_squeeze %dma_start3A_235 : memref<1x128xi32, #tpu.memory_space<hbm>> -> memref<128xi32, #tpu.memory_space<hbm>>
      %dma_start3A_237 = tpu.memref_slice %arg21[%dma_start3A_234] : memref<3x!tpu.dma_semaphore, #tpu.memory_space<semaphore_mem>> -> memref<1x!tpu.dma_semaphore, #tpu.memory_space<semaphore_mem>>
      %dma_start3A_238 = tpu.memref_squeeze %dma_start3A_237 : memref<1x!tpu.dma_semaphore, #tpu.memory_space<semaphore_mem>> -> memref<!tpu.dma_semaphore, #tpu.memory_space<semaphore_mem>>
      %dma_start3A_239 = tpu.memref_slice %arg3[%dma_start3A_233, %add3A_232] : memref<2x320000xi32, #tpu.memory_space<hbm>> -> memref<1x128xi32, #tpu.memory_space<hbm>>
      %dma_start3A_240 = tpu.memref_squeeze %dma_start3A_239 : memref<1x128xi32, #tpu.memory_space<hbm>> -> memref<128xi32, #tpu.memory_space<hbm>>
      tpu.enqueue_dma source(%dma_start3A_240 : memref<128xi32, #tpu.memory_space<hbm>>) target(%arg12 : memref<128xi32, #tpu.memory_space<vmem>>) target_semaphore(%dma_start3A_238 : memref<!tpu.dma_semaphore, #tpu.memory_space<semaphore_mem>>)
      %mul3A_241 = arith.constant 128 : i32
      %mul3A_242 = arith.muli %while3A_229, %mul3A_241 : i32
      %add3A_243 = arith.addi %mul3A_10, %mul3A_242 : i32
      %dma_start3A_244 = arith.constant 0 : i32
      %dma_start3A_245 = arith.constant 1 : i32
      %dma_start3A_246 = tpu.memref_slice %arg3[%dma_start3A_245, %add3A_243] : memref<2x320000xi32, #tpu.memory_space<hbm>> -> memref<1x128xi32, #tpu.memory_space<hbm>>
      %dma_start3A_247 = tpu.memref_slice %arg22[%dma_start3A_244] : memref<3x!tpu.dma_semaphore, #tpu.memory_space<semaphore_mem>> -> memref<1x!tpu.dma_semaphore, #tpu.memory_space<semaphore_mem>>
      %dma_start3A_248 = tpu.memref_squeeze %dma_start3A_247 : memref<1x!tpu.dma_semaphore, #tpu.memory_space<semaphore_mem>> -> memref<!tpu.dma_semaphore, #tpu.memory_space<semaphore_mem>>
      %dma_start3A_249 = arith.constant 1 : i32
      %dma_start3A_250 = tpu.memref_slice %arg3[%dma_start3A_249, %add3A_243] : memref<2x320000xi32, #tpu.memory_space<hbm>> -> memref<1x128xi32, #tpu.memory_space<hbm>>
      tpu.enqueue_dma source(%dma_start3A_250 : memref<1x128xi32, #tpu.memory_space<hbm>>) target(%arg15 : memref<1x128xi32, #tpu.memory_space<vmem>>) target_semaphore(%dma_start3A_248 : memref<!tpu.dma_semaphore, #tpu.memory_space<semaphore_mem>>)
      %mul3A_251 = arith.constant 128 : i32
      %mul3A_252 = arith.muli %while3A_229, %mul3A_251 : i32
      %add3A_253 = arith.addi %mul3A_10, %mul3A_252 : i32
      %dma_wait3A_254 = arith.constant 0 : i32
      %dma_wait3A_255 = arith.constant 0 : i32
      %dma_wait3A_256 = tpu.memref_slice %arg3[%dma_wait3A_254, %add3A_253] : memref<2x320000xi32, #tpu.memory_space<hbm>> -> memref<1x128xi32, #tpu.memory_space<hbm>>
      %dma_wait3A_257 = tpu.memref_squeeze %dma_wait3A_256 : memref<1x128xi32, #tpu.memory_space<hbm>> -> memref<128xi32, #tpu.memory_space<hbm>>
      %dma_wait3A_258 = tpu.memref_slice %arg21[%dma_wait3A_255] : memref<3x!tpu.dma_semaphore, #tpu.memory_space<semaphore_mem>> -> memref<1x!tpu.dma_semaphore, #tpu.memory_space<semaphore_mem>>
      %dma_wait3A_259 = tpu.memref_squeeze %dma_wait3A_258 : memref<1x!tpu.dma_semaphore, #tpu.memory_space<semaphore_mem>> -> memref<!tpu.dma_semaphore, #tpu.memory_space<semaphore_mem>>
      %dma_wait3A_260 = tpu.memref_slice %arg3[%dma_wait3A_254, %add3A_253] : memref<2x320000xi32, #tpu.memory_space<hbm>> -> memref<1x128xi32, #tpu.memory_space<hbm>>
      %dma_wait3A_261 = tpu.memref_squeeze %dma_wait3A_260 : memref<1x128xi32, #tpu.memory_space<hbm>> -> memref<128xi32, #tpu.memory_space<hbm>>
      tpu.wait_dma2 semaphore(%dma_wait3A_259 : memref<!tpu.dma_semaphore, #tpu.memory_space<semaphore_mem>>) src(%dma_wait3A_261 : memref<128xi32, #tpu.memory_space<hbm>>) dst(%arg12 : memref<128xi32, #tpu.memory_space<vmem>>)
      %mul3A_262 = arith.constant 128 : i32
      %mul3A_263 = arith.muli %while3A_229, %mul3A_262 : i32
      %add3A_264 = arith.addi %mul3A_10, %mul3A_263 : i32
      %dma_wait3A_265 = arith.constant 0 : i32
      %dma_wait3A_266 = arith.constant 1 : i32
      %dma_wait3A_267 = tpu.memref_slice %arg3[%dma_wait3A_266, %add3A_264] : memref<2x320000xi32, #tpu.memory_space<hbm>> -> memref<1x128xi32, #tpu.memory_space<hbm>>
      %dma_wait3A_268 = tpu.memref_slice %arg22[%dma_wait3A_265] : memref<3x!tpu.dma_semaphore, #tpu.memory_space<semaphore_mem>> -> memref<1x!tpu.dma_semaphore, #tpu.memory_space<semaphore_mem>>
      %dma_wait3A_269 = tpu.memref_squeeze %dma_wait3A_268 : memref<1x!tpu.dma_semaphore, #tpu.memory_space<semaphore_mem>> -> memref<!tpu.dma_semaphore, #tpu.memory_space<semaphore_mem>>
      %dma_wait3A_270 = arith.constant 1 : i32
      %dma_wait3A_271 = tpu.memref_slice %arg3[%dma_wait3A_270, %add3A_264] : memref<2x320000xi32, #tpu.memory_space<hbm>> -> memref<1x128xi32, #tpu.memory_space<hbm>>
      tpu.wait_dma2 semaphore(%dma_wait3A_269 : memref<!tpu.dma_semaphore, #tpu.memory_space<semaphore_mem>>) src(%dma_wait3A_271 : memref<1x128xi32, #tpu.memory_space<hbm>>) dst(%arg15 : memref<1x128xi32, #tpu.memory_space<vmem>>)
      %dma_start3A_272 = arith.constant 0 : i32
      %dma_start3A_273 = arith.constant 0 : i32
      %dma_start3A_274 = arith.constant 0 : i32
      %dma_start3A_275 = tpu.memref_slice %arg2[%dma_start3A_273, %dma_start3A_274] : memref<10000x128xf32, #tpu.memory_space<hbm>> -> memref<10000x128xf32, #tpu.memory_space<hbm>>
      %dma_start3A_276 = tpu.memref_slice %arg23[%dma_start3A_272] : memref<3x!tpu.dma_semaphore, #tpu.memory_space<semaphore_mem>> -> memref<1x!tpu.dma_semaphore, #tpu.memory_space<semaphore_mem>>
      %dma_start3A_277 = tpu.memref_squeeze %dma_start3A_276 : memref<1x!tpu.dma_semaphore, #tpu.memory_space<semaphore_mem>> -> memref<!tpu.dma_semaphore, #tpu.memory_space<semaphore_mem>>
      tpu.enqueue_indirect_dma source(%dma_start3A_275 : memref<10000x128xf32, #tpu.memory_space<hbm>>) target(%arg18 : memref<128x128xf32, #tpu.memory_space<vmem>>) offsets(%arg12 : memref<128xi32, #tpu.memory_space<vmem>>) semaphore(%dma_start3A_277 : memref<!tpu.dma_semaphore, #tpu.memory_space<semaphore_mem>>)
      %dma_wait3A_278 = arith.constant 0 : i32
      %dma_wait3A_279 = arith.constant 0 : i32
      %dma_wait3A_280 = arith.constant 0 : i32
      %dma_wait3A_281 = tpu.memref_slice %arg2[%dma_wait3A_279, %dma_wait3A_280] : memref<10000x128xf32, #tpu.memory_space<hbm>> -> memref<10000x128xf32, #tpu.memory_space<hbm>>
      %dma_wait3A_282 = tpu.memref_slice %arg23[%dma_wait3A_278] : memref<3x!tpu.dma_semaphore, #tpu.memory_space<semaphore_mem>> -> memref<1x!tpu.dma_semaphore, #tpu.memory_space<semaphore_mem>>
      %dma_wait3A_283 = tpu.memref_squeeze %dma_wait3A_282 : memref<1x!tpu.dma_semaphore, #tpu.memory_space<semaphore_mem>> -> memref<!tpu.dma_semaphore, #tpu.memory_space<semaphore_mem>>
      tpu.wait_indirect_dma semaphore(%dma_wait3A_283 : memref<!tpu.dma_semaphore, #tpu.memory_space<semaphore_mem>>) src(%dma_wait3A_281 : memref<10000x128xf32, #tpu.memory_space<hbm>>) dst(%arg18 : memref<128x128xf32, #tpu.memory_space<vmem>>)
      %dma_start3A_284 = arith.constant 0 : i32
      %dma_start3A_285 = arith.constant 0 : i32
      %dma_start3A_286 = arith.constant 0 : i32
      %dma_start3A_287 = tpu.memref_slice %arg15[%dma_start3A_284, %dma_start3A_286] : memref<1x128xi32, #tpu.memory_space<vmem>> -> memref<1x128xi32, #tpu.memory_space<vmem>>
      %dma_start3A_288 = tpu.memref_squeeze %dma_start3A_287 : memref<1x128xi32, #tpu.memory_space<vmem>> -> memref<128xi32, #tpu.memory_space<vmem>>
      %dma_start3A_289 = arith.constant 0 : i32
      %dma_start3A_290 = arith.constant 0 : i32
      %dma_start3A_291 = tpu.memref_slice %arg9[%dma_start3A_289, %dma_start3A_290] : memref<10000x128xf32, #tpu.memory_space<vmem_shared>> -> memref<10000x128xf32, #tpu.memory_space<vmem_shared>>
      %dma_start3A_292 = tpu.memref_slice %arg24[%dma_start3A_285] : memref<3x!tpu.dma_semaphore, #tpu.memory_space<semaphore_mem>> -> memref<1x!tpu.dma_semaphore, #tpu.memory_space<semaphore_mem>>
      %dma_start3A_293 = tpu.memref_squeeze %dma_start3A_292 : memref<1x!tpu.dma_semaphore, #tpu.memory_space<semaphore_mem>> -> memref<!tpu.dma_semaphore, #tpu.memory_space<semaphore_mem>>
      tpu.enqueue_indirect_dma source(%arg18 : memref<128x128xf32, #tpu.memory_space<vmem>>) target(%dma_start3A_291 : memref<10000x128xf32, #tpu.memory_space<vmem_shared>>) offsets(%dma_start3A_288 : memref<128xi32, #tpu.memory_space<vmem>>) semaphore(%dma_start3A_293 : memref<!tpu.dma_semaphore, #tpu.memory_space<semaphore_mem>>) {add = true}
      %dma_wait3A_294 = arith.constant 0 : i32
      %dma_wait3A_295 = arith.constant 0 : i32
      %dma_wait3A_296 = arith.constant 0 : i32
      %dma_wait3A_297 = tpu.memref_slice %arg15[%dma_wait3A_294, %dma_wait3A_296] : memref<1x128xi32, #tpu.memory_space<vmem>> -> memref<1x128xi32, #tpu.memory_space<vmem>>
      %dma_wait3A_298 = tpu.memref_squeeze %dma_wait3A_297 : memref<1x128xi32, #tpu.memory_space<vmem>> -> memref<128xi32, #tpu.memory_space<vmem>>
      %dma_wait3A_299 = arith.constant 0 : i32
      %dma_wait3A_300 = arith.constant 0 : i32
      %dma_wait3A_301 = tpu.memref_slice %arg9[%dma_wait3A_299, %dma_wait3A_300] : memref<10000x128xf32, #tpu.memory_space<vmem_shared>> -> memref<10000x128xf32, #tpu.memory_space<vmem_shared>>
      %dma_wait3A_302 = tpu.memref_slice %arg24[%dma_wait3A_295] : memref<3x!tpu.dma_semaphore, #tpu.memory_space<semaphore_mem>> -> memref<1x!tpu.dma_semaphore, #tpu.memory_space<semaphore_mem>>
      %dma_wait3A_303 = tpu.memref_squeeze %dma_wait3A_302 : memref<1x!tpu.dma_semaphore, #tpu.memory_space<semaphore_mem>> -> memref<!tpu.dma_semaphore, #tpu.memory_space<semaphore_mem>>
      tpu.wait_indirect_dma semaphore(%dma_wait3A_303 : memref<!tpu.dma_semaphore, #tpu.memory_space<semaphore_mem>>) src(%arg18 : memref<128x128xf32, #tpu.memory_space<vmem>>) dst(%dma_wait3A_301 : memref<10000x128xf32, #tpu.memory_space<vmem_shared>>)
      %dma_start3A_304 = arith.constant 0 : i32
      %dma_start3A_305 = arith.constant 0 : i32
      %dma_start3A_306 = arith.constant 0 : i32
      %dma_start3A_307 = tpu.memref_slice %arg15[%dma_start3A_304, %dma_start3A_306] : memref<1x128xi32, #tpu.memory_space<vmem>> -> memref<1x128xi32, #tpu.memory_space<vmem>>
      %dma_start3A_308 = tpu.memref_squeeze %dma_start3A_307 : memref<1x128xi32, #tpu.memory_space<vmem>> -> memref<128xi32, #tpu.memory_space<vmem>>
      %dma_start3A_309 = arith.constant 0 : i32
      %dma_start3A_310 = tpu.memref_slice %arg10[%dma_start3A_309] : memref<10000xf32, #tpu.memory_space<vmem_shared>> -> memref<10000xf32, #tpu.memory_space<vmem_shared>>
      %dma_start3A_311 = tpu.memref_slice %arg25[%dma_start3A_305] : memref<3x!tpu.dma_semaphore, #tpu.memory_space<semaphore_mem>> -> memref<1x!tpu.dma_semaphore, #tpu.memory_space<semaphore_mem>>
      %dma_start3A_312 = tpu.memref_squeeze %dma_start3A_311 : memref<1x!tpu.dma_semaphore, #tpu.memory_space<semaphore_mem>> -> memref<!tpu.dma_semaphore, #tpu.memory_space<semaphore_mem>>
      tpu.enqueue_indirect_dma source(%arg11 : memref<128xf32, #tpu.memory_space<vmem>>) target(%dma_start3A_310 : memref<10000xf32, #tpu.memory_space<vmem_shared>>) offsets(%dma_start3A_308 : memref<128xi32, #tpu.memory_space<vmem>>) semaphore(%dma_start3A_312 : memref<!tpu.dma_semaphore, #tpu.memory_space<semaphore_mem>>) {add = true}
      %dma_wait3A_313 = arith.constant 0 : i32
      %dma_wait3A_314 = arith.constant 0 : i32
      %dma_wait3A_315 = arith.constant 0 : i32
      %dma_wait3A_316 = tpu.memref_slice %arg15[%dma_wait3A_313, %dma_wait3A_315] : memref<1x128xi32, #tpu.memory_space<vmem>> -> memref<1x128xi32, #tpu.memory_space<vmem>>
      %dma_wait3A_317 = tpu.memref_squeeze %dma_wait3A_316 : memref<1x128xi32, #tpu.memory_space<vmem>> -> memref<128xi32, #tpu.memory_space<vmem>>
      %dma_wait3A_318 = arith.constant 0 : i32
      %dma_wait3A_319 = tpu.memref_slice %arg10[%dma_wait3A_318] : memref<10000xf32, #tpu.memory_space<vmem_shared>> -> memref<10000xf32, #tpu.memory_space<vmem_shared>>
      %dma_wait3A_320 = tpu.memref_slice %arg25[%dma_wait3A_314] : memref<3x!tpu.dma_semaphore, #tpu.memory_space<semaphore_mem>> -> memref<1x!tpu.dma_semaphore, #tpu.memory_space<semaphore_mem>>
      %dma_wait3A_321 = tpu.memref_squeeze %dma_wait3A_320 : memref<1x!tpu.dma_semaphore, #tpu.memory_space<semaphore_mem>> -> memref<!tpu.dma_semaphore, #tpu.memory_space<semaphore_mem>>
      tpu.wait_indirect_dma semaphore(%dma_wait3A_321 : memref<!tpu.dma_semaphore, #tpu.memory_space<semaphore_mem>>) src(%arg11 : memref<128xf32, #tpu.memory_space<vmem>>) dst(%dma_wait3A_319 : memref<10000xf32, #tpu.memory_space<vmem_shared>>)
    }
    %while3A_210 = arith.constant 1 : i32
    scf.for %while3A_229 = %while3A_208 to %while3A_204 step %while3A_210  : i32 {
      %mul3A_230 = arith.constant 128 : i32
      %mul3A_231 = arith.muli %while3A_229, %mul3A_230 : i32
      %add3A_232 = arith.addi %mul3A_10, %mul3A_231 : i32
      %dma_start3A_233 = arith.constant 0 : i32
      %dma_start3A_234 = arith.constant 0 : i32
      %dma_start3A_235 = tpu.memref_slice %arg3[%dma_start3A_233, %add3A_232] : memref<2x320000xi32, #tpu.memory_space<hbm>> -> memref<1x128xi32, #tpu.memory_space<hbm>>
      %dma_start3A_236 = tpu.memref_squeeze %dma_start3A_235 : memref<1x128xi32, #tpu.memory_space<hbm>> -> memref<128xi32, #tpu.memory_space<hbm>>
      %dma_start3A_237 = tpu.memref_slice %arg21[%dma_start3A_234] : memref<3x!tpu.dma_semaphore, #tpu.memory_space<semaphore_mem>> -> memref<1x!tpu.dma_semaphore, #tpu.memory_space<semaphore_mem>>
      %dma_start3A_238 = tpu.memref_squeeze %dma_start3A_237 : memref<1x!tpu.dma_semaphore, #tpu.memory_space<semaphore_mem>> -> memref<!tpu.dma_semaphore, #tpu.memory_space<semaphore_mem>>
      %dma_start3A_239 = tpu.memref_slice %arg3[%dma_start3A_233, %add3A_232] : memref<2x320000xi32, #tpu.memory_space<hbm>> -> memref<1x128xi32, #tpu.memory_space<hbm>>
      %dma_start3A_240 = tpu.memref_squeeze %dma_start3A_239 : memref<1x128xi32, #tpu.memory_space<hbm>> -> memref<128xi32, #tpu.memory_space<hbm>>
      tpu.enqueue_dma source(%dma_start3A_240 : memref<128xi32, #tpu.memory_space<hbm>>) target(%arg12 : memref<128xi32, #tpu.memory_space<vmem>>) target_semaphore(%dma_start3A_238 : memref<!tpu.dma_semaphore, #tpu.memory_space<semaphore_mem>>)
      %mul3A_241 = arith.constant 128 : i32
      %mul3A_242 = arith.muli %while3A_229, %mul3A_241 : i32
      %add3A_243 = arith.addi %mul3A_10, %mul3A_242 : i32
      %dma_start3A_244 = arith.constant 0 : i32
      %dma_start3A_245 = arith.constant 1 : i32
      %dma_start3A_246 = tpu.memref_slice %arg3[%dma_start3A_245, %add3A_243] : memref<2x320000xi32, #tpu.memory_space<hbm>> -> memref<1x128xi32, #tpu.memory_space<hbm>>
      %dma_start3A_247 = tpu.memref_slice %arg22[%dma_start3A_244] : memref<3x!tpu.dma_semaphore, #tpu.memory_space<semaphore_mem>> -> memref<1x!tpu.dma_semaphore, #tpu.memory_space<semaphore_mem>>
      %dma_start3A_248 = tpu.memref_squeeze %dma_start3A_247 : memref<1x!tpu.dma_semaphore, #tpu.memory_space<semaphore_mem>> -> memref<!tpu.dma_semaphore, #tpu.memory_space<semaphore_mem>>
      %dma_start3A_249 = arith.constant 1 : i32
      %dma_start3A_250 = tpu.memref_slice %arg3[%dma_start3A_249, %add3A_243] : memref<2x320000xi32, #tpu.memory_space<hbm>> -> memref<1x128xi32, #tpu.memory_space<hbm>>
      tpu.enqueue_dma source(%dma_start3A_250 : memref<1x128xi32, #tpu.memory_space<hbm>>) target(%arg15 : memref<1x128xi32, #tpu.memory_space<vmem>>) target_semaphore(%dma_start3A_248 : memref<!tpu.dma_semaphore, #tpu.memory_space<semaphore_mem>>)
      %mul3A_251 = arith.constant 128 : i32
      %mul3A_252 = arith.muli %while3A_229, %mul3A_251 : i32
      %add3A_253 = arith.addi %mul3A_10, %mul3A_252 : i32
      %dma_wait3A_254 = arith.constant 0 : i32
      %dma_wait3A_255 = arith.constant 0 : i32
      %dma_wait3A_256 = tpu.memref_slice %arg3[%dma_wait3A_254, %add3A_253] : memref<2x320000xi32, #tpu.memory_space<hbm>> -> memref<1x128xi32, #tpu.memory_space<hbm>>
      %dma_wait3A_257 = tpu.memref_squeeze %dma_wait3A_256 : memref<1x128xi32, #tpu.memory_space<hbm>> -> memref<128xi32, #tpu.memory_space<hbm>>
      %dma_wait3A_258 = tpu.memref_slice %arg21[%dma_wait3A_255] : memref<3x!tpu.dma_semaphore, #tpu.memory_space<semaphore_mem>> -> memref<1x!tpu.dma_semaphore, #tpu.memory_space<semaphore_mem>>
      %dma_wait3A_259 = tpu.memref_squeeze %dma_wait3A_258 : memref<1x!tpu.dma_semaphore, #tpu.memory_space<semaphore_mem>> -> memref<!tpu.dma_semaphore, #tpu.memory_space<semaphore_mem>>
      %dma_wait3A_260 = tpu.memref_slice %arg3[%dma_wait3A_254, %add3A_253] : memref<2x320000xi32, #tpu.memory_space<hbm>> -> memref<1x128xi32, #tpu.memory_space<hbm>>
      %dma_wait3A_261 = tpu.memref_squeeze %dma_wait3A_260 : memref<1x128xi32, #tpu.memory_space<hbm>> -> memref<128xi32, #tpu.memory_space<hbm>>
      tpu.wait_dma2 semaphore(%dma_wait3A_259 : memref<!tpu.dma_semaphore, #tpu.memory_space<semaphore_mem>>) src(%dma_wait3A_261 : memref<128xi32, #tpu.memory_space<hbm>>) dst(%arg12 : memref<128xi32, #tpu.memory_space<vmem>>)
      %mul3A_262 = arith.constant 128 : i32
      %mul3A_263 = arith.muli %while3A_229, %mul3A_262 : i32
      %add3A_264 = arith.addi %mul3A_10, %mul3A_263 : i32
      %dma_wait3A_265 = arith.constant 0 : i32
      %dma_wait3A_266 = arith.constant 1 : i32
      %dma_wait3A_267 = tpu.memref_slice %arg3[%dma_wait3A_266, %add3A_264] : memref<2x320000xi32, #tpu.memory_space<hbm>> -> memref<1x128xi32, #tpu.memory_space<hbm>>
      %dma_wait3A_268 = tpu.memref_slice %arg22[%dma_wait3A_265] : memref<3x!tpu.dma_semaphore, #tpu.memory_space<semaphore_mem>> -> memref<1x!tpu.dma_semaphore, #tpu.memory_space<semaphore_mem>>
      %dma_wait3A_269 = tpu.memref_squeeze %dma_wait3A_268 : memref<1x!tpu.dma_semaphore, #tpu.memory_space<semaphore_mem>> -> memref<!tpu.dma_semaphore, #tpu.memory_space<semaphore_mem>>
      %dma_wait3A_270 = arith.constant 1 : i32
      %dma_wait3A_271 = tpu.memref_slice %arg3[%dma_wait3A_270, %add3A_264] : memref<2x320000xi32, #tpu.memory_space<hbm>> -> memref<1x128xi32, #tpu.memory_space<hbm>>
      tpu.wait_dma2 semaphore(%dma_wait3A_269 : memref<!tpu.dma_semaphore, #tpu.memory_space<semaphore_mem>>) src(%dma_wait3A_271 : memref<1x128xi32, #tpu.memory_space<hbm>>) dst(%arg15 : memref<1x128xi32, #tpu.memory_space<vmem>>)
      %dma_start3A_272 = arith.constant 0 : i32
      %dma_start3A_273 = arith.constant 0 : i32
      %dma_start3A_274 = arith.constant 0 : i32
      %dma_start3A_275 = tpu.memref_slice %arg2[%dma_start3A_273, %dma_start3A_274] : memref<10000x128xf32, #tpu.memory_space<hbm>> -> memref<10000x128xf32, #tpu.memory_space<hbm>>
      %dma_start3A_276 = tpu.memref_slice %arg23[%dma_start3A_272] : memref<3x!tpu.dma_semaphore, #tpu.memory_space<semaphore_mem>> -> memref<1x!tpu.dma_semaphore, #tpu.memory_space<semaphore_mem>>
      %dma_start3A_277 = tpu.memref_squeeze %dma_start3A_276 : memref<1x!tpu.dma_semaphore, #tpu.memory_space<semaphore_mem>> -> memref<!tpu.dma_semaphore, #tpu.memory_space<semaphore_mem>>
      tpu.enqueue_indirect_dma source(%dma_start3A_275 : memref<10000x128xf32, #tpu.memory_space<hbm>>) target(%arg18 : memref<128x128xf32, #tpu.memory_space<vmem>>) offsets(%arg12 : memref<128xi32, #tpu.memory_space<vmem>>) semaphore(%dma_start3A_277 : memref<!tpu.dma_semaphore, #tpu.memory_space<semaphore_mem>>)
      %dma_wait3A_278 = arith.constant 0 : i32
      %dma_wait3A_279 = arith.constant 0 : i32
      %dma_wait3A_280 = arith.constant 0 : i32
      %dma_wait3A_281 = tpu.memref_slice %arg2[%dma_wait3A_279, %dma_wait3A_280] : memref<10000x128xf32, #tpu.memory_space<hbm>> -> memref<10000x128xf32, #tpu.memory_space<hbm>>
      %dma_wait3A_282 = tpu.memref_slice %arg23[%dma_wait3A_278] : memref<3x!tpu.dma_semaphore, #tpu.memory_space<semaphore_mem>> -> memref<1x!tpu.dma_semaphore, #tpu.memory_space<semaphore_mem>>
      %dma_wait3A_283 = tpu.memref_squeeze %dma_wait3A_282 : memref<1x!tpu.dma_semaphore, #tpu.memory_space<semaphore_mem>> -> memref<!tpu.dma_semaphore, #tpu.memory_space<semaphore_mem>>
      tpu.wait_indirect_dma semaphore(%dma_wait3A_283 : memref<!tpu.dma_semaphore, #tpu.memory_space<semaphore_mem>>) src(%dma_wait3A_281 : memref<10000x128xf32, #tpu.memory_space<hbm>>) dst(%arg18 : memref<128x128xf32, #tpu.memory_space<vmem>>)
      %dma_start3A_284 = arith.constant 0 : i32
      %dma_start3A_285 = arith.constant 0 : i32
      %dma_start3A_286 = arith.constant 0 : i32
      %dma_start3A_287 = tpu.memref_slice %arg15[%dma_start3A_284, %dma_start3A_286] : memref<1x128xi32, #tpu.memory_space<vmem>> -> memref<1x128xi32, #tpu.memory_space<vmem>>
      %dma_start3A_288 = tpu.memref_squeeze %dma_start3A_287 : memref<1x128xi32, #tpu.memory_space<vmem>> -> memref<128xi32, #tpu.memory_space<vmem>>
      %dma_start3A_289 = arith.constant 0 : i32
      %dma_start3A_290 = arith.constant 0 : i32
      %dma_start3A_291 = tpu.memref_slice %arg9[%dma_start3A_289, %dma_start3A_290] : memref<10000x128xf32, #tpu.memory_space<vmem_shared>> -> memref<10000x128xf32, #tpu.memory_space<vmem_shared>>
      %dma_start3A_292 = tpu.memref_slice %arg24[%dma_start3A_285] : memref<3x!tpu.dma_semaphore, #tpu.memory_space<semaphore_mem>> -> memref<1x!tpu.dma_semaphore, #tpu.memory_space<semaphore_mem>>
      %dma_start3A_293 = tpu.memref_squeeze %dma_start3A_292 : memref<1x!tpu.dma_semaphore, #tpu.memory_space<semaphore_mem>> -> memref<!tpu.dma_semaphore, #tpu.memory_space<semaphore_mem>>
      tpu.enqueue_indirect_dma source(%arg18 : memref<128x128xf32, #tpu.memory_space<vmem>>) target(%dma_start3A_291 : memref<10000x128xf32, #tpu.memory_space<vmem_shared>>) offsets(%dma_start3A_288 : memref<128xi32, #tpu.memory_space<vmem>>) semaphore(%dma_start3A_293 : memref<!tpu.dma_semaphore, #tpu.memory_space<semaphore_mem>>) {add = true}
      %dma_wait3A_294 = arith.constant 0 : i32
      %dma_wait3A_295 = arith.constant 0 : i32
      %dma_wait3A_296 = arith.constant 0 : i32
      %dma_wait3A_297 = tpu.memref_slice %arg15[%dma_wait3A_294, %dma_wait3A_296] : memref<1x128xi32, #tpu.memory_space<vmem>> -> memref<1x128xi32, #tpu.memory_space<vmem>>
      %dma_wait3A_298 = tpu.memref_squeeze %dma_wait3A_297 : memref<1x128xi32, #tpu.memory_space<vmem>> -> memref<128xi32, #tpu.memory_space<vmem>>
      %dma_wait3A_299 = arith.constant 0 : i32
      %dma_wait3A_300 = arith.constant 0 : i32
      %dma_wait3A_301 = tpu.memref_slice %arg9[%dma_wait3A_299, %dma_wait3A_300] : memref<10000x128xf32, #tpu.memory_space<vmem_shared>> -> memref<10000x128xf32, #tpu.memory_space<vmem_shared>>
      %dma_wait3A_302 = tpu.memref_slice %arg24[%dma_wait3A_295] : memref<3x!tpu.dma_semaphore, #tpu.memory_space<semaphore_mem>> -> memref<1x!tpu.dma_semaphore, #tpu.memory_space<semaphore_mem>>
      %dma_wait3A_303 = tpu.memref_squeeze %dma_wait3A_302 : memref<1x!tpu.dma_semaphore, #tpu.memory_space<semaphore_mem>> -> memref<!tpu.dma_semaphore, #tpu.memory_space<semaphore_mem>>
      tpu.wait_indirect_dma semaphore(%dma_wait3A_303 : memref<!tpu.dma_semaphore, #tpu.memory_space<semaphore_mem>>) src(%arg18 : memref<128x128xf32, #tpu.memory_space<vmem>>) dst(%dma_wait3A_301 : memref<10000x128xf32, #tpu.memory_space<vmem_shared>>)
      %dma_start3A_304 = arith.constant 0 : i32
      %dma_start3A_305 = arith.constant 0 : i32
      %dma_start3A_306 = arith.constant 0 : i32
      %dma_start3A_307 = tpu.memref_slice %arg15[%dma_start3A_304, %dma_start3A_306] : memref<1x128xi32, #tpu.memory_space<vmem>> -> memref<1x128xi32, #tpu.memory_space<vmem>>
      %dma_start3A_308 = tpu.memref_squeeze %dma_start3A_307 : memref<1x128xi32, #tpu.memory_space<vmem>> -> memref<128xi32, #tpu.memory_space<vmem>>
      %dma_start3A_309 = arith.constant 0 : i32
      %dma_start3A_310 = tpu.memref_slice %arg10[%dma_start3A_309] : memref<10000xf32, #tpu.memory_space<vmem_shared>> -> memref<10000xf32, #tpu.memory_space<vmem_shared>>
      %dma_start3A_311 = tpu.memref_slice %arg25[%dma_start3A_305] : memref<3x!tpu.dma_semaphore, #tpu.memory_space<semaphore_mem>> -> memref<1x!tpu.dma_semaphore, #tpu.memory_space<semaphore_mem>>
      %dma_start3A_312 = tpu.memref_squeeze %dma_start3A_311 : memref<1x!tpu.dma_semaphore, #tpu.memory_space<semaphore_mem>> -> memref<!tpu.dma_semaphore, #tpu.memory_space<semaphore_mem>>
      tpu.enqueue_indirect_dma source(%arg11 : memref<128xf32, #tpu.memory_space<vmem>>) target(%dma_start3A_310 : memref<10000xf32, #tpu.memory_space<vmem_shared>>) offsets(%dma_start3A_308 : memref<128xi32, #tpu.memory_space<vmem>>) semaphore(%dma_start3A_312 : memref<!tpu.dma_semaphore, #tpu.memory_space<semaphore_mem>>) {add = true}
      %dma_wait3A_313 = arith.constant 0 : i32
      %dma_wait3A_314 = arith.constant 0 : i32
      %dma_wait3A_315 = arith.constant 0 : i32
      %dma_wait3A_316 = tpu.memref_slice %arg15[%dma_wait3A_313, %dma_wait3A_315] : memref<1x128xi32, #tpu.memory_space<vmem>> -> memref<1x128xi32, #tpu.memory_space<vmem>>
      %dma_wait3A_317 = tpu.memref_squeeze %dma_wait3A_316 : memref<1x128xi32, #tpu.memory_space<vmem>> -> memref<128xi32, #tpu.memory_space<vmem>>
      %dma_wait3A_318 = arith.constant 0 : i32
      %dma_wait3A_319 = tpu.memref_slice %arg10[%dma_wait3A_318] : memref<10000xf32, #tpu.memory_space<vmem_shared>> -> memref<10000xf32, #tpu.memory_space<vmem_shared>>
      %dma_wait3A_320 = tpu.memref_slice %arg25[%dma_wait3A_314] : memref<3x!tpu.dma_semaphore, #tpu.memory_space<semaphore_mem>> -> memref<1x!tpu.dma_semaphore, #tpu.memory_space<semaphore_mem>>
      %dma_wait3A_321 = tpu.memref_squeeze %dma_wait3A_320 : memref<1x!tpu.dma_semaphore, #tpu.memory_space<semaphore_mem>> -> memref<!tpu.dma_semaphore, #tpu.memory_space<semaphore_mem>>
      tpu.wait_indirect_dma semaphore(%dma_wait3A_321 : memref<!tpu.dma_semaphore, #tpu.memory_space<semaphore_mem>>) src(%arg11 : memref<128xf32, #tpu.memory_space<vmem>>) dst(%dma_wait3A_319 : memref<10000xf32, #tpu.memory_space<vmem_shared>>)
    }
    %barrier3A_211 = arith.constant 0 : index
    tpu.barrier barrier_id(%barrier3A_211)
    %mul3A_212 = arith.constant 632 : i32
    %mul3A_213 = arith.muli %arg1, %mul3A_212 : i32
    %lt3A_214 = arith.constant 15 : i32
    %lt3A_215 = arith.cmpi slt, %arg1, %lt3A_214 : i32
    %convert_element_type3A_216 = arith.extui %lt3A_215 : i1 to i32
    %cond3A_217 = arith.constant 0 : i32
    %cond3A_218 = arith.cmpi ne, %convert_element_type3A_216, %cond3A_217 : i32
    scf.if %cond3A_218 {
      "tpu.region"() ({
        %run_scoped3A = tpu.sem_alloc : memref<!tpu.dma_semaphore, #tpu.memory_space<semaphore_mem>>
        %dma_start3A_229 = arith.constant 0 : i32
        %dma_start3A_230 = tpu.memref_slice %arg7[%arg0, %mul3A_213, %dma_start3A_229] : memref<2x10000x128xf32, #tpu.memory_space<hbm>> -> memref<1x632x128xf32, #tpu.memory_space<hbm>>
        %dma_start3A_231 = tpu.memref_squeeze %dma_start3A_230 : memref<1x632x128xf32, #tpu.memory_space<hbm>> -> memref<632x128xf32, #tpu.memory_space<hbm>>
        %dma_start3A_232 = arith.constant 0 : i32
        %dma_start3A_233 = tpu.memref_slice %arg9[%mul3A_213, %dma_start3A_232] : memref<10000x128xf32, #tpu.memory_space<vmem_shared>> -> memref<632x128xf32, #tpu.memory_space<vmem_shared>>
        tpu.enqueue_dma source(%dma_start3A_233 : memref<632x128xf32, #tpu.memory_space<vmem_shared>>) target(%dma_start3A_231 : memref<632x128xf32, #tpu.memory_space<hbm>>) target_semaphore(%run_scoped3A : memref<!tpu.dma_semaphore, #tpu.memory_space<semaphore_mem>>)
        %dma_wait3A_234 = arith.constant 0 : i32
        %dma_wait3A_235 = tpu.memref_slice %arg7[%arg0, %mul3A_213, %dma_wait3A_234] : memref<2x10000x128xf32, #tpu.memory_space<hbm>> -> memref<1x632x128xf32, #tpu.memory_space<hbm>>
        %dma_wait3A_236 = tpu.memref_squeeze %dma_wait3A_235 : memref<1x632x128xf32, #tpu.memory_space<hbm>> -> memref<632x128xf32, #tpu.memory_space<hbm>>
        %dma_wait3A_237 = arith.constant 0 : i32
        %dma_wait3A_238 = tpu.memref_slice %arg9[%mul3A_213, %dma_wait3A_237] : memref<10000x128xf32, #tpu.memory_space<vmem_shared>> -> memref<632x128xf32, #tpu.memory_space<vmem_shared>>
        tpu.wait_dma2 semaphore(%run_scoped3A : memref<!tpu.dma_semaphore, #tpu.memory_space<semaphore_mem>>) src(%dma_wait3A_238 : memref<632x128xf32, #tpu.memory_space<vmem_shared>>) dst(%dma_wait3A_236 : memref<632x128xf32, #tpu.memory_space<hbm>>)
        tpu.yield
      }) : () -> ()
    } else {
    }
    %eq3A_219 = arith.constant 15 : i32
    %eq3A_220 = arith.cmpi eq, %arg1, %eq3A_219 : i32
    %convert_element_type3A_221 = arith.extui %eq3A_220 : i1 to i32
    %cond3A_222 = arith.constant 0 : i32
    %cond3A_223 = arith.cmpi ne, %convert_element_type3A_221, %cond3A_222 : i32
    scf.if %cond3A_223 {
      "tpu.region"() ({
        %run_scoped3A = tpu.sem_alloc : memref<!tpu.dma_semaphore, #tpu.memory_space<semaphore_mem>>
        %dma_start3A_229 = arith.constant 0 : i32
        %dma_start3A_230 = tpu.memref_slice %arg7[%arg0, %mul3A_213, %dma_start3A_229] : memref<2x10000x128xf32, #tpu.memory_space<hbm>> -> memref<1x520x128xf32, #tpu.memory_space<hbm>>
        %dma_start3A_231 = tpu.memref_squeeze %dma_start3A_230 : memref<1x520x128xf32, #tpu.memory_space<hbm>> -> memref<520x128xf32, #tpu.memory_space<hbm>>
        %dma_start3A_232 = arith.constant 0 : i32
        %dma_start3A_233 = tpu.memref_slice %arg9[%mul3A_213, %dma_start3A_232] : memref<10000x128xf32, #tpu.memory_space<vmem_shared>> -> memref<520x128xf32, #tpu.memory_space<vmem_shared>>
        tpu.enqueue_dma source(%dma_start3A_233 : memref<520x128xf32, #tpu.memory_space<vmem_shared>>) target(%dma_start3A_231 : memref<520x128xf32, #tpu.memory_space<hbm>>) target_semaphore(%run_scoped3A : memref<!tpu.dma_semaphore, #tpu.memory_space<semaphore_mem>>)
        %dma_wait3A_234 = arith.constant 0 : i32
        %dma_wait3A_235 = tpu.memref_slice %arg7[%arg0, %mul3A_213, %dma_wait3A_234] : memref<2x10000x128xf32, #tpu.memory_space<hbm>> -> memref<1x520x128xf32, #tpu.memory_space<hbm>>
        %dma_wait3A_236 = tpu.memref_squeeze %dma_wait3A_235 : memref<1x520x128xf32, #tpu.memory_space<hbm>> -> memref<520x128xf32, #tpu.memory_space<hbm>>
        %dma_wait3A_237 = arith.constant 0 : i32
        %dma_wait3A_238 = tpu.memref_slice %arg9[%mul3A_213, %dma_wait3A_237] : memref<10000x128xf32, #tpu.memory_space<vmem_shared>> -> memref<520x128xf32, #tpu.memory_space<vmem_shared>>
        tpu.wait_dma2 semaphore(%run_scoped3A : memref<!tpu.dma_semaphore, #tpu.memory_space<semaphore_mem>>) src(%dma_wait3A_238 : memref<520x128xf32, #tpu.memory_space<vmem_shared>>) dst(%dma_wait3A_236 : memref<520x128xf32, #tpu.memory_space<hbm>>)
        tpu.yield
      }) : () -> ()
    } else {
    }
    %eq3A_224 = arith.constant 0 : i32
    %eq3A_225 = arith.cmpi eq, %arg1, %eq3A_224 : i32
    %convert_element_type3A_226 = arith.extui %eq3A_225 : i1 to i32
    %cond3A_227 = arith.constant 0 : i32
    %cond3A_228 = arith.cmpi ne, %convert_element_type3A_226, %cond3A_227 : i32
    scf.if %cond3A_228 {
      "tpu.region"() ({
        %run_scoped3A = tpu.sem_alloc : memref<!tpu.dma_semaphore, #tpu.memory_space<semaphore_mem>>
        %dma_start3A_229 = arith.constant 0 : i32
        %dma_start3A_230 = tpu.memref_slice %arg8[%arg0, %dma_start3A_229] : memref<2x10000xf32, #tpu.memory_space<hbm>> -> memref<1x10000xf32, #tpu.memory_space<hbm>>
        %dma_start3A_231 = tpu.memref_squeeze %dma_start3A_230 : memref<1x10000xf32, #tpu.memory_space<hbm>> -> memref<10000xf32, #tpu.memory_space<hbm>>
        tpu.enqueue_dma source(%arg10 : memref<10000xf32, #tpu.memory_space<vmem_shared>>) target(%dma_start3A_231 : memref<10000xf32, #tpu.memory_space<hbm>>) target_semaphore(%run_scoped3A : memref<!tpu.dma_semaphore, #tpu.memory_space<semaphore_mem>>)
        %dma_wait3A_232 = arith.constant 0 : i32
        %dma_wait3A_233 = tpu.memref_slice %arg8[%arg0, %dma_wait3A_232] : memref<2x10000xf32, #tpu.memory_space<hbm>> -> memref<1x10000xf32, #tpu.memory_space<hbm>>
        %dma_wait3A_234 = tpu.memref_squeeze %dma_wait3A_233 : memref<1x10000xf32, #tpu.memory_space<hbm>> -> memref<10000xf32, #tpu.memory_space<hbm>>
        tpu.wait_dma2 semaphore(%run_scoped3A : memref<!tpu.dma_semaphore, #tpu.memory_space<semaphore_mem>>) src(%arg10 : memref<10000xf32, #tpu.memory_space<vmem_shared>>) dst(%dma_wait3A_234 : memref<10000xf32, #tpu.memory_space<hbm>>)
        tpu.yield
      }) : () -> ()
    } else {
    }
    return
  }
}

#map = affine_map<(d0, d1) -> (0, 0)>
#map1 = affine_map<(d0, d1) -> (0, 0, 0)>
module attributes {stable_mosaic.version = 14 : i64} {
  func.func @sage_seg_sum(%arg0: i32, %arg1: i32, %arg2: memref<10000x128xf32, #tpu.memory_space<hbm>>, %arg3: memref<2x320000xi32, #tpu.memory_space<hbm>>, %arg4: memref<10000x128xf32, #tpu.memory_space<hbm>>, %arg5: memref<2x10000x128xf32, #tpu.memory_space<hbm>>, %arg6: memref<10000x128xf32, #tpu.memory_space<vmem_shared>>, %arg7: memref<128xi32, #tpu.memory_space<vmem>>, %arg8: memref<128xi32, #tpu.memory_space<vmem>>, %arg9: memref<128xi32, #tpu.memory_space<vmem>>, %arg10: memref<1x128xi32, #tpu.memory_space<vmem>>, %arg11: memref<1x128xi32, #tpu.memory_space<vmem>>, %arg12: memref<1x128xi32, #tpu.memory_space<vmem>>, %arg13: memref<128x128xf32, #tpu.memory_space<vmem>>, %arg14: memref<128x128xf32, #tpu.memory_space<vmem>>, %arg15: memref<128x128xf32, #tpu.memory_space<vmem>>, %arg16: memref<3x!tpu.dma_semaphore, #tpu.memory_space<semaphore_mem>>, %arg17: memref<3x!tpu.dma_semaphore, #tpu.memory_space<semaphore_mem>>, %arg18: memref<3x!tpu.dma_semaphore, #tpu.memory_space<semaphore_mem>>, %arg19: memref<3x!tpu.dma_semaphore, #tpu.memory_space<semaphore_mem>>) attributes {dimension_semantics = [#tpu.dimension_semantics<core_parallel>, #tpu.dimension_semantics<subcore_parallel>], iteration_bounds = array<i64: 2, 16>, scalar_prefetch = 0 : i64, scratch_operands = 14 : i64, tpu.core_type = #tpu.core_type<sc_vector_subcore>, window_params = [{transform_indices = #map}, {transform_indices = #map}, {transform_indices = #map}, {transform_indices = #map1}]} {
    %mul3A = arith.constant 2 : i32
    %mul3A_0 = arith.muli %arg1, %mul3A : i32
    %add3A = arith.addi %mul3A_0, %arg0 : i32
    %lt3A = arith.constant 4 : i32
    %lt3A_1 = arith.cmpi slt, %add3A, %lt3A : i32
    %jit3A = arith.constant 1 : i32
    %jit3A_2 = arith.constant 0 : i32
    %select_n3A = arith.select %lt3A_1, %jit3A, %jit3A_2 : i32
    %add3A_3 = arith.constant 78 : i32
    %add3A_4 = arith.addi %add3A_3, %select_n3A : i32
    %mul3A_5 = arith.constant 78 : i32
    %mul3A_6 = arith.muli %add3A, %mul3A_5 : i32
    %min3A = arith.constant 4 : i32
    %min3A_7 = arith.minsi %add3A, %min3A : i32
    %add3A_8 = arith.addi %mul3A_6, %min3A_7 : i32
    %mul3A_9 = arith.constant 128 : i32
    %mul3A_10 = arith.muli %add3A_8, %mul3A_9 : i32
    %mul3A_11 = arith.constant 632 : i32
    %mul3A_12 = arith.muli %arg1, %mul3A_11 : i32
    %lt3A_13 = arith.constant 15 : i32
    %lt3A_14 = arith.cmpi slt, %arg1, %lt3A_13 : i32
    %convert_element_type3A = arith.extui %lt3A_14 : i1 to i32
    %cond3A = arith.constant 0 : i32
    %cond3A_15 = arith.cmpi ne, %convert_element_type3A, %cond3A : i32
    scf.if %cond3A_15 {
      "tpu.region"() ({
        %run_scoped3A = tpu.sem_alloc : memref<!tpu.dma_semaphore, #tpu.memory_space<semaphore_mem>>
        %dma_start3A_219 = arith.constant 0 : i32
        %dma_start3A_220 = tpu.memref_slice %arg6[%mul3A_12, %dma_start3A_219] : memref<10000x128xf32, #tpu.memory_space<vmem_shared>> -> memref<632x128xf32, #tpu.memory_space<vmem_shared>>
        %dma_start3A_221 = arith.constant 0 : i32
        %dma_start3A_222 = tpu.memref_slice %arg4[%mul3A_12, %dma_start3A_221] : memref<10000x128xf32, #tpu.memory_space<hbm>> -> memref<632x128xf32, #tpu.memory_space<hbm>>
        tpu.enqueue_dma source(%dma_start3A_222 : memref<632x128xf32, #tpu.memory_space<hbm>>) target(%dma_start3A_220 : memref<632x128xf32, #tpu.memory_space<vmem_shared>>) target_semaphore(%run_scoped3A : memref<!tpu.dma_semaphore, #tpu.memory_space<semaphore_mem>>)
        %dma_wait3A_223 = arith.constant 0 : i32
        %dma_wait3A_224 = tpu.memref_slice %arg6[%mul3A_12, %dma_wait3A_223] : memref<10000x128xf32, #tpu.memory_space<vmem_shared>> -> memref<632x128xf32, #tpu.memory_space<vmem_shared>>
        %dma_wait3A_225 = arith.constant 0 : i32
        %dma_wait3A_226 = tpu.memref_slice %arg4[%mul3A_12, %dma_wait3A_225] : memref<10000x128xf32, #tpu.memory_space<hbm>> -> memref<632x128xf32, #tpu.memory_space<hbm>>
        tpu.wait_dma2 semaphore(%run_scoped3A : memref<!tpu.dma_semaphore, #tpu.memory_space<semaphore_mem>>) src(%dma_wait3A_226 : memref<632x128xf32, #tpu.memory_space<hbm>>) dst(%dma_wait3A_224 : memref<632x128xf32, #tpu.memory_space<vmem_shared>>)
        tpu.yield
      }) : () -> ()
    } else {
    }
    %eq3A = arith.constant 15 : i32
    %eq3A_16 = arith.cmpi eq, %arg1, %eq3A : i32
    %convert_element_type3A_17 = arith.extui %eq3A_16 : i1 to i32
    %cond3A_18 = arith.constant 0 : i32
    %cond3A_19 = arith.cmpi ne, %convert_element_type3A_17, %cond3A_18 : i32
    scf.if %cond3A_19 {
      "tpu.region"() ({
        %run_scoped3A = tpu.sem_alloc : memref<!tpu.dma_semaphore, #tpu.memory_space<semaphore_mem>>
        %dma_start3A_219 = arith.constant 0 : i32
        %dma_start3A_220 = tpu.memref_slice %arg6[%mul3A_12, %dma_start3A_219] : memref<10000x128xf32, #tpu.memory_space<vmem_shared>> -> memref<520x128xf32, #tpu.memory_space<vmem_shared>>
        %dma_start3A_221 = arith.constant 0 : i32
        %dma_start3A_222 = tpu.memref_slice %arg4[%mul3A_12, %dma_start3A_221] : memref<10000x128xf32, #tpu.memory_space<hbm>> -> memref<520x128xf32, #tpu.memory_space<hbm>>
        tpu.enqueue_dma source(%dma_start3A_222 : memref<520x128xf32, #tpu.memory_space<hbm>>) target(%dma_start3A_220 : memref<520x128xf32, #tpu.memory_space<vmem_shared>>) target_semaphore(%run_scoped3A : memref<!tpu.dma_semaphore, #tpu.memory_space<semaphore_mem>>)
        %dma_wait3A_223 = arith.constant 0 : i32
        %dma_wait3A_224 = tpu.memref_slice %arg6[%mul3A_12, %dma_wait3A_223] : memref<10000x128xf32, #tpu.memory_space<vmem_shared>> -> memref<520x128xf32, #tpu.memory_space<vmem_shared>>
        %dma_wait3A_225 = arith.constant 0 : i32
        %dma_wait3A_226 = tpu.memref_slice %arg4[%mul3A_12, %dma_wait3A_225] : memref<10000x128xf32, #tpu.memory_space<hbm>> -> memref<520x128xf32, #tpu.memory_space<hbm>>
        tpu.wait_dma2 semaphore(%run_scoped3A : memref<!tpu.dma_semaphore, #tpu.memory_space<semaphore_mem>>) src(%dma_wait3A_226 : memref<520x128xf32, #tpu.memory_space<hbm>>) dst(%dma_wait3A_224 : memref<520x128xf32, #tpu.memory_space<vmem_shared>>)
        tpu.yield
      }) : () -> ()
    } else {
    }
    %barrier3A = arith.constant 0 : index
    tpu.barrier barrier_id(%barrier3A)
    %jit3A_20 = arith.constant 3 : i32
    %div3A = arith.divsi %add3A_4, %jit3A_20 : i32
    %sign3A = arith.constant 0 : i32
    %sign3A_21 = arith.cmpi sgt, %add3A_4, %sign3A : i32
    %sign3A_22 = arith.extui %sign3A_21 : i1 to i32
    %sign3A_23 = arith.constant 0 : i32
    %sign3A_24 = arith.cmpi slt, %add3A_4, %sign3A_23 : i32
    %sign3A_25 = arith.extui %sign3A_24 : i1 to i32
    %sign3A_26 = arith.subi %sign3A_22, %sign3A_25 : i32
    %sign3A_27 = arith.constant 0 : i32
    %sign3A_28 = arith.cmpi sgt, %jit3A_20, %sign3A_27 : i32
    %sign3A_29 = arith.extui %sign3A_28 : i1 to i32
    %sign3A_30 = arith.constant 0 : i32
    %sign3A_31 = arith.cmpi slt, %jit3A_20, %sign3A_30 : i32
    %sign3A_32 = arith.extui %sign3A_31 : i1 to i32
    %sign3A_33 = arith.subi %sign3A_29, %sign3A_32 : i32
    %ne3A = arith.cmpi ne, %sign3A_26, %sign3A_33 : i32
    %rem3A = arith.remsi %add3A_4, %jit3A_20 : i32
    %ne3A_34 = arith.constant 0 : i32
    %ne3A_35 = arith.cmpi ne, %rem3A, %ne3A_34 : i32
    %and3A = arith.andi %ne3A, %ne3A_35 : i1
    %sub3A = arith.constant 1 : i32
    %sub3A_36 = arith.subi %div3A, %sub3A : i32
    %select_n3A_37 = arith.select %and3A, %sub3A_36, %div3A : i32
    %add3A_38 = arith.constant 0 : i32
    %add3A_39 = arith.addi %mul3A_10, %add3A_38 : i32
    %dma_start3A = arith.constant 0 : i32
    %dma_start3A_40 = arith.constant 0 : i32
    %dma_start3A_41 = tpu.memref_slice %arg3[%dma_start3A, %add3A_39] : memref<2x320000xi32, #tpu.memory_space<hbm>> -> memref<1x128xi32, #tpu.memory_space<hbm>>
    %dma_start3A_42 = tpu.memref_squeeze %dma_start3A_41 : memref<1x128xi32, #tpu.memory_space<hbm>> -> memref<128xi32, #tpu.memory_space<hbm>>
    %dma_start3A_43 = tpu.memref_slice %arg16[%dma_start3A_40] : memref<3x!tpu.dma_semaphore, #tpu.memory_space<semaphore_mem>> -> memref<1x!tpu.dma_semaphore, #tpu.memory_space<semaphore_mem>>
    %dma_start3A_44 = tpu.memref_squeeze %dma_start3A_43 : memref<1x!tpu.dma_semaphore, #tpu.memory_space<semaphore_mem>> -> memref<!tpu.dma_semaphore, #tpu.memory_space<semaphore_mem>>
    %dma_start3A_45 = tpu.memref_slice %arg3[%dma_start3A, %add3A_39] : memref<2x320000xi32, #tpu.memory_space<hbm>> -> memref<1x128xi32, #tpu.memory_space<hbm>>
    %dma_start3A_46 = tpu.memref_squeeze %dma_start3A_45 : memref<1x128xi32, #tpu.memory_space<hbm>> -> memref<128xi32, #tpu.memory_space<hbm>>
    tpu.enqueue_dma source(%dma_start3A_46 : memref<128xi32, #tpu.memory_space<hbm>>) target(%arg7 : memref<128xi32, #tpu.memory_space<vmem>>) target_semaphore(%dma_start3A_44 : memref<!tpu.dma_semaphore, #tpu.memory_space<semaphore_mem>>)
    %add3A_47 = arith.constant 0 : i32
    %add3A_48 = arith.addi %mul3A_10, %add3A_47 : i32
    %dma_start3A_49 = arith.constant 0 : i32
    %dma_start3A_50 = arith.constant 1 : i32
    %dma_start3A_51 = tpu.memref_slice %arg3[%dma_start3A_50, %add3A_48] : memref<2x320000xi32, #tpu.memory_space<hbm>> -> memref<1x128xi32, #tpu.memory_space<hbm>>
    %dma_start3A_52 = tpu.memref_slice %arg17[%dma_start3A_49] : memref<3x!tpu.dma_semaphore, #tpu.memory_space<semaphore_mem>> -> memref<1x!tpu.dma_semaphore, #tpu.memory_space<semaphore_mem>>
    %dma_start3A_53 = tpu.memref_squeeze %dma_start3A_52 : memref<1x!tpu.dma_semaphore, #tpu.memory_space<semaphore_mem>> -> memref<!tpu.dma_semaphore, #tpu.memory_space<semaphore_mem>>
    %dma_start3A_54 = arith.constant 1 : i32
    %dma_start3A_55 = tpu.memref_slice %arg3[%dma_start3A_54, %add3A_48] : memref<2x320000xi32, #tpu.memory_space<hbm>> -> memref<1x128xi32, #tpu.memory_space<hbm>>
    tpu.enqueue_dma source(%dma_start3A_55 : memref<1x128xi32, #tpu.memory_space<hbm>>) target(%arg10 : memref<1x128xi32, #tpu.memory_space<vmem>>) target_semaphore(%dma_start3A_53 : memref<!tpu.dma_semaphore, #tpu.memory_space<semaphore_mem>>)
    %add3A_56 = arith.constant 0 : i32
    %add3A_57 = arith.addi %mul3A_10, %add3A_56 : i32
    %dma_wait3A = arith.constant 0 : i32
    %dma_wait3A_58 = arith.constant 0 : i32
    %dma_wait3A_59 = tpu.memref_slice %arg3[%dma_wait3A, %add3A_57] : memref<2x320000xi32, #tpu.memory_space<hbm>> -> memref<1x128xi32, #tpu.memory_space<hbm>>
    %dma_wait3A_60 = tpu.memref_squeeze %dma_wait3A_59 : memref<1x128xi32, #tpu.memory_space<hbm>> -> memref<128xi32, #tpu.memory_space<hbm>>
    %dma_wait3A_61 = tpu.memref_slice %arg16[%dma_wait3A_58] : memref<3x!tpu.dma_semaphore, #tpu.memory_space<semaphore_mem>> -> memref<1x!tpu.dma_semaphore, #tpu.memory_space<semaphore_mem>>
    %dma_wait3A_62 = tpu.memref_squeeze %dma_wait3A_61 : memref<1x!tpu.dma_semaphore, #tpu.memory_space<semaphore_mem>> -> memref<!tpu.dma_semaphore, #tpu.memory_space<semaphore_mem>>
    %dma_wait3A_63 = tpu.memref_slice %arg3[%dma_wait3A, %add3A_57] : memref<2x320000xi32, #tpu.memory_space<hbm>> -> memref<1x128xi32, #tpu.memory_space<hbm>>
    %dma_wait3A_64 = tpu.memref_squeeze %dma_wait3A_63 : memref<1x128xi32, #tpu.memory_space<hbm>> -> memref<128xi32, #tpu.memory_space<hbm>>
    tpu.wait_dma2 semaphore(%dma_wait3A_62 : memref<!tpu.dma_semaphore, #tpu.memory_space<semaphore_mem>>) src(%dma_wait3A_64 : memref<128xi32, #tpu.memory_space<hbm>>) dst(%arg7 : memref<128xi32, #tpu.memory_space<vmem>>)
    %dma_start3A_65 = arith.constant 0 : i32
    %dma_start3A_66 = arith.constant 0 : i32
    %dma_start3A_67 = arith.constant 0 : i32
    %dma_start3A_68 = tpu.memref_slice %arg2[%dma_start3A_66, %dma_start3A_67] : memref<10000x128xf32, #tpu.memory_space<hbm>> -> memref<10000x128xf32, #tpu.memory_space<hbm>>
    %dma_start3A_69 = tpu.memref_slice %arg18[%dma_start3A_65] : memref<3x!tpu.dma_semaphore, #tpu.memory_space<semaphore_mem>> -> memref<1x!tpu.dma_semaphore, #tpu.memory_space<semaphore_mem>>
    %dma_start3A_70 = tpu.memref_squeeze %dma_start3A_69 : memref<1x!tpu.dma_semaphore, #tpu.memory_space<semaphore_mem>> -> memref<!tpu.dma_semaphore, #tpu.memory_space<semaphore_mem>>
    tpu.enqueue_indirect_dma source(%dma_start3A_68 : memref<10000x128xf32, #tpu.memory_space<hbm>>) target(%arg13 : memref<128x128xf32, #tpu.memory_space<vmem>>) offsets(%arg7 : memref<128xi32, #tpu.memory_space<vmem>>) semaphore(%dma_start3A_70 : memref<!tpu.dma_semaphore, #tpu.memory_space<semaphore_mem>>)
    %add3A_71 = arith.constant 128 : i32
    %add3A_72 = arith.addi %mul3A_10, %add3A_71 : i32
    %dma_start3A_73 = arith.constant 0 : i32
    %dma_start3A_74 = arith.constant 1 : i32
    %dma_start3A_75 = tpu.memref_slice %arg3[%dma_start3A_73, %add3A_72] : memref<2x320000xi32, #tpu.memory_space<hbm>> -> memref<1x128xi32, #tpu.memory_space<hbm>>
    %dma_start3A_76 = tpu.memref_squeeze %dma_start3A_75 : memref<1x128xi32, #tpu.memory_space<hbm>> -> memref<128xi32, #tpu.memory_space<hbm>>
    %dma_start3A_77 = tpu.memref_slice %arg16[%dma_start3A_74] : memref<3x!tpu.dma_semaphore, #tpu.memory_space<semaphore_mem>> -> memref<1x!tpu.dma_semaphore, #tpu.memory_space<semaphore_mem>>
    %dma_start3A_78 = tpu.memref_squeeze %dma_start3A_77 : memref<1x!tpu.dma_semaphore, #tpu.memory_space<semaphore_mem>> -> memref<!tpu.dma_semaphore, #tpu.memory_space<semaphore_mem>>
    %dma_start3A_79 = tpu.memref_slice %arg3[%dma_start3A_73, %add3A_72] : memref<2x320000xi32, #tpu.memory_space<hbm>> -> memref<1x128xi32, #tpu.memory_space<hbm>>
    %dma_start3A_80 = tpu.memref_squeeze %dma_start3A_79 : memref<1x128xi32, #tpu.memory_space<hbm>> -> memref<128xi32, #tpu.memory_space<hbm>>
    tpu.enqueue_dma source(%dma_start3A_80 : memref<128xi32, #tpu.memory_space<hbm>>) target(%arg8 : memref<128xi32, #tpu.memory_space<vmem>>) target_semaphore(%dma_start3A_78 : memref<!tpu.dma_semaphore, #tpu.memory_space<semaphore_mem>>)
    %add3A_81 = arith.constant 128 : i32
    %add3A_82 = arith.addi %mul3A_10, %add3A_81 : i32
    %dma_start3A_83 = arith.constant 1 : i32
    %dma_start3A_84 = arith.constant 1 : i32
    %dma_start3A_85 = tpu.memref_slice %arg3[%dma_start3A_84, %add3A_82] : memref<2x320000xi32, #tpu.memory_space<hbm>> -> memref<1x128xi32, #tpu.memory_space<hbm>>
    %dma_start3A_86 = tpu.memref_slice %arg17[%dma_start3A_83] : memref<3x!tpu.dma_semaphore, #tpu.memory_space<semaphore_mem>> -> memref<1x!tpu.dma_semaphore, #tpu.memory_space<semaphore_mem>>
    %dma_start3A_87 = tpu.memref_squeeze %dma_start3A_86 : memref<1x!tpu.dma_semaphore, #tpu.memory_space<semaphore_mem>> -> memref<!tpu.dma_semaphore, #tpu.memory_space<semaphore_mem>>
    %dma_start3A_88 = arith.constant 1 : i32
    %dma_start3A_89 = tpu.memref_slice %arg3[%dma_start3A_88, %add3A_82] : memref<2x320000xi32, #tpu.memory_space<hbm>> -> memref<1x128xi32, #tpu.memory_space<hbm>>
    tpu.enqueue_dma source(%dma_start3A_89 : memref<1x128xi32, #tpu.memory_space<hbm>>) target(%arg11 : memref<1x128xi32, #tpu.memory_space<vmem>>) target_semaphore(%dma_start3A_87 : memref<!tpu.dma_semaphore, #tpu.memory_space<semaphore_mem>>)
    %add3A_90 = arith.constant 128 : i32
    %add3A_91 = arith.addi %mul3A_10, %add3A_90 : i32
    %dma_wait3A_92 = arith.constant 0 : i32
    %dma_wait3A_93 = arith.constant 1 : i32
    %dma_wait3A_94 = tpu.memref_slice %arg3[%dma_wait3A_92, %add3A_91] : memref<2x320000xi32, #tpu.memory_space<hbm>> -> memref<1x128xi32, #tpu.memory_space<hbm>>
    %dma_wait3A_95 = tpu.memref_squeeze %dma_wait3A_94 : memref<1x128xi32, #tpu.memory_space<hbm>> -> memref<128xi32, #tpu.memory_space<hbm>>
    %dma_wait3A_96 = tpu.memref_slice %arg16[%dma_wait3A_93] : memref<3x!tpu.dma_semaphore, #tpu.memory_space<semaphore_mem>> -> memref<1x!tpu.dma_semaphore, #tpu.memory_space<semaphore_mem>>
    %dma_wait3A_97 = tpu.memref_squeeze %dma_wait3A_96 : memref<1x!tpu.dma_semaphore, #tpu.memory_space<semaphore_mem>> -> memref<!tpu.dma_semaphore, #tpu.memory_space<semaphore_mem>>
    %dma_wait3A_98 = tpu.memref_slice %arg3[%dma_wait3A_92, %add3A_91] : memref<2x320000xi32, #tpu.memory_space<hbm>> -> memref<1x128xi32, #tpu.memory_space<hbm>>
    %dma_wait3A_99 = tpu.memref_squeeze %dma_wait3A_98 : memref<1x128xi32, #tpu.memory_space<hbm>> -> memref<128xi32, #tpu.memory_space<hbm>>
    tpu.wait_dma2 semaphore(%dma_wait3A_97 : memref<!tpu.dma_semaphore, #tpu.memory_space<semaphore_mem>>) src(%dma_wait3A_99 : memref<128xi32, #tpu.memory_space<hbm>>) dst(%arg8 : memref<128xi32, #tpu.memory_space<vmem>>)
    %dma_start3A_100 = arith.constant 1 : i32
    %dma_start3A_101 = arith.constant 0 : i32
    %dma_start3A_102 = arith.constant 0 : i32
    %dma_start3A_103 = tpu.memref_slice %arg2[%dma_start3A_101, %dma_start3A_102] : memref<10000x128xf32, #tpu.memory_space<hbm>> -> memref<10000x128xf32, #tpu.memory_space<hbm>>
    %dma_start3A_104 = tpu.memref_slice %arg18[%dma_start3A_100] : memref<3x!tpu.dma_semaphore, #tpu.memory_space<semaphore_mem>> -> memref<1x!tpu.dma_semaphore, #tpu.memory_space<semaphore_mem>>
    %dma_start3A_105 = tpu.memref_squeeze %dma_start3A_104 : memref<1x!tpu.dma_semaphore, #tpu.memory_space<semaphore_mem>> -> memref<!tpu.dma_semaphore, #tpu.memory_space<semaphore_mem>>
    tpu.enqueue_indirect_dma source(%dma_start3A_103 : memref<10000x128xf32, #tpu.memory_space<hbm>>) target(%arg14 : memref<128x128xf32, #tpu.memory_space<vmem>>) offsets(%arg8 : memref<128xi32, #tpu.memory_space<vmem>>) semaphore(%dma_start3A_105 : memref<!tpu.dma_semaphore, #tpu.memory_space<semaphore_mem>>)
    %add3A_106 = arith.constant 256 : i32
    %add3A_107 = arith.addi %mul3A_10, %add3A_106 : i32
    %dma_start3A_108 = arith.constant 0 : i32
    %dma_start3A_109 = arith.constant 2 : i32
    %dma_start3A_110 = tpu.memref_slice %arg3[%dma_start3A_108, %add3A_107] : memref<2x320000xi32, #tpu.memory_space<hbm>> -> memref<1x128xi32, #tpu.memory_space<hbm>>
    %dma_start3A_111 = tpu.memref_squeeze %dma_start3A_110 : memref<1x128xi32, #tpu.memory_space<hbm>> -> memref<128xi32, #tpu.memory_space<hbm>>
    %dma_start3A_112 = tpu.memref_slice %arg16[%dma_start3A_109] : memref<3x!tpu.dma_semaphore, #tpu.memory_space<semaphore_mem>> -> memref<1x!tpu.dma_semaphore, #tpu.memory_space<semaphore_mem>>
    %dma_start3A_113 = tpu.memref_squeeze %dma_start3A_112 : memref<1x!tpu.dma_semaphore, #tpu.memory_space<semaphore_mem>> -> memref<!tpu.dma_semaphore, #tpu.memory_space<semaphore_mem>>
    %dma_start3A_114 = tpu.memref_slice %arg3[%dma_start3A_108, %add3A_107] : memref<2x320000xi32, #tpu.memory_space<hbm>> -> memref<1x128xi32, #tpu.memory_space<hbm>>
    %dma_start3A_115 = tpu.memref_squeeze %dma_start3A_114 : memref<1x128xi32, #tpu.memory_space<hbm>> -> memref<128xi32, #tpu.memory_space<hbm>>
    tpu.enqueue_dma source(%dma_start3A_115 : memref<128xi32, #tpu.memory_space<hbm>>) target(%arg9 : memref<128xi32, #tpu.memory_space<vmem>>) target_semaphore(%dma_start3A_113 : memref<!tpu.dma_semaphore, #tpu.memory_space<semaphore_mem>>)
    %add3A_116 = arith.constant 256 : i32
    %add3A_117 = arith.addi %mul3A_10, %add3A_116 : i32
    %dma_start3A_118 = arith.constant 2 : i32
    %dma_start3A_119 = arith.constant 1 : i32
    %dma_start3A_120 = tpu.memref_slice %arg3[%dma_start3A_119, %add3A_117] : memref<2x320000xi32, #tpu.memory_space<hbm>> -> memref<1x128xi32, #tpu.memory_space<hbm>>
    %dma_start3A_121 = tpu.memref_slice %arg17[%dma_start3A_118] : memref<3x!tpu.dma_semaphore, #tpu.memory_space<semaphore_mem>> -> memref<1x!tpu.dma_semaphore, #tpu.memory_space<semaphore_mem>>
    %dma_start3A_122 = tpu.memref_squeeze %dma_start3A_121 : memref<1x!tpu.dma_semaphore, #tpu.memory_space<semaphore_mem>> -> memref<!tpu.dma_semaphore, #tpu.memory_space<semaphore_mem>>
    %dma_start3A_123 = arith.constant 1 : i32
    %dma_start3A_124 = tpu.memref_slice %arg3[%dma_start3A_123, %add3A_117] : memref<2x320000xi32, #tpu.memory_space<hbm>> -> memref<1x128xi32, #tpu.memory_space<hbm>>
    tpu.enqueue_dma source(%dma_start3A_124 : memref<1x128xi32, #tpu.memory_space<hbm>>) target(%arg12 : memref<1x128xi32, #tpu.memory_space<vmem>>) target_semaphore(%dma_start3A_122 : memref<!tpu.dma_semaphore, #tpu.memory_space<semaphore_mem>>)
    %add3A_125 = arith.constant 256 : i32
    %add3A_126 = arith.addi %mul3A_10, %add3A_125 : i32
    %dma_wait3A_127 = arith.constant 0 : i32
    %dma_wait3A_128 = arith.constant 2 : i32
    %dma_wait3A_129 = tpu.memref_slice %arg3[%dma_wait3A_127, %add3A_126] : memref<2x320000xi32, #tpu.memory_space<hbm>> -> memref<1x128xi32, #tpu.memory_space<hbm>>
    %dma_wait3A_130 = tpu.memref_squeeze %dma_wait3A_129 : memref<1x128xi32, #tpu.memory_space<hbm>> -> memref<128xi32, #tpu.memory_space<hbm>>
    %dma_wait3A_131 = tpu.memref_slice %arg16[%dma_wait3A_128] : memref<3x!tpu.dma_semaphore, #tpu.memory_space<semaphore_mem>> -> memref<1x!tpu.dma_semaphore, #tpu.memory_space<semaphore_mem>>
    %dma_wait3A_132 = tpu.memref_squeeze %dma_wait3A_131 : memref<1x!tpu.dma_semaphore, #tpu.memory_space<semaphore_mem>> -> memref<!tpu.dma_semaphore, #tpu.memory_space<semaphore_mem>>
    %dma_wait3A_133 = tpu.memref_slice %arg3[%dma_wait3A_127, %add3A_126] : memref<2x320000xi32, #tpu.memory_space<hbm>> -> memref<1x128xi32, #tpu.memory_space<hbm>>
    %dma_wait3A_134 = tpu.memref_squeeze %dma_wait3A_133 : memref<1x128xi32, #tpu.memory_space<hbm>> -> memref<128xi32, #tpu.memory_space<hbm>>
    tpu.wait_dma2 semaphore(%dma_wait3A_132 : memref<!tpu.dma_semaphore, #tpu.memory_space<semaphore_mem>>) src(%dma_wait3A_134 : memref<128xi32, #tpu.memory_space<hbm>>) dst(%arg9 : memref<128xi32, #tpu.memory_space<vmem>>)
    %dma_start3A_135 = arith.constant 2 : i32
    %dma_start3A_136 = arith.constant 0 : i32
    %dma_start3A_137 = arith.constant 0 : i32
    %dma_start3A_138 = tpu.memref_slice %arg2[%dma_start3A_136, %dma_start3A_137] : memref<10000x128xf32, #tpu.memory_space<hbm>> -> memref<10000x128xf32, #tpu.memory_space<hbm>>
    %dma_start3A_139 = tpu.memref_slice %arg18[%dma_start3A_135] : memref<3x!tpu.dma_semaphore, #tpu.memory_space<semaphore_mem>> -> memref<1x!tpu.dma_semaphore, #tpu.memory_space<semaphore_mem>>
    %dma_start3A_140 = tpu.memref_squeeze %dma_start3A_139 : memref<1x!tpu.dma_semaphore, #tpu.memory_space<semaphore_mem>> -> memref<!tpu.dma_semaphore, #tpu.memory_space<semaphore_mem>>
    tpu.enqueue_indirect_dma source(%dma_start3A_138 : memref<10000x128xf32, #tpu.memory_space<hbm>>) target(%arg15 : memref<128x128xf32, #tpu.memory_space<vmem>>) offsets(%arg9 : memref<128xi32, #tpu.memory_space<vmem>>) semaphore(%dma_start3A_140 : memref<!tpu.dma_semaphore, #tpu.memory_space<semaphore_mem>>)
    %while3A = arith.constant 0 : i32
    %while3A_141 = arith.constant 0 : i32
    %while3A_142 = arith.subi %select_n3A_37, %while3A_141 : i32
    %while3A_143 = arith.addi %while3A_141, %while3A_142 : i32
    %while3A_144 = arith.constant 1 : i32
    %while3A_145 = arith.divsi %while3A_142, %while3A_144 : i32
    %while3A_146 = arith.muli %while3A_145, %while3A_144 : i32
    %while3A_147 = arith.addi %while3A_141, %while3A_146 : i32
    %while3A_148 = arith.constant 1 : i32
    scf.for %while3A_219 = %while3A_141 to %while3A_147 step %while3A_148  : i32 {
      %mul3A_220 = arith.constant 3 : i32
      %mul3A_221 = arith.muli %while3A_219, %mul3A_220 : i32
      %add3A_222 = arith.constant 0 : i32
      %add3A_223 = arith.addi %mul3A_221, %add3A_222 : i32
      %dma_wait3A_224 = arith.constant 0 : i32
      %dma_wait3A_225 = arith.constant 0 : i32
      %dma_wait3A_226 = arith.constant 0 : i32
      %dma_wait3A_227 = tpu.memref_slice %arg2[%dma_wait3A_225, %dma_wait3A_226] : memref<10000x128xf32, #tpu.memory_space<hbm>> -> memref<10000x128xf32, #tpu.memory_space<hbm>>
      %dma_wait3A_228 = tpu.memref_slice %arg18[%dma_wait3A_224] : memref<3x!tpu.dma_semaphore, #tpu.memory_space<semaphore_mem>> -> memref<1x!tpu.dma_semaphore, #tpu.memory_space<semaphore_mem>>
      %dma_wait3A_229 = tpu.memref_squeeze %dma_wait3A_228 : memref<1x!tpu.dma_semaphore, #tpu.memory_space<semaphore_mem>> -> memref<!tpu.dma_semaphore, #tpu.memory_space<semaphore_mem>>
      tpu.wait_indirect_dma semaphore(%dma_wait3A_229 : memref<!tpu.dma_semaphore, #tpu.memory_space<semaphore_mem>>) src(%dma_wait3A_227 : memref<10000x128xf32, #tpu.memory_space<hbm>>) dst(%arg13 : memref<128x128xf32, #tpu.memory_space<vmem>>)
      %mul3A_230 = arith.constant 128 : i32
      %mul3A_231 = arith.muli %add3A_223, %mul3A_230 : i32
      %add3A_232 = arith.addi %mul3A_10, %mul3A_231 : i32
      %dma_wait3A_233 = arith.constant 0 : i32
      %dma_wait3A_234 = arith.constant 1 : i32
      %dma_wait3A_235 = tpu.memref_slice %arg3[%dma_wait3A_234, %add3A_232] : memref<2x320000xi32, #tpu.memory_space<hbm>> -> memref<1x128xi32, #tpu.memory_space<hbm>>
      %dma_wait3A_236 = tpu.memref_slice %arg17[%dma_wait3A_233] : memref<3x!tpu.dma_semaphore, #tpu.memory_space<semaphore_mem>> -> memref<1x!tpu.dma_semaphore, #tpu.memory_space<semaphore_mem>>
      %dma_wait3A_237 = tpu.memref_squeeze %dma_wait3A_236 : memref<1x!tpu.dma_semaphore, #tpu.memory_space<semaphore_mem>> -> memref<!tpu.dma_semaphore, #tpu.memory_space<semaphore_mem>>
      %dma_wait3A_238 = arith.constant 1 : i32
      %dma_wait3A_239 = tpu.memref_slice %arg3[%dma_wait3A_238, %add3A_232] : memref<2x320000xi32, #tpu.memory_space<hbm>> -> memref<1x128xi32, #tpu.memory_space<hbm>>
      tpu.wait_dma2 semaphore(%dma_wait3A_237 : memref<!tpu.dma_semaphore, #tpu.memory_space<semaphore_mem>>) src(%dma_wait3A_239 : memref<1x128xi32, #tpu.memory_space<hbm>>) dst(%arg10 : memref<1x128xi32, #tpu.memory_space<vmem>>)
      %dma_start3A_240 = arith.constant 0 : i32
      %dma_start3A_241 = arith.constant 0 : i32
      %dma_start3A_242 = arith.constant 0 : i32
      %dma_start3A_243 = tpu.memref_slice %arg10[%dma_start3A_240, %dma_start3A_242] : memref<1x128xi32, #tpu.memory_space<vmem>> -> memref<1x128xi32, #tpu.memory_space<vmem>>
      %dma_start3A_244 = tpu.memref_squeeze %dma_start3A_243 : memref<1x128xi32, #tpu.memory_space<vmem>> -> memref<128xi32, #tpu.memory_space<vmem>>
      %dma_start3A_245 = arith.constant 0 : i32
      %dma_start3A_246 = arith.constant 0 : i32
      %dma_start3A_247 = tpu.memref_slice %arg6[%dma_start3A_245, %dma_start3A_246] : memref<10000x128xf32, #tpu.memory_space<vmem_shared>> -> memref<10000x128xf32, #tpu.memory_space<vmem_shared>>
      %dma_start3A_248 = tpu.memref_slice %arg19[%dma_start3A_241] : memref<3x!tpu.dma_semaphore, #tpu.memory_space<semaphore_mem>> -> memref<1x!tpu.dma_semaphore, #tpu.memory_space<semaphore_mem>>
      %dma_start3A_249 = tpu.memref_squeeze %dma_start3A_248 : memref<1x!tpu.dma_semaphore, #tpu.memory_space<semaphore_mem>> -> memref<!tpu.dma_semaphore, #tpu.memory_space<semaphore_mem>>
      tpu.enqueue_indirect_dma source(%arg13 : memref<128x128xf32, #tpu.memory_space<vmem>>) target(%dma_start3A_247 : memref<10000x128xf32, #tpu.memory_space<vmem_shared>>) offsets(%dma_start3A_244 : memref<128xi32, #tpu.memory_space<vmem>>) semaphore(%dma_start3A_249 : memref<!tpu.dma_semaphore, #tpu.memory_space<semaphore_mem>>) {add = true}
      %add3A_250 = arith.constant 3 : i32
      %add3A_251 = arith.addi %add3A_223, %add3A_250 : i32
      %eq3A_252 = arith.constant 0 : i32
      %eq3A_253 = arith.cmpi eq, %add3A_4, %eq3A_252 : i32
      %jit3A_254 = arith.constant 1 : i32
      %select_n3A_255 = arith.select %eq3A_253, %jit3A_254, %add3A_4 : i32
      %rem3A_256 = arith.remsi %add3A_251, %select_n3A_255 : i32
      %ne3A_257 = arith.constant 0 : i32
      %ne3A_258 = arith.cmpi ne, %rem3A_256, %ne3A_257 : i32
      %lt3A_259 = arith.constant 0 : i32
      %lt3A_260 = arith.cmpi slt, %rem3A_256, %lt3A_259 : i32
      %lt3A_261 = arith.constant 0 : i32
      %lt3A_262 = arith.cmpi slt, %select_n3A_255, %lt3A_261 : i32
      %ne3A_263 = arith.xori %lt3A_260, %lt3A_262 : i1
      %and3A_264 = arith.andi %ne3A_263, %ne3A_258 : i1
      %add3A_265 = arith.addi %rem3A_256, %select_n3A_255 : i32
      %select_n3A_266 = arith.select %and3A_264, %add3A_265, %rem3A_256 : i32
      %mul3A_267 = arith.constant 128 : i32
      %mul3A_268 = arith.muli %select_n3A_266, %mul3A_267 : i32
      %add3A_269 = arith.addi %mul3A_10, %mul3A_268 : i32
      %dma_start3A_270 = arith.constant 0 : i32
      %dma_start3A_271 = arith.constant 0 : i32
      %dma_start3A_272 = tpu.memref_slice %arg3[%dma_start3A_270, %add3A_269] : memref<2x320000xi32, #tpu.memory_space<hbm>> -> memref<1x128xi32, #tpu.memory_space<hbm>>
      %dma_start3A_273 = tpu.memref_squeeze %dma_start3A_272 : memref<1x128xi32, #tpu.memory_space<hbm>> -> memref<128xi32, #tpu.memory_space<hbm>>
      %dma_start3A_274 = tpu.memref_slice %arg16[%dma_start3A_271] : memref<3x!tpu.dma_semaphore, #tpu.memory_space<semaphore_mem>> -> memref<1x!tpu.dma_semaphore, #tpu.memory_space<semaphore_mem>>
      %dma_start3A_275 = tpu.memref_squeeze %dma_start3A_274 : memref<1x!tpu.dma_semaphore, #tpu.memory_space<semaphore_mem>> -> memref<!tpu.dma_semaphore, #tpu.memory_space<semaphore_mem>>
      %dma_start3A_276 = tpu.memref_slice %arg3[%dma_start3A_270, %add3A_269] : memref<2x320000xi32, #tpu.memory_space<hbm>> -> memref<1x128xi32, #tpu.memory_space<hbm>>
      %dma_start3A_277 = tpu.memref_squeeze %dma_start3A_276 : memref<1x128xi32, #tpu.memory_space<hbm>> -> memref<128xi32, #tpu.memory_space<hbm>>
      tpu.enqueue_dma source(%dma_start3A_277 : memref<128xi32, #tpu.memory_space<hbm>>) target(%arg7 : memref<128xi32, #tpu.memory_space<vmem>>) target_semaphore(%dma_start3A_275 : memref<!tpu.dma_semaphore, #tpu.memory_space<semaphore_mem>>)
      %add3A_278 = arith.constant 1 : i32
      %add3A_279 = arith.addi %mul3A_221, %add3A_278 : i32
      %dma_wait3A_280 = arith.constant 1 : i32
      %dma_wait3A_281 = arith.constant 0 : i32
      %dma_wait3A_282 = arith.constant 0 : i32
      %dma_wait3A_283 = tpu.memref_slice %arg2[%dma_wait3A_281, %dma_wait3A_282] : memref<10000x128xf32, #tpu.memory_space<hbm>> -> memref<10000x128xf32, #tpu.memory_space<hbm>>
      %dma_wait3A_284 = tpu.memref_slice %arg18[%dma_wait3A_280] : memref<3x!tpu.dma_semaphore, #tpu.memory_space<semaphore_mem>> -> memref<1x!tpu.dma_semaphore, #tpu.memory_space<semaphore_mem>>
      %dma_wait3A_285 = tpu.memref_squeeze %dma_wait3A_284 : memref<1x!tpu.dma_semaphore, #tpu.memory_space<semaphore_mem>> -> memref<!tpu.dma_semaphore, #tpu.memory_space<semaphore_mem>>
      tpu.wait_indirect_dma semaphore(%dma_wait3A_285 : memref<!tpu.dma_semaphore, #tpu.memory_space<semaphore_mem>>) src(%dma_wait3A_283 : memref<10000x128xf32, #tpu.memory_space<hbm>>) dst(%arg14 : memref<128x128xf32, #tpu.memory_space<vmem>>)
      %mul3A_286 = arith.constant 128 : i32
      %mul3A_287 = arith.muli %add3A_279, %mul3A_286 : i32
      %add3A_288 = arith.addi %mul3A_10, %mul3A_287 : i32
      %dma_wait3A_289 = arith.constant 1 : i32
      %dma_wait3A_290 = arith.constant 1 : i32
      %dma_wait3A_291 = tpu.memref_slice %arg3[%dma_wait3A_290, %add3A_288] : memref<2x320000xi32, #tpu.memory_space<hbm>> -> memref<1x128xi32, #tpu.memory_space<hbm>>
      %dma_wait3A_292 = tpu.memref_slice %arg17[%dma_wait3A_289] : memref<3x!tpu.dma_semaphore, #tpu.memory_space<semaphore_mem>> -> memref<1x!tpu.dma_semaphore, #tpu.memory_space<semaphore_mem>>
      %dma_wait3A_293 = tpu.memref_squeeze %dma_wait3A_292 : memref<1x!tpu.dma_semaphore, #tpu.memory_space<semaphore_mem>> -> memref<!tpu.dma_semaphore, #tpu.memory_space<semaphore_mem>>
      %dma_wait3A_294 = arith.constant 1 : i32
      %dma_wait3A_295 = tpu.memref_slice %arg3[%dma_wait3A_294, %add3A_288] : memref<2x320000xi32, #tpu.memory_space<hbm>> -> memref<1x128xi32, #tpu.memory_space<hbm>>
      tpu.wait_dma2 semaphore(%dma_wait3A_293 : memref<!tpu.dma_semaphore, #tpu.memory_space<semaphore_mem>>) src(%dma_wait3A_295 : memref<1x128xi32, #tpu.memory_space<hbm>>) dst(%arg11 : memref<1x128xi32, #tpu.memory_space<vmem>>)
      %dma_start3A_296 = arith.constant 0 : i32
      %dma_start3A_297 = arith.constant 1 : i32
      %dma_start3A_298 = arith.constant 0 : i32
      %dma_start3A_299 = tpu.memref_slice %arg11[%dma_start3A_296, %dma_start3A_298] : memref<1x128xi32, #tpu.memory_space<vmem>> -> memref<1x128xi32, #tpu.memory_space<vmem>>
      %dma_start3A_300 = tpu.memref_squeeze %dma_start3A_299 : memref<1x128xi32, #tpu.memory_space<vmem>> -> memref<128xi32, #tpu.memory_space<vmem>>
      %dma_start3A_301 = arith.constant 0 : i32
      %dma_start3A_302 = arith.constant 0 : i32
      %dma_start3A_303 = tpu.memref_slice %arg6[%dma_start3A_301, %dma_start3A_302] : memref<10000x128xf32, #tpu.memory_space<vmem_shared>> -> memref<10000x128xf32, #tpu.memory_space<vmem_shared>>
      %dma_start3A_304 = tpu.memref_slice %arg19[%dma_start3A_297] : memref<3x!tpu.dma_semaphore, #tpu.memory_space<semaphore_mem>> -> memref<1x!tpu.dma_semaphore, #tpu.memory_space<semaphore_mem>>
      %dma_start3A_305 = tpu.memref_squeeze %dma_start3A_304 : memref<1x!tpu.dma_semaphore, #tpu.memory_space<semaphore_mem>> -> memref<!tpu.dma_semaphore, #tpu.memory_space<semaphore_mem>>
      tpu.enqueue_indirect_dma source(%arg14 : memref<128x128xf32, #tpu.memory_space<vmem>>) target(%dma_start3A_303 : memref<10000x128xf32, #tpu.memory_space<vmem_shared>>) offsets(%dma_start3A_300 : memref<128xi32, #tpu.memory_space<vmem>>) semaphore(%dma_start3A_305 : memref<!tpu.dma_semaphore, #tpu.memory_space<semaphore_mem>>) {add = true}
      %add3A_306 = arith.constant 3 : i32
      %add3A_307 = arith.addi %add3A_279, %add3A_306 : i32
      %eq3A_308 = arith.constant 0 : i32
      %eq3A_309 = arith.cmpi eq, %add3A_4, %eq3A_308 : i32
      %jit3A_310 = arith.constant 1 : i32
      %select_n3A_311 = arith.select %eq3A_309, %jit3A_310, %add3A_4 : i32
      %rem3A_312 = arith.remsi %add3A_307, %select_n3A_311 : i32
      %ne3A_313 = arith.constant 0 : i32
      %ne3A_314 = arith.cmpi ne, %rem3A_312, %ne3A_313 : i32
      %lt3A_315 = arith.constant 0 : i32
      %lt3A_316 = arith.cmpi slt, %rem3A_312, %lt3A_315 : i32
      %lt3A_317 = arith.constant 0 : i32
      %lt3A_318 = arith.cmpi slt, %select_n3A_311, %lt3A_317 : i32
      %ne3A_319 = arith.xori %lt3A_316, %lt3A_318 : i1
      %and3A_320 = arith.andi %ne3A_319, %ne3A_314 : i1
      %add3A_321 = arith.addi %rem3A_312, %select_n3A_311 : i32
      %select_n3A_322 = arith.select %and3A_320, %add3A_321, %rem3A_312 : i32
      %mul3A_323 = arith.constant 128 : i32
      %mul3A_324 = arith.muli %select_n3A_322, %mul3A_323 : i32
      %add3A_325 = arith.addi %mul3A_10, %mul3A_324 : i32
      %dma_start3A_326 = arith.constant 0 : i32
      %dma_start3A_327 = arith.constant 1 : i32
      %dma_start3A_328 = tpu.memref_slice %arg3[%dma_start3A_326, %add3A_325] : memref<2x320000xi32, #tpu.memory_space<hbm>> -> memref<1x128xi32, #tpu.memory_space<hbm>>
      %dma_start3A_329 = tpu.memref_squeeze %dma_start3A_328 : memref<1x128xi32, #tpu.memory_space<hbm>> -> memref<128xi32, #tpu.memory_space<hbm>>
      %dma_start3A_330 = tpu.memref_slice %arg16[%dma_start3A_327] : memref<3x!tpu.dma_semaphore, #tpu.memory_space<semaphore_mem>> -> memref<1x!tpu.dma_semaphore, #tpu.memory_space<semaphore_mem>>
      %dma_start3A_331 = tpu.memref_squeeze %dma_start3A_330 : memref<1x!tpu.dma_semaphore, #tpu.memory_space<semaphore_mem>> -> memref<!tpu.dma_semaphore, #tpu.memory_space<semaphore_mem>>
      %dma_start3A_332 = tpu.memref_slice %arg3[%dma_start3A_326, %add3A_325] : memref<2x320000xi32, #tpu.memory_space<hbm>> -> memref<1x128xi32, #tpu.memory_space<hbm>>
      %dma_start3A_333 = tpu.memref_squeeze %dma_start3A_332 : memref<1x128xi32, #tpu.memory_space<hbm>> -> memref<128xi32, #tpu.memory_space<hbm>>
      tpu.enqueue_dma source(%dma_start3A_333 : memref<128xi32, #tpu.memory_space<hbm>>) target(%arg8 : memref<128xi32, #tpu.memory_space<vmem>>) target_semaphore(%dma_start3A_331 : memref<!tpu.dma_semaphore, #tpu.memory_space<semaphore_mem>>)
      %add3A_334 = arith.constant 2 : i32
      %add3A_335 = arith.addi %mul3A_221, %add3A_334 : i32
      %dma_wait3A_336 = arith.constant 2 : i32
      %dma_wait3A_337 = arith.constant 0 : i32
      %dma_wait3A_338 = arith.constant 0 : i32
      %dma_wait3A_339 = tpu.memref_slice %arg2[%dma_wait3A_337, %dma_wait3A_338] : memref<10000x128xf32, #tpu.memory_space<hbm>> -> memref<10000x128xf32, #tpu.memory_space<hbm>>
      %dma_wait3A_340 = tpu.memref_slice %arg18[%dma_wait3A_336] : memref<3x!tpu.dma_semaphore, #tpu.memory_space<semaphore_mem>> -> memref<1x!tpu.dma_semaphore, #tpu.memory_space<semaphore_mem>>
      %dma_wait3A_341 = tpu.memref_squeeze %dma_wait3A_340 : memref<1x!tpu.dma_semaphore, #tpu.memory_space<semaphore_mem>> -> memref<!tpu.dma_semaphore, #tpu.memory_space<semaphore_mem>>
      tpu.wait_indirect_dma semaphore(%dma_wait3A_341 : memref<!tpu.dma_semaphore, #tpu.memory_space<semaphore_mem>>) src(%dma_wait3A_339 : memref<10000x128xf32, #tpu.memory_space<hbm>>) dst(%arg15 : memref<128x128xf32, #tpu.memory_space<vmem>>)
      %mul3A_342 = arith.constant 128 : i32
      %mul3A_343 = arith.muli %add3A_335, %mul3A_342 : i32
      %add3A_344 = arith.addi %mul3A_10, %mul3A_343 : i32
      %dma_wait3A_345 = arith.constant 2 : i32
      %dma_wait3A_346 = arith.constant 1 : i32
      %dma_wait3A_347 = tpu.memref_slice %arg3[%dma_wait3A_346, %add3A_344] : memref<2x320000xi32, #tpu.memory_space<hbm>> -> memref<1x128xi32, #tpu.memory_space<hbm>>
      %dma_wait3A_348 = tpu.memref_slice %arg17[%dma_wait3A_345] : memref<3x!tpu.dma_semaphore, #tpu.memory_space<semaphore_mem>> -> memref<1x!tpu.dma_semaphore, #tpu.memory_space<semaphore_mem>>
      %dma_wait3A_349 = tpu.memref_squeeze %dma_wait3A_348 : memref<1x!tpu.dma_semaphore, #tpu.memory_space<semaphore_mem>> -> memref<!tpu.dma_semaphore, #tpu.memory_space<semaphore_mem>>
      %dma_wait3A_350 = arith.constant 1 : i32
      %dma_wait3A_351 = tpu.memref_slice %arg3[%dma_wait3A_350, %add3A_344] : memref<2x320000xi32, #tpu.memory_space<hbm>> -> memref<1x128xi32, #tpu.memory_space<hbm>>
      tpu.wait_dma2 semaphore(%dma_wait3A_349 : memref<!tpu.dma_semaphore, #tpu.memory_space<semaphore_mem>>) src(%dma_wait3A_351 : memref<1x128xi32, #tpu.memory_space<hbm>>) dst(%arg12 : memref<1x128xi32, #tpu.memory_space<vmem>>)
      %dma_start3A_352 = arith.constant 0 : i32
      %dma_start3A_353 = arith.constant 2 : i32
      %dma_start3A_354 = arith.constant 0 : i32
      %dma_start3A_355 = tpu.memref_slice %arg12[%dma_start3A_352, %dma_start3A_354] : memref<1x128xi32, #tpu.memory_space<vmem>> -> memref<1x128xi32, #tpu.memory_space<vmem>>
      %dma_start3A_356 = tpu.memref_squeeze %dma_start3A_355 : memref<1x128xi32, #tpu.memory_space<vmem>> -> memref<128xi32, #tpu.memory_space<vmem>>
      %dma_start3A_357 = arith.constant 0 : i32
      %dma_start3A_358 = arith.constant 0 : i32
      %dma_start3A_359 = tpu.memref_slice %arg6[%dma_start3A_357, %dma_start3A_358] : memref<10000x128xf32, #tpu.memory_space<vmem_shared>> -> memref<10000x128xf32, #tpu.memory_space<vmem_shared>>
      %dma_start3A_360 = tpu.memref_slice %arg19[%dma_start3A_353] : memref<3x!tpu.dma_semaphore, #tpu.memory_space<semaphore_mem>> -> memref<1x!tpu.dma_semaphore, #tpu.memory_space<semaphore_mem>>
      %dma_start3A_361 = tpu.memref_squeeze %dma_start3A_360 : memref<1x!tpu.dma_semaphore, #tpu.memory_space<semaphore_mem>> -> memref<!tpu.dma_semaphore, #tpu.memory_space<semaphore_mem>>
      tpu.enqueue_indirect_dma source(%arg15 : memref<128x128xf32, #tpu.memory_space<vmem>>) target(%dma_start3A_359 : memref<10000x128xf32, #tpu.memory_space<vmem_shared>>) offsets(%dma_start3A_356 : memref<128xi32, #tpu.memory_space<vmem>>) semaphore(%dma_start3A_361 : memref<!tpu.dma_semaphore, #tpu.memory_space<semaphore_mem>>) {add = true}
      %add3A_362 = arith.constant 3 : i32
      %add3A_363 = arith.addi %add3A_335, %add3A_362 : i32
      %eq3A_364 = arith.constant 0 : i32
      %eq3A_365 = arith.cmpi eq, %add3A_4, %eq3A_364 : i32
      %jit3A_366 = arith.constant 1 : i32
      %select_n3A_367 = arith.select %eq3A_365, %jit3A_366, %add3A_4 : i32
      %rem3A_368 = arith.remsi %add3A_363, %select_n3A_367 : i32
      %ne3A_369 = arith.constant 0 : i32
      %ne3A_370 = arith.cmpi ne, %rem3A_368, %ne3A_369 : i32
      %lt3A_371 = arith.constant 0 : i32
      %lt3A_372 = arith.cmpi slt, %rem3A_368, %lt3A_371 : i32
      %lt3A_373 = arith.constant 0 : i32
      %lt3A_374 = arith.cmpi slt, %select_n3A_367, %lt3A_373 : i32
      %ne3A_375 = arith.xori %lt3A_372, %lt3A_374 : i1
      %and3A_376 = arith.andi %ne3A_375, %ne3A_370 : i1
      %add3A_377 = arith.addi %rem3A_368, %select_n3A_367 : i32
      %select_n3A_378 = arith.select %and3A_376, %add3A_377, %rem3A_368 : i32
      %mul3A_379 = arith.constant 128 : i32
      %mul3A_380 = arith.muli %select_n3A_378, %mul3A_379 : i32
      %add3A_381 = arith.addi %mul3A_10, %mul3A_380 : i32
      %dma_start3A_382 = arith.constant 0 : i32
      %dma_start3A_383 = arith.constant 2 : i32
      %dma_start3A_384 = tpu.memref_slice %arg3[%dma_start3A_382, %add3A_381] : memref<2x320000xi32, #tpu.memory_space<hbm>> -> memref<1x128xi32, #tpu.memory_space<hbm>>
      %dma_start3A_385 = tpu.memref_squeeze %dma_start3A_384 : memref<1x128xi32, #tpu.memory_space<hbm>> -> memref<128xi32, #tpu.memory_space<hbm>>
      %dma_start3A_386 = tpu.memref_slice %arg16[%dma_start3A_383] : memref<3x!tpu.dma_semaphore, #tpu.memory_space<semaphore_mem>> -> memref<1x!tpu.dma_semaphore, #tpu.memory_space<semaphore_mem>>
      %dma_start3A_387 = tpu.memref_squeeze %dma_start3A_386 : memref<1x!tpu.dma_semaphore, #tpu.memory_space<semaphore_mem>> -> memref<!tpu.dma_semaphore, #tpu.memory_space<semaphore_mem>>
      %dma_start3A_388 = tpu.memref_slice %arg3[%dma_start3A_382, %add3A_381] : memref<2x320000xi32, #tpu.memory_space<hbm>> -> memref<1x128xi32, #tpu.memory_space<hbm>>
      %dma_start3A_389 = tpu.memref_squeeze %dma_start3A_388 : memref<1x128xi32, #tpu.memory_space<hbm>> -> memref<128xi32, #tpu.memory_space<hbm>>
      tpu.enqueue_dma source(%dma_start3A_389 : memref<128xi32, #tpu.memory_space<hbm>>) target(%arg9 : memref<128xi32, #tpu.memory_space<vmem>>) target_semaphore(%dma_start3A_387 : memref<!tpu.dma_semaphore, #tpu.memory_space<semaphore_mem>>)
      %add3A_390 = arith.constant 0 : i32
      %add3A_391 = arith.addi %mul3A_221, %add3A_390 : i32
      %dma_wait3A_392 = arith.constant 0 : i32
      %dma_wait3A_393 = arith.constant 0 : i32
      %dma_wait3A_394 = arith.constant 0 : i32
      %dma_wait3A_395 = tpu.memref_slice %arg10[%dma_wait3A_392, %dma_wait3A_394] : memref<1x128xi32, #tpu.memory_space<vmem>> -> memref<1x128xi32, #tpu.memory_space<vmem>>
      %dma_wait3A_396 = tpu.memref_squeeze %dma_wait3A_395 : memref<1x128xi32, #tpu.memory_space<vmem>> -> memref<128xi32, #tpu.memory_space<vmem>>
      %dma_wait3A_397 = arith.constant 0 : i32
      %dma_wait3A_398 = arith.constant 0 : i32
      %dma_wait3A_399 = tpu.memref_slice %arg6[%dma_wait3A_397, %dma_wait3A_398] : memref<10000x128xf32, #tpu.memory_space<vmem_shared>> -> memref<10000x128xf32, #tpu.memory_space<vmem_shared>>
      %dma_wait3A_400 = tpu.memref_slice %arg19[%dma_wait3A_393] : memref<3x!tpu.dma_semaphore, #tpu.memory_space<semaphore_mem>> -> memref<1x!tpu.dma_semaphore, #tpu.memory_space<semaphore_mem>>
      %dma_wait3A_401 = tpu.memref_squeeze %dma_wait3A_400 : memref<1x!tpu.dma_semaphore, #tpu.memory_space<semaphore_mem>> -> memref<!tpu.dma_semaphore, #tpu.memory_space<semaphore_mem>>
      tpu.wait_indirect_dma semaphore(%dma_wait3A_401 : memref<!tpu.dma_semaphore, #tpu.memory_space<semaphore_mem>>) src(%arg13 : memref<128x128xf32, #tpu.memory_space<vmem>>) dst(%dma_wait3A_399 : memref<10000x128xf32, #tpu.memory_space<vmem_shared>>)
      %add3A_402 = arith.constant 3 : i32
      %add3A_403 = arith.addi %add3A_391, %add3A_402 : i32
      %eq3A_404 = arith.constant 0 : i32
      %eq3A_405 = arith.cmpi eq, %add3A_4, %eq3A_404 : i32
      %jit3A_406 = arith.constant 1 : i32
      %select_n3A_407 = arith.select %eq3A_405, %jit3A_406, %add3A_4 : i32
      %rem3A_408 = arith.remsi %add3A_403, %select_n3A_407 : i32
      %ne3A_409 = arith.constant 0 : i32
      %ne3A_410 = arith.cmpi ne, %rem3A_408, %ne3A_409 : i32
      %lt3A_411 = arith.constant 0 : i32
      %lt3A_412 = arith.cmpi slt, %rem3A_408, %lt3A_411 : i32
      %lt3A_413 = arith.constant 0 : i32
      %lt3A_414 = arith.cmpi slt, %select_n3A_407, %lt3A_413 : i32
      %ne3A_415 = arith.xori %lt3A_412, %lt3A_414 : i1
      %and3A_416 = arith.andi %ne3A_415, %ne3A_410 : i1
      %add3A_417 = arith.addi %rem3A_408, %select_n3A_407 : i32
      %select_n3A_418 = arith.select %and3A_416, %add3A_417, %rem3A_408 : i32
      %mul3A_419 = arith.constant 128 : i32
      %mul3A_420 = arith.muli %select_n3A_418, %mul3A_419 : i32
      %add3A_421 = arith.addi %mul3A_10, %mul3A_420 : i32
      %dma_start3A_422 = arith.constant 0 : i32
      %dma_start3A_423 = arith.constant 1 : i32
      %dma_start3A_424 = tpu.memref_slice %arg3[%dma_start3A_423, %add3A_421] : memref<2x320000xi32, #tpu.memory_space<hbm>> -> memref<1x128xi32, #tpu.memory_space<hbm>>
      %dma_start3A_425 = tpu.memref_slice %arg17[%dma_start3A_422] : memref<3x!tpu.dma_semaphore, #tpu.memory_space<semaphore_mem>> -> memref<1x!tpu.dma_semaphore, #tpu.memory_space<semaphore_mem>>
      %dma_start3A_426 = tpu.memref_squeeze %dma_start3A_425 : memref<1x!tpu.dma_semaphore, #tpu.memory_space<semaphore_mem>> -> memref<!tpu.dma_semaphore, #tpu.memory_space<semaphore_mem>>
      %dma_start3A_427 = arith.constant 1 : i32
      %dma_start3A_428 = tpu.memref_slice %arg3[%dma_start3A_427, %add3A_421] : memref<2x320000xi32, #tpu.memory_space<hbm>> -> memref<1x128xi32, #tpu.memory_space<hbm>>
      tpu.enqueue_dma source(%dma_start3A_428 : memref<1x128xi32, #tpu.memory_space<hbm>>) target(%arg10 : memref<1x128xi32, #tpu.memory_space<vmem>>) target_semaphore(%dma_start3A_426 : memref<!tpu.dma_semaphore, #tpu.memory_space<semaphore_mem>>)
      %mul3A_429 = arith.constant 128 : i32
      %mul3A_430 = arith.muli %add3A_391, %mul3A_429 : i32
      %add3A_431 = arith.addi %mul3A_10, %mul3A_430 : i32
      %dma_wait3A_432 = arith.constant 0 : i32
      %dma_wait3A_433 = arith.constant 0 : i32
      %dma_wait3A_434 = tpu.memref_slice %arg3[%dma_wait3A_432, %add3A_431] : memref<2x320000xi32, #tpu.memory_space<hbm>> -> memref<1x128xi32, #tpu.memory_space<hbm>>
      %dma_wait3A_435 = tpu.memref_squeeze %dma_wait3A_434 : memref<1x128xi32, #tpu.memory_space<hbm>> -> memref<128xi32, #tpu.memory_space<hbm>>
      %dma_wait3A_436 = tpu.memref_slice %arg16[%dma_wait3A_433] : memref<3x!tpu.dma_semaphore, #tpu.memory_space<semaphore_mem>> -> memref<1x!tpu.dma_semaphore, #tpu.memory_space<semaphore_mem>>
      %dma_wait3A_437 = tpu.memref_squeeze %dma_wait3A_436 : memref<1x!tpu.dma_semaphore, #tpu.memory_space<semaphore_mem>> -> memref<!tpu.dma_semaphore, #tpu.memory_space<semaphore_mem>>
      %dma_wait3A_438 = tpu.memref_slice %arg3[%dma_wait3A_432, %add3A_431] : memref<2x320000xi32, #tpu.memory_space<hbm>> -> memref<1x128xi32, #tpu.memory_space<hbm>>
      %dma_wait3A_439 = tpu.memref_squeeze %dma_wait3A_438 : memref<1x128xi32, #tpu.memory_space<hbm>> -> memref<128xi32, #tpu.memory_space<hbm>>
      tpu.wait_dma2 semaphore(%dma_wait3A_437 : memref<!tpu.dma_semaphore, #tpu.memory_space<semaphore_mem>>) src(%dma_wait3A_439 : memref<128xi32, #tpu.memory_space<hbm>>) dst(%arg7 : memref<128xi32, #tpu.memory_space<vmem>>)
      %dma_start3A_440 = arith.constant 0 : i32
      %dma_start3A_441 = arith.constant 0 : i32
      %dma_start3A_442 = arith.constant 0 : i32
      %dma_start3A_443 = tpu.memref_slice %arg2[%dma_start3A_441, %dma_start3A_442] : memref<10000x128xf32, #tpu.memory_space<hbm>> -> memref<10000x128xf32, #tpu.memory_space<hbm>>
      %dma_start3A_444 = tpu.memref_slice %arg18[%dma_start3A_440] : memref<3x!tpu.dma_semaphore, #tpu.memory_space<semaphore_mem>> -> memref<1x!tpu.dma_semaphore, #tpu.memory_space<semaphore_mem>>
      %dma_start3A_445 = tpu.memref_squeeze %dma_start3A_444 : memref<1x!tpu.dma_semaphore, #tpu.memory_space<semaphore_mem>> -> memref<!tpu.dma_semaphore, #tpu.memory_space<semaphore_mem>>
      tpu.enqueue_indirect_dma source(%dma_start3A_443 : memref<10000x128xf32, #tpu.memory_space<hbm>>) target(%arg13 : memref<128x128xf32, #tpu.memory_space<vmem>>) offsets(%arg7 : memref<128xi32, #tpu.memory_space<vmem>>) semaphore(%dma_start3A_445 : memref<!tpu.dma_semaphore, #tpu.memory_space<semaphore_mem>>)
      %add3A_446 = arith.constant 1 : i32
      %add3A_447 = arith.addi %mul3A_221, %add3A_446 : i32
      %dma_wait3A_448 = arith.constant 0 : i32
      %dma_wait3A_449 = arith.constant 1 : i32
      %dma_wait3A_450 = arith.constant 0 : i32
      %dma_wait3A_451 = tpu.memref_slice %arg11[%dma_wait3A_448, %dma_wait3A_450] : memref<1x128xi32, #tpu.memory_space<vmem>> -> memref<1x128xi32, #tpu.memory_space<vmem>>
      %dma_wait3A_452 = tpu.memref_squeeze %dma_wait3A_451 : memref<1x128xi32, #tpu.memory_space<vmem>> -> memref<128xi32, #tpu.memory_space<vmem>>
      %dma_wait3A_453 = arith.constant 0 : i32
      %dma_wait3A_454 = arith.constant 0 : i32
      %dma_wait3A_455 = tpu.memref_slice %arg6[%dma_wait3A_453, %dma_wait3A_454] : memref<10000x128xf32, #tpu.memory_space<vmem_shared>> -> memref<10000x128xf32, #tpu.memory_space<vmem_shared>>
      %dma_wait3A_456 = tpu.memref_slice %arg19[%dma_wait3A_449] : memref<3x!tpu.dma_semaphore, #tpu.memory_space<semaphore_mem>> -> memref<1x!tpu.dma_semaphore, #tpu.memory_space<semaphore_mem>>
      %dma_wait3A_457 = tpu.memref_squeeze %dma_wait3A_456 : memref<1x!tpu.dma_semaphore, #tpu.memory_space<semaphore_mem>> -> memref<!tpu.dma_semaphore, #tpu.memory_space<semaphore_mem>>
      tpu.wait_indirect_dma semaphore(%dma_wait3A_457 : memref<!tpu.dma_semaphore, #tpu.memory_space<semaphore_mem>>) src(%arg14 : memref<128x128xf32, #tpu.memory_space<vmem>>) dst(%dma_wait3A_455 : memref<10000x128xf32, #tpu.memory_space<vmem_shared>>)
      %add3A_458 = arith.constant 3 : i32
      %add3A_459 = arith.addi %add3A_447, %add3A_458 : i32
      %eq3A_460 = arith.constant 0 : i32
      %eq3A_461 = arith.cmpi eq, %add3A_4, %eq3A_460 : i32
      %jit3A_462 = arith.constant 1 : i32
      %select_n3A_463 = arith.select %eq3A_461, %jit3A_462, %add3A_4 : i32
      %rem3A_464 = arith.remsi %add3A_459, %select_n3A_463 : i32
      %ne3A_465 = arith.constant 0 : i32
      %ne3A_466 = arith.cmpi ne, %rem3A_464, %ne3A_465 : i32
      %lt3A_467 = arith.constant 0 : i32
      %lt3A_468 = arith.cmpi slt, %rem3A_464, %lt3A_467 : i32
      %lt3A_469 = arith.constant 0 : i32
      %lt3A_470 = arith.cmpi slt, %select_n3A_463, %lt3A_469 : i32
      %ne3A_471 = arith.xori %lt3A_468, %lt3A_470 : i1
      %and3A_472 = arith.andi %ne3A_471, %ne3A_466 : i1
      %add3A_473 = arith.addi %rem3A_464, %select_n3A_463 : i32
      %select_n3A_474 = arith.select %and3A_472, %add3A_473, %rem3A_464 : i32
      %mul3A_475 = arith.constant 128 : i32
      %mul3A_476 = arith.muli %select_n3A_474, %mul3A_475 : i32
      %add3A_477 = arith.addi %mul3A_10, %mul3A_476 : i32
      %dma_start3A_478 = arith.constant 1 : i32
      %dma_start3A_479 = arith.constant 1 : i32
      %dma_start3A_480 = tpu.memref_slice %arg3[%dma_start3A_479, %add3A_477] : memref<2x320000xi32, #tpu.memory_space<hbm>> -> memref<1x128xi32, #tpu.memory_space<hbm>>
      %dma_start3A_481 = tpu.memref_slice %arg17[%dma_start3A_478] : memref<3x!tpu.dma_semaphore, #tpu.memory_space<semaphore_mem>> -> memref<1x!tpu.dma_semaphore, #tpu.memory_space<semaphore_mem>>
      %dma_start3A_482 = tpu.memref_squeeze %dma_start3A_481 : memref<1x!tpu.dma_semaphore, #tpu.memory_space<semaphore_mem>> -> memref<!tpu.dma_semaphore, #tpu.memory_space<semaphore_mem>>
      %dma_start3A_483 = arith.constant 1 : i32
      %dma_start3A_484 = tpu.memref_slice %arg3[%dma_start3A_483, %add3A_477] : memref<2x320000xi32, #tpu.memory_space<hbm>> -> memref<1x128xi32, #tpu.memory_space<hbm>>
      tpu.enqueue_dma source(%dma_start3A_484 : memref<1x128xi32, #tpu.memory_space<hbm>>) target(%arg11 : memref<1x128xi32, #tpu.memory_space<vmem>>) target_semaphore(%dma_start3A_482 : memref<!tpu.dma_semaphore, #tpu.memory_space<semaphore_mem>>)
      %mul3A_485 = arith.constant 128 : i32
      %mul3A_486 = arith.muli %add3A_447, %mul3A_485 : i32
      %add3A_487 = arith.addi %mul3A_10, %mul3A_486 : i32
      %dma_wait3A_488 = arith.constant 0 : i32
      %dma_wait3A_489 = arith.constant 1 : i32
      %dma_wait3A_490 = tpu.memref_slice %arg3[%dma_wait3A_488, %add3A_487] : memref<2x320000xi32, #tpu.memory_space<hbm>> -> memref<1x128xi32, #tpu.memory_space<hbm>>
      %dma_wait3A_491 = tpu.memref_squeeze %dma_wait3A_490 : memref<1x128xi32, #tpu.memory_space<hbm>> -> memref<128xi32, #tpu.memory_space<hbm>>
      %dma_wait3A_492 = tpu.memref_slice %arg16[%dma_wait3A_489] : memref<3x!tpu.dma_semaphore, #tpu.memory_space<semaphore_mem>> -> memref<1x!tpu.dma_semaphore, #tpu.memory_space<semaphore_mem>>
      %dma_wait3A_493 = tpu.memref_squeeze %dma_wait3A_492 : memref<1x!tpu.dma_semaphore, #tpu.memory_space<semaphore_mem>> -> memref<!tpu.dma_semaphore, #tpu.memory_space<semaphore_mem>>
      %dma_wait3A_494 = tpu.memref_slice %arg3[%dma_wait3A_488, %add3A_487] : memref<2x320000xi32, #tpu.memory_space<hbm>> -> memref<1x128xi32, #tpu.memory_space<hbm>>
      %dma_wait3A_495 = tpu.memref_squeeze %dma_wait3A_494 : memref<1x128xi32, #tpu.memory_space<hbm>> -> memref<128xi32, #tpu.memory_space<hbm>>
      tpu.wait_dma2 semaphore(%dma_wait3A_493 : memref<!tpu.dma_semaphore, #tpu.memory_space<semaphore_mem>>) src(%dma_wait3A_495 : memref<128xi32, #tpu.memory_space<hbm>>) dst(%arg8 : memref<128xi32, #tpu.memory_space<vmem>>)
      %dma_start3A_496 = arith.constant 1 : i32
      %dma_start3A_497 = arith.constant 0 : i32
      %dma_start3A_498 = arith.constant 0 : i32
      %dma_start3A_499 = tpu.memref_slice %arg2[%dma_start3A_497, %dma_start3A_498] : memref<10000x128xf32, #tpu.memory_space<hbm>> -> memref<10000x128xf32, #tpu.memory_space<hbm>>
      %dma_start3A_500 = tpu.memref_slice %arg18[%dma_start3A_496] : memref<3x!tpu.dma_semaphore, #tpu.memory_space<semaphore_mem>> -> memref<1x!tpu.dma_semaphore, #tpu.memory_space<semaphore_mem>>
      %dma_start3A_501 = tpu.memref_squeeze %dma_start3A_500 : memref<1x!tpu.dma_semaphore, #tpu.memory_space<semaphore_mem>> -> memref<!tpu.dma_semaphore, #tpu.memory_space<semaphore_mem>>
      tpu.enqueue_indirect_dma source(%dma_start3A_499 : memref<10000x128xf32, #tpu.memory_space<hbm>>) target(%arg14 : memref<128x128xf32, #tpu.memory_space<vmem>>) offsets(%arg8 : memref<128xi32, #tpu.memory_space<vmem>>) semaphore(%dma_start3A_501 : memref<!tpu.dma_semaphore, #tpu.memory_space<semaphore_mem>>)
      %add3A_502 = arith.constant 2 : i32
      %add3A_503 = arith.addi %mul3A_221, %add3A_502 : i32
      %dma_wait3A_504 = arith.constant 0 : i32
      %dma_wait3A_505 = arith.constant 2 : i32
      %dma_wait3A_506 = arith.constant 0 : i32
      %dma_wait3A_507 = tpu.memref_slice %arg12[%dma_wait3A_504, %dma_wait3A_506] : memref<1x128xi32, #tpu.memory_space<vmem>> -> memref<1x128xi32, #tpu.memory_space<vmem>>
      %dma_wait3A_508 = tpu.memref_squeeze %dma_wait3A_507 : memref<1x128xi32, #tpu.memory_space<vmem>> -> memref<128xi32, #tpu.memory_space<vmem>>
      %dma_wait3A_509 = arith.constant 0 : i32
      %dma_wait3A_510 = arith.constant 0 : i32
      %dma_wait3A_511 = tpu.memref_slice %arg6[%dma_wait3A_509, %dma_wait3A_510] : memref<10000x128xf32, #tpu.memory_space<vmem_shared>> -> memref<10000x128xf32, #tpu.memory_space<vmem_shared>>
      %dma_wait3A_512 = tpu.memref_slice %arg19[%dma_wait3A_505] : memref<3x!tpu.dma_semaphore, #tpu.memory_space<semaphore_mem>> -> memref<1x!tpu.dma_semaphore, #tpu.memory_space<semaphore_mem>>
      %dma_wait3A_513 = tpu.memref_squeeze %dma_wait3A_512 : memref<1x!tpu.dma_semaphore, #tpu.memory_space<semaphore_mem>> -> memref<!tpu.dma_semaphore, #tpu.memory_space<semaphore_mem>>
      tpu.wait_indirect_dma semaphore(%dma_wait3A_513 : memref<!tpu.dma_semaphore, #tpu.memory_space<semaphore_mem>>) src(%arg15 : memref<128x128xf32, #tpu.memory_space<vmem>>) dst(%dma_wait3A_511 : memref<10000x128xf32, #tpu.memory_space<vmem_shared>>)
      %add3A_514 = arith.constant 3 : i32
      %add3A_515 = arith.addi %add3A_503, %add3A_514 : i32
      %eq3A_516 = arith.constant 0 : i32
      %eq3A_517 = arith.cmpi eq, %add3A_4, %eq3A_516 : i32
      %jit3A_518 = arith.constant 1 : i32
      %select_n3A_519 = arith.select %eq3A_517, %jit3A_518, %add3A_4 : i32
      %rem3A_520 = arith.remsi %add3A_515, %select_n3A_519 : i32
      %ne3A_521 = arith.constant 0 : i32
      %ne3A_522 = arith.cmpi ne, %rem3A_520, %ne3A_521 : i32
      %lt3A_523 = arith.constant 0 : i32
      %lt3A_524 = arith.cmpi slt, %rem3A_520, %lt3A_523 : i32
      %lt3A_525 = arith.constant 0 : i32
      %lt3A_526 = arith.cmpi slt, %select_n3A_519, %lt3A_525 : i32
      %ne3A_527 = arith.xori %lt3A_524, %lt3A_526 : i1
      %and3A_528 = arith.andi %ne3A_527, %ne3A_522 : i1
      %add3A_529 = arith.addi %rem3A_520, %select_n3A_519 : i32
      %select_n3A_530 = arith.select %and3A_528, %add3A_529, %rem3A_520 : i32
      %mul3A_531 = arith.constant 128 : i32
      %mul3A_532 = arith.muli %select_n3A_530, %mul3A_531 : i32
      %add3A_533 = arith.addi %mul3A_10, %mul3A_532 : i32
      %dma_start3A_534 = arith.constant 2 : i32
      %dma_start3A_535 = arith.constant 1 : i32
      %dma_start3A_536 = tpu.memref_slice %arg3[%dma_start3A_535, %add3A_533] : memref<2x320000xi32, #tpu.memory_space<hbm>> -> memref<1x128xi32, #tpu.memory_space<hbm>>
      %dma_start3A_537 = tpu.memref_slice %arg17[%dma_start3A_534] : memref<3x!tpu.dma_semaphore, #tpu.memory_space<semaphore_mem>> -> memref<1x!tpu.dma_semaphore, #tpu.memory_space<semaphore_mem>>
      %dma_start3A_538 = tpu.memref_squeeze %dma_start3A_537 : memref<1x!tpu.dma_semaphore, #tpu.memory_space<semaphore_mem>> -> memref<!tpu.dma_semaphore, #tpu.memory_space<semaphore_mem>>
      %dma_start3A_539 = arith.constant 1 : i32
      %dma_start3A_540 = tpu.memref_slice %arg3[%dma_start3A_539, %add3A_533] : memref<2x320000xi32, #tpu.memory_space<hbm>> -> memref<1x128xi32, #tpu.memory_space<hbm>>
      tpu.enqueue_dma source(%dma_start3A_540 : memref<1x128xi32, #tpu.memory_space<hbm>>) target(%arg12 : memref<1x128xi32, #tpu.memory_space<vmem>>) target_semaphore(%dma_start3A_538 : memref<!tpu.dma_semaphore, #tpu.memory_space<semaphore_mem>>)
      %mul3A_541 = arith.constant 128 : i32
      %mul3A_542 = arith.muli %add3A_503, %mul3A_541 : i32
      %add3A_543 = arith.addi %mul3A_10, %mul3A_542 : i32
      %dma_wait3A_544 = arith.constant 0 : i32
      %dma_wait3A_545 = arith.constant 2 : i32
      %dma_wait3A_546 = tpu.memref_slice %arg3[%dma_wait3A_544, %add3A_543] : memref<2x320000xi32, #tpu.memory_space<hbm>> -> memref<1x128xi32, #tpu.memory_space<hbm>>
      %dma_wait3A_547 = tpu.memref_squeeze %dma_wait3A_546 : memref<1x128xi32, #tpu.memory_space<hbm>> -> memref<128xi32, #tpu.memory_space<hbm>>
      %dma_wait3A_548 = tpu.memref_slice %arg16[%dma_wait3A_545] : memref<3x!tpu.dma_semaphore, #tpu.memory_space<semaphore_mem>> -> memref<1x!tpu.dma_semaphore, #tpu.memory_space<semaphore_mem>>
      %dma_wait3A_549 = tpu.memref_squeeze %dma_wait3A_548 : memref<1x!tpu.dma_semaphore, #tpu.memory_space<semaphore_mem>> -> memref<!tpu.dma_semaphore, #tpu.memory_space<semaphore_mem>>
      %dma_wait3A_550 = tpu.memref_slice %arg3[%dma_wait3A_544, %add3A_543] : memref<2x320000xi32, #tpu.memory_space<hbm>> -> memref<1x128xi32, #tpu.memory_space<hbm>>
      %dma_wait3A_551 = tpu.memref_squeeze %dma_wait3A_550 : memref<1x128xi32, #tpu.memory_space<hbm>> -> memref<128xi32, #tpu.memory_space<hbm>>
      tpu.wait_dma2 semaphore(%dma_wait3A_549 : memref<!tpu.dma_semaphore, #tpu.memory_space<semaphore_mem>>) src(%dma_wait3A_551 : memref<128xi32, #tpu.memory_space<hbm>>) dst(%arg9 : memref<128xi32, #tpu.memory_space<vmem>>)
      %dma_start3A_552 = arith.constant 2 : i32
      %dma_start3A_553 = arith.constant 0 : i32
      %dma_start3A_554 = arith.constant 0 : i32
      %dma_start3A_555 = tpu.memref_slice %arg2[%dma_start3A_553, %dma_start3A_554] : memref<10000x128xf32, #tpu.memory_space<hbm>> -> memref<10000x128xf32, #tpu.memory_space<hbm>>
      %dma_start3A_556 = tpu.memref_slice %arg18[%dma_start3A_552] : memref<3x!tpu.dma_semaphore, #tpu.memory_space<semaphore_mem>> -> memref<1x!tpu.dma_semaphore, #tpu.memory_space<semaphore_mem>>
      %dma_start3A_557 = tpu.memref_squeeze %dma_start3A_556 : memref<1x!tpu.dma_semaphore, #tpu.memory_space<semaphore_mem>> -> memref<!tpu.dma_semaphore, #tpu.memory_space<semaphore_mem>>
      tpu.enqueue_indirect_dma source(%dma_start3A_555 : memref<10000x128xf32, #tpu.memory_space<hbm>>) target(%arg15 : memref<128x128xf32, #tpu.memory_space<vmem>>) offsets(%arg9 : memref<128xi32, #tpu.memory_space<vmem>>) semaphore(%dma_start3A_557 : memref<!tpu.dma_semaphore, #tpu.memory_space<semaphore_mem>>)
    }
    %while3A_149 = arith.constant 1 : i32
    scf.for %while3A_219 = %while3A_147 to %while3A_143 step %while3A_149  : i32 {
      %mul3A_220 = arith.constant 3 : i32
      %mul3A_221 = arith.muli %while3A_219, %mul3A_220 : i32
      %add3A_222 = arith.constant 0 : i32
      %add3A_223 = arith.addi %mul3A_221, %add3A_222 : i32
      %dma_wait3A_224 = arith.constant 0 : i32
      %dma_wait3A_225 = arith.constant 0 : i32
      %dma_wait3A_226 = arith.constant 0 : i32
      %dma_wait3A_227 = tpu.memref_slice %arg2[%dma_wait3A_225, %dma_wait3A_226] : memref<10000x128xf32, #tpu.memory_space<hbm>> -> memref<10000x128xf32, #tpu.memory_space<hbm>>
      %dma_wait3A_228 = tpu.memref_slice %arg18[%dma_wait3A_224] : memref<3x!tpu.dma_semaphore, #tpu.memory_space<semaphore_mem>> -> memref<1x!tpu.dma_semaphore, #tpu.memory_space<semaphore_mem>>
      %dma_wait3A_229 = tpu.memref_squeeze %dma_wait3A_228 : memref<1x!tpu.dma_semaphore, #tpu.memory_space<semaphore_mem>> -> memref<!tpu.dma_semaphore, #tpu.memory_space<semaphore_mem>>
      tpu.wait_indirect_dma semaphore(%dma_wait3A_229 : memref<!tpu.dma_semaphore, #tpu.memory_space<semaphore_mem>>) src(%dma_wait3A_227 : memref<10000x128xf32, #tpu.memory_space<hbm>>) dst(%arg13 : memref<128x128xf32, #tpu.memory_space<vmem>>)
      %mul3A_230 = arith.constant 128 : i32
      %mul3A_231 = arith.muli %add3A_223, %mul3A_230 : i32
      %add3A_232 = arith.addi %mul3A_10, %mul3A_231 : i32
      %dma_wait3A_233 = arith.constant 0 : i32
      %dma_wait3A_234 = arith.constant 1 : i32
      %dma_wait3A_235 = tpu.memref_slice %arg3[%dma_wait3A_234, %add3A_232] : memref<2x320000xi32, #tpu.memory_space<hbm>> -> memref<1x128xi32, #tpu.memory_space<hbm>>
      %dma_wait3A_236 = tpu.memref_slice %arg17[%dma_wait3A_233] : memref<3x!tpu.dma_semaphore, #tpu.memory_space<semaphore_mem>> -> memref<1x!tpu.dma_semaphore, #tpu.memory_space<semaphore_mem>>
      %dma_wait3A_237 = tpu.memref_squeeze %dma_wait3A_236 : memref<1x!tpu.dma_semaphore, #tpu.memory_space<semaphore_mem>> -> memref<!tpu.dma_semaphore, #tpu.memory_space<semaphore_mem>>
      %dma_wait3A_238 = arith.constant 1 : i32
      %dma_wait3A_239 = tpu.memref_slice %arg3[%dma_wait3A_238, %add3A_232] : memref<2x320000xi32, #tpu.memory_space<hbm>> -> memref<1x128xi32, #tpu.memory_space<hbm>>
      tpu.wait_dma2 semaphore(%dma_wait3A_237 : memref<!tpu.dma_semaphore, #tpu.memory_space<semaphore_mem>>) src(%dma_wait3A_239 : memref<1x128xi32, #tpu.memory_space<hbm>>) dst(%arg10 : memref<1x128xi32, #tpu.memory_space<vmem>>)
      %dma_start3A_240 = arith.constant 0 : i32
      %dma_start3A_241 = arith.constant 0 : i32
      %dma_start3A_242 = arith.constant 0 : i32
      %dma_start3A_243 = tpu.memref_slice %arg10[%dma_start3A_240, %dma_start3A_242] : memref<1x128xi32, #tpu.memory_space<vmem>> -> memref<1x128xi32, #tpu.memory_space<vmem>>
      %dma_start3A_244 = tpu.memref_squeeze %dma_start3A_243 : memref<1x128xi32, #tpu.memory_space<vmem>> -> memref<128xi32, #tpu.memory_space<vmem>>
      %dma_start3A_245 = arith.constant 0 : i32
      %dma_start3A_246 = arith.constant 0 : i32
      %dma_start3A_247 = tpu.memref_slice %arg6[%dma_start3A_245, %dma_start3A_246] : memref<10000x128xf32, #tpu.memory_space<vmem_shared>> -> memref<10000x128xf32, #tpu.memory_space<vmem_shared>>
      %dma_start3A_248 = tpu.memref_slice %arg19[%dma_start3A_241] : memref<3x!tpu.dma_semaphore, #tpu.memory_space<semaphore_mem>> -> memref<1x!tpu.dma_semaphore, #tpu.memory_space<semaphore_mem>>
      %dma_start3A_249 = tpu.memref_squeeze %dma_start3A_248 : memref<1x!tpu.dma_semaphore, #tpu.memory_space<semaphore_mem>> -> memref<!tpu.dma_semaphore, #tpu.memory_space<semaphore_mem>>
      tpu.enqueue_indirect_dma source(%arg13 : memref<128x128xf32, #tpu.memory_space<vmem>>) target(%dma_start3A_247 : memref<10000x128xf32, #tpu.memory_space<vmem_shared>>) offsets(%dma_start3A_244 : memref<128xi32, #tpu.memory_space<vmem>>) semaphore(%dma_start3A_249 : memref<!tpu.dma_semaphore, #tpu.memory_space<semaphore_mem>>) {add = true}
      %add3A_250 = arith.constant 3 : i32
      %add3A_251 = arith.addi %add3A_223, %add3A_250 : i32
      %eq3A_252 = arith.constant 0 : i32
      %eq3A_253 = arith.cmpi eq, %add3A_4, %eq3A_252 : i32
      %jit3A_254 = arith.constant 1 : i32
      %select_n3A_255 = arith.select %eq3A_253, %jit3A_254, %add3A_4 : i32
      %rem3A_256 = arith.remsi %add3A_251, %select_n3A_255 : i32
      %ne3A_257 = arith.constant 0 : i32
      %ne3A_258 = arith.cmpi ne, %rem3A_256, %ne3A_257 : i32
      %lt3A_259 = arith.constant 0 : i32
      %lt3A_260 = arith.cmpi slt, %rem3A_256, %lt3A_259 : i32
      %lt3A_261 = arith.constant 0 : i32
      %lt3A_262 = arith.cmpi slt, %select_n3A_255, %lt3A_261 : i32
      %ne3A_263 = arith.xori %lt3A_260, %lt3A_262 : i1
      %and3A_264 = arith.andi %ne3A_263, %ne3A_258 : i1
      %add3A_265 = arith.addi %rem3A_256, %select_n3A_255 : i32
      %select_n3A_266 = arith.select %and3A_264, %add3A_265, %rem3A_256 : i32
      %mul3A_267 = arith.constant 128 : i32
      %mul3A_268 = arith.muli %select_n3A_266, %mul3A_267 : i32
      %add3A_269 = arith.addi %mul3A_10, %mul3A_268 : i32
      %dma_start3A_270 = arith.constant 0 : i32
      %dma_start3A_271 = arith.constant 0 : i32
      %dma_start3A_272 = tpu.memref_slice %arg3[%dma_start3A_270, %add3A_269] : memref<2x320000xi32, #tpu.memory_space<hbm>> -> memref<1x128xi32, #tpu.memory_space<hbm>>
      %dma_start3A_273 = tpu.memref_squeeze %dma_start3A_272 : memref<1x128xi32, #tpu.memory_space<hbm>> -> memref<128xi32, #tpu.memory_space<hbm>>
      %dma_start3A_274 = tpu.memref_slice %arg16[%dma_start3A_271] : memref<3x!tpu.dma_semaphore, #tpu.memory_space<semaphore_mem>> -> memref<1x!tpu.dma_semaphore, #tpu.memory_space<semaphore_mem>>
      %dma_start3A_275 = tpu.memref_squeeze %dma_start3A_274 : memref<1x!tpu.dma_semaphore, #tpu.memory_space<semaphore_mem>> -> memref<!tpu.dma_semaphore, #tpu.memory_space<semaphore_mem>>
      %dma_start3A_276 = tpu.memref_slice %arg3[%dma_start3A_270, %add3A_269] : memref<2x320000xi32, #tpu.memory_space<hbm>> -> memref<1x128xi32, #tpu.memory_space<hbm>>
      %dma_start3A_277 = tpu.memref_squeeze %dma_start3A_276 : memref<1x128xi32, #tpu.memory_space<hbm>> -> memref<128xi32, #tpu.memory_space<hbm>>
      tpu.enqueue_dma source(%dma_start3A_277 : memref<128xi32, #tpu.memory_space<hbm>>) target(%arg7 : memref<128xi32, #tpu.memory_space<vmem>>) target_semaphore(%dma_start3A_275 : memref<!tpu.dma_semaphore, #tpu.memory_space<semaphore_mem>>)
      %add3A_278 = arith.constant 1 : i32
      %add3A_279 = arith.addi %mul3A_221, %add3A_278 : i32
      %dma_wait3A_280 = arith.constant 1 : i32
      %dma_wait3A_281 = arith.constant 0 : i32
      %dma_wait3A_282 = arith.constant 0 : i32
      %dma_wait3A_283 = tpu.memref_slice %arg2[%dma_wait3A_281, %dma_wait3A_282] : memref<10000x128xf32, #tpu.memory_space<hbm>> -> memref<10000x128xf32, #tpu.memory_space<hbm>>
      %dma_wait3A_284 = tpu.memref_slice %arg18[%dma_wait3A_280] : memref<3x!tpu.dma_semaphore, #tpu.memory_space<semaphore_mem>> -> memref<1x!tpu.dma_semaphore, #tpu.memory_space<semaphore_mem>>
      %dma_wait3A_285 = tpu.memref_squeeze %dma_wait3A_284 : memref<1x!tpu.dma_semaphore, #tpu.memory_space<semaphore_mem>> -> memref<!tpu.dma_semaphore, #tpu.memory_space<semaphore_mem>>
      tpu.wait_indirect_dma semaphore(%dma_wait3A_285 : memref<!tpu.dma_semaphore, #tpu.memory_space<semaphore_mem>>) src(%dma_wait3A_283 : memref<10000x128xf32, #tpu.memory_space<hbm>>) dst(%arg14 : memref<128x128xf32, #tpu.memory_space<vmem>>)
      %mul3A_286 = arith.constant 128 : i32
      %mul3A_287 = arith.muli %add3A_279, %mul3A_286 : i32
      %add3A_288 = arith.addi %mul3A_10, %mul3A_287 : i32
      %dma_wait3A_289 = arith.constant 1 : i32
      %dma_wait3A_290 = arith.constant 1 : i32
      %dma_wait3A_291 = tpu.memref_slice %arg3[%dma_wait3A_290, %add3A_288] : memref<2x320000xi32, #tpu.memory_space<hbm>> -> memref<1x128xi32, #tpu.memory_space<hbm>>
      %dma_wait3A_292 = tpu.memref_slice %arg17[%dma_wait3A_289] : memref<3x!tpu.dma_semaphore, #tpu.memory_space<semaphore_mem>> -> memref<1x!tpu.dma_semaphore, #tpu.memory_space<semaphore_mem>>
      %dma_wait3A_293 = tpu.memref_squeeze %dma_wait3A_292 : memref<1x!tpu.dma_semaphore, #tpu.memory_space<semaphore_mem>> -> memref<!tpu.dma_semaphore, #tpu.memory_space<semaphore_mem>>
      %dma_wait3A_294 = arith.constant 1 : i32
      %dma_wait3A_295 = tpu.memref_slice %arg3[%dma_wait3A_294, %add3A_288] : memref<2x320000xi32, #tpu.memory_space<hbm>> -> memref<1x128xi32, #tpu.memory_space<hbm>>
      tpu.wait_dma2 semaphore(%dma_wait3A_293 : memref<!tpu.dma_semaphore, #tpu.memory_space<semaphore_mem>>) src(%dma_wait3A_295 : memref<1x128xi32, #tpu.memory_space<hbm>>) dst(%arg11 : memref<1x128xi32, #tpu.memory_space<vmem>>)
      %dma_start3A_296 = arith.constant 0 : i32
      %dma_start3A_297 = arith.constant 1 : i32
      %dma_start3A_298 = arith.constant 0 : i32
      %dma_start3A_299 = tpu.memref_slice %arg11[%dma_start3A_296, %dma_start3A_298] : memref<1x128xi32, #tpu.memory_space<vmem>> -> memref<1x128xi32, #tpu.memory_space<vmem>>
      %dma_start3A_300 = tpu.memref_squeeze %dma_start3A_299 : memref<1x128xi32, #tpu.memory_space<vmem>> -> memref<128xi32, #tpu.memory_space<vmem>>
      %dma_start3A_301 = arith.constant 0 : i32
      %dma_start3A_302 = arith.constant 0 : i32
      %dma_start3A_303 = tpu.memref_slice %arg6[%dma_start3A_301, %dma_start3A_302] : memref<10000x128xf32, #tpu.memory_space<vmem_shared>> -> memref<10000x128xf32, #tpu.memory_space<vmem_shared>>
      %dma_start3A_304 = tpu.memref_slice %arg19[%dma_start3A_297] : memref<3x!tpu.dma_semaphore, #tpu.memory_space<semaphore_mem>> -> memref<1x!tpu.dma_semaphore, #tpu.memory_space<semaphore_mem>>
      %dma_start3A_305 = tpu.memref_squeeze %dma_start3A_304 : memref<1x!tpu.dma_semaphore, #tpu.memory_space<semaphore_mem>> -> memref<!tpu.dma_semaphore, #tpu.memory_space<semaphore_mem>>
      tpu.enqueue_indirect_dma source(%arg14 : memref<128x128xf32, #tpu.memory_space<vmem>>) target(%dma_start3A_303 : memref<10000x128xf32, #tpu.memory_space<vmem_shared>>) offsets(%dma_start3A_300 : memref<128xi32, #tpu.memory_space<vmem>>) semaphore(%dma_start3A_305 : memref<!tpu.dma_semaphore, #tpu.memory_space<semaphore_mem>>) {add = true}
      %add3A_306 = arith.constant 3 : i32
      %add3A_307 = arith.addi %add3A_279, %add3A_306 : i32
      %eq3A_308 = arith.constant 0 : i32
      %eq3A_309 = arith.cmpi eq, %add3A_4, %eq3A_308 : i32
      %jit3A_310 = arith.constant 1 : i32
      %select_n3A_311 = arith.select %eq3A_309, %jit3A_310, %add3A_4 : i32
      %rem3A_312 = arith.remsi %add3A_307, %select_n3A_311 : i32
      %ne3A_313 = arith.constant 0 : i32
      %ne3A_314 = arith.cmpi ne, %rem3A_312, %ne3A_313 : i32
      %lt3A_315 = arith.constant 0 : i32
      %lt3A_316 = arith.cmpi slt, %rem3A_312, %lt3A_315 : i32
      %lt3A_317 = arith.constant 0 : i32
      %lt3A_318 = arith.cmpi slt, %select_n3A_311, %lt3A_317 : i32
      %ne3A_319 = arith.xori %lt3A_316, %lt3A_318 : i1
      %and3A_320 = arith.andi %ne3A_319, %ne3A_314 : i1
      %add3A_321 = arith.addi %rem3A_312, %select_n3A_311 : i32
      %select_n3A_322 = arith.select %and3A_320, %add3A_321, %rem3A_312 : i32
      %mul3A_323 = arith.constant 128 : i32
      %mul3A_324 = arith.muli %select_n3A_322, %mul3A_323 : i32
      %add3A_325 = arith.addi %mul3A_10, %mul3A_324 : i32
      %dma_start3A_326 = arith.constant 0 : i32
      %dma_start3A_327 = arith.constant 1 : i32
      %dma_start3A_328 = tpu.memref_slice %arg3[%dma_start3A_326, %add3A_325] : memref<2x320000xi32, #tpu.memory_space<hbm>> -> memref<1x128xi32, #tpu.memory_space<hbm>>
      %dma_start3A_329 = tpu.memref_squeeze %dma_start3A_328 : memref<1x128xi32, #tpu.memory_space<hbm>> -> memref<128xi32, #tpu.memory_space<hbm>>
      %dma_start3A_330 = tpu.memref_slice %arg16[%dma_start3A_327] : memref<3x!tpu.dma_semaphore, #tpu.memory_space<semaphore_mem>> -> memref<1x!tpu.dma_semaphore, #tpu.memory_space<semaphore_mem>>
      %dma_start3A_331 = tpu.memref_squeeze %dma_start3A_330 : memref<1x!tpu.dma_semaphore, #tpu.memory_space<semaphore_mem>> -> memref<!tpu.dma_semaphore, #tpu.memory_space<semaphore_mem>>
      %dma_start3A_332 = tpu.memref_slice %arg3[%dma_start3A_326, %add3A_325] : memref<2x320000xi32, #tpu.memory_space<hbm>> -> memref<1x128xi32, #tpu.memory_space<hbm>>
      %dma_start3A_333 = tpu.memref_squeeze %dma_start3A_332 : memref<1x128xi32, #tpu.memory_space<hbm>> -> memref<128xi32, #tpu.memory_space<hbm>>
      tpu.enqueue_dma source(%dma_start3A_333 : memref<128xi32, #tpu.memory_space<hbm>>) target(%arg8 : memref<128xi32, #tpu.memory_space<vmem>>) target_semaphore(%dma_start3A_331 : memref<!tpu.dma_semaphore, #tpu.memory_space<semaphore_mem>>)
      %add3A_334 = arith.constant 2 : i32
      %add3A_335 = arith.addi %mul3A_221, %add3A_334 : i32
      %dma_wait3A_336 = arith.constant 2 : i32
      %dma_wait3A_337 = arith.constant 0 : i32
      %dma_wait3A_338 = arith.constant 0 : i32
      %dma_wait3A_339 = tpu.memref_slice %arg2[%dma_wait3A_337, %dma_wait3A_338] : memref<10000x128xf32, #tpu.memory_space<hbm>> -> memref<10000x128xf32, #tpu.memory_space<hbm>>
      %dma_wait3A_340 = tpu.memref_slice %arg18[%dma_wait3A_336] : memref<3x!tpu.dma_semaphore, #tpu.memory_space<semaphore_mem>> -> memref<1x!tpu.dma_semaphore, #tpu.memory_space<semaphore_mem>>
      %dma_wait3A_341 = tpu.memref_squeeze %dma_wait3A_340 : memref<1x!tpu.dma_semaphore, #tpu.memory_space<semaphore_mem>> -> memref<!tpu.dma_semaphore, #tpu.memory_space<semaphore_mem>>
      tpu.wait_indirect_dma semaphore(%dma_wait3A_341 : memref<!tpu.dma_semaphore, #tpu.memory_space<semaphore_mem>>) src(%dma_wait3A_339 : memref<10000x128xf32, #tpu.memory_space<hbm>>) dst(%arg15 : memref<128x128xf32, #tpu.memory_space<vmem>>)
      %mul3A_342 = arith.constant 128 : i32
      %mul3A_343 = arith.muli %add3A_335, %mul3A_342 : i32
      %add3A_344 = arith.addi %mul3A_10, %mul3A_343 : i32
      %dma_wait3A_345 = arith.constant 2 : i32
      %dma_wait3A_346 = arith.constant 1 : i32
      %dma_wait3A_347 = tpu.memref_slice %arg3[%dma_wait3A_346, %add3A_344] : memref<2x320000xi32, #tpu.memory_space<hbm>> -> memref<1x128xi32, #tpu.memory_space<hbm>>
      %dma_wait3A_348 = tpu.memref_slice %arg17[%dma_wait3A_345] : memref<3x!tpu.dma_semaphore, #tpu.memory_space<semaphore_mem>> -> memref<1x!tpu.dma_semaphore, #tpu.memory_space<semaphore_mem>>
      %dma_wait3A_349 = tpu.memref_squeeze %dma_wait3A_348 : memref<1x!tpu.dma_semaphore, #tpu.memory_space<semaphore_mem>> -> memref<!tpu.dma_semaphore, #tpu.memory_space<semaphore_mem>>
      %dma_wait3A_350 = arith.constant 1 : i32
      %dma_wait3A_351 = tpu.memref_slice %arg3[%dma_wait3A_350, %add3A_344] : memref<2x320000xi32, #tpu.memory_space<hbm>> -> memref<1x128xi32, #tpu.memory_space<hbm>>
      tpu.wait_dma2 semaphore(%dma_wait3A_349 : memref<!tpu.dma_semaphore, #tpu.memory_space<semaphore_mem>>) src(%dma_wait3A_351 : memref<1x128xi32, #tpu.memory_space<hbm>>) dst(%arg12 : memref<1x128xi32, #tpu.memory_space<vmem>>)
      %dma_start3A_352 = arith.constant 0 : i32
      %dma_start3A_353 = arith.constant 2 : i32
      %dma_start3A_354 = arith.constant 0 : i32
      %dma_start3A_355 = tpu.memref_slice %arg12[%dma_start3A_352, %dma_start3A_354] : memref<1x128xi32, #tpu.memory_space<vmem>> -> memref<1x128xi32, #tpu.memory_space<vmem>>
      %dma_start3A_356 = tpu.memref_squeeze %dma_start3A_355 : memref<1x128xi32, #tpu.memory_space<vmem>> -> memref<128xi32, #tpu.memory_space<vmem>>
      %dma_start3A_357 = arith.constant 0 : i32
      %dma_start3A_358 = arith.constant 0 : i32
      %dma_start3A_359 = tpu.memref_slice %arg6[%dma_start3A_357, %dma_start3A_358] : memref<10000x128xf32, #tpu.memory_space<vmem_shared>> -> memref<10000x128xf32, #tpu.memory_space<vmem_shared>>
      %dma_start3A_360 = tpu.memref_slice %arg19[%dma_start3A_353] : memref<3x!tpu.dma_semaphore, #tpu.memory_space<semaphore_mem>> -> memref<1x!tpu.dma_semaphore, #tpu.memory_space<semaphore_mem>>
      %dma_start3A_361 = tpu.memref_squeeze %dma_start3A_360 : memref<1x!tpu.dma_semaphore, #tpu.memory_space<semaphore_mem>> -> memref<!tpu.dma_semaphore, #tpu.memory_space<semaphore_mem>>
      tpu.enqueue_indirect_dma source(%arg15 : memref<128x128xf32, #tpu.memory_space<vmem>>) target(%dma_start3A_359 : memref<10000x128xf32, #tpu.memory_space<vmem_shared>>) offsets(%dma_start3A_356 : memref<128xi32, #tpu.memory_space<vmem>>) semaphore(%dma_start3A_361 : memref<!tpu.dma_semaphore, #tpu.memory_space<semaphore_mem>>) {add = true}
      %add3A_362 = arith.constant 3 : i32
      %add3A_363 = arith.addi %add3A_335, %add3A_362 : i32
      %eq3A_364 = arith.constant 0 : i32
      %eq3A_365 = arith.cmpi eq, %add3A_4, %eq3A_364 : i32
      %jit3A_366 = arith.constant 1 : i32
      %select_n3A_367 = arith.select %eq3A_365, %jit3A_366, %add3A_4 : i32
      %rem3A_368 = arith.remsi %add3A_363, %select_n3A_367 : i32
      %ne3A_369 = arith.constant 0 : i32
      %ne3A_370 = arith.cmpi ne, %rem3A_368, %ne3A_369 : i32
      %lt3A_371 = arith.constant 0 : i32
      %lt3A_372 = arith.cmpi slt, %rem3A_368, %lt3A_371 : i32
      %lt3A_373 = arith.constant 0 : i32
      %lt3A_374 = arith.cmpi slt, %select_n3A_367, %lt3A_373 : i32
      %ne3A_375 = arith.xori %lt3A_372, %lt3A_374 : i1
      %and3A_376 = arith.andi %ne3A_375, %ne3A_370 : i1
      %add3A_377 = arith.addi %rem3A_368, %select_n3A_367 : i32
      %select_n3A_378 = arith.select %and3A_376, %add3A_377, %rem3A_368 : i32
      %mul3A_379 = arith.constant 128 : i32
      %mul3A_380 = arith.muli %select_n3A_378, %mul3A_379 : i32
      %add3A_381 = arith.addi %mul3A_10, %mul3A_380 : i32
      %dma_start3A_382 = arith.constant 0 : i32
      %dma_start3A_383 = arith.constant 2 : i32
      %dma_start3A_384 = tpu.memref_slice %arg3[%dma_start3A_382, %add3A_381] : memref<2x320000xi32, #tpu.memory_space<hbm>> -> memref<1x128xi32, #tpu.memory_space<hbm>>
      %dma_start3A_385 = tpu.memref_squeeze %dma_start3A_384 : memref<1x128xi32, #tpu.memory_space<hbm>> -> memref<128xi32, #tpu.memory_space<hbm>>
      %dma_start3A_386 = tpu.memref_slice %arg16[%dma_start3A_383] : memref<3x!tpu.dma_semaphore, #tpu.memory_space<semaphore_mem>> -> memref<1x!tpu.dma_semaphore, #tpu.memory_space<semaphore_mem>>
      %dma_start3A_387 = tpu.memref_squeeze %dma_start3A_386 : memref<1x!tpu.dma_semaphore, #tpu.memory_space<semaphore_mem>> -> memref<!tpu.dma_semaphore, #tpu.memory_space<semaphore_mem>>
      %dma_start3A_388 = tpu.memref_slice %arg3[%dma_start3A_382, %add3A_381] : memref<2x320000xi32, #tpu.memory_space<hbm>> -> memref<1x128xi32, #tpu.memory_space<hbm>>
      %dma_start3A_389 = tpu.memref_squeeze %dma_start3A_388 : memref<1x128xi32, #tpu.memory_space<hbm>> -> memref<128xi32, #tpu.memory_space<hbm>>
      tpu.enqueue_dma source(%dma_start3A_389 : memref<128xi32, #tpu.memory_space<hbm>>) target(%arg9 : memref<128xi32, #tpu.memory_space<vmem>>) target_semaphore(%dma_start3A_387 : memref<!tpu.dma_semaphore, #tpu.memory_space<semaphore_mem>>)
      %add3A_390 = arith.constant 0 : i32
      %add3A_391 = arith.addi %mul3A_221, %add3A_390 : i32
      %dma_wait3A_392 = arith.constant 0 : i32
      %dma_wait3A_393 = arith.constant 0 : i32
      %dma_wait3A_394 = arith.constant 0 : i32
      %dma_wait3A_395 = tpu.memref_slice %arg10[%dma_wait3A_392, %dma_wait3A_394] : memref<1x128xi32, #tpu.memory_space<vmem>> -> memref<1x128xi32, #tpu.memory_space<vmem>>
      %dma_wait3A_396 = tpu.memref_squeeze %dma_wait3A_395 : memref<1x128xi32, #tpu.memory_space<vmem>> -> memref<128xi32, #tpu.memory_space<vmem>>
      %dma_wait3A_397 = arith.constant 0 : i32
      %dma_wait3A_398 = arith.constant 0 : i32
      %dma_wait3A_399 = tpu.memref_slice %arg6[%dma_wait3A_397, %dma_wait3A_398] : memref<10000x128xf32, #tpu.memory_space<vmem_shared>> -> memref<10000x128xf32, #tpu.memory_space<vmem_shared>>
      %dma_wait3A_400 = tpu.memref_slice %arg19[%dma_wait3A_393] : memref<3x!tpu.dma_semaphore, #tpu.memory_space<semaphore_mem>> -> memref<1x!tpu.dma_semaphore, #tpu.memory_space<semaphore_mem>>
      %dma_wait3A_401 = tpu.memref_squeeze %dma_wait3A_400 : memref<1x!tpu.dma_semaphore, #tpu.memory_space<semaphore_mem>> -> memref<!tpu.dma_semaphore, #tpu.memory_space<semaphore_mem>>
      tpu.wait_indirect_dma semaphore(%dma_wait3A_401 : memref<!tpu.dma_semaphore, #tpu.memory_space<semaphore_mem>>) src(%arg13 : memref<128x128xf32, #tpu.memory_space<vmem>>) dst(%dma_wait3A_399 : memref<10000x128xf32, #tpu.memory_space<vmem_shared>>)
      %add3A_402 = arith.constant 3 : i32
      %add3A_403 = arith.addi %add3A_391, %add3A_402 : i32
      %eq3A_404 = arith.constant 0 : i32
      %eq3A_405 = arith.cmpi eq, %add3A_4, %eq3A_404 : i32
      %jit3A_406 = arith.constant 1 : i32
      %select_n3A_407 = arith.select %eq3A_405, %jit3A_406, %add3A_4 : i32
      %rem3A_408 = arith.remsi %add3A_403, %select_n3A_407 : i32
      %ne3A_409 = arith.constant 0 : i32
      %ne3A_410 = arith.cmpi ne, %rem3A_408, %ne3A_409 : i32
      %lt3A_411 = arith.constant 0 : i32
      %lt3A_412 = arith.cmpi slt, %rem3A_408, %lt3A_411 : i32
      %lt3A_413 = arith.constant 0 : i32
      %lt3A_414 = arith.cmpi slt, %select_n3A_407, %lt3A_413 : i32
      %ne3A_415 = arith.xori %lt3A_412, %lt3A_414 : i1
      %and3A_416 = arith.andi %ne3A_415, %ne3A_410 : i1
      %add3A_417 = arith.addi %rem3A_408, %select_n3A_407 : i32
      %select_n3A_418 = arith.select %and3A_416, %add3A_417, %rem3A_408 : i32
      %mul3A_419 = arith.constant 128 : i32
      %mul3A_420 = arith.muli %select_n3A_418, %mul3A_419 : i32
      %add3A_421 = arith.addi %mul3A_10, %mul3A_420 : i32
      %dma_start3A_422 = arith.constant 0 : i32
      %dma_start3A_423 = arith.constant 1 : i32
      %dma_start3A_424 = tpu.memref_slice %arg3[%dma_start3A_423, %add3A_421] : memref<2x320000xi32, #tpu.memory_space<hbm>> -> memref<1x128xi32, #tpu.memory_space<hbm>>
      %dma_start3A_425 = tpu.memref_slice %arg17[%dma_start3A_422] : memref<3x!tpu.dma_semaphore, #tpu.memory_space<semaphore_mem>> -> memref<1x!tpu.dma_semaphore, #tpu.memory_space<semaphore_mem>>
      %dma_start3A_426 = tpu.memref_squeeze %dma_start3A_425 : memref<1x!tpu.dma_semaphore, #tpu.memory_space<semaphore_mem>> -> memref<!tpu.dma_semaphore, #tpu.memory_space<semaphore_mem>>
      %dma_start3A_427 = arith.constant 1 : i32
      %dma_start3A_428 = tpu.memref_slice %arg3[%dma_start3A_427, %add3A_421] : memref<2x320000xi32, #tpu.memory_space<hbm>> -> memref<1x128xi32, #tpu.memory_space<hbm>>
      tpu.enqueue_dma source(%dma_start3A_428 : memref<1x128xi32, #tpu.memory_space<hbm>>) target(%arg10 : memref<1x128xi32, #tpu.memory_space<vmem>>) target_semaphore(%dma_start3A_426 : memref<!tpu.dma_semaphore, #tpu.memory_space<semaphore_mem>>)
      %mul3A_429 = arith.constant 128 : i32
      %mul3A_430 = arith.muli %add3A_391, %mul3A_429 : i32
      %add3A_431 = arith.addi %mul3A_10, %mul3A_430 : i32
      %dma_wait3A_432 = arith.constant 0 : i32
      %dma_wait3A_433 = arith.constant 0 : i32
      %dma_wait3A_434 = tpu.memref_slice %arg3[%dma_wait3A_432, %add3A_431] : memref<2x320000xi32, #tpu.memory_space<hbm>> -> memref<1x128xi32, #tpu.memory_space<hbm>>
      %dma_wait3A_435 = tpu.memref_squeeze %dma_wait3A_434 : memref<1x128xi32, #tpu.memory_space<hbm>> -> memref<128xi32, #tpu.memory_space<hbm>>
      %dma_wait3A_436 = tpu.memref_slice %arg16[%dma_wait3A_433] : memref<3x!tpu.dma_semaphore, #tpu.memory_space<semaphore_mem>> -> memref<1x!tpu.dma_semaphore, #tpu.memory_space<semaphore_mem>>
      %dma_wait3A_437 = tpu.memref_squeeze %dma_wait3A_436 : memref<1x!tpu.dma_semaphore, #tpu.memory_space<semaphore_mem>> -> memref<!tpu.dma_semaphore, #tpu.memory_space<semaphore_mem>>
      %dma_wait3A_438 = tpu.memref_slice %arg3[%dma_wait3A_432, %add3A_431] : memref<2x320000xi32, #tpu.memory_space<hbm>> -> memref<1x128xi32, #tpu.memory_space<hbm>>
      %dma_wait3A_439 = tpu.memref_squeeze %dma_wait3A_438 : memref<1x128xi32, #tpu.memory_space<hbm>> -> memref<128xi32, #tpu.memory_space<hbm>>
      tpu.wait_dma2 semaphore(%dma_wait3A_437 : memref<!tpu.dma_semaphore, #tpu.memory_space<semaphore_mem>>) src(%dma_wait3A_439 : memref<128xi32, #tpu.memory_space<hbm>>) dst(%arg7 : memref<128xi32, #tpu.memory_space<vmem>>)
      %dma_start3A_440 = arith.constant 0 : i32
      %dma_start3A_441 = arith.constant 0 : i32
      %dma_start3A_442 = arith.constant 0 : i32
      %dma_start3A_443 = tpu.memref_slice %arg2[%dma_start3A_441, %dma_start3A_442] : memref<10000x128xf32, #tpu.memory_space<hbm>> -> memref<10000x128xf32, #tpu.memory_space<hbm>>
      %dma_start3A_444 = tpu.memref_slice %arg18[%dma_start3A_440] : memref<3x!tpu.dma_semaphore, #tpu.memory_space<semaphore_mem>> -> memref<1x!tpu.dma_semaphore, #tpu.memory_space<semaphore_mem>>
      %dma_start3A_445 = tpu.memref_squeeze %dma_start3A_444 : memref<1x!tpu.dma_semaphore, #tpu.memory_space<semaphore_mem>> -> memref<!tpu.dma_semaphore, #tpu.memory_space<semaphore_mem>>
      tpu.enqueue_indirect_dma source(%dma_start3A_443 : memref<10000x128xf32, #tpu.memory_space<hbm>>) target(%arg13 : memref<128x128xf32, #tpu.memory_space<vmem>>) offsets(%arg7 : memref<128xi32, #tpu.memory_space<vmem>>) semaphore(%dma_start3A_445 : memref<!tpu.dma_semaphore, #tpu.memory_space<semaphore_mem>>)
      %add3A_446 = arith.constant 1 : i32
      %add3A_447 = arith.addi %mul3A_221, %add3A_446 : i32
      %dma_wait3A_448 = arith.constant 0 : i32
      %dma_wait3A_449 = arith.constant 1 : i32
      %dma_wait3A_450 = arith.constant 0 : i32
      %dma_wait3A_451 = tpu.memref_slice %arg11[%dma_wait3A_448, %dma_wait3A_450] : memref<1x128xi32, #tpu.memory_space<vmem>> -> memref<1x128xi32, #tpu.memory_space<vmem>>
      %dma_wait3A_452 = tpu.memref_squeeze %dma_wait3A_451 : memref<1x128xi32, #tpu.memory_space<vmem>> -> memref<128xi32, #tpu.memory_space<vmem>>
      %dma_wait3A_453 = arith.constant 0 : i32
      %dma_wait3A_454 = arith.constant 0 : i32
      %dma_wait3A_455 = tpu.memref_slice %arg6[%dma_wait3A_453, %dma_wait3A_454] : memref<10000x128xf32, #tpu.memory_space<vmem_shared>> -> memref<10000x128xf32, #tpu.memory_space<vmem_shared>>
      %dma_wait3A_456 = tpu.memref_slice %arg19[%dma_wait3A_449] : memref<3x!tpu.dma_semaphore, #tpu.memory_space<semaphore_mem>> -> memref<1x!tpu.dma_semaphore, #tpu.memory_space<semaphore_mem>>
      %dma_wait3A_457 = tpu.memref_squeeze %dma_wait3A_456 : memref<1x!tpu.dma_semaphore, #tpu.memory_space<semaphore_mem>> -> memref<!tpu.dma_semaphore, #tpu.memory_space<semaphore_mem>>
      tpu.wait_indirect_dma semaphore(%dma_wait3A_457 : memref<!tpu.dma_semaphore, #tpu.memory_space<semaphore_mem>>) src(%arg14 : memref<128x128xf32, #tpu.memory_space<vmem>>) dst(%dma_wait3A_455 : memref<10000x128xf32, #tpu.memory_space<vmem_shared>>)
      %add3A_458 = arith.constant 3 : i32
      %add3A_459 = arith.addi %add3A_447, %add3A_458 : i32
      %eq3A_460 = arith.constant 0 : i32
      %eq3A_461 = arith.cmpi eq, %add3A_4, %eq3A_460 : i32
      %jit3A_462 = arith.constant 1 : i32
      %select_n3A_463 = arith.select %eq3A_461, %jit3A_462, %add3A_4 : i32
      %rem3A_464 = arith.remsi %add3A_459, %select_n3A_463 : i32
      %ne3A_465 = arith.constant 0 : i32
      %ne3A_466 = arith.cmpi ne, %rem3A_464, %ne3A_465 : i32
      %lt3A_467 = arith.constant 0 : i32
      %lt3A_468 = arith.cmpi slt, %rem3A_464, %lt3A_467 : i32
      %lt3A_469 = arith.constant 0 : i32
      %lt3A_470 = arith.cmpi slt, %select_n3A_463, %lt3A_469 : i32
      %ne3A_471 = arith.xori %lt3A_468, %lt3A_470 : i1
      %and3A_472 = arith.andi %ne3A_471, %ne3A_466 : i1
      %add3A_473 = arith.addi %rem3A_464, %select_n3A_463 : i32
      %select_n3A_474 = arith.select %and3A_472, %add3A_473, %rem3A_464 : i32
      %mul3A_475 = arith.constant 128 : i32
      %mul3A_476 = arith.muli %select_n3A_474, %mul3A_475 : i32
      %add3A_477 = arith.addi %mul3A_10, %mul3A_476 : i32
      %dma_start3A_478 = arith.constant 1 : i32
      %dma_start3A_479 = arith.constant 1 : i32
      %dma_start3A_480 = tpu.memref_slice %arg3[%dma_start3A_479, %add3A_477] : memref<2x320000xi32, #tpu.memory_space<hbm>> -> memref<1x128xi32, #tpu.memory_space<hbm>>
      %dma_start3A_481 = tpu.memref_slice %arg17[%dma_start3A_478] : memref<3x!tpu.dma_semaphore, #tpu.memory_space<semaphore_mem>> -> memref<1x!tpu.dma_semaphore, #tpu.memory_space<semaphore_mem>>
      %dma_start3A_482 = tpu.memref_squeeze %dma_start3A_481 : memref<1x!tpu.dma_semaphore, #tpu.memory_space<semaphore_mem>> -> memref<!tpu.dma_semaphore, #tpu.memory_space<semaphore_mem>>
      %dma_start3A_483 = arith.constant 1 : i32
      %dma_start3A_484 = tpu.memref_slice %arg3[%dma_start3A_483, %add3A_477] : memref<2x320000xi32, #tpu.memory_space<hbm>> -> memref<1x128xi32, #tpu.memory_space<hbm>>
      tpu.enqueue_dma source(%dma_start3A_484 : memref<1x128xi32, #tpu.memory_space<hbm>>) target(%arg11 : memref<1x128xi32, #tpu.memory_space<vmem>>) target_semaphore(%dma_start3A_482 : memref<!tpu.dma_semaphore, #tpu.memory_space<semaphore_mem>>)
      %mul3A_485 = arith.constant 128 : i32
      %mul3A_486 = arith.muli %add3A_447, %mul3A_485 : i32
      %add3A_487 = arith.addi %mul3A_10, %mul3A_486 : i32
      %dma_wait3A_488 = arith.constant 0 : i32
      %dma_wait3A_489 = arith.constant 1 : i32
      %dma_wait3A_490 = tpu.memref_slice %arg3[%dma_wait3A_488, %add3A_487] : memref<2x320000xi32, #tpu.memory_space<hbm>> -> memref<1x128xi32, #tpu.memory_space<hbm>>
      %dma_wait3A_491 = tpu.memref_squeeze %dma_wait3A_490 : memref<1x128xi32, #tpu.memory_space<hbm>> -> memref<128xi32, #tpu.memory_space<hbm>>
      %dma_wait3A_492 = tpu.memref_slice %arg16[%dma_wait3A_489] : memref<3x!tpu.dma_semaphore, #tpu.memory_space<semaphore_mem>> -> memref<1x!tpu.dma_semaphore, #tpu.memory_space<semaphore_mem>>
      %dma_wait3A_493 = tpu.memref_squeeze %dma_wait3A_492 : memref<1x!tpu.dma_semaphore, #tpu.memory_space<semaphore_mem>> -> memref<!tpu.dma_semaphore, #tpu.memory_space<semaphore_mem>>
      %dma_wait3A_494 = tpu.memref_slice %arg3[%dma_wait3A_488, %add3A_487] : memref<2x320000xi32, #tpu.memory_space<hbm>> -> memref<1x128xi32, #tpu.memory_space<hbm>>
      %dma_wait3A_495 = tpu.memref_squeeze %dma_wait3A_494 : memref<1x128xi32, #tpu.memory_space<hbm>> -> memref<128xi32, #tpu.memory_space<hbm>>
      tpu.wait_dma2 semaphore(%dma_wait3A_493 : memref<!tpu.dma_semaphore, #tpu.memory_space<semaphore_mem>>) src(%dma_wait3A_495 : memref<128xi32, #tpu.memory_space<hbm>>) dst(%arg8 : memref<128xi32, #tpu.memory_space<vmem>>)
      %dma_start3A_496 = arith.constant 1 : i32
      %dma_start3A_497 = arith.constant 0 : i32
      %dma_start3A_498 = arith.constant 0 : i32
      %dma_start3A_499 = tpu.memref_slice %arg2[%dma_start3A_497, %dma_start3A_498] : memref<10000x128xf32, #tpu.memory_space<hbm>> -> memref<10000x128xf32, #tpu.memory_space<hbm>>
      %dma_start3A_500 = tpu.memref_slice %arg18[%dma_start3A_496] : memref<3x!tpu.dma_semaphore, #tpu.memory_space<semaphore_mem>> -> memref<1x!tpu.dma_semaphore, #tpu.memory_space<semaphore_mem>>
      %dma_start3A_501 = tpu.memref_squeeze %dma_start3A_500 : memref<1x!tpu.dma_semaphore, #tpu.memory_space<semaphore_mem>> -> memref<!tpu.dma_semaphore, #tpu.memory_space<semaphore_mem>>
      tpu.enqueue_indirect_dma source(%dma_start3A_499 : memref<10000x128xf32, #tpu.memory_space<hbm>>) target(%arg14 : memref<128x128xf32, #tpu.memory_space<vmem>>) offsets(%arg8 : memref<128xi32, #tpu.memory_space<vmem>>) semaphore(%dma_start3A_501 : memref<!tpu.dma_semaphore, #tpu.memory_space<semaphore_mem>>)
      %add3A_502 = arith.constant 2 : i32
      %add3A_503 = arith.addi %mul3A_221, %add3A_502 : i32
      %dma_wait3A_504 = arith.constant 0 : i32
      %dma_wait3A_505 = arith.constant 2 : i32
      %dma_wait3A_506 = arith.constant 0 : i32
      %dma_wait3A_507 = tpu.memref_slice %arg12[%dma_wait3A_504, %dma_wait3A_506] : memref<1x128xi32, #tpu.memory_space<vmem>> -> memref<1x128xi32, #tpu.memory_space<vmem>>
      %dma_wait3A_508 = tpu.memref_squeeze %dma_wait3A_507 : memref<1x128xi32, #tpu.memory_space<vmem>> -> memref<128xi32, #tpu.memory_space<vmem>>
      %dma_wait3A_509 = arith.constant 0 : i32
      %dma_wait3A_510 = arith.constant 0 : i32
      %dma_wait3A_511 = tpu.memref_slice %arg6[%dma_wait3A_509, %dma_wait3A_510] : memref<10000x128xf32, #tpu.memory_space<vmem_shared>> -> memref<10000x128xf32, #tpu.memory_space<vmem_shared>>
      %dma_wait3A_512 = tpu.memref_slice %arg19[%dma_wait3A_505] : memref<3x!tpu.dma_semaphore, #tpu.memory_space<semaphore_mem>> -> memref<1x!tpu.dma_semaphore, #tpu.memory_space<semaphore_mem>>
      %dma_wait3A_513 = tpu.memref_squeeze %dma_wait3A_512 : memref<1x!tpu.dma_semaphore, #tpu.memory_space<semaphore_mem>> -> memref<!tpu.dma_semaphore, #tpu.memory_space<semaphore_mem>>
      tpu.wait_indirect_dma semaphore(%dma_wait3A_513 : memref<!tpu.dma_semaphore, #tpu.memory_space<semaphore_mem>>) src(%arg15 : memref<128x128xf32, #tpu.memory_space<vmem>>) dst(%dma_wait3A_511 : memref<10000x128xf32, #tpu.memory_space<vmem_shared>>)
      %add3A_514 = arith.constant 3 : i32
      %add3A_515 = arith.addi %add3A_503, %add3A_514 : i32
      %eq3A_516 = arith.constant 0 : i32
      %eq3A_517 = arith.cmpi eq, %add3A_4, %eq3A_516 : i32
      %jit3A_518 = arith.constant 1 : i32
      %select_n3A_519 = arith.select %eq3A_517, %jit3A_518, %add3A_4 : i32
      %rem3A_520 = arith.remsi %add3A_515, %select_n3A_519 : i32
      %ne3A_521 = arith.constant 0 : i32
      %ne3A_522 = arith.cmpi ne, %rem3A_520, %ne3A_521 : i32
      %lt3A_523 = arith.constant 0 : i32
      %lt3A_524 = arith.cmpi slt, %rem3A_520, %lt3A_523 : i32
      %lt3A_525 = arith.constant 0 : i32
      %lt3A_526 = arith.cmpi slt, %select_n3A_519, %lt3A_525 : i32
      %ne3A_527 = arith.xori %lt3A_524, %lt3A_526 : i1
      %and3A_528 = arith.andi %ne3A_527, %ne3A_522 : i1
      %add3A_529 = arith.addi %rem3A_520, %select_n3A_519 : i32
      %select_n3A_530 = arith.select %and3A_528, %add3A_529, %rem3A_520 : i32
      %mul3A_531 = arith.constant 128 : i32
      %mul3A_532 = arith.muli %select_n3A_530, %mul3A_531 : i32
      %add3A_533 = arith.addi %mul3A_10, %mul3A_532 : i32
      %dma_start3A_534 = arith.constant 2 : i32
      %dma_start3A_535 = arith.constant 1 : i32
      %dma_start3A_536 = tpu.memref_slice %arg3[%dma_start3A_535, %add3A_533] : memref<2x320000xi32, #tpu.memory_space<hbm>> -> memref<1x128xi32, #tpu.memory_space<hbm>>
      %dma_start3A_537 = tpu.memref_slice %arg17[%dma_start3A_534] : memref<3x!tpu.dma_semaphore, #tpu.memory_space<semaphore_mem>> -> memref<1x!tpu.dma_semaphore, #tpu.memory_space<semaphore_mem>>
      %dma_start3A_538 = tpu.memref_squeeze %dma_start3A_537 : memref<1x!tpu.dma_semaphore, #tpu.memory_space<semaphore_mem>> -> memref<!tpu.dma_semaphore, #tpu.memory_space<semaphore_mem>>
      %dma_start3A_539 = arith.constant 1 : i32
      %dma_start3A_540 = tpu.memref_slice %arg3[%dma_start3A_539, %add3A_533] : memref<2x320000xi32, #tpu.memory_space<hbm>> -> memref<1x128xi32, #tpu.memory_space<hbm>>
      tpu.enqueue_dma source(%dma_start3A_540 : memref<1x128xi32, #tpu.memory_space<hbm>>) target(%arg12 : memref<1x128xi32, #tpu.memory_space<vmem>>) target_semaphore(%dma_start3A_538 : memref<!tpu.dma_semaphore, #tpu.memory_space<semaphore_mem>>)
      %mul3A_541 = arith.constant 128 : i32
      %mul3A_542 = arith.muli %add3A_503, %mul3A_541 : i32
      %add3A_543 = arith.addi %mul3A_10, %mul3A_542 : i32
      %dma_wait3A_544 = arith.constant 0 : i32
      %dma_wait3A_545 = arith.constant 2 : i32
      %dma_wait3A_546 = tpu.memref_slice %arg3[%dma_wait3A_544, %add3A_543] : memref<2x320000xi32, #tpu.memory_space<hbm>> -> memref<1x128xi32, #tpu.memory_space<hbm>>
      %dma_wait3A_547 = tpu.memref_squeeze %dma_wait3A_546 : memref<1x128xi32, #tpu.memory_space<hbm>> -> memref<128xi32, #tpu.memory_space<hbm>>
      %dma_wait3A_548 = tpu.memref_slice %arg16[%dma_wait3A_545] : memref<3x!tpu.dma_semaphore, #tpu.memory_space<semaphore_mem>> -> memref<1x!tpu.dma_semaphore, #tpu.memory_space<semaphore_mem>>
      %dma_wait3A_549 = tpu.memref_squeeze %dma_wait3A_548 : memref<1x!tpu.dma_semaphore, #tpu.memory_space<semaphore_mem>> -> memref<!tpu.dma_semaphore, #tpu.memory_space<semaphore_mem>>
      %dma_wait3A_550 = tpu.memref_slice %arg3[%dma_wait3A_544, %add3A_543] : memref<2x320000xi32, #tpu.memory_space<hbm>> -> memref<1x128xi32, #tpu.memory_space<hbm>>
      %dma_wait3A_551 = tpu.memref_squeeze %dma_wait3A_550 : memref<1x128xi32, #tpu.memory_space<hbm>> -> memref<128xi32, #tpu.memory_space<hbm>>
      tpu.wait_dma2 semaphore(%dma_wait3A_549 : memref<!tpu.dma_semaphore, #tpu.memory_space<semaphore_mem>>) src(%dma_wait3A_551 : memref<128xi32, #tpu.memory_space<hbm>>) dst(%arg9 : memref<128xi32, #tpu.memory_space<vmem>>)
      %dma_start3A_552 = arith.constant 2 : i32
      %dma_start3A_553 = arith.constant 0 : i32
      %dma_start3A_554 = arith.constant 0 : i32
      %dma_start3A_555 = tpu.memref_slice %arg2[%dma_start3A_553, %dma_start3A_554] : memref<10000x128xf32, #tpu.memory_space<hbm>> -> memref<10000x128xf32, #tpu.memory_space<hbm>>
      %dma_start3A_556 = tpu.memref_slice %arg18[%dma_start3A_552] : memref<3x!tpu.dma_semaphore, #tpu.memory_space<semaphore_mem>> -> memref<1x!tpu.dma_semaphore, #tpu.memory_space<semaphore_mem>>
      %dma_start3A_557 = tpu.memref_squeeze %dma_start3A_556 : memref<1x!tpu.dma_semaphore, #tpu.memory_space<semaphore_mem>> -> memref<!tpu.dma_semaphore, #tpu.memory_space<semaphore_mem>>
      tpu.enqueue_indirect_dma source(%dma_start3A_555 : memref<10000x128xf32, #tpu.memory_space<hbm>>) target(%arg15 : memref<128x128xf32, #tpu.memory_space<vmem>>) offsets(%arg9 : memref<128xi32, #tpu.memory_space<vmem>>) semaphore(%dma_start3A_557 : memref<!tpu.dma_semaphore, #tpu.memory_space<semaphore_mem>>)
    }
    %dma_wait3A_150 = arith.constant 0 : i32
    %dma_wait3A_151 = arith.constant 0 : i32
    %dma_wait3A_152 = arith.constant 0 : i32
    %dma_wait3A_153 = tpu.memref_slice %arg2[%dma_wait3A_151, %dma_wait3A_152] : memref<10000x128xf32, #tpu.memory_space<hbm>> -> memref<10000x128xf32, #tpu.memory_space<hbm>>
    %dma_wait3A_154 = tpu.memref_slice %arg18[%dma_wait3A_150] : memref<3x!tpu.dma_semaphore, #tpu.memory_space<semaphore_mem>> -> memref<1x!tpu.dma_semaphore, #tpu.memory_space<semaphore_mem>>
    %dma_wait3A_155 = tpu.memref_squeeze %dma_wait3A_154 : memref<1x!tpu.dma_semaphore, #tpu.memory_space<semaphore_mem>> -> memref<!tpu.dma_semaphore, #tpu.memory_space<semaphore_mem>>
    tpu.wait_indirect_dma semaphore(%dma_wait3A_155 : memref<!tpu.dma_semaphore, #tpu.memory_space<semaphore_mem>>) src(%dma_wait3A_153 : memref<10000x128xf32, #tpu.memory_space<hbm>>) dst(%arg13 : memref<128x128xf32, #tpu.memory_space<vmem>>)
    %add3A_156 = arith.constant 0 : i32
    %add3A_157 = arith.addi %mul3A_10, %add3A_156 : i32
    %dma_wait3A_158 = arith.constant 0 : i32
    %dma_wait3A_159 = arith.constant 1 : i32
    %dma_wait3A_160 = tpu.memref_slice %arg3[%dma_wait3A_159, %add3A_157] : memref<2x320000xi32, #tpu.memory_space<hbm>> -> memref<1x128xi32, #tpu.memory_space<hbm>>
    %dma_wait3A_161 = tpu.memref_slice %arg17[%dma_wait3A_158] : memref<3x!tpu.dma_semaphore, #tpu.memory_space<semaphore_mem>> -> memref<1x!tpu.dma_semaphore, #tpu.memory_space<semaphore_mem>>
    %dma_wait3A_162 = tpu.memref_squeeze %dma_wait3A_161 : memref<1x!tpu.dma_semaphore, #tpu.memory_space<semaphore_mem>> -> memref<!tpu.dma_semaphore, #tpu.memory_space<semaphore_mem>>
    %dma_wait3A_163 = arith.constant 1 : i32
    %dma_wait3A_164 = tpu.memref_slice %arg3[%dma_wait3A_163, %add3A_157] : memref<2x320000xi32, #tpu.memory_space<hbm>> -> memref<1x128xi32, #tpu.memory_space<hbm>>
    tpu.wait_dma2 semaphore(%dma_wait3A_162 : memref<!tpu.dma_semaphore, #tpu.memory_space<semaphore_mem>>) src(%dma_wait3A_164 : memref<1x128xi32, #tpu.memory_space<hbm>>) dst(%arg10 : memref<1x128xi32, #tpu.memory_space<vmem>>)
    %dma_wait3A_165 = arith.constant 1 : i32
    %dma_wait3A_166 = arith.constant 0 : i32
    %dma_wait3A_167 = arith.constant 0 : i32
    %dma_wait3A_168 = tpu.memref_slice %arg2[%dma_wait3A_166, %dma_wait3A_167] : memref<10000x128xf32, #tpu.memory_space<hbm>> -> memref<10000x128xf32, #tpu.memory_space<hbm>>
    %dma_wait3A_169 = tpu.memref_slice %arg18[%dma_wait3A_165] : memref<3x!tpu.dma_semaphore, #tpu.memory_space<semaphore_mem>> -> memref<1x!tpu.dma_semaphore, #tpu.memory_space<semaphore_mem>>
    %dma_wait3A_170 = tpu.memref_squeeze %dma_wait3A_169 : memref<1x!tpu.dma_semaphore, #tpu.memory_space<semaphore_mem>> -> memref<!tpu.dma_semaphore, #tpu.memory_space<semaphore_mem>>
    tpu.wait_indirect_dma semaphore(%dma_wait3A_170 : memref<!tpu.dma_semaphore, #tpu.memory_space<semaphore_mem>>) src(%dma_wait3A_168 : memref<10000x128xf32, #tpu.memory_space<hbm>>) dst(%arg14 : memref<128x128xf32, #tpu.memory_space<vmem>>)
    %add3A_171 = arith.constant 128 : i32
    %add3A_172 = arith.addi %mul3A_10, %add3A_171 : i32
    %dma_wait3A_173 = arith.constant 1 : i32
    %dma_wait3A_174 = arith.constant 1 : i32
    %dma_wait3A_175 = tpu.memref_slice %arg3[%dma_wait3A_174, %add3A_172] : memref<2x320000xi32, #tpu.memory_space<hbm>> -> memref<1x128xi32, #tpu.memory_space<hbm>>
    %dma_wait3A_176 = tpu.memref_slice %arg17[%dma_wait3A_173] : memref<3x!tpu.dma_semaphore, #tpu.memory_space<semaphore_mem>> -> memref<1x!tpu.dma_semaphore, #tpu.memory_space<semaphore_mem>>
    %dma_wait3A_177 = tpu.memref_squeeze %dma_wait3A_176 : memref<1x!tpu.dma_semaphore, #tpu.memory_space<semaphore_mem>> -> memref<!tpu.dma_semaphore, #tpu.memory_space<semaphore_mem>>
    %dma_wait3A_178 = arith.constant 1 : i32
    %dma_wait3A_179 = tpu.memref_slice %arg3[%dma_wait3A_178, %add3A_172] : memref<2x320000xi32, #tpu.memory_space<hbm>> -> memref<1x128xi32, #tpu.memory_space<hbm>>
    tpu.wait_dma2 semaphore(%dma_wait3A_177 : memref<!tpu.dma_semaphore, #tpu.memory_space<semaphore_mem>>) src(%dma_wait3A_179 : memref<1x128xi32, #tpu.memory_space<hbm>>) dst(%arg11 : memref<1x128xi32, #tpu.memory_space<vmem>>)
    %dma_wait3A_180 = arith.constant 2 : i32
    %dma_wait3A_181 = arith.constant 0 : i32
    %dma_wait3A_182 = arith.constant 0 : i32
    %dma_wait3A_183 = tpu.memref_slice %arg2[%dma_wait3A_181, %dma_wait3A_182] : memref<10000x128xf32, #tpu.memory_space<hbm>> -> memref<10000x128xf32, #tpu.memory_space<hbm>>
    %dma_wait3A_184 = tpu.memref_slice %arg18[%dma_wait3A_180] : memref<3x!tpu.dma_semaphore, #tpu.memory_space<semaphore_mem>> -> memref<1x!tpu.dma_semaphore, #tpu.memory_space<semaphore_mem>>
    %dma_wait3A_185 = tpu.memref_squeeze %dma_wait3A_184 : memref<1x!tpu.dma_semaphore, #tpu.memory_space<semaphore_mem>> -> memref<!tpu.dma_semaphore, #tpu.memory_space<semaphore_mem>>
    tpu.wait_indirect_dma semaphore(%dma_wait3A_185 : memref<!tpu.dma_semaphore, #tpu.memory_space<semaphore_mem>>) src(%dma_wait3A_183 : memref<10000x128xf32, #tpu.memory_space<hbm>>) dst(%arg15 : memref<128x128xf32, #tpu.memory_space<vmem>>)
    %add3A_186 = arith.constant 256 : i32
    %add3A_187 = arith.addi %mul3A_10, %add3A_186 : i32
    %dma_wait3A_188 = arith.constant 2 : i32
    %dma_wait3A_189 = arith.constant 1 : i32
    %dma_wait3A_190 = tpu.memref_slice %arg3[%dma_wait3A_189, %add3A_187] : memref<2x320000xi32, #tpu.memory_space<hbm>> -> memref<1x128xi32, #tpu.memory_space<hbm>>
    %dma_wait3A_191 = tpu.memref_slice %arg17[%dma_wait3A_188] : memref<3x!tpu.dma_semaphore, #tpu.memory_space<semaphore_mem>> -> memref<1x!tpu.dma_semaphore, #tpu.memory_space<semaphore_mem>>
    %dma_wait3A_192 = tpu.memref_squeeze %dma_wait3A_191 : memref<1x!tpu.dma_semaphore, #tpu.memory_space<semaphore_mem>> -> memref<!tpu.dma_semaphore, #tpu.memory_space<semaphore_mem>>
    %dma_wait3A_193 = arith.constant 1 : i32
    %dma_wait3A_194 = tpu.memref_slice %arg3[%dma_wait3A_193, %add3A_187] : memref<2x320000xi32, #tpu.memory_space<hbm>> -> memref<1x128xi32, #tpu.memory_space<hbm>>
    tpu.wait_dma2 semaphore(%dma_wait3A_192 : memref<!tpu.dma_semaphore, #tpu.memory_space<semaphore_mem>>) src(%dma_wait3A_194 : memref<1x128xi32, #tpu.memory_space<hbm>>) dst(%arg12 : memref<1x128xi32, #tpu.memory_space<vmem>>)
    %mul3A_195 = arith.constant 3 : i32
    %mul3A_196 = arith.muli %select_n3A_37, %mul3A_195 : i32
    %while3A_197 = arith.constant 0 : i32
    %while3A_198 = arith.subi %add3A_4, %mul3A_196 : i32
    %while3A_199 = arith.addi %mul3A_196, %while3A_198 : i32
    %while3A_200 = arith.constant 1 : i32
    %while3A_201 = arith.divsi %while3A_198, %while3A_200 : i32
    %while3A_202 = arith.muli %while3A_201, %while3A_200 : i32
    %while3A_203 = arith.addi %mul3A_196, %while3A_202 : i32
    %while3A_204 = arith.constant 1 : i32
    scf.for %while3A_219 = %mul3A_196 to %while3A_203 step %while3A_204  : i32 {
      %mul3A_220 = arith.constant 128 : i32
      %mul3A_221 = arith.muli %while3A_219, %mul3A_220 : i32
      %add3A_222 = arith.addi %mul3A_10, %mul3A_221 : i32
      %dma_start3A_223 = arith.constant 0 : i32
      %dma_start3A_224 = arith.constant 0 : i32
      %dma_start3A_225 = tpu.memref_slice %arg3[%dma_start3A_223, %add3A_222] : memref<2x320000xi32, #tpu.memory_space<hbm>> -> memref<1x128xi32, #tpu.memory_space<hbm>>
      %dma_start3A_226 = tpu.memref_squeeze %dma_start3A_225 : memref<1x128xi32, #tpu.memory_space<hbm>> -> memref<128xi32, #tpu.memory_space<hbm>>
      %dma_start3A_227 = tpu.memref_slice %arg16[%dma_start3A_224] : memref<3x!tpu.dma_semaphore, #tpu.memory_space<semaphore_mem>> -> memref<1x!tpu.dma_semaphore, #tpu.memory_space<semaphore_mem>>
      %dma_start3A_228 = tpu.memref_squeeze %dma_start3A_227 : memref<1x!tpu.dma_semaphore, #tpu.memory_space<semaphore_mem>> -> memref<!tpu.dma_semaphore, #tpu.memory_space<semaphore_mem>>
      %dma_start3A_229 = tpu.memref_slice %arg3[%dma_start3A_223, %add3A_222] : memref<2x320000xi32, #tpu.memory_space<hbm>> -> memref<1x128xi32, #tpu.memory_space<hbm>>
      %dma_start3A_230 = tpu.memref_squeeze %dma_start3A_229 : memref<1x128xi32, #tpu.memory_space<hbm>> -> memref<128xi32, #tpu.memory_space<hbm>>
      tpu.enqueue_dma source(%dma_start3A_230 : memref<128xi32, #tpu.memory_space<hbm>>) target(%arg7 : memref<128xi32, #tpu.memory_space<vmem>>) target_semaphore(%dma_start3A_228 : memref<!tpu.dma_semaphore, #tpu.memory_space<semaphore_mem>>)
      %mul3A_231 = arith.constant 128 : i32
      %mul3A_232 = arith.muli %while3A_219, %mul3A_231 : i32
      %add3A_233 = arith.addi %mul3A_10, %mul3A_232 : i32
      %dma_start3A_234 = arith.constant 0 : i32
      %dma_start3A_235 = arith.constant 1 : i32
      %dma_start3A_236 = tpu.memref_slice %arg3[%dma_start3A_235, %add3A_233] : memref<2x320000xi32, #tpu.memory_space<hbm>> -> memref<1x128xi32, #tpu.memory_space<hbm>>
      %dma_start3A_237 = tpu.memref_slice %arg17[%dma_start3A_234] : memref<3x!tpu.dma_semaphore, #tpu.memory_space<semaphore_mem>> -> memref<1x!tpu.dma_semaphore, #tpu.memory_space<semaphore_mem>>
      %dma_start3A_238 = tpu.memref_squeeze %dma_start3A_237 : memref<1x!tpu.dma_semaphore, #tpu.memory_space<semaphore_mem>> -> memref<!tpu.dma_semaphore, #tpu.memory_space<semaphore_mem>>
      %dma_start3A_239 = arith.constant 1 : i32
      %dma_start3A_240 = tpu.memref_slice %arg3[%dma_start3A_239, %add3A_233] : memref<2x320000xi32, #tpu.memory_space<hbm>> -> memref<1x128xi32, #tpu.memory_space<hbm>>
      tpu.enqueue_dma source(%dma_start3A_240 : memref<1x128xi32, #tpu.memory_space<hbm>>) target(%arg10 : memref<1x128xi32, #tpu.memory_space<vmem>>) target_semaphore(%dma_start3A_238 : memref<!tpu.dma_semaphore, #tpu.memory_space<semaphore_mem>>)
      %mul3A_241 = arith.constant 128 : i32
      %mul3A_242 = arith.muli %while3A_219, %mul3A_241 : i32
      %add3A_243 = arith.addi %mul3A_10, %mul3A_242 : i32
      %dma_wait3A_244 = arith.constant 0 : i32
      %dma_wait3A_245 = arith.constant 0 : i32
      %dma_wait3A_246 = tpu.memref_slice %arg3[%dma_wait3A_244, %add3A_243] : memref<2x320000xi32, #tpu.memory_space<hbm>> -> memref<1x128xi32, #tpu.memory_space<hbm>>
      %dma_wait3A_247 = tpu.memref_squeeze %dma_wait3A_246 : memref<1x128xi32, #tpu.memory_space<hbm>> -> memref<128xi32, #tpu.memory_space<hbm>>
      %dma_wait3A_248 = tpu.memref_slice %arg16[%dma_wait3A_245] : memref<3x!tpu.dma_semaphore, #tpu.memory_space<semaphore_mem>> -> memref<1x!tpu.dma_semaphore, #tpu.memory_space<semaphore_mem>>
      %dma_wait3A_249 = tpu.memref_squeeze %dma_wait3A_248 : memref<1x!tpu.dma_semaphore, #tpu.memory_space<semaphore_mem>> -> memref<!tpu.dma_semaphore, #tpu.memory_space<semaphore_mem>>
      %dma_wait3A_250 = tpu.memref_slice %arg3[%dma_wait3A_244, %add3A_243] : memref<2x320000xi32, #tpu.memory_space<hbm>> -> memref<1x128xi32, #tpu.memory_space<hbm>>
      %dma_wait3A_251 = tpu.memref_squeeze %dma_wait3A_250 : memref<1x128xi32, #tpu.memory_space<hbm>> -> memref<128xi32, #tpu.memory_space<hbm>>
      tpu.wait_dma2 semaphore(%dma_wait3A_249 : memref<!tpu.dma_semaphore, #tpu.memory_space<semaphore_mem>>) src(%dma_wait3A_251 : memref<128xi32, #tpu.memory_space<hbm>>) dst(%arg7 : memref<128xi32, #tpu.memory_space<vmem>>)
      %mul3A_252 = arith.constant 128 : i32
      %mul3A_253 = arith.muli %while3A_219, %mul3A_252 : i32
      %add3A_254 = arith.addi %mul3A_10, %mul3A_253 : i32
      %dma_wait3A_255 = arith.constant 0 : i32
      %dma_wait3A_256 = arith.constant 1 : i32
      %dma_wait3A_257 = tpu.memref_slice %arg3[%dma_wait3A_256, %add3A_254] : memref<2x320000xi32, #tpu.memory_space<hbm>> -> memref<1x128xi32, #tpu.memory_space<hbm>>
      %dma_wait3A_258 = tpu.memref_slice %arg17[%dma_wait3A_255] : memref<3x!tpu.dma_semaphore, #tpu.memory_space<semaphore_mem>> -> memref<1x!tpu.dma_semaphore, #tpu.memory_space<semaphore_mem>>
      %dma_wait3A_259 = tpu.memref_squeeze %dma_wait3A_258 : memref<1x!tpu.dma_semaphore, #tpu.memory_space<semaphore_mem>> -> memref<!tpu.dma_semaphore, #tpu.memory_space<semaphore_mem>>
      %dma_wait3A_260 = arith.constant 1 : i32
      %dma_wait3A_261 = tpu.memref_slice %arg3[%dma_wait3A_260, %add3A_254] : memref<2x320000xi32, #tpu.memory_space<hbm>> -> memref<1x128xi32, #tpu.memory_space<hbm>>
      tpu.wait_dma2 semaphore(%dma_wait3A_259 : memref<!tpu.dma_semaphore, #tpu.memory_space<semaphore_mem>>) src(%dma_wait3A_261 : memref<1x128xi32, #tpu.memory_space<hbm>>) dst(%arg10 : memref<1x128xi32, #tpu.memory_space<vmem>>)
      %dma_start3A_262 = arith.constant 0 : i32
      %dma_start3A_263 = arith.constant 0 : i32
      %dma_start3A_264 = arith.constant 0 : i32
      %dma_start3A_265 = tpu.memref_slice %arg2[%dma_start3A_263, %dma_start3A_264] : memref<10000x128xf32, #tpu.memory_space<hbm>> -> memref<10000x128xf32, #tpu.memory_space<hbm>>
      %dma_start3A_266 = tpu.memref_slice %arg18[%dma_start3A_262] : memref<3x!tpu.dma_semaphore, #tpu.memory_space<semaphore_mem>> -> memref<1x!tpu.dma_semaphore, #tpu.memory_space<semaphore_mem>>
      %dma_start3A_267 = tpu.memref_squeeze %dma_start3A_266 : memref<1x!tpu.dma_semaphore, #tpu.memory_space<semaphore_mem>> -> memref<!tpu.dma_semaphore, #tpu.memory_space<semaphore_mem>>
      tpu.enqueue_indirect_dma source(%dma_start3A_265 : memref<10000x128xf32, #tpu.memory_space<hbm>>) target(%arg13 : memref<128x128xf32, #tpu.memory_space<vmem>>) offsets(%arg7 : memref<128xi32, #tpu.memory_space<vmem>>) semaphore(%dma_start3A_267 : memref<!tpu.dma_semaphore, #tpu.memory_space<semaphore_mem>>)
      %dma_wait3A_268 = arith.constant 0 : i32
      %dma_wait3A_269 = arith.constant 0 : i32
      %dma_wait3A_270 = arith.constant 0 : i32
      %dma_wait3A_271 = tpu.memref_slice %arg2[%dma_wait3A_269, %dma_wait3A_270] : memref<10000x128xf32, #tpu.memory_space<hbm>> -> memref<10000x128xf32, #tpu.memory_space<hbm>>
      %dma_wait3A_272 = tpu.memref_slice %arg18[%dma_wait3A_268] : memref<3x!tpu.dma_semaphore, #tpu.memory_space<semaphore_mem>> -> memref<1x!tpu.dma_semaphore, #tpu.memory_space<semaphore_mem>>
      %dma_wait3A_273 = tpu.memref_squeeze %dma_wait3A_272 : memref<1x!tpu.dma_semaphore, #tpu.memory_space<semaphore_mem>> -> memref<!tpu.dma_semaphore, #tpu.memory_space<semaphore_mem>>
      tpu.wait_indirect_dma semaphore(%dma_wait3A_273 : memref<!tpu.dma_semaphore, #tpu.memory_space<semaphore_mem>>) src(%dma_wait3A_271 : memref<10000x128xf32, #tpu.memory_space<hbm>>) dst(%arg13 : memref<128x128xf32, #tpu.memory_space<vmem>>)
      %dma_start3A_274 = arith.constant 0 : i32
      %dma_start3A_275 = arith.constant 0 : i32
      %dma_start3A_276 = arith.constant 0 : i32
      %dma_start3A_277 = tpu.memref_slice %arg10[%dma_start3A_274, %dma_start3A_276] : memref<1x128xi32, #tpu.memory_space<vmem>> -> memref<1x128xi32, #tpu.memory_space<vmem>>
      %dma_start3A_278 = tpu.memref_squeeze %dma_start3A_277 : memref<1x128xi32, #tpu.memory_space<vmem>> -> memref<128xi32, #tpu.memory_space<vmem>>
      %dma_start3A_279 = arith.constant 0 : i32
      %dma_start3A_280 = arith.constant 0 : i32
      %dma_start3A_281 = tpu.memref_slice %arg6[%dma_start3A_279, %dma_start3A_280] : memref<10000x128xf32, #tpu.memory_space<vmem_shared>> -> memref<10000x128xf32, #tpu.memory_space<vmem_shared>>
      %dma_start3A_282 = tpu.memref_slice %arg19[%dma_start3A_275] : memref<3x!tpu.dma_semaphore, #tpu.memory_space<semaphore_mem>> -> memref<1x!tpu.dma_semaphore, #tpu.memory_space<semaphore_mem>>
      %dma_start3A_283 = tpu.memref_squeeze %dma_start3A_282 : memref<1x!tpu.dma_semaphore, #tpu.memory_space<semaphore_mem>> -> memref<!tpu.dma_semaphore, #tpu.memory_space<semaphore_mem>>
      tpu.enqueue_indirect_dma source(%arg13 : memref<128x128xf32, #tpu.memory_space<vmem>>) target(%dma_start3A_281 : memref<10000x128xf32, #tpu.memory_space<vmem_shared>>) offsets(%dma_start3A_278 : memref<128xi32, #tpu.memory_space<vmem>>) semaphore(%dma_start3A_283 : memref<!tpu.dma_semaphore, #tpu.memory_space<semaphore_mem>>) {add = true}
      %dma_wait3A_284 = arith.constant 0 : i32
      %dma_wait3A_285 = arith.constant 0 : i32
      %dma_wait3A_286 = arith.constant 0 : i32
      %dma_wait3A_287 = tpu.memref_slice %arg10[%dma_wait3A_284, %dma_wait3A_286] : memref<1x128xi32, #tpu.memory_space<vmem>> -> memref<1x128xi32, #tpu.memory_space<vmem>>
      %dma_wait3A_288 = tpu.memref_squeeze %dma_wait3A_287 : memref<1x128xi32, #tpu.memory_space<vmem>> -> memref<128xi32, #tpu.memory_space<vmem>>
      %dma_wait3A_289 = arith.constant 0 : i32
      %dma_wait3A_290 = arith.constant 0 : i32
      %dma_wait3A_291 = tpu.memref_slice %arg6[%dma_wait3A_289, %dma_wait3A_290] : memref<10000x128xf32, #tpu.memory_space<vmem_shared>> -> memref<10000x128xf32, #tpu.memory_space<vmem_shared>>
      %dma_wait3A_292 = tpu.memref_slice %arg19[%dma_wait3A_285] : memref<3x!tpu.dma_semaphore, #tpu.memory_space<semaphore_mem>> -> memref<1x!tpu.dma_semaphore, #tpu.memory_space<semaphore_mem>>
      %dma_wait3A_293 = tpu.memref_squeeze %dma_wait3A_292 : memref<1x!tpu.dma_semaphore, #tpu.memory_space<semaphore_mem>> -> memref<!tpu.dma_semaphore, #tpu.memory_space<semaphore_mem>>
      tpu.wait_indirect_dma semaphore(%dma_wait3A_293 : memref<!tpu.dma_semaphore, #tpu.memory_space<semaphore_mem>>) src(%arg13 : memref<128x128xf32, #tpu.memory_space<vmem>>) dst(%dma_wait3A_291 : memref<10000x128xf32, #tpu.memory_space<vmem_shared>>)
    }
    %while3A_205 = arith.constant 1 : i32
    scf.for %while3A_219 = %while3A_203 to %while3A_199 step %while3A_205  : i32 {
      %mul3A_220 = arith.constant 128 : i32
      %mul3A_221 = arith.muli %while3A_219, %mul3A_220 : i32
      %add3A_222 = arith.addi %mul3A_10, %mul3A_221 : i32
      %dma_start3A_223 = arith.constant 0 : i32
      %dma_start3A_224 = arith.constant 0 : i32
      %dma_start3A_225 = tpu.memref_slice %arg3[%dma_start3A_223, %add3A_222] : memref<2x320000xi32, #tpu.memory_space<hbm>> -> memref<1x128xi32, #tpu.memory_space<hbm>>
      %dma_start3A_226 = tpu.memref_squeeze %dma_start3A_225 : memref<1x128xi32, #tpu.memory_space<hbm>> -> memref<128xi32, #tpu.memory_space<hbm>>
      %dma_start3A_227 = tpu.memref_slice %arg16[%dma_start3A_224] : memref<3x!tpu.dma_semaphore, #tpu.memory_space<semaphore_mem>> -> memref<1x!tpu.dma_semaphore, #tpu.memory_space<semaphore_mem>>
      %dma_start3A_228 = tpu.memref_squeeze %dma_start3A_227 : memref<1x!tpu.dma_semaphore, #tpu.memory_space<semaphore_mem>> -> memref<!tpu.dma_semaphore, #tpu.memory_space<semaphore_mem>>
      %dma_start3A_229 = tpu.memref_slice %arg3[%dma_start3A_223, %add3A_222] : memref<2x320000xi32, #tpu.memory_space<hbm>> -> memref<1x128xi32, #tpu.memory_space<hbm>>
      %dma_start3A_230 = tpu.memref_squeeze %dma_start3A_229 : memref<1x128xi32, #tpu.memory_space<hbm>> -> memref<128xi32, #tpu.memory_space<hbm>>
      tpu.enqueue_dma source(%dma_start3A_230 : memref<128xi32, #tpu.memory_space<hbm>>) target(%arg7 : memref<128xi32, #tpu.memory_space<vmem>>) target_semaphore(%dma_start3A_228 : memref<!tpu.dma_semaphore, #tpu.memory_space<semaphore_mem>>)
      %mul3A_231 = arith.constant 128 : i32
      %mul3A_232 = arith.muli %while3A_219, %mul3A_231 : i32
      %add3A_233 = arith.addi %mul3A_10, %mul3A_232 : i32
      %dma_start3A_234 = arith.constant 0 : i32
      %dma_start3A_235 = arith.constant 1 : i32
      %dma_start3A_236 = tpu.memref_slice %arg3[%dma_start3A_235, %add3A_233] : memref<2x320000xi32, #tpu.memory_space<hbm>> -> memref<1x128xi32, #tpu.memory_space<hbm>>
      %dma_start3A_237 = tpu.memref_slice %arg17[%dma_start3A_234] : memref<3x!tpu.dma_semaphore, #tpu.memory_space<semaphore_mem>> -> memref<1x!tpu.dma_semaphore, #tpu.memory_space<semaphore_mem>>
      %dma_start3A_238 = tpu.memref_squeeze %dma_start3A_237 : memref<1x!tpu.dma_semaphore, #tpu.memory_space<semaphore_mem>> -> memref<!tpu.dma_semaphore, #tpu.memory_space<semaphore_mem>>
      %dma_start3A_239 = arith.constant 1 : i32
      %dma_start3A_240 = tpu.memref_slice %arg3[%dma_start3A_239, %add3A_233] : memref<2x320000xi32, #tpu.memory_space<hbm>> -> memref<1x128xi32, #tpu.memory_space<hbm>>
      tpu.enqueue_dma source(%dma_start3A_240 : memref<1x128xi32, #tpu.memory_space<hbm>>) target(%arg10 : memref<1x128xi32, #tpu.memory_space<vmem>>) target_semaphore(%dma_start3A_238 : memref<!tpu.dma_semaphore, #tpu.memory_space<semaphore_mem>>)
      %mul3A_241 = arith.constant 128 : i32
      %mul3A_242 = arith.muli %while3A_219, %mul3A_241 : i32
      %add3A_243 = arith.addi %mul3A_10, %mul3A_242 : i32
      %dma_wait3A_244 = arith.constant 0 : i32
      %dma_wait3A_245 = arith.constant 0 : i32
      %dma_wait3A_246 = tpu.memref_slice %arg3[%dma_wait3A_244, %add3A_243] : memref<2x320000xi32, #tpu.memory_space<hbm>> -> memref<1x128xi32, #tpu.memory_space<hbm>>
      %dma_wait3A_247 = tpu.memref_squeeze %dma_wait3A_246 : memref<1x128xi32, #tpu.memory_space<hbm>> -> memref<128xi32, #tpu.memory_space<hbm>>
      %dma_wait3A_248 = tpu.memref_slice %arg16[%dma_wait3A_245] : memref<3x!tpu.dma_semaphore, #tpu.memory_space<semaphore_mem>> -> memref<1x!tpu.dma_semaphore, #tpu.memory_space<semaphore_mem>>
      %dma_wait3A_249 = tpu.memref_squeeze %dma_wait3A_248 : memref<1x!tpu.dma_semaphore, #tpu.memory_space<semaphore_mem>> -> memref<!tpu.dma_semaphore, #tpu.memory_space<semaphore_mem>>
      %dma_wait3A_250 = tpu.memref_slice %arg3[%dma_wait3A_244, %add3A_243] : memref<2x320000xi32, #tpu.memory_space<hbm>> -> memref<1x128xi32, #tpu.memory_space<hbm>>
      %dma_wait3A_251 = tpu.memref_squeeze %dma_wait3A_250 : memref<1x128xi32, #tpu.memory_space<hbm>> -> memref<128xi32, #tpu.memory_space<hbm>>
      tpu.wait_dma2 semaphore(%dma_wait3A_249 : memref<!tpu.dma_semaphore, #tpu.memory_space<semaphore_mem>>) src(%dma_wait3A_251 : memref<128xi32, #tpu.memory_space<hbm>>) dst(%arg7 : memref<128xi32, #tpu.memory_space<vmem>>)
      %mul3A_252 = arith.constant 128 : i32
      %mul3A_253 = arith.muli %while3A_219, %mul3A_252 : i32
      %add3A_254 = arith.addi %mul3A_10, %mul3A_253 : i32
      %dma_wait3A_255 = arith.constant 0 : i32
      %dma_wait3A_256 = arith.constant 1 : i32
      %dma_wait3A_257 = tpu.memref_slice %arg3[%dma_wait3A_256, %add3A_254] : memref<2x320000xi32, #tpu.memory_space<hbm>> -> memref<1x128xi32, #tpu.memory_space<hbm>>
      %dma_wait3A_258 = tpu.memref_slice %arg17[%dma_wait3A_255] : memref<3x!tpu.dma_semaphore, #tpu.memory_space<semaphore_mem>> -> memref<1x!tpu.dma_semaphore, #tpu.memory_space<semaphore_mem>>
      %dma_wait3A_259 = tpu.memref_squeeze %dma_wait3A_258 : memref<1x!tpu.dma_semaphore, #tpu.memory_space<semaphore_mem>> -> memref<!tpu.dma_semaphore, #tpu.memory_space<semaphore_mem>>
      %dma_wait3A_260 = arith.constant 1 : i32
      %dma_wait3A_261 = tpu.memref_slice %arg3[%dma_wait3A_260, %add3A_254] : memref<2x320000xi32, #tpu.memory_space<hbm>> -> memref<1x128xi32, #tpu.memory_space<hbm>>
      tpu.wait_dma2 semaphore(%dma_wait3A_259 : memref<!tpu.dma_semaphore, #tpu.memory_space<semaphore_mem>>) src(%dma_wait3A_261 : memref<1x128xi32, #tpu.memory_space<hbm>>) dst(%arg10 : memref<1x128xi32, #tpu.memory_space<vmem>>)
      %dma_start3A_262 = arith.constant 0 : i32
      %dma_start3A_263 = arith.constant 0 : i32
      %dma_start3A_264 = arith.constant 0 : i32
      %dma_start3A_265 = tpu.memref_slice %arg2[%dma_start3A_263, %dma_start3A_264] : memref<10000x128xf32, #tpu.memory_space<hbm>> -> memref<10000x128xf32, #tpu.memory_space<hbm>>
      %dma_start3A_266 = tpu.memref_slice %arg18[%dma_start3A_262] : memref<3x!tpu.dma_semaphore, #tpu.memory_space<semaphore_mem>> -> memref<1x!tpu.dma_semaphore, #tpu.memory_space<semaphore_mem>>
      %dma_start3A_267 = tpu.memref_squeeze %dma_start3A_266 : memref<1x!tpu.dma_semaphore, #tpu.memory_space<semaphore_mem>> -> memref<!tpu.dma_semaphore, #tpu.memory_space<semaphore_mem>>
      tpu.enqueue_indirect_dma source(%dma_start3A_265 : memref<10000x128xf32, #tpu.memory_space<hbm>>) target(%arg13 : memref<128x128xf32, #tpu.memory_space<vmem>>) offsets(%arg7 : memref<128xi32, #tpu.memory_space<vmem>>) semaphore(%dma_start3A_267 : memref<!tpu.dma_semaphore, #tpu.memory_space<semaphore_mem>>)
      %dma_wait3A_268 = arith.constant 0 : i32
      %dma_wait3A_269 = arith.constant 0 : i32
      %dma_wait3A_270 = arith.constant 0 : i32
      %dma_wait3A_271 = tpu.memref_slice %arg2[%dma_wait3A_269, %dma_wait3A_270] : memref<10000x128xf32, #tpu.memory_space<hbm>> -> memref<10000x128xf32, #tpu.memory_space<hbm>>
      %dma_wait3A_272 = tpu.memref_slice %arg18[%dma_wait3A_268] : memref<3x!tpu.dma_semaphore, #tpu.memory_space<semaphore_mem>> -> memref<1x!tpu.dma_semaphore, #tpu.memory_space<semaphore_mem>>
      %dma_wait3A_273 = tpu.memref_squeeze %dma_wait3A_272 : memref<1x!tpu.dma_semaphore, #tpu.memory_space<semaphore_mem>> -> memref<!tpu.dma_semaphore, #tpu.memory_space<semaphore_mem>>
      tpu.wait_indirect_dma semaphore(%dma_wait3A_273 : memref<!tpu.dma_semaphore, #tpu.memory_space<semaphore_mem>>) src(%dma_wait3A_271 : memref<10000x128xf32, #tpu.memory_space<hbm>>) dst(%arg13 : memref<128x128xf32, #tpu.memory_space<vmem>>)
      %dma_start3A_274 = arith.constant 0 : i32
      %dma_start3A_275 = arith.constant 0 : i32
      %dma_start3A_276 = arith.constant 0 : i32
      %dma_start3A_277 = tpu.memref_slice %arg10[%dma_start3A_274, %dma_start3A_276] : memref<1x128xi32, #tpu.memory_space<vmem>> -> memref<1x128xi32, #tpu.memory_space<vmem>>
      %dma_start3A_278 = tpu.memref_squeeze %dma_start3A_277 : memref<1x128xi32, #tpu.memory_space<vmem>> -> memref<128xi32, #tpu.memory_space<vmem>>
      %dma_start3A_279 = arith.constant 0 : i32
      %dma_start3A_280 = arith.constant 0 : i32
      %dma_start3A_281 = tpu.memref_slice %arg6[%dma_start3A_279, %dma_start3A_280] : memref<10000x128xf32, #tpu.memory_space<vmem_shared>> -> memref<10000x128xf32, #tpu.memory_space<vmem_shared>>
      %dma_start3A_282 = tpu.memref_slice %arg19[%dma_start3A_275] : memref<3x!tpu.dma_semaphore, #tpu.memory_space<semaphore_mem>> -> memref<1x!tpu.dma_semaphore, #tpu.memory_space<semaphore_mem>>
      %dma_start3A_283 = tpu.memref_squeeze %dma_start3A_282 : memref<1x!tpu.dma_semaphore, #tpu.memory_space<semaphore_mem>> -> memref<!tpu.dma_semaphore, #tpu.memory_space<semaphore_mem>>
      tpu.enqueue_indirect_dma source(%arg13 : memref<128x128xf32, #tpu.memory_space<vmem>>) target(%dma_start3A_281 : memref<10000x128xf32, #tpu.memory_space<vmem_shared>>) offsets(%dma_start3A_278 : memref<128xi32, #tpu.memory_space<vmem>>) semaphore(%dma_start3A_283 : memref<!tpu.dma_semaphore, #tpu.memory_space<semaphore_mem>>) {add = true}
      %dma_wait3A_284 = arith.constant 0 : i32
      %dma_wait3A_285 = arith.constant 0 : i32
      %dma_wait3A_286 = arith.constant 0 : i32
      %dma_wait3A_287 = tpu.memref_slice %arg10[%dma_wait3A_284, %dma_wait3A_286] : memref<1x128xi32, #tpu.memory_space<vmem>> -> memref<1x128xi32, #tpu.memory_space<vmem>>
      %dma_wait3A_288 = tpu.memref_squeeze %dma_wait3A_287 : memref<1x128xi32, #tpu.memory_space<vmem>> -> memref<128xi32, #tpu.memory_space<vmem>>
      %dma_wait3A_289 = arith.constant 0 : i32
      %dma_wait3A_290 = arith.constant 0 : i32
      %dma_wait3A_291 = tpu.memref_slice %arg6[%dma_wait3A_289, %dma_wait3A_290] : memref<10000x128xf32, #tpu.memory_space<vmem_shared>> -> memref<10000x128xf32, #tpu.memory_space<vmem_shared>>
      %dma_wait3A_292 = tpu.memref_slice %arg19[%dma_wait3A_285] : memref<3x!tpu.dma_semaphore, #tpu.memory_space<semaphore_mem>> -> memref<1x!tpu.dma_semaphore, #tpu.memory_space<semaphore_mem>>
      %dma_wait3A_293 = tpu.memref_squeeze %dma_wait3A_292 : memref<1x!tpu.dma_semaphore, #tpu.memory_space<semaphore_mem>> -> memref<!tpu.dma_semaphore, #tpu.memory_space<semaphore_mem>>
      tpu.wait_indirect_dma semaphore(%dma_wait3A_293 : memref<!tpu.dma_semaphore, #tpu.memory_space<semaphore_mem>>) src(%arg13 : memref<128x128xf32, #tpu.memory_space<vmem>>) dst(%dma_wait3A_291 : memref<10000x128xf32, #tpu.memory_space<vmem_shared>>)
    }
    %barrier3A_206 = arith.constant 0 : index
    tpu.barrier barrier_id(%barrier3A_206)
    %mul3A_207 = arith.constant 632 : i32
    %mul3A_208 = arith.muli %arg1, %mul3A_207 : i32
    %lt3A_209 = arith.constant 15 : i32
    %lt3A_210 = arith.cmpi slt, %arg1, %lt3A_209 : i32
    %convert_element_type3A_211 = arith.extui %lt3A_210 : i1 to i32
    %cond3A_212 = arith.constant 0 : i32
    %cond3A_213 = arith.cmpi ne, %convert_element_type3A_211, %cond3A_212 : i32
    scf.if %cond3A_213 {
      "tpu.region"() ({
        %run_scoped3A = tpu.sem_alloc : memref<!tpu.dma_semaphore, #tpu.memory_space<semaphore_mem>>
        %dma_start3A_219 = arith.constant 0 : i32
        %dma_start3A_220 = tpu.memref_slice %arg5[%arg0, %mul3A_208, %dma_start3A_219] : memref<2x10000x128xf32, #tpu.memory_space<hbm>> -> memref<1x632x128xf32, #tpu.memory_space<hbm>>
        %dma_start3A_221 = tpu.memref_squeeze %dma_start3A_220 : memref<1x632x128xf32, #tpu.memory_space<hbm>> -> memref<632x128xf32, #tpu.memory_space<hbm>>
        %dma_start3A_222 = arith.constant 0 : i32
        %dma_start3A_223 = tpu.memref_slice %arg6[%mul3A_208, %dma_start3A_222] : memref<10000x128xf32, #tpu.memory_space<vmem_shared>> -> memref<632x128xf32, #tpu.memory_space<vmem_shared>>
        tpu.enqueue_dma source(%dma_start3A_223 : memref<632x128xf32, #tpu.memory_space<vmem_shared>>) target(%dma_start3A_221 : memref<632x128xf32, #tpu.memory_space<hbm>>) target_semaphore(%run_scoped3A : memref<!tpu.dma_semaphore, #tpu.memory_space<semaphore_mem>>)
        %dma_wait3A_224 = arith.constant 0 : i32
        %dma_wait3A_225 = tpu.memref_slice %arg5[%arg0, %mul3A_208, %dma_wait3A_224] : memref<2x10000x128xf32, #tpu.memory_space<hbm>> -> memref<1x632x128xf32, #tpu.memory_space<hbm>>
        %dma_wait3A_226 = tpu.memref_squeeze %dma_wait3A_225 : memref<1x632x128xf32, #tpu.memory_space<hbm>> -> memref<632x128xf32, #tpu.memory_space<hbm>>
        %dma_wait3A_227 = arith.constant 0 : i32
        %dma_wait3A_228 = tpu.memref_slice %arg6[%mul3A_208, %dma_wait3A_227] : memref<10000x128xf32, #tpu.memory_space<vmem_shared>> -> memref<632x128xf32, #tpu.memory_space<vmem_shared>>
        tpu.wait_dma2 semaphore(%run_scoped3A : memref<!tpu.dma_semaphore, #tpu.memory_space<semaphore_mem>>) src(%dma_wait3A_228 : memref<632x128xf32, #tpu.memory_space<vmem_shared>>) dst(%dma_wait3A_226 : memref<632x128xf32, #tpu.memory_space<hbm>>)
        tpu.yield
      }) : () -> ()
    } else {
    }
    %eq3A_214 = arith.constant 15 : i32
    %eq3A_215 = arith.cmpi eq, %arg1, %eq3A_214 : i32
    %convert_element_type3A_216 = arith.extui %eq3A_215 : i1 to i32
    %cond3A_217 = arith.constant 0 : i32
    %cond3A_218 = arith.cmpi ne, %convert_element_type3A_216, %cond3A_217 : i32
    scf.if %cond3A_218 {
      "tpu.region"() ({
        %run_scoped3A = tpu.sem_alloc : memref<!tpu.dma_semaphore, #tpu.memory_space<semaphore_mem>>
        %dma_start3A_219 = arith.constant 0 : i32
        %dma_start3A_220 = tpu.memref_slice %arg5[%arg0, %mul3A_208, %dma_start3A_219] : memref<2x10000x128xf32, #tpu.memory_space<hbm>> -> memref<1x520x128xf32, #tpu.memory_space<hbm>>
        %dma_start3A_221 = tpu.memref_squeeze %dma_start3A_220 : memref<1x520x128xf32, #tpu.memory_space<hbm>> -> memref<520x128xf32, #tpu.memory_space<hbm>>
        %dma_start3A_222 = arith.constant 0 : i32
        %dma_start3A_223 = tpu.memref_slice %arg6[%mul3A_208, %dma_start3A_222] : memref<10000x128xf32, #tpu.memory_space<vmem_shared>> -> memref<520x128xf32, #tpu.memory_space<vmem_shared>>
        tpu.enqueue_dma source(%dma_start3A_223 : memref<520x128xf32, #tpu.memory_space<vmem_shared>>) target(%dma_start3A_221 : memref<520x128xf32, #tpu.memory_space<hbm>>) target_semaphore(%run_scoped3A : memref<!tpu.dma_semaphore, #tpu.memory_space<semaphore_mem>>)
        %dma_wait3A_224 = arith.constant 0 : i32
        %dma_wait3A_225 = tpu.memref_slice %arg5[%arg0, %mul3A_208, %dma_wait3A_224] : memref<2x10000x128xf32, #tpu.memory_space<hbm>> -> memref<1x520x128xf32, #tpu.memory_space<hbm>>
        %dma_wait3A_226 = tpu.memref_squeeze %dma_wait3A_225 : memref<1x520x128xf32, #tpu.memory_space<hbm>> -> memref<520x128xf32, #tpu.memory_space<hbm>>
        %dma_wait3A_227 = arith.constant 0 : i32
        %dma_wait3A_228 = tpu.memref_slice %arg6[%mul3A_208, %dma_wait3A_227] : memref<10000x128xf32, #tpu.memory_space<vmem_shared>> -> memref<520x128xf32, #tpu.memory_space<vmem_shared>>
        tpu.wait_dma2 semaphore(%run_scoped3A : memref<!tpu.dma_semaphore, #tpu.memory_space<semaphore_mem>>) src(%dma_wait3A_228 : memref<520x128xf32, #tpu.memory_space<vmem_shared>>) dst(%dma_wait3A_226 : memref<520x128xf32, #tpu.memory_space<hbm>>)
        tpu.yield
      }) : () -> ()
    } else {
    }
    return
  }
}

module attributes {stable_mosaic.version = 14 : i64} {
  func.func @_pre_body(%arg0: i32, %arg1: memref<2000x128xf32, #tpu.memory_space<vmem>>, %arg2: memref<128x128xf32, #tpu.memory_space<vmem>>, %arg3: memref<1x128xf32, #tpu.memory_space<vmem>>, %arg4: memref<2000x128xf32, #tpu.memory_space<vmem>>) attributes {dimension_semantics = [#tpu.dimension_semantics<arbitrary>], iteration_bounds = array<i64: 5>, scalar_prefetch = 0 : i64, scratch_operands = 0 : i64, tpu.core_type = #tpu.core_type<tc>, window_params = [{transform_indices = @transform_0, window_bounds = array<i64: 2000, 128>}, {pipeline_mode = #tpu.pipeline_mode<synchronous>, transform_indices = @transform_1, window_bounds = array<i64: 128, 128>}, {pipeline_mode = #tpu.pipeline_mode<synchronous>, transform_indices = @transform_2, window_bounds = array<i64: 1, 128>}, {transform_indices = @transform_3, window_bounds = array<i64: 2000, 128>}]} {
    %get3A = arith.constant 0 : index
    %get3A_0 = arith.constant 0 : index
    %get3A_1 = vector.load %arg1[%get3A, %get3A_0] : memref<2000x128xf32, #tpu.memory_space<vmem>>, vector<2000x128xf32>
    %get3A_2 = arith.constant 0 : index
    %get3A_3 = arith.constant 0 : index
    %get3A_4 = vector.load %arg2[%get3A_2, %get3A_3] : memref<128x128xf32, #tpu.memory_space<vmem>>, vector<128x128xf32>
    %dot_general3A = arith.constant dense<0.000000e+00> : vector<2000x128xf32>
    %dot_general3A_5 = tpu.matmul %get3A_1, %get3A_4, %dot_general3A {dimension_numbers = #tpu.dot_dimension_numbers<[1], [0], [0], [1], [0, 0, 1, 1], [], []>, transpose_lhs_hint = false} : vector<2000x128xf32>, vector<128x128xf32>, vector<2000x128xf32> -> vector<2000x128xf32>
    %get3A_6 = arith.constant 0 : index
    %get3A_7 = arith.constant 0 : index
    %get3A_8 = vector.load %arg3[%get3A_6, %get3A_7] : memref<1x128xf32, #tpu.memory_space<vmem>>, vector<1x128xf32>
    %add3A = vector.broadcast %get3A_8 : vector<1x128xf32> to vector<2000x128xf32>
    %add3A_9 = arith.addf %dot_general3A_5, %add3A : vector<2000x128xf32>
    %swap3A = arith.constant 0 : index
    %swap3A_10 = arith.constant 0 : index
    %swap3A_11 = vector.load %arg4[%swap3A, %swap3A_10] : memref<2000x128xf32, #tpu.memory_space<vmem>>, vector<2000x128xf32>
    tpu.vector_store %arg4[%swap3A, %swap3A_10], %add3A_9 {strides = array<i32>} : memref<2000x128xf32, #tpu.memory_space<vmem>>, vector<2000x128xf32>,
    return
  }
  func.func @transform_0(%arg0: i32) -> (i32, i32) {
    %c0_i32 = arith.constant 0 : i32
    %c0_i32_0 = arith.constant 0 : i32
    return %arg0, %c0_i32 : i32, i32
  }
  func.func @transform_1(%arg0: i32) -> (i32, i32) {
    %c0_i32 = arith.constant 0 : i32
    %c0_i32_0 = arith.constant 0 : i32
    %c0_i32_1 = arith.constant 0 : i32
    return %c0_i32, %c0_i32_0 : i32, i32
  }
  func.func @transform_2(%arg0: i32) -> (i32, i32) {
    %c0_i32 = arith.constant 0 : i32
    %c0_i32_0 = arith.constant 0 : i32
    %c0_i32_1 = arith.constant 0 : i32
    return %c0_i32, %c0_i32_0 : i32, i32
  }
  func.func @transform_3(%arg0: i32) -> (i32, i32) {
    %c0_i32 = arith.constant 0 : i32
    %c0_i32_0 = arith.constant 0 : i32
    return %arg0, %c0_i32 : i32, i32
  }
}

module attributes {stable_mosaic.version = 14 : i64} {
  func.func @_comb_body(%arg0: i32, %arg1: memref<2000x128xf32, #tpu.memory_space<vmem>>, %arg2: memref<2x2000x128xf32, #tpu.memory_space<vmem>>, %arg3: memref<2x2000x1xf32, #tpu.memory_space<vmem>>, %arg4: memref<128x128xf32, #tpu.memory_space<vmem>>, %arg5: memref<2000x128xf32, #tpu.memory_space<vmem>>) attributes {dimension_semantics = [#tpu.dimension_semantics<arbitrary>], iteration_bounds = array<i64: 5>, scalar_prefetch = 0 : i64, scratch_operands = 0 : i64, tpu.core_type = #tpu.core_type<tc>, window_params = [{transform_indices = @transform_0, window_bounds = array<i64: 2000, 128>}, {transform_indices = @transform_1, window_bounds = array<i64: 2, 2000, 128>}, {transform_indices = @transform_2, window_bounds = array<i64: 2, 2000, 1>}, {pipeline_mode = #tpu.pipeline_mode<synchronous>, transform_indices = @transform_3, window_bounds = array<i64: 128, 128>}, {transform_indices = @transform_4, window_bounds = array<i64: 2000, 128>}]} {
    %get3A = arith.constant 0 : index
    %get3A_0 = arith.constant 0 : index
    %get3A_1 = arith.constant 0 : index
    %get3A_2 = vector.load %arg2[%get3A, %get3A_0, %get3A_1] : memref<2x2000x128xf32, #tpu.memory_space<vmem>>, vector<1x2000x128xf32>
    %get3A_3 = vector.shape_cast %get3A_2 : vector<1x2000x128xf32> to vector<2000x128xf32>
    %get3A_4 = arith.constant 1 : index
    %get3A_5 = arith.constant 0 : index
    %get3A_6 = arith.constant 0 : index
    %get3A_7 = vector.load %arg2[%get3A_4, %get3A_5, %get3A_6] : memref<2x2000x128xf32, #tpu.memory_space<vmem>>, vector<1x2000x128xf32>
    %get3A_8 = vector.shape_cast %get3A_7 : vector<1x2000x128xf32> to vector<2000x128xf32>
    %add3A = arith.addf %get3A_3, %get3A_8 : vector<2000x128xf32>
    %get3A_9 = arith.constant 0 : index
    %get3A_10 = arith.constant 0 : index
    %get3A_11 = arith.constant 0 : index
    %get3A_12 = vector.load %arg3[%get3A_9, %get3A_10, %get3A_11] : memref<2x2000x1xf32, #tpu.memory_space<vmem>>, vector<1x2000x1xf32>
    %get3A_13 = vector.shape_cast %get3A_12 : vector<1x2000x1xf32> to vector<2000x1xf32>
    %get3A_14 = arith.constant 1 : index
    %get3A_15 = arith.constant 0 : index
    %get3A_16 = arith.constant 0 : index
    %get3A_17 = vector.load %arg3[%get3A_14, %get3A_15, %get3A_16] : memref<2x2000x1xf32, #tpu.memory_space<vmem>>, vector<1x2000x1xf32>
    %get3A_18 = vector.shape_cast %get3A_17 : vector<1x2000x1xf32> to vector<2000x1xf32>
    %add3A_19 = arith.addf %get3A_13, %get3A_18 : vector<2000x1xf32>
    %max3A = arith.constant 1.000000e+00 : f32
    %max3A_20 = vector.broadcast %max3A : f32 to vector<2000x1xf32>
    %max3A_21 = arith.maximumf %add3A_19, %max3A_20 : vector<2000x1xf32>
    %div3A = vector.broadcast %max3A_21 : vector<2000x1xf32> to vector<2000x128xf32>
    %div3A_22 = arith.divf %add3A, %div3A : vector<2000x128xf32>
    %get3A_23 = arith.constant 0 : index
    %get3A_24 = arith.constant 0 : index
    %get3A_25 = vector.load %arg1[%get3A_23, %get3A_24] : memref<2000x128xf32, #tpu.memory_space<vmem>>, vector<2000x128xf32>
    %get3A_26 = arith.constant 0 : index
    %get3A_27 = arith.constant 0 : index
    %get3A_28 = vector.load %arg4[%get3A_26, %get3A_27] : memref<128x128xf32, #tpu.memory_space<vmem>>, vector<128x128xf32>
    %dot_general3A = arith.constant dense<0.000000e+00> : vector<2000x128xf32>
    %dot_general3A_29 = tpu.matmul %div3A_22, %get3A_28, %dot_general3A {dimension_numbers = #tpu.dot_dimension_numbers<[1], [0], [0], [1], [0, 0, 1, 1], [], []>, transpose_lhs_hint = false} : vector<2000x128xf32>, vector<128x128xf32>, vector<2000x128xf32> -> vector<2000x128xf32>
    %add3A_30 = arith.addf %get3A_25, %dot_general3A_29 : vector<2000x128xf32>
    %max3A_31 = arith.constant 0.000000e+00 : f32
    %max3A_32 = vector.broadcast %max3A_31 : f32 to vector<2000x128xf32>
    %max3A_33 = arith.maximumf %add3A_30, %max3A_32 : vector<2000x128xf32>
    %swap3A = arith.constant 0 : index
    %swap3A_34 = arith.constant 0 : index
    %swap3A_35 = vector.load %arg5[%swap3A, %swap3A_34] : memref<2000x128xf32, #tpu.memory_space<vmem>>, vector<2000x128xf32>
    tpu.vector_store %arg5[%swap3A, %swap3A_34], %max3A_33 {strides = array<i32>} : memref<2000x128xf32, #tpu.memory_space<vmem>>, vector<2000x128xf32>,
    return
  }
  func.func @transform_0(%arg0: i32) -> (i32, i32) {
    %c0_i32 = arith.constant 0 : i32
    %c0_i32_0 = arith.constant 0 : i32
    return %arg0, %c0_i32 : i32, i32
  }
  func.func @transform_1(%arg0: i32) -> (i32, i32, i32) {
    %c0_i32 = arith.constant 0 : i32
    %c0_i32_0 = arith.constant 0 : i32
    %c0_i32_1 = arith.constant 0 : i32
    return %c0_i32, %arg0, %c0_i32_0 : i32, i32, i32
  }
  func.func @transform_2(%arg0: i32) -> (i32, i32, i32) {
    %c0_i32 = arith.constant 0 : i32
    %c0_i32_0 = arith.constant 0 : i32
    %c0_i32_1 = arith.constant 0 : i32
    return %c0_i32, %arg0, %c0_i32_0 : i32, i32, i32
  }
  func.func @transform_3(%arg0: i32) -> (i32, i32) {
    %c0_i32 = arith.constant 0 : i32
    %c0_i32_0 = arith.constant 0 : i32
    %c0_i32_1 = arith.constant 0 : i32
    return %c0_i32, %c0_i32_0 : i32, i32
  }
  func.func @transform_4(%arg0: i32) -> (i32, i32) {
    %c0_i32 = arith.constant 0 : i32
    %c0_i32_0 = arith.constant 0 : i32
    return %arg0, %c0_i32 : i32, i32
  }
}

module attributes {stable_mosaic.version = 14 : i64} {
  func.func @_comb_body(%arg0: i32, %arg1: memref<2000x128xf32, #tpu.memory_space<vmem>>, %arg2: memref<2x2000x128xf32, #tpu.memory_space<vmem>>, %arg3: memref<2x2000x1xf32, #tpu.memory_space<vmem>>, %arg4: memref<128x128xf32, #tpu.memory_space<vmem>>, %arg5: memref<2000x128xf32, #tpu.memory_space<vmem>>) attributes {dimension_semantics = [#tpu.dimension_semantics<arbitrary>], iteration_bounds = array<i64: 5>, scalar_prefetch = 0 : i64, scratch_operands = 0 : i64, tpu.core_type = #tpu.core_type<tc>, window_params = [{transform_indices = @transform_0, window_bounds = array<i64: 2000, 128>}, {transform_indices = @transform_1, window_bounds = array<i64: 2, 2000, 128>}, {transform_indices = @transform_2, window_bounds = array<i64: 2, 2000, 1>}, {pipeline_mode = #tpu.pipeline_mode<synchronous>, transform_indices = @transform_3, window_bounds = array<i64: 128, 128>}, {transform_indices = @transform_4, window_bounds = array<i64: 2000, 128>}]} {
    %get3A = arith.constant 0 : index
    %get3A_0 = arith.constant 0 : index
    %get3A_1 = arith.constant 0 : index
    %get3A_2 = vector.load %arg2[%get3A, %get3A_0, %get3A_1] : memref<2x2000x128xf32, #tpu.memory_space<vmem>>, vector<1x2000x128xf32>
    %get3A_3 = vector.shape_cast %get3A_2 : vector<1x2000x128xf32> to vector<2000x128xf32>
    %get3A_4 = arith.constant 1 : index
    %get3A_5 = arith.constant 0 : index
    %get3A_6 = arith.constant 0 : index
    %get3A_7 = vector.load %arg2[%get3A_4, %get3A_5, %get3A_6] : memref<2x2000x128xf32, #tpu.memory_space<vmem>>, vector<1x2000x128xf32>
    %get3A_8 = vector.shape_cast %get3A_7 : vector<1x2000x128xf32> to vector<2000x128xf32>
    %add3A = arith.addf %get3A_3, %get3A_8 : vector<2000x128xf32>
    %get3A_9 = arith.constant 0 : index
    %get3A_10 = arith.constant 0 : index
    %get3A_11 = arith.constant 0 : index
    %get3A_12 = vector.load %arg3[%get3A_9, %get3A_10, %get3A_11] : memref<2x2000x1xf32, #tpu.memory_space<vmem>>, vector<1x2000x1xf32>
    %get3A_13 = vector.shape_cast %get3A_12 : vector<1x2000x1xf32> to vector<2000x1xf32>
    %get3A_14 = arith.constant 1 : index
    %get3A_15 = arith.constant 0 : index
    %get3A_16 = arith.constant 0 : index
    %get3A_17 = vector.load %arg3[%get3A_14, %get3A_15, %get3A_16] : memref<2x2000x1xf32, #tpu.memory_space<vmem>>, vector<1x2000x1xf32>
    %get3A_18 = vector.shape_cast %get3A_17 : vector<1x2000x1xf32> to vector<2000x1xf32>
    %add3A_19 = arith.addf %get3A_13, %get3A_18 : vector<2000x1xf32>
    %max3A = arith.constant 1.000000e+00 : f32
    %max3A_20 = vector.broadcast %max3A : f32 to vector<2000x1xf32>
    %max3A_21 = arith.maximumf %add3A_19, %max3A_20 : vector<2000x1xf32>
    %div3A = vector.broadcast %max3A_21 : vector<2000x1xf32> to vector<2000x128xf32>
    %div3A_22 = arith.divf %add3A, %div3A : vector<2000x128xf32>
    %get3A_23 = arith.constant 0 : index
    %get3A_24 = arith.constant 0 : index
    %get3A_25 = vector.load %arg1[%get3A_23, %get3A_24] : memref<2000x128xf32, #tpu.memory_space<vmem>>, vector<2000x128xf32>
    %get3A_26 = arith.constant 0 : index
    %get3A_27 = arith.constant 0 : index
    %get3A_28 = vector.load %arg4[%get3A_26, %get3A_27] : memref<128x128xf32, #tpu.memory_space<vmem>>, vector<128x128xf32>
    %dot_general3A = arith.constant dense<0.000000e+00> : vector<2000x128xf32>
    %dot_general3A_29 = tpu.matmul %div3A_22, %get3A_28, %dot_general3A {dimension_numbers = #tpu.dot_dimension_numbers<[1], [0], [0], [1], [0, 0, 1, 1], [], []>, transpose_lhs_hint = false} : vector<2000x128xf32>, vector<128x128xf32>, vector<2000x128xf32> -> vector<2000x128xf32>
    %add3A_30 = arith.addf %get3A_25, %dot_general3A_29 : vector<2000x128xf32>
    %max3A_31 = arith.constant 0.000000e+00 : f32
    %max3A_32 = vector.broadcast %max3A_31 : f32 to vector<2000x128xf32>
    %max3A_33 = arith.maximumf %add3A_30, %max3A_32 : vector<2000x128xf32>
    %swap3A = arith.constant 0 : index
    %swap3A_34 = arith.constant 0 : index
    %swap3A_35 = vector.load %arg5[%swap3A, %swap3A_34] : memref<2000x128xf32, #tpu.memory_space<vmem>>, vector<2000x128xf32>
    tpu.vector_store %arg5[%swap3A, %swap3A_34], %max3A_33 {strides = array<i32>} : memref<2000x128xf32, #tpu.memory_space<vmem>>, vector<2000x128xf32>,
    return
  }
  func.func @transform_0(%arg0: i32) -> (i32, i32) {
    %c0_i32 = arith.constant 0 : i32
    %c0_i32_0 = arith.constant 0 : i32
    return %arg0, %c0_i32 : i32, i32
  }
  func.func @transform_1(%arg0: i32) -> (i32, i32, i32) {
    %c0_i32 = arith.constant 0 : i32
    %c0_i32_0 = arith.constant 0 : i32
    %c0_i32_1 = arith.constant 0 : i32
    return %c0_i32, %arg0, %c0_i32_0 : i32, i32, i32
  }
  func.func @transform_2(%arg0: i32) -> (i32, i32, i32) {
    %c0_i32 = arith.constant 0 : i32
    %c0_i32_0 = arith.constant 0 : i32
    %c0_i32_1 = arith.constant 0 : i32
    return %c0_i32, %arg0, %c0_i32_0 : i32, i32, i32
  }
  func.func @transform_3(%arg0: i32) -> (i32, i32) {
    %c0_i32 = arith.constant 0 : i32
    %c0_i32_0 = arith.constant 0 : i32
    %c0_i32_1 = arith.constant 0 : i32
    return %c0_i32, %c0_i32_0 : i32, i32
  }
  func.func @transform_4(%arg0: i32) -> (i32, i32) {
    %c0_i32 = arith.constant 0 : i32
    %c0_i32_0 = arith.constant 0 : i32
    return %arg0, %c0_i32 : i32, i32
  }
}

</mosaic_0001>

<sc_bundles>
// kernel: sage_seg_sum.3.cloned.1.call-start
scs
__scs_entry_jumppad:
0x0: {  	(pc) =	sbr.rel $0x88, $3  }
0x1: {  	(tag) =	ssettag $0x0;
	lr =	simm.s32 $0x1  }
0x2: {  	[smem:$0x3F99] =	sst lr;
	_ =	strace $0xD0000000  }
0x3: {  	_ = 	snop  }
0x4: {  	_ = 	snop  }
0x5: {  	_ = 	snop  }
0x6: {  	_ = 	snop  }
0x7: {  	_ = 	snop  }
__scs_overlays_trampoline_lowered:
0x8: {  	[smem:$0x3FA8] =	sst s0  }
0x9: {  	[smem:$0x3FA9] =	sst s1  }
0xa: {  	[smem:$0x3FAA] =	sst s2  }
0xb: {  	[smem:$0x3FAB] =	sst s3  }
0xc: {  	[smem:$0x3FAC] =	sst s4  }
0xd: {  	[smem:$0x3FAD] =	sst s5  }
0xe: {  	[smem:$0x3FAE] =	sst s6  }
0xf: {  	[smem:$0x3FAF] =	sst s7  }
0x10: {  	[smem:$0x3FB0] =	sst s8  }
0x11: {  	[smem:$0x3FB1] =	sst s9;
	s0 =	simm.s32 @!p0 $0x0  }
0x12: {  	s1 =	sld [smem:$0x3F97];
	s0 =	simm.s32 @p0 $0x1  }
0x13: {  	[smem:$0x3FB2] =	sst s0;
	s0 =	simm.s32 @!p1 $0x0  }
0x14: {  	s2 =	sld [smem:$0x3F96];
	s0 =	simm.s32 @p1 $0x1  }
0x15: {  	[smem:$0x3FB3] =	sst s0;
	s0 =	simm.s32 @!p2 $0x0  }
0x16: {  	s3 =	sld [smem:$0x3FDB];
	s0 =	simm.s32 @p2 $0x1  }
0x17: {  	s4 =	simm.s32 $0x1BF5;
	[smem:$0x3FB5] =	sst s0  }
0x18: {  	s0 =	sld [smem:$0x3F98];
	_ =	swait.ge [sflag:s4], $0x0  }
0x19: {  	s7 =	sld [smem:$0x3F99]  }
0x1a: {  	s8 =	sadd.s32 $0xFFFFE003, lr  }
0x1b: {  	s9 =	sadd.s32 $0xFFFFFEF7, lr;
	s5 =	simm.s32 $0xFFFFFFFF;
	p2 =	slt.u32 s8, $0xFFFFF086  }
0x1c: {  	p1 =	slt.u32 s9, $0xF7A;
	s5 =	simm.s32 @!p2 $0x0  }
0x1d: {  	s5 =	simm.s32 @p1 $0x1;
	p0 =	seq.s32 s7, s2  }
0x1e: {  	s7 =	smul.u32 @!p0 $0xF7A, s2;
	p2 =	seq.s32 @!p0 s5, $0x0  }
0x1f: {  	s9 =	smul.u32 $0xF7A, s1;
	s8 =	simm.s32 @!p0 $0x1BF5;
	p2 =	por !p2, p0  }
0x20: {  	[sflag:s8] =	ssyncset.s32 @!p0 $0xFFFFF086;
	s6 =	sadd.s32 @!p0 s3, s7;
	s7 =	simm.s32 @!p0 $0x108  }
0x21: {  	s3 =	sadd.s32 s3, s9;
	s6 =	sadd.s32 @!p0 $0x88, s6;
	s7 =	simm.s32 @p2 $0x1082  }
0x22: {  	[simem:s7], [sflag:s8] =	dma.local @!p0 [hbm:s6], $0xF7A  }
0x23: {  	s9 =	sor.u32 $0xD0000000, s2;
	s6 =	simm.s32 $0x108;
	_ =	swait.ge @!p0 [sflag:s8], $0x0  }
0x24: {  	s3 =	sadd.s32 $0x88, s3;
	s6 =	simm.s32 @!p1 $0x1082;
	[sflag:s4] =	ssyncset.s32 $0xFFFFF086  }
0x25: {  	[simem:s6], [sflag:s4] =	dma.local [hbm:s3], $0xF7A  }
0x26: {  	[smem:$0x3F99] =	sst s1;
	(tag) =	ssettag s2;
	_ =	strace s9  }
0x27: {  	s1 =	sld [smem:$0x3FA9]  }
0x28: {  	s2 =	sld [smem:$0x3FAA]  }
0x29: {  	s4 =	sld [smem:$0x3FAC]  }
0x2a: {  	p0 =	seq.s32 s5, $0x0;
	s5 =	sld [smem:$0x3FAD]  }
0x2b: {  	s6 =	sld [smem:$0x3FAE]  }
0x2c: {  	s7 =	sld [smem:$0x3FAF]  }
0x2d: {  	s3 =	simm.s32 $0x108;
	s8 =	sld [smem:$0x3FB0]  }
0x2e: {  	s3 =	simm.s32 @!p0 $0x1082;
	s9 =	sld [smem:$0x3FB1]  }
0x2f: {  	lr =	sadd.s32 s0, s3;
	s0 =	sld [smem:$0x3FA8]  }
0x30: {  	s3 =	sld [smem:$0x3FAB]  }
0x31: {  	[smem:$0x3FB4] =	sst s10  }
0x32: {  	s10 =	sld [smem:$0x3FB2];
	_ =	sdelay $0x3  }
0x33: {  	p0 =	seq.s32 s10, $0x1;
	s10 =	sld [smem:$0x3FB4];
	_ =	sdelay $0x3  }
0x34: {  	[smem:$0x3FB4] =	sst s10  }
0x35: {  	s10 =	sld [smem:$0x3FB3];
	_ =	sdelay $0x3  }
0x36: {  	p1 =	seq.s32 s10, $0x1;
	s10 =	sld [smem:$0x3FB4];
	_ =	sdelay $0x3  }
0x37: {  	[smem:$0x3FB4] =	sst s10  }
0x38: {  	s10 =	sld [smem:$0x3FB5]  }
0x39: {  	_ = 	snop;
	(pc) =	sbr.ind lr, $3  }
0x3a: {  	_ = 	snop  }
0x3b: {  	_ = 	snop  }
0x3c: {  	p2 =	seq.s32 s10, $0x1;
	s10 =	sld [smem:$0x3FB4]  }
0x3d: {  	_ =	shalt  }
0x3e: {  	_ =	shalt  }
0x3f: {  	_ =	shalt  }
0x40: {  	_ =	shalt  }
0x41: {  	_ =	shalt  }
0x42: {  	_ =	shalt  }
0x43: {  	_ =	shalt  }
0x44: {  	_ =	shalt  }
0x45: {  	_ =	shalt  }
0x46: {  	_ =	shalt  }
0x47: {  	_ =	shalt  }
0x48: {  	_ =	shalt  }
0x49: {  	_ =	shalt  }
0x4a: {  	_ =	shalt  }
0x4b: {  	_ =	shalt  }
0x4c: {  	_ =	shalt  }
0x4d: {  	_ =	shalt  }
0x4e: {  	_ =	shalt  }
0x4f: {  	_ =	shalt  }
0x50: {  	_ =	shalt  }
0x51: {  	_ =	shalt  }
0x52: {  	_ =	shalt  }
0x53: {  	_ =	shalt  }
0x54: {  	_ =	shalt  }
0x55: {  	_ =	shalt  }
0x56: {  	_ =	shalt  }
0x57: {  	_ =	shalt  }
0x58: {  	_ =	shalt  }
0x59: {  	_ =	shalt  }
0x5a: {  	_ =	shalt  }
0x5b: {  	_ =	shalt  }
0x5c: {  	_ =	shalt  }
0x5d: {  	_ =	shalt  }
0x5e: {  	_ =	shalt  }
0x5f: {  	_ =	shalt  }
0x60: {  	_ =	shalt  }
0x61: {  	_ =	shalt  }
0x62: {  	_ =	shalt  }
0x63: {  	_ =	shalt  }
0x64: {  	_ =	shalt  }
0x65: {  	_ =	shalt  }
0x66: {  	_ =	shalt  }
0x67: {  	_ =	shalt  }
0x68: {  	_ =	shalt  }
0x69: {  	_ =	shalt  }
0x6a: {  	_ =	shalt  }
0x6b: {  	_ =	shalt  }
0x6c: {  	_ =	shalt  }
0x6d: {  	_ =	shalt  }
0x6e: {  	_ =	shalt  }
0x6f: {  	_ =	shalt  }
0x70: {  	_ =	shalt  }
0x71: {  	_ =	shalt  }
0x72: {  	_ =	shalt  }
0x73: {  	_ =	shalt  }
0x74: {  	_ =	shalt  }
0x75: {  	_ =	shalt  }
0x76: {  	_ =	shalt  }
0x77: {  	_ =	shalt  }
0x78: {  	_ =	shalt  }
0x79: {  	_ =	shalt  }
0x7a: {  	_ =	shalt  }
0x7b: {  	_ =	shalt  }
0x7c: {  	_ =	shalt  }
0x7d: {  	_ =	shalt  }
0x7e: {  	_ =	shalt  }
0x7f: {  	_ =	shalt  }
0x80: {  	_ =	shalt  }
0x81: {  	_ =	shalt  }
0x82: {  	_ =	shalt  }
0x83: {  	_ =	shalt  }
0x84: {  	_ =	shalt  }
0x85: {  	_ =	shalt  }
0x86: {  	_ =	shalt  }
0x87: {  	_ =	shalt  }
.Lfunc_end0:
.L_simem_size_0:
called_computation.1_lowered:
.L_overlay_start_0:
0x88: {  	s2 =	sld [smem:$0x3FD9]  }
0x89: {  	s3 =	sld [smem:$0x3FFE];
	_ =	sdelay $0x1  }
0x8a: {  	s1 =	srdreg.scid  }
0x8b: {  	s0 =	sand.u32 $0x1, s1  }
0x8c: {  	s17 =	sshll.u32 s0, $0xA;
	s2 =	sadd.s32 s3, s2  }
0x8d: {  	s2 =	sadd.s32 s2, s17  }
0x8e: {  	[smem:$0x3FC0] =	sst s2  }
0x8f: {  	_ = 	snop  }
0x90: {  	s2 =	sld [smem:$0x3FC8]  }
0x91: {  	s18 =	sld [smem:$0x3FD0];
	(tm) =	ssettm $0x1  }
0x92: {  	s4 =	sld [smem:$0x3FFB];
	_ =	sdelay $0x3  }
0x93: {  	_ =	strace s4  }
0x94: {  	s4 =	sld [smem:$0x3FFC];
	_ =	sdelay $0x3  }
0x95: {  	_ =	strace s4  }
0x96: {  	s4 =	sld [smem:$0x3FFD];
	_ =	sdelay $0x3  }
0x97: {  	_ =	strace s4  }
0x98: {  	_ =	strace $0x8FFFFFFF  }
0x99: {  	s19 =	sld [smem:$0x3FDB];
	_ =	sdelay $0x1  }
0x9a: {  	s5 =	simm.s32 $_scs_section_size  }
0x9b: {  	s6 =	simm.s32 $_size__tile_overlayer_lowered;
	s7 =	simm.s32 $_tile_overlayer_lowered  }
0x9c: {  	s22 =	simm.s32 $0x1BFF;
	s21 =	sshll.u32 s7, $0x1;
	s4 =	sadd.s32 s5, s19  }
0x9d: {  	s8 =	simm.s32 $0x0;
	s20 =	sshll.u32 s6, $0x1;
	s6 =	sadd.s32 s21, s4  }
0x9e: {  	[timem:s8], [sflag:s22] =	dma.local [hbm:s6], s20  }
0x9f: {  	_ =	swait.ge [sflag:s22], s20  }
0xa0: {  	s5 =	ssub.s32 $0x0, s20;
	[sflag:s22] =	ssyncset.done $0x0  }
0xa1: {  	[sflag:s22] =	ssyncadd.s32 s5;
	_ =	sdelay $0x1  }
0xa2: {  	s23 =	simm.s32 $0x1B8B  }
0xa3: {  	_ =	swait.ge [sflag:s23], $0x1  }
0xa4: {  	[sflag:s23] =	ssyncset.done $0x0  }
0xa5: {  	s25 =	simm.s32 $0x1B8E;
	s24 =	sld [smem:$0x3FFE];
	[sflag:s23] =	ssyncadd.s32 $0xFFFFFFFF  }
0xa6: {  	s26 =	simm.s32 $execute0_lowered;
	[smem:$0x3FD2] =	sst s25  }
0xa7: {  	s6 =	sshll.u32 s26, $0x1;
	_ =	strace $0x80000049;
	[dreg:$0x1] =	wrdreg $0xFFFFFFFF  }
0xa8: {  	s28 =	simm.s32 $_size_execute0_lowered;
	s4 =	sadd.s32 s4, s6;
	[dreg:$0x0] =	wrdreg $0x0  }
0xa9: {  	s6 =	sshll.u32 s28, $0x1;
	[dreg:$0x2] =	wrdreg s4  }
0xaa: {  	[dreg:$0x3] =	wrdreg s6  }
0xab: {  	[dreg:$0x4] =	wrdreg $0xC0  }
0xac: {  	_ =	task [dreg:s8], $0x5FFFF  }
0xad: {  	[dreg:$0x1] =	wrdreg $0xFFFFFFFF  }
0xae: {  	[dreg:$0x0] =	wrdreg $0x60  }
0xaf: {  	[dreg:$0x2] =	wrdreg s24  }
0xb0: {  	[dreg:$0x3] =	wrdreg s2  }
0xb1: {  	[dreg:$0x4] =	wrdreg s18  }
0xb2: {  	[dreg:$0x5] =	wrdreg $0x0  }
0xb3: {  	[dreg:$0x6] =	wrdreg $0x9  }
0xb4: {  	_ =	task.clear_ibuf [dreg:s8], $0x7FFFF;
	_ =	strace $0x90000049  }
0xb5: {  	s29 =	simm.s32 $0x9;
	_ =	strace $0x8000004B  }
0xb6: {  	_ =	swait.ge [sflag:s29], $0x1  }
0xb7: {  	[sflag:s29] =	ssyncadd.s32 $0xFFFFFFFF  }
0xb8: {  	_ =	strace $0x9000004B  }
0xb9: {  	_ =	sfence  }
0xba: {  	s30 =	sld [smem:$0x0];
	_ =	sdelay $0x2  }
0xbb: {  	s31 =	sshll.u32 s1, $0xD;
	s1 =	sshrl.u32 s1, $0x2  }
0xbc: {  	s3 =	sand.u32 $0x4000, s31;
	s1 =	sadd.s32 s1, s30  }
0xbd: {  	s0 =	sor.u32 s3, s0;
	s1 =	sshll.u32 s1, $0x11  }
0xbe: {  	s0 =	sor.u32 s1, s0  }
0xbf: {  	s0 =	sadd.s32 $0x8F2B, s0  }
0xc0: {  	[sflag:s0] =	ssyncadd.remote.s32 $0x1  }
0xc1: {  	_ =	sfence.sel $0xFFFF  }
0xc2: {  	[dreg:$0x0] =	wrdreg $0xFFFFFFFF;
	(pc) =	sbr.abs _section_cstart, $3  }
0xc3: {  	[dreg:$0x1] =	wrdreg $0xFFFFFFFF  }
0xc4: {  	_ =	task.clear_ibuf [dreg:s8], $0x2FFFF;
	_ =	strace $0x9FFFFFFF  }
0xc5: {  	(tm) =	ssettm $0x7FFFFFFF  }
tec
execute0_lowered:
.L_overlay_start_1:
0x0: {  	(tag) =	ssettag $0x1  }
0x1: {  	s0 =	rddreg [dreg:$0x0]  }
0x2: {  	s20 =	rddreg [dreg:$0x1]  }
0x3: {  	s2 =	rddreg [dreg:$0x2]  }
0x4: {  	s3 =	rddreg [dreg:$0x3]  }
0x5: {  	s4 =	simm.s32 $0x0;
	s5 =	srdreg.scid;
	s14 =	stileid.u32  }
0x6: {  	s29 =	simm.s32 $0x13880;
	s28 =	simm.s32 $0x80;
	s30 =	simm.s32 $0x13B80  }
0x7: {  	s31 =	simm.s32 $0x13900;
	s1 =	simm.s32 $0x1BB80;
	[smem:$0x7FF] =	sst s4  }
0x8: {  	s8 =	sand.u32 $0x1, s5;
	s10 =	sshll.u32 s14, $0x1;
	s11 =	smul.u32 $0x4F000, s14  }
0x9: {  	s5 =	sadd.s32 $0x2800, s0;
	s0 =	sadd.s32 $0x9FE00, s0;
	s12 =	smul.u32 $0x2780, s14  }
0xa: {  	p0 =	slt.u32 s14, $0x2;
	s13 =	sadd.s32 $0x128400, s3;
	s19 =	smul.u32 $0x13C00, s14  }
0xb: {  	p1 =	sgt.u32 s14, $0x1;
	_ =	strace $0x8000004A;
	s6 =	ssub.s32 $0x2, s8  }
0xc: {  	s7 =	sor.u32 s8, s10;
	[dreg:$0x8] =	wrdreg s13;
	s8 =	smul.u32 $0x138800, s8  }
0xd: {  	s13 =	sadd.s32 $0x10, s20;
	s9 =	sshrl.u32 s6, $0x1;
	s10 =	smul.u32 $0x4E, s7  }
0xe: {  	s7 =	smin.u32 s7, $0x4;
	s11 =	sshrl.u32 s11, $0x2;
	s12 =	sadd.s32 s2, s12  }
0xf: {  	s2 =	sadd.s32 $0x25080, s2;
	s9 =	ssub.s32 s6, s9;
	[dreg:$0x7] =	wrdreg s12  }
0x10: {  	s6 =	simm.s32 $0x4F;
	s11 =	sadd.s32 s11, s3;
	[dreg:$0x9] =	wrdreg s2  }
0x11: {  	s12 =	simm.s32 $0xB;
	s6 =	simm.s32 @!p0 $0x4E;
	s7 =	sadd.s32 s7, s10  }
0x12: {  	[dreg:$0x6] =	wrdreg s11;
	s10 =	sadd.s32 s19, s8;
	s8 =	sshrl.u32 s8, $0x3  }
0x13: {  	s26 =	smax.u32 s9, $0x1;
	p0 =	seq.s32 s14, $0xF;
	s19 =	simm.s32 $0x13980  }
0x14: {  	s9 =	simm.s32 $0x3;
	s14 =	simm.s32 $0x4;
	s15 =	sshll.u32 s7, $0x5  }
0x15: {  	s24 =	sshrl.u32 s10, $0x3;
	s25 =	sadd.s32 $0xFFFFFFFD, s6;
	[dreg:$0x14] =	wrdreg s26  }
0x16: {  	s26 =	simm.s32 $0x1;
	s17 =	sadd.s32 s15, s13;
	[dreg:$0x5] =	wrdreg s25  }
0x17: {  	s10 =	simm.s32 $0x0;
	s16 =	sadd.s32 s20, s15;
	[dreg:$0xb] =	wrdreg s17  }
0x18: {  	s2 =	sadd.s32 $0x9C0, s15;
	s18 =	sadd.s32 $0x20, s16;
	[dreg:$0xa] =	wrdreg s16  }
0x19: {  	s25 =	simm.s32 $0x13A00;
	s21 =	sadd.s32 $0x30, s16;
	[dreg:$0xc] =	wrdreg s18  }
0x1a: {  	s15 =	simm.s32 $0x8;
	s22 =	sadd.s32 $0x40, s16;
	[dreg:$0xd] =	wrdreg s21  }
0x1b: {  	s11 =	sadd.s32 $0x50, s16;
	s23 =	sadd.s32 s20, s2;
	[dreg:$0xe] =	wrdreg s22  }
0x1c: {  	s2 =	sadd.s32 s2, s13;
	s16 =	simm.s32 $0x5;
	[dreg:$0xf] =	wrdreg s11  }
.Ltmp0:
0x1d: {  	s17 =	simm.s32 $0x9;
	[dreg:$0x10] =	wrdreg s23;
	(pc) =	sbr.rel .LBB2_1-.Ltmp0, $4  }
0x1e: {  	[dreg:$0x11] =	wrdreg s2;
	s2 =	sadd.s32 s0, s24;
	s0 =	sadd.s32 s0, s8  }
0x1f: {  	s11 =	simm.s32 $0x7;
	s18 =	simm.s32 $0x6;
	s21 =	simm.s32 $0xA  }
0x20: {  	s23 =	simm.s32 $0xA;
	[dreg:$0x12] =	wrdreg s2;
	s0 =	sadd.s32 $0x25080, s0  }
0x21: {  	s2 =	simm.s32 $0x13B00;
	[dreg:$0x13] =	wrdreg s0;
	s0 =	simm.s32 $0x2  }
.LBB2_7:
0x22: {  	s8 =	rddreg [dreg:$0x8]  }
0x23: {  	s10 =	rddreg [dreg:$0x13]  }
0x24: {  	s2 =	simm.s32 $0x1FCD;
	s24 =	simm.s32 $0xD;
	s8 =	sshrl.u32 s8, $0x3  }
0x25: {  	[hbm:s10], [sflag:s2] =	dma.local [spmem:s8], $0x2080  }
0x26: {  	_ =	swait.ge [sflag:s24], $0x2080  }
0x27: {  	[sflag:s24] =	ssyncset.done $0x0  }
0x28: {  	s2 =	simm.s32 $0x13B00;
	s10 =	rddreg [dreg:$0x15];
	[sflag:s24] =	ssyncadd.s32 $0xFFFFDF80  }
.LBB2_8:
0x29: {  	s10 =	sadd.s32 $0x1, s10;
	s8 =	rddreg [dreg:$0x14]  }
0x2a: {  	p2 =	sne.s32 s10, s8  }
.Ltmp1:
0x2b: {  	_ = 	snop;
	(pc) =	sbr.rel @!p2 .LBB2_9-.Ltmp1, $1  }
0x2c: {  	_ =	sdelay $0x3  }
.LBB2_1:
0x2d: {  	[dreg:$0x15] =	wrdreg s10  }
0x2e: {  	s8 =	rddreg [dreg:$0x8]  }
0x2f: {  	s10 =	simm.s32 @p0 $0x1FCD;
	s24 =	rddreg [dreg:$0x9];
	s8 =	sshrl.u32 @p0 s8, $0x3  }
0x30: {  	[spmem:s8], [sflag:s10] =	dma.local @p0 [hbm:s24], $0x2080  }
0x31: {  	s8 =	simm.s32 @p0 $0xD  }
0x32: {  	s10 =	stileid.u32;
	_ =	swait.ge @p0 [sflag:s8], $0x2080  }
0x33: {  	s10 =	sshll.u32 @!p0 s10, $0x6;
	[sflag:s8] =	ssyncset.done @p0 $0x0  }
0x34: {  	[sflag:s8] =	ssyncadd.s32 @p0 $0xFFFFDF80;
	s8 =	sor.u32 @!p0 $0x1C0D, s10;
	s10 =	rddreg [dreg:$0x6]  }
0x35: {  	s24 =	rddreg [dreg:$0x7];
	s10 =	sshrl.u32 @!p0 s10, $0x3  }
0x36: {  	[spmem:s10], [sflag:s8] =	dma.local @!p0 [hbm:s24], $0x2780  }
0x37: {  	s8 =	simm.s32 @!p0 $0xD  }
0x38: {  	_ =	swait.ge @!p0 [sflag:s8], $0x2780  }
0x39: {  	[sflag:s8] =	ssyncset.done @!p0 $0x0  }
0x3a: {  	[sflag:s8] =	ssyncadd.s32 @!p0 $0xFFFFD880  }
0x3b: {  	[bflag:$0x0] =	sbarrier.arrive $0xFFFF  }
0x3c: {  	s24 =	rddreg [dreg:$0xa]  }
0x3d: {  	[tilespmem:s29], [sflag:$0x1] =	stream.linear.gather [hbm4b:s24+s4], $0x80, $0x38;
	[tilespmem:$0x1FB80] =	vst v63  }
0x3e: {  	s10 =	rddreg [dreg:$0xb]  }
0x3f: {  	[tilespmem:s25], [sflag:$0x4] =	stream.linear.gather [hbm4b:s10+s4], $0x80, $0x38;
	[tilespmem:$0x1FB80] =	vst v63  }
0x40: {  	_ =	swait.ge [sflag:s26], $0x80  }
0x41: {  	[sflag:s26] =	ssyncset.done $0x0  }
0x42: {  	[sflag:s26] =	ssyncadd.s32 $0xFFFFFF80  }
0x43: {  	[tilespmem:s30], [sflag:$0x7] =	stream.indirect.gather [hbm4b:s5+s28], $0x80, s29, s28, $0xb8;
	[tilespmem:$0x1FB80] =	vst v63  }
0x44: {  	s22 =	rddreg [dreg:$0xc]  }
0x45: {  	[tilespmem:s31], [sflag:$0x2] =	stream.linear.gather [hbm4b:s22+s4], $0x80, $0x38;
	[tilespmem:$0x1FB80] =	vst v63  }
0x46: {  	s24 =	rddreg [dreg:$0xd];
	s22 =	simm.s32 $0x13A80  }
0x47: {  	[tilespmem:s22], [sflag:$0x5] =	stream.linear.gather [hbm4b:s24+s4], $0x80, $0x38;
	[tilespmem:$0x1FB80] =	vst v63  }
0x48: {  	_ =	swait.ge [sflag:s0], $0x80  }
0x49: {  	[sflag:s0] =	ssyncset.done $0x0  }
0x4a: {  	s24 =	simm.s32 $0x17B80;
	[sflag:s0] =	ssyncadd.s32 $0xFFFFFF80  }
0x4b: {  	[tilespmem:s24], [sflag:$0x8] =	stream.indirect.gather [hbm4b:s5+s28], $0x80, s31, s28, $0xb8;
	[tilespmem:$0x1FB80] =	vst v63  }
0x4c: {  	s10 =	rddreg [dreg:$0xe]  }
0x4d: {  	[tilespmem:s19], [sflag:$0x3] =	stream.linear.gather [hbm4b:s10+s4], $0x80, $0x38;
	[tilespmem:$0x1FB80] =	vst v63  }
0x4e: {  	s10 =	rddreg [dreg:$0xf]  }
0x4f: {  	[tilespmem:s2], [sflag:$0x6] =	stream.linear.gather [hbm4b:s10+s4], $0x80, $0x38;
	[tilespmem:$0x1FB80] =	vst v63  }
0x50: {  	_ =	swait.ge [sflag:s9], $0x80  }
0x51: {  	[sflag:s9] =	ssyncset.done $0x0  }
0x52: {  	[sflag:s9] =	ssyncadd.s32 $0xFFFFFF80  }
0x53: {  	[tilespmem:s1], [sflag:$0x9] =	stream.indirect.gather [hbm4b:s5+s28], $0x80, s19, s28, $0xb8;
	[tilespmem:$0x1FB80] =	vst v63  }
0x54: {  	_ =	swait.ge [sflag:s11], $0x4000  }
0x55: {  	[sflag:s11] =	ssyncset.done $0x0  }
0x56: {  	[sflag:s11] =	ssyncadd.s32 $0xFFFFC000  }
0x57: {  	_ =	swait.ge [sflag:s14], $0x80  }
0x58: {  	s8 =	simm.s32 $0x3;
	s11 =	simm.s32 $0x4;
	s10 =	rddreg [dreg:$0x5]  }
0x59: {  	(drf) =	srem.u32 s11, s6;
	[sflag:s14] =	ssyncset.done $0x0;
	p2 =	seq.s32 s10, $0x0  }
0x5a: {  	[sflag:s14] =	ssyncadd.s32 $0xFFFFFF80;
	s8 =	simm.s32 @p2 $0x0  }
0x5b: {  	[spmem:s3] =	stream.indirect.scatter.add.f32 [tilespmem:s30], [sflag:$0xA], $0x80, s25, s28, $0xb8;
	[tilespmem:$0x1FB80] =	vst v63  }
0x5c: {  	s8 =	sadd.s32 s7, s8  }
0x5d: {  	s9 =	sshll.u32 s8, $0x5  }
0x5e: {  	s8 =	sadd.s32 s20, s9  }
0x5f: {  	[tilespmem:s29], [sflag:$0x1] =	stream.linear.gather [hbm4b:s8+s4], $0x80, $0x38;
	[tilespmem:$0x1FB80] =	vst v63  }
0x60: {  	_ =	swait.ge [sflag:s15], $0x4000  }
0x61: {  	[sflag:s15] =	ssyncset.done $0x0  }
0x62: {  	[sflag:s15] =	ssyncadd.s32 $0xFFFFC000;
	s11 =	spop (drf)  }
0x63: {  	s14 =	simm.s32 $0x5;
	_ =	swait.ge [sflag:s16], $0x80  }
0x64: {  	s10 =	sadd.s32 s7, s11;
	(drf) =	srem.u32 s14, s6;
	[sflag:s16] =	ssyncset.done $0x0  }
0x65: {  	s15 =	sshll.u32 s10, $0x5;
	[sflag:s16] =	ssyncadd.s32 $0xFFFFFF80  }
0x66: {  	[spmem:s3] =	stream.indirect.scatter.add.f32 [tilespmem:s24], [sflag:$0xB], $0x80, s22, s28, $0xb8;
	[tilespmem:$0x1FB80] =	vst v63  }
0x67: {  	s10 =	sadd.s32 s20, s15  }
0x68: {  	[tilespmem:s31], [sflag:$0x2] =	stream.linear.gather [hbm4b:s10+s4], $0x80, $0x38;
	[tilespmem:$0x1FB80] =	vst v63  }
0x69: {  	_ =	swait.ge [sflag:s17], $0x4000  }
0x6a: {  	[sflag:s17] =	ssyncset.done $0x0  }
0x6b: {  	[sflag:s17] =	ssyncadd.s32 $0xFFFFC000  }
0x6c: {  	_ =	swait.ge [sflag:s18], $0x80  }
0x6d: {  	s17 =	spop (drf)  }
0x6e: {  	[sflag:s18] =	ssyncset.done $0x0;
	s10 =	sadd.s32 s7, s17  }
0x6f: {  	[sflag:s18] =	ssyncadd.s32 $0xFFFFFF80;
	s10 =	sshll.u32 s10, $0x5  }
0x70: {  	[spmem:s3] =	stream.indirect.scatter.add.f32 [tilespmem:s1], [sflag:$0xC], $0x80, s2, s28, $0xb8;
	[tilespmem:$0x1FB80] =	vst v63  }
0x71: {  	s18 =	sadd.s32 s20, s10  }
0x72: {  	[tilespmem:s19], [sflag:$0x3] =	stream.linear.gather [hbm4b:s18+s4], $0x80, $0x38;
	[tilespmem:$0x1FB80] =	vst v63  }
0x73: {  	_ =	swait.ge [sflag:s21], $0x4000  }
0x74: {  	[sflag:s21] =	ssyncset.done $0x0  }
0x75: {  	[sflag:s21] =	ssyncadd.s32 $0xFFFFC000;
	s21 =	sadd.s32 s9, s13  }
0x76: {  	[tilespmem:s25], [sflag:$0x4] =	stream.linear.gather [hbm4b:s21+s4], $0x80, $0x38;
	[tilespmem:$0x1FB80] =	vst v63  }
0x77: {  	_ =	swait.ge [sflag:s26], $0x80  }
0x78: {  	[sflag:s26] =	ssyncset.done $0x0  }
0x79: {  	s8 =	simm.s32 $0x3;
	s11 =	simm.s32 $0x7;
	[sflag:s26] =	ssyncadd.s32 $0xFFFFFF80  }
0x7a: {  	[tilespmem:s30], [sflag:$0x7] =	stream.indirect.gather [hbm4b:s5+s28], $0x80, s29, s28, $0xb8;
	[tilespmem:$0x1FB80] =	vst v63  }
0x7b: {  	s14 =	simm.s32 $0x4;
	s16 =	simm.s32 $0x5;
	_ =	swait.ge [sflag:s12], $0x4000  }
0x7c: {  	s17 =	simm.s32 $0x9;
	s2 =	simm.s32 $0x13B00;
	[sflag:s12] =	ssyncset.done $0x0  }
0x7d: {  	s1 =	simm.s32 $0x1BB80;
	s30 =	sadd.s32 s15, s13;
	[sflag:s12] =	ssyncadd.s32 $0xFFFFC000  }
0x7e: {  	[tilespmem:s22], [sflag:$0x5] =	stream.linear.gather [hbm4b:s30+s4], $0x80, $0x38;
	[tilespmem:$0x1FB80] =	vst v63  }
0x7f: {  	s18 =	simm.s32 $0x6;
	s9 =	simm.s32 $0x3;
	_ =	swait.ge [sflag:s0], $0x80  }
0x80: {  	s21 =	simm.s32 $0x2;
	s26 =	simm.s32 $0x13980;
	[sflag:s0] =	ssyncset.done $0x0  }
0x81: {  	s15 =	simm.s32 $0x8;
	s22 =	simm.s32 $0xC;
	[sflag:s0] =	ssyncadd.s32 $0xFFFFFF80  }
0x82: {  	[tilespmem:s24], [sflag:$0x8] =	stream.indirect.gather [hbm4b:s5+s28], $0x80, s31, s28, $0xb8;
	[tilespmem:$0x1FB80] =	vst v63  }
0x83: {  	s12 =	simm.s32 $0xB;
	s0 =	simm.s32 $0x1;
	_ =	swait.ge [sflag:s22], $0x4000  }
.LBB2_2:
0x84: {  	[sflag:s22] =	ssyncset.done $0x0;
	s25 =	simm.s32 $0xC  }
0x85: {  	s10 =	sadd.s32 s10, s13;
	[sflag:s25] =	ssyncadd.s32 $0xFFFFC000  }
0x86: {  	[tilespmem:s2], [sflag:$0x6] =	stream.linear.gather [hbm4b:s10+s4], $0x80, $0x38;
	[tilespmem:$0x1FB80] =	vst v63  }
0x87: {  	_ =	swait.ge [sflag:s9], $0x80  }
0x88: {  	[sflag:s9] =	ssyncset.done $0x0  }
0x89: {  	[sflag:s9] =	ssyncadd.s32 $0xFFFFFF80  }
0x8a: {  	[tilespmem:s1], [sflag:$0x9] =	stream.indirect.gather [hbm4b:s5+s28], $0x80, s26, s28, $0xb8;
	[tilespmem:$0x1FB80] =	vst v63  }
0x8b: {  	_ =	swait.ge [sflag:s11], $0x4000  }
0x8c: {  	[sflag:s11] =	ssyncset.done $0x0  }
0x8d: {  	p2 =	sne.s32 s8, $0x4B;
	s24 =	smov.u32 s8;
	[sflag:s11] =	ssyncadd.s32 $0xFFFFC000  }
0x8e: {  	s8 =	sadd.s32 $0x3, s8;
	s25 =	sadd.s32 $0x4, s24;
	_ =	swait.ge [sflag:s14], $0x80  }
0x8f: {  	s31 =	simm.s32 $0x13B80;
	s10 =	rddreg [dreg:$0x5];
	(drf) =	srem.u32 s25, s6  }
0x90: {  	[sflag:s14] =	ssyncset.done $0x0;
	p3 =	seq.s32 s10, s24;
	s10 =	smov.u32 s8  }
0x91: {  	s30 =	simm.s32 $0x13A00;
	[sflag:s14] =	ssyncadd.s32 $0xFFFFFF80;
	s10 =	simm.s32 @p3 $0x0  }
0x92: {  	[spmem:s3] =	stream.indirect.scatter.add.f32 [tilespmem:s31], [sflag:$0xA], $0x80, s30, s28, $0xb8;
	[tilespmem:$0x1FB80] =	vst v63  }
0x93: {  	s10 =	sadd.s32 s7, s10  }
0x94: {  	s25 =	sshll.u32 s10, $0x5  }
0x95: {  	s10 =	sadd.s32 s20, s25  }
0x96: {  	[tilespmem:s29], [sflag:$0x1] =	stream.linear.gather [hbm4b:s10+s4], $0x80, $0x38;
	[tilespmem:$0x1FB80] =	vst v63  }
0x97: {  	_ =	swait.ge [sflag:s15], $0x4000  }
0x98: {  	[sflag:s15] =	ssyncset.done $0x0  }
0x99: {  	s10 =	sadd.s32 $0x5, s24;
	[sflag:s15] =	ssyncadd.s32 $0xFFFFC000;
	s24 =	spop (drf)  }
0x9a: {  	s22 =	simm.s32 $0x13A80;
	_ =	swait.ge [sflag:s16], $0x80  }
0x9b: {  	s24 =	sadd.s32 s7, s24;
	(drf) =	srem.u32 s10, s6;
	[sflag:s16] =	ssyncset.done $0x0  }
0x9c: {  	s19 =	simm.s32 $0x17B80;
	s24 =	sshll.u32 s24, $0x5;
	[sflag:s16] =	ssyncadd.s32 $0xFFFFFF80  }
0x9d: {  	[spmem:s3] =	stream.indirect.scatter.add.f32 [tilespmem:s19], [sflag:$0xB], $0x80, s22, s28, $0xb8;
	[tilespmem:$0x1FB80] =	vst v63  }
0x9e: {  	s31 =	simm.s32 $0x13900;
	s19 =	sadd.s32 s20, s24  }
0x9f: {  	[tilespmem:s31], [sflag:$0x2] =	stream.linear.gather [hbm4b:s19+s4], $0x80, $0x38;
	[tilespmem:$0x1FB80] =	vst v63  }
0xa0: {  	_ =	swait.ge [sflag:s17], $0x4000  }
0xa1: {  	[sflag:s17] =	ssyncset.done $0x0  }
0xa2: {  	[sflag:s17] =	ssyncadd.s32 $0xFFFFC000  }
0xa3: {  	_ =	swait.ge [sflag:s18], $0x80  }
0xa4: {  	s19 =	spop (drf)  }
0xa5: {  	[sflag:s18] =	ssyncset.done $0x0;
	s10 =	sadd.s32 s7, s19  }
0xa6: {  	[sflag:s18] =	ssyncadd.s32 $0xFFFFFF80;
	s10 =	sshll.u32 s10, $0x5  }
0xa7: {  	[spmem:s3] =	stream.indirect.scatter.add.f32 [tilespmem:s1], [sflag:$0xC], $0x80, s2, s28, $0xb8;
	[tilespmem:$0x1FB80] =	vst v63  }
0xa8: {  	s29 =	sadd.s32 s20, s10  }
0xa9: {  	[tilespmem:s26], [sflag:$0x3] =	stream.linear.gather [hbm4b:s29+s4], $0x80, $0x38;
	[tilespmem:$0x1FB80] =	vst v63  }
0xaa: {  	_ =	swait.ge [sflag:s23], $0x4000  }
0xab: {  	[sflag:s23] =	ssyncset.done $0x0  }
0xac: {  	s25 =	sadd.s32 s25, s13;
	[sflag:s23] =	ssyncadd.s32 $0xFFFFC000  }
0xad: {  	[tilespmem:s30], [sflag:$0x4] =	stream.linear.gather [hbm4b:s25+s4], $0x80, $0x38;
	[tilespmem:$0x1FB80] =	vst v63  }
0xae: {  	_ =	swait.ge [sflag:s0], $0x80  }
0xaf: {  	[sflag:s0] =	ssyncset.done $0x0  }
0xb0: {  	s29 =	simm.s32 $0x13880;
	s30 =	simm.s32 $0x13B80;
	[sflag:s0] =	ssyncadd.s32 $0xFFFFFF80  }
0xb1: {  	[tilespmem:s30], [sflag:$0x7] =	stream.indirect.gather [hbm4b:s5+s28], $0x80, s29, s28, $0xb8;
	[tilespmem:$0x1FB80] =	vst v63  }
0xb2: {  	_ =	swait.ge [sflag:s12], $0x4000  }
0xb3: {  	[sflag:s12] =	ssyncset.done $0x0  }
0xb4: {  	s24 =	sadd.s32 s24, s13;
	[sflag:s12] =	ssyncadd.s32 $0xFFFFC000  }
0xb5: {  	[tilespmem:s22], [sflag:$0x5] =	stream.linear.gather [hbm4b:s24+s4], $0x80, $0x38;
	[tilespmem:$0x1FB80] =	vst v63  }
.Ltmp2:
0xb6: {  	_ =	swait.ge [sflag:s21], $0x80;
	(pc) =	sbr.rel @p2 .LBB2_2-.Ltmp2, $4  }
0xb7: {  	[sflag:s21] =	ssyncset.done $0x0  }
0xb8: {  	s22 =	simm.s32 $0xC;
	s24 =	simm.s32 $0x17B80;
	[sflag:s21] =	ssyncadd.s32 $0xFFFFFF80  }
0xb9: {  	[tilespmem:s24], [sflag:$0x8] =	stream.indirect.gather [hbm4b:s5+s28], $0x80, s31, s28, $0xb8;
	[tilespmem:$0x1FB80] =	vst v63  }
0xba: {  	s25 =	simm.s32 $0x13A00;
	_ =	swait.ge [sflag:s22], $0x4000  }
0xbb: {  	[sflag:s22] =	ssyncset.done $0x0  }
0xbc: {  	s8 =	sadd.s32 s10, s13;
	[sflag:s22] =	ssyncadd.s32 $0xFFFFC000  }
0xbd: {  	[tilespmem:s2], [sflag:$0x6] =	stream.linear.gather [hbm4b:s8+s4], $0x80, $0x38;
	[tilespmem:$0x1FB80] =	vst v63  }
0xbe: {  	_ =	swait.ge [sflag:s9], $0x80  }
0xbf: {  	[sflag:s9] =	ssyncset.done $0x0  }
0xc0: {  	[sflag:s9] =	ssyncadd.s32 $0xFFFFFF80  }
0xc1: {  	[tilespmem:s1], [sflag:$0x9] =	stream.indirect.gather [hbm4b:s5+s28], $0x80, s26, s28, $0xb8;
	[tilespmem:$0x1FB80] =	vst v63  }
0xc2: {  	_ =	swait.ge [sflag:s11], $0x4000  }
0xc3: {  	[sflag:s11] =	ssyncset.done $0x0  }
0xc4: {  	[sflag:s11] =	ssyncadd.s32 $0xFFFFC000  }
0xc5: {  	_ =	swait.ge [sflag:s14], $0x80  }
0xc6: {  	[sflag:s14] =	ssyncset.done $0x0  }
0xc7: {  	[sflag:s14] =	ssyncadd.s32 $0xFFFFFF80  }
0xc8: {  	_ =	swait.ge [sflag:s15], $0x4000  }
0xc9: {  	[sflag:s15] =	ssyncset.done $0x0  }
0xca: {  	[sflag:s15] =	ssyncadd.s32 $0xFFFFC000  }
0xcb: {  	_ =	swait.ge [sflag:s16], $0x80  }
0xcc: {  	[sflag:s16] =	ssyncset.done $0x0  }
0xcd: {  	[sflag:s16] =	ssyncadd.s32 $0xFFFFFF80  }
0xce: {  	_ =	swait.ge [sflag:s17], $0x4000  }
.Ltmp3:
0xcf: {  	s19 =	simm.s32 $0x13980;
	[sflag:s17] =	ssyncset.done $0x0;
	(pc) =	sbr.rel @p1 .LBB2_5-.Ltmp3, $4  }
0xd0: {  	s9 =	simm.s32 $0x3;
	s1 =	simm.s32 $0x1BB80;
	[sflag:s17] =	ssyncadd.s32 $0xFFFFC000  }
0xd1: {  	s11 =	simm.s32 $0x7;
	s14 =	simm.s32 $0x4;
	_ =	swait.ge [sflag:s18], $0x80  }
0xd2: {  	s15 =	simm.s32 $0x8;
	s16 =	simm.s32 $0x5;
	[sflag:s18] =	ssyncset.done $0x0  }
0xd3: {  	s17 =	simm.s32 $0x9;
	[sflag:s18] =	ssyncadd.s32 $0xFFFFFF80;
	s18 =	simm.s32 $0x6  }
0xd4: {  	s8 =	rddreg [dreg:$0x10]  }
0xd5: {  	[tilespmem:s29], [sflag:$0x1] =	stream.linear.gather [hbm4b:s8+s4], $0x80, $0x38;
	[tilespmem:$0x1FB80] =	vst v63  }
0xd6: {  	s26 =	rddreg [dreg:$0x11]  }
0xd7: {  	[tilespmem:s25], [sflag:$0x4] =	stream.linear.gather [hbm4b:s26+s4], $0x80, $0x38;
	[tilespmem:$0x1FB80] =	vst v63  }
0xd8: {  	s26 =	simm.s32 $0x1  }
0xd9: {  	_ =	swait.ge [sflag:s26], $0x80  }
0xda: {  	[sflag:s26] =	ssyncset.done $0x0  }
0xdb: {  	[sflag:s26] =	ssyncadd.s32 $0xFFFFFF80  }
0xdc: {  	_ =	swait.ge [sflag:s14], $0x80  }
0xdd: {  	[sflag:s14] =	ssyncset.done $0x0  }
0xde: {  	[sflag:s14] =	ssyncadd.s32 $0xFFFFFF80  }
0xdf: {  	[tilespmem:s30], [sflag:$0x7] =	stream.indirect.gather [hbm4b:s5+s28], $0x80, s29, s28, $0xb8;
	[tilespmem:$0x1FB80] =	vst v63  }
0xe0: {  	_ =	swait.ge [sflag:s11], $0x4000  }
0xe1: {  	[sflag:s11] =	ssyncset.done $0x0  }
0xe2: {  	s21 =	simm.s32 $0xA;
	[sflag:s11] =	ssyncadd.s32 $0xFFFFC000  }
0xe3: {  	[spmem:s3] =	stream.indirect.scatter.add.f32 [tilespmem:s30], [sflag:$0xA], $0x80, s25, s28, $0xb8;
	[tilespmem:$0x1FB80] =	vst v63  }
.Ltmp4:
0xe4: {  	_ =	swait.ge [sflag:s21], $0x4000;
	(pc) =	sbr.rel .LBB2_6-.Ltmp4, $4  }
0xe5: {  	[sflag:s21] =	ssyncset.done $0x0  }
0xe6: {  	[sflag:s21] =	ssyncadd.s32 $0xFFFFC000  }
0xe7: {  	[bflag:$0x0] =	sbarrier.arrive $0xFFFF  }
0xe8: {  	s0 =	simm.s32 $0x2;
	s12 =	simm.s32 $0xB  }
.LBB2_5:
.Ltmp5:
0xe9: {  	(pc) =	sbr.rel @p0 .LBB2_7-.Ltmp5, $3  }
0xea: {  	_ =	sdelay $0x1  }
0xeb: {  	[bflag:$0x0] =	sbarrier.arrive $0xFFFF;
	s26 =	simm.s32 $0x1  }
0xec: {  	s0 =	simm.s32 $0x2;
	s21 =	simm.s32 $0xA;
	s12 =	simm.s32 $0xB  }
.LBB2_6:
0xed: {  	s8 =	stileid.u32;
	s10 =	rddreg [dreg:$0x6]  }
0xee: {  	s24 =	rddreg [dreg:$0x12];
	s2 =	simm.s32 $0xD;
	s8 =	sshll.u32 s8, $0x6  }
.Ltmp6:
0xef: {  	s10 =	sshrl.u32 s10, $0x3;
	s8 =	sor.u32 $0x1C0D, s8;
	(pc) =	sbr.rel .LBB2_8-.Ltmp6, $4  }
0xf0: {  	[hbm:s24], [sflag:s8] =	dma.local [spmem:s10], $0x2780  }
0xf1: {  	_ =	swait.ge [sflag:s2], $0x2780  }
0xf2: {  	[sflag:s2] =	ssyncset.done $0x0  }
0xf3: {  	s10 =	rddreg [dreg:$0x15];
	[sflag:s2] =	ssyncadd.s32 $0xFFFFD880;
	s2 =	simm.s32 $0x13B00  }
.LBB2_9:
0xf4: {  	_ =	sfence.sel $0x180000  }
0xf5: {  	[bflag:$0x0] =	sbarrier.arrive $0xFFFF  }
0xf6: {  	_ =	strace $0x9000004A  }
0xf7: {  	s0 =	stileid.u32;
	[bflag:$0x2] =	sbarrier.arrive $0xFFFF  }
0xf8: {  	p0 =	sne.s32 s0, $0x0;
	s0 =	rddreg [dreg:$0x4]  }
0xf9: {  	s0 =	sadd.s32 @!p0 $0x100000, s0  }
0xfa: {  	[sflag:s0] =	ssyncadd.tile.s32 @!p0 $0x1;
	_ =	shalt  }
.Lfunc_end2:
_tile_overlayer_lowered:
.L_overlay_start_2:
0xfb: {  	(tag) =	ssettag $0x2  }
0xfc: {  	s0 =	rddreg [dreg:$0x0];
	s2 =	stileid.u32  }
0xfd: {  	s1 =	rddreg [dreg:$0x1];
	p0 =	sne.s32 s2, $0x0  }
0xfe: {  	s3 =	rddreg [dreg:$0x2];
	[bflag:$0x3] =	sbarrier.arrive $0xFFFF;
	s2 =	simm.s32 @!p0 $0x1C0D  }
0xff: {  	[timem:s3], [sflag:s2] =	dma.local @!p0 [hbm:s0], s1  }
0x100: {  	s0 =	simm.s32 @!p0 $0xD  }
0x101: {  	_ =	swait.ge @!p0 [sflag:s0], s1  }
0x102: {  	s1 =	ssub.s32 @!p0 $0x0, s1;
	[sflag:s0] =	ssyncset.done @!p0 $0x0  }
0x103: {  	[sflag:s0] =	ssyncadd.s32 @!p0 s1  }
0x104: {  	[bflag:$0x3] =	sbarrier.arrive $0xFFFF  }
0x105: {  	_ =	shalt  }

// kernel: sage_seg_sum_cnt.3.cloned.1.call-start
scs
__scs_entry_jumppad:
0x0: {  	(pc) =	sbr.rel $0x88, $3  }
0x1: {  	(tag) =	ssettag $0x0;
	lr =	simm.s32 $0x1  }
0x2: {  	[smem:$0x3F99] =	sst lr;
	_ =	strace $0xD0000000  }
0x3: {  	_ = 	snop  }
0x4: {  	_ = 	snop  }
0x5: {  	_ = 	snop  }
0x6: {  	_ = 	snop  }
0x7: {  	_ = 	snop  }
__scs_overlays_trampoline_lowered:
0x8: {  	[smem:$0x3FA8] =	sst s0  }
0x9: {  	[smem:$0x3FA9] =	sst s1  }
0xa: {  	[smem:$0x3FAA] =	sst s2  }
0xb: {  	[smem:$0x3FAB] =	sst s3  }
0xc: {  	[smem:$0x3FAC] =	sst s4  }
0xd: {  	[smem:$0x3FAD] =	sst s5  }
0xe: {  	[smem:$0x3FAE] =	sst s6  }
0xf: {  	[smem:$0x3FAF] =	sst s7  }
0x10: {  	[smem:$0x3FB0] =	sst s8  }
0x11: {  	[smem:$0x3FB1] =	sst s9;
	s0 =	simm.s32 @!p0 $0x0  }
0x12: {  	s1 =	sld [smem:$0x3F97];
	s0 =	simm.s32 @p0 $0x1  }
0x13: {  	[smem:$0x3FB2] =	sst s0;
	s0 =	simm.s32 @!p1 $0x0  }
0x14: {  	s2 =	sld [smem:$0x3F96];
	s0 =	simm.s32 @p1 $0x1  }
0x15: {  	[smem:$0x3FB3] =	sst s0;
	s0 =	simm.s32 @!p2 $0x0  }
0x16: {  	s3 =	sld [smem:$0x3FDB];
	s0 =	simm.s32 @p2 $0x1  }
0x17: {  	s4 =	simm.s32 $0x1BF5;
	[smem:$0x3FB5] =	sst s0  }
0x18: {  	s0 =	sld [smem:$0x3F98];
	_ =	swait.ge [sflag:s4], $0x0  }
0x19: {  	s7 =	sld [smem:$0x3F99]  }
0x1a: {  	s8 =	sadd.s32 $0xFFFFE003, lr  }
0x1b: {  	s9 =	sadd.s32 $0xFFFFFEF7, lr;
	s5 =	simm.s32 $0xFFFFFFFF;
	p2 =	slt.u32 s8, $0xFFFFF086  }
0x1c: {  	p1 =	slt.u32 s9, $0xF7A;
	s5 =	simm.s32 @!p2 $0x0  }
0x1d: {  	s5 =	simm.s32 @p1 $0x1;
	p0 =	seq.s32 s7, s2  }
0x1e: {  	s7 =	smul.u32 @!p0 $0xF7A, s2;
	p2 =	seq.s32 @!p0 s5, $0x0  }
0x1f: {  	s9 =	smul.u32 $0xF7A, s1;
	s8 =	simm.s32 @!p0 $0x1BF5;
	p2 =	por !p2, p0  }
0x20: {  	[sflag:s8] =	ssyncset.s32 @!p0 $0xFFFFF086;
	s6 =	sadd.s32 @!p0 s3, s7;
	s7 =	simm.s32 @!p0 $0x108  }
0x21: {  	s3 =	sadd.s32 s3, s9;
	s6 =	sadd.s32 @!p0 $0x88, s6;
	s7 =	simm.s32 @p2 $0x1082  }
0x22: {  	[simem:s7], [sflag:s8] =	dma.local @!p0 [hbm:s6], $0xF7A  }
0x23: {  	s9 =	sor.u32 $0xD0000000, s2;
	s6 =	simm.s32 $0x108;
	_ =	swait.ge @!p0 [sflag:s8], $0x0  }
0x24: {  	s3 =	sadd.s32 $0x88, s3;
	s6 =	simm.s32 @!p1 $0x1082;
	[sflag:s4] =	ssyncset.s32 $0xFFFFF086  }
0x25: {  	[simem:s6], [sflag:s4] =	dma.local [hbm:s3], $0xF7A  }
0x26: {  	[smem:$0x3F99] =	sst s1;
	(tag) =	ssettag s2;
	_ =	strace s9  }
0x27: {  	s1 =	sld [smem:$0x3FA9]  }
0x28: {  	s2 =	sld [smem:$0x3FAA]  }
0x29: {  	s4 =	sld [smem:$0x3FAC]  }
0x2a: {  	p0 =	seq.s32 s5, $0x0;
	s5 =	sld [smem:$0x3FAD]  }
0x2b: {  	s6 =	sld [smem:$0x3FAE]  }
0x2c: {  	s7 =	sld [smem:$0x3FAF]  }
0x2d: {  	s3 =	simm.s32 $0x108;
	s8 =	sld [smem:$0x3FB0]  }
0x2e: {  	s3 =	simm.s32 @!p0 $0x1082;
	s9 =	sld [smem:$0x3FB1]  }
0x2f: {  	lr =	sadd.s32 s0, s3;
	s0 =	sld [smem:$0x3FA8]  }
0x30: {  	s3 =	sld [smem:$0x3FAB]  }
0x31: {  	[smem:$0x3FB4] =	sst s10  }
0x32: {  	s10 =	sld [smem:$0x3FB2];
	_ =	sdelay $0x3  }
0x33: {  	p0 =	seq.s32 s10, $0x1;
	s10 =	sld [smem:$0x3FB4];
	_ =	sdelay $0x3  }
0x34: {  	[smem:$0x3FB4] =	sst s10  }
0x35: {  	s10 =	sld [smem:$0x3FB3];
	_ =	sdelay $0x3  }
0x36: {  	p1 =	seq.s32 s10, $0x1;
	s10 =	sld [smem:$0x3FB4];
	_ =	sdelay $0x3  }
0x37: {  	[smem:$0x3FB4] =	sst s10  }
0x38: {  	s10 =	sld [smem:$0x3FB5]  }
0x39: {  	_ = 	snop;
	(pc) =	sbr.ind lr, $3  }
0x3a: {  	_ = 	snop  }
0x3b: {  	_ = 	snop  }
0x3c: {  	p2 =	seq.s32 s10, $0x1;
	s10 =	sld [smem:$0x3FB4]  }
0x3d: {  	_ =	shalt  }
0x3e: {  	_ =	shalt  }
0x3f: {  	_ =	shalt  }
0x40: {  	_ =	shalt  }
0x41: {  	_ =	shalt  }
0x42: {  	_ =	shalt  }
0x43: {  	_ =	shalt  }
0x44: {  	_ =	shalt  }
0x45: {  	_ =	shalt  }
0x46: {  	_ =	shalt  }
0x47: {  	_ =	shalt  }
0x48: {  	_ =	shalt  }
0x49: {  	_ =	shalt  }
0x4a: {  	_ =	shalt  }
0x4b: {  	_ =	shalt  }
0x4c: {  	_ =	shalt  }
0x4d: {  	_ =	shalt  }
0x4e: {  	_ =	shalt  }
0x4f: {  	_ =	shalt  }
0x50: {  	_ =	shalt  }
0x51: {  	_ =	shalt  }
0x52: {  	_ =	shalt  }
0x53: {  	_ =	shalt  }
0x54: {  	_ =	shalt  }
0x55: {  	_ =	shalt  }
0x56: {  	_ =	shalt  }
0x57: {  	_ =	shalt  }
0x58: {  	_ =	shalt  }
0x59: {  	_ =	shalt  }
0x5a: {  	_ =	shalt  }
0x5b: {  	_ =	shalt  }
0x5c: {  	_ =	shalt  }
0x5d: {  	_ =	shalt  }
0x5e: {  	_ =	shalt  }
0x5f: {  	_ =	shalt  }
0x60: {  	_ =	shalt  }
0x61: {  	_ =	shalt  }
0x62: {  	_ =	shalt  }
0x63: {  	_ =	shalt  }
0x64: {  	_ =	shalt  }
0x65: {  	_ =	shalt  }
0x66: {  	_ =	shalt  }
0x67: {  	_ =	shalt  }
0x68: {  	_ =	shalt  }
0x69: {  	_ =	shalt  }
0x6a: {  	_ =	shalt  }
0x6b: {  	_ =	shalt  }
0x6c: {  	_ =	shalt  }
0x6d: {  	_ =	shalt  }
0x6e: {  	_ =	shalt  }
0x6f: {  	_ =	shalt  }
0x70: {  	_ =	shalt  }
0x71: {  	_ =	shalt  }
0x72: {  	_ =	shalt  }
0x73: {  	_ =	shalt  }
0x74: {  	_ =	shalt  }
0x75: {  	_ =	shalt  }
0x76: {  	_ =	shalt  }
0x77: {  	_ =	shalt  }
0x78: {  	_ =	shalt  }
0x79: {  	_ =	shalt  }
0x7a: {  	_ =	shalt  }
0x7b: {  	_ =	shalt  }
0x7c: {  	_ =	shalt  }
0x7d: {  	_ =	shalt  }
0x7e: {  	_ =	shalt  }
0x7f: {  	_ =	shalt  }
0x80: {  	_ =	shalt  }
0x81: {  	_ =	shalt  }
0x82: {  	_ =	shalt  }
0x83: {  	_ =	shalt  }
0x84: {  	_ =	shalt  }
0x85: {  	_ =	shalt  }
0x86: {  	_ =	shalt  }
0x87: {  	_ =	shalt  }
.Lfunc_end0:
.L_simem_size_0:
called_computation_lowered:
.L_overlay_start_0:
0x88: {  	s2 =	sld [smem:$0x3FD9]  }
0x89: {  	s3 =	sld [smem:$0x3FFE];
	_ =	sdelay $0x1  }
0x8a: {  	s1 =	srdreg.scid  }
0x8b: {  	s0 =	sand.u32 $0x1, s1  }
0x8c: {  	s17 =	sshll.u32 s0, $0xA;
	s2 =	sadd.s32 s3, s2  }
0x8d: {  	s2 =	sadd.s32 s2, s17  }
0x8e: {  	[smem:$0x3FC0] =	sst s2  }
0x8f: {  	_ = 	snop  }
0x90: {  	s2 =	sld [smem:$0x3FC9]  }
0x91: {  	s18 =	sld [smem:$0x3FC8]  }
0x92: {  	s4 =	sld [smem:$0x3FD0];
	(tm) =	ssettm $0x1  }
0x93: {  	s5 =	sld [smem:$0x3FFB];
	_ =	sdelay $0x3  }
0x94: {  	_ =	strace s5  }
0x95: {  	s5 =	sld [smem:$0x3FFC];
	_ =	sdelay $0x3  }
0x96: {  	_ =	strace s5  }
0x97: {  	s5 =	sld [smem:$0x3FFD];
	_ =	sdelay $0x3  }
0x98: {  	_ =	strace s5  }
0x99: {  	_ =	strace $0x8FFFFFFF  }
0x9a: {  	s19 =	sld [smem:$0x3FDB];
	_ =	sdelay $0x1  }
0x9b: {  	s6 =	simm.s32 $_scs_section_size  }
0x9c: {  	s7 =	simm.s32 $_size__tile_overlayer_lowered;
	s8 =	simm.s32 $_tile_overlayer_lowered  }
0x9d: {  	s22 =	simm.s32 $0x1BFF;
	s21 =	sshll.u32 s8, $0x1;
	s5 =	sadd.s32 s6, s19  }
0x9e: {  	s9 =	simm.s32 $0x0;
	s20 =	sshll.u32 s7, $0x1;
	s7 =	sadd.s32 s21, s5  }
0x9f: {  	[timem:s9], [sflag:s22] =	dma.local [hbm:s7], s20  }
0xa0: {  	_ =	swait.ge [sflag:s22], s20  }
0xa1: {  	s6 =	ssub.s32 $0x0, s20;
	[sflag:s22] =	ssyncset.done $0x0  }
0xa2: {  	[sflag:s22] =	ssyncadd.s32 s6;
	_ =	sdelay $0x1  }
0xa3: {  	s23 =	simm.s32 $0x1B8B  }
0xa4: {  	_ =	swait.ge [sflag:s23], $0x1  }
0xa5: {  	[sflag:s23] =	ssyncset.done $0x0  }
0xa6: {  	s25 =	simm.s32 $0x1B8E;
	s24 =	sld [smem:$0x3FFE];
	[sflag:s23] =	ssyncadd.s32 $0xFFFFFFFF  }
0xa7: {  	s26 =	simm.s32 $execute0_lowered;
	[smem:$0x3FD2] =	sst s25  }
0xa8: {  	s7 =	sshll.u32 s26, $0x1;
	_ =	strace $0x80000046;
	[dreg:$0x1] =	wrdreg $0xFFFFFFFF  }
0xa9: {  	s28 =	simm.s32 $_size_execute0_lowered;
	s5 =	sadd.s32 s5, s7;
	[dreg:$0x0] =	wrdreg $0x0  }
0xaa: {  	s7 =	sshll.u32 s28, $0x1;
	[dreg:$0x2] =	wrdreg s5  }
0xab: {  	[dreg:$0x3] =	wrdreg s7  }
0xac: {  	[dreg:$0x4] =	wrdreg $0xC0  }
0xad: {  	_ =	task [dreg:s9], $0x5FFFF  }
0xae: {  	[dreg:$0x1] =	wrdreg $0xFFFFFFFF  }
0xaf: {  	[dreg:$0x0] =	wrdreg $0x60  }
0xb0: {  	[dreg:$0x2] =	wrdreg s2  }
0xb1: {  	[dreg:$0x3] =	wrdreg s18  }
0xb2: {  	[dreg:$0x4] =	wrdreg s4  }
0xb3: {  	[dreg:$0x5] =	wrdreg s24  }
0xb4: {  	[dreg:$0x6] =	wrdreg $0x0  }
0xb5: {  	[dreg:$0x7] =	wrdreg $0x138800  }
0xb6: {  	[dreg:$0x8] =	wrdreg $0x9  }
0xb7: {  	_ =	task.clear_ibuf [dreg:s9], $0x9FFFF;
	_ =	strace $0x90000046  }
0xb8: {  	s29 =	simm.s32 $0x9;
	_ =	strace $0x80000048  }
0xb9: {  	_ =	swait.ge [sflag:s29], $0x1  }
0xba: {  	[sflag:s29] =	ssyncadd.s32 $0xFFFFFFFF  }
0xbb: {  	_ =	strace $0x90000048  }
0xbc: {  	_ =	sfence  }
0xbd: {  	s30 =	sld [smem:$0x0];
	_ =	sdelay $0x2  }
0xbe: {  	s31 =	sshll.u32 s1, $0xD;
	s1 =	sshrl.u32 s1, $0x2  }
0xbf: {  	s3 =	sand.u32 $0x4000, s31;
	s1 =	sadd.s32 s1, s30  }
0xc0: {  	s0 =	sor.u32 s3, s0;
	s1 =	sshll.u32 s1, $0x11  }
0xc1: {  	s0 =	sor.u32 s1, s0  }
0xc2: {  	s0 =	sadd.s32 $0x8F2B, s0  }
0xc3: {  	[sflag:s0] =	ssyncadd.remote.s32 $0x1  }
0xc4: {  	_ =	sfence.sel $0xFFFF  }
0xc5: {  	[dreg:$0x0] =	wrdreg $0xFFFFFFFF;
	(pc) =	sbr.abs _section_cstart, $3  }
0xc6: {  	[dreg:$0x1] =	wrdreg $0xFFFFFFFF  }
0xc7: {  	_ =	task.clear_ibuf [dreg:s9], $0x2FFFF;
	_ =	strace $0x9FFFFFFF  }
0xc8: {  	(tm) =	ssettm $0x7FFFFFFF  }
0xc9: {  	_ =	shalt  }
tec
execute0_lowered:
.L_overlay_start_1:
0x0: {  	(tag) =	ssettag $0x1  }
0x1: {  	s2 =	rddreg [dreg:$0x0]  }
0x2: {  	s1 =	rddreg [dreg:$0x1]  }
0x3: {  	s4 =	rddreg [dreg:$0x2]  }
0x4: {  	s6 =	rddreg [dreg:$0x3]  }
0x5: {  	s3 =	rddreg [dreg:$0x4]  }
0x6: {  	s0 =	rddreg [dreg:$0x5];
	s5 =	simm.s32 $0x0;
	s23 =	srdreg.scid  }
0x7: {  	s20 =	stileid.u32;
	s31 =	simm.s32 $0x4F;
	s28 =	simm.s32 $0x17E78  }
0x8: {  	s29 =	simm.s32 $0x8;
	[smem:$0x7FF] =	sst s5;
	s7 =	sadd.s32 $0x2800, s6  }
0x9: {  	s22 =	sadd.s32 $0x2E00, s6;
	s8 =	sadd.s32 $0x3A00, s6;
	s13 =	smul.u32 $0x4F000, s20  }
0xa: {  	s11 =	sshll.u32 s20, $0x1;
	p0 =	slt.u32 s20, $0x2;
	s14 =	smul.u32 $0x2780, s20  }
0xb: {  	s30 =	sadd.s32 $0x128400, s3;
	s15 =	sadd.s32 $0x10, s1;
	p3 =	sgt.u32 s20, $0x1  }
0xc: {  	p4 =	seq.s32 s20, $0xF;
	_ =	strace $0x80000047;
	[dreg:$0x8] =	wrdreg s7  }
0xd: {  	[dreg:$0x9] =	wrdreg s22;
	s7 =	sand.u32 $0x1, s23;
	s31 =	simm.s32 @!p0 $0x4E  }
0xe: {  	[dreg:$0xc] =	wrdreg s30;
	p0 =	sne.s32 s20, $0xF;
	s9 =	sshll.u32 s7, $0x4  }
0xf: {  	s10 =	ssub.s32 $0x2, s7;
	s11 =	sor.u32 s7, s11;
	s13 =	sshrl.u32 s13, $0x2  }
0x10: {  	s7 =	smul.u32 $0x138800, s7;
	s26 =	sadd.s32 s4, s14;
	s4 =	sadd.s32 $0x25080, s4  }
0x11: {  	s19 =	sadd.s32 $0xFFFFFFFD, s31;
	p2 =	sne.s32 @p0 s20, $0x0;
	s6 =	sadd.s32 s9, s6  }
0x12: {  	s12 =	sshrl.u32 s10, $0x1;
	s24 =	smul.u32 $0x4E, s11;
	[dreg:$0xb] =	wrdreg s26  }
0x13: {  	s11 =	smin.u32 s11, $0x4;
	s25 =	sadd.s32 s13, s3;
	[dreg:$0xd] =	wrdreg s4  }
0x14: {  	s9 =	smul.u32 $0x13C00, s20;
	[dreg:$0x7] =	wrdreg s19;
	p1 =	por p2, !p0  }
0x15: {  	p2 =	por !p2, !p0;
	s19 =	simm.s32 $0x5;
	s12 =	ssub.s32 s10, s12  }
0x16: {  	[dreg:$0xa] =	wrdreg s25;
	s10 =	sadd.s32 s11, s24;
	s11 =	sadd.s32 s9, s7  }
0x17: {  	s7 =	sshrl.u32 s7, $0x3;
	s24 =	sadd.s32 $0x3000, s6;
	s25 =	smax.u32 s12, $0x1  }
0x18: {  	s6 =	simm.s32 $0x13B78;
	s9 =	simm.s32 $0x9;
	s13 =	sshll.u32 s10, $0x5  }
0x19: {  	s11 =	sshrl.u32 s11, $0x3;
	s7 =	sadd.s32 s8, s7;
	[dreg:$0x16] =	wrdreg s24  }
0x1a: {  	[dreg:$0x17] =	wrdreg s25;
	s25 =	simm.s32 $0x13BF8;
	s17 =	sadd.s32 s13, s15  }
0x1b: {  	s24 =	simm.s32 $0x13D78;
	s11 =	sadd.s32 s8, s11;
	[dreg:$0xf] =	wrdreg s17  }
0x1c: {  	s16 =	sadd.s32 s1, s13;
	s23 =	sadd.s32 $0x25080, s7;
	[dreg:$0x11] =	wrdreg s11  }
0x1d: {  	s4 =	sadd.s32 $0x9C0, s13;
	s7 =	simm.s32 $0x13CF8;
	[dreg:$0x15] =	wrdreg s23  }
0x1e: {  	s8 =	simm.s32 $0x3;
	s18 =	sadd.s32 $0x20, s16;
	[dreg:$0xe] =	wrdreg s16  }
0x1f: {  	s13 =	simm.s32 $0x1BE78;
	s21 =	sadd.s32 $0x30, s16;
	[dreg:$0x10] =	wrdreg s18  }
0x20: {  	s22 =	sadd.s32 s1, s4;
	s4 =	sadd.s32 s4, s15;
	[dreg:$0x12] =	wrdreg s21  }
0x21: {  	s26 =	sadd.s32 $0x40, s16;
	s30 =	sadd.s32 $0x50, s16;
	[dreg:$0x13] =	wrdreg s22  }
.Ltmp0:
0x22: {  	s23 =	simm.s32 $0x13AF8;
	[dreg:$0x14] =	wrdreg s4;
	(pc) =	sbr.rel .LBB2_1-.Ltmp0, $4  }
0x23: {  	s17 =	simm.s32 $0x1;
	s16 =	simm.s32 $0x13DF8;
	[dreg:$0x18] =	wrdreg s26  }
0x24: {  	s11 =	simm.s32 $0x0;
	s4 =	simm.s32 @!p4 $0x0;
	[dreg:$0x19] =	wrdreg s30  }
0x25: {  	s21 =	simm.s32 $0x80;
	s18 =	simm.s32 $0x13E78;
	s4 =	simm.s32 @p4 $0x1  }
0x26: {  	s26 =	simm.s32 $0x2;
	s22 =	simm.s32 $0x13C78;
	[smem:$0x7FD] =	sst s4  }
.LBB2_7:
0x27: {  	s1 =	rddreg [dreg:$0xc]  }
0x28: {  	s2 =	rddreg [dreg:$0x15]  }
0x29: {  	s4 =	simm.s32 $0x1FD0;
	s30 =	simm.s32 $0x10;
	s1 =	sshrl.u32 s1, $0x3  }
0x2a: {  	[hbm:s2], [sflag:s4] =	dma.local [spmem:s1], $0x2080  }
0x2b: {  	_ =	swait.ge [sflag:s30], $0x2080  }
0x2c: {  	[sflag:s30] =	ssyncset.done $0x0  }
0x2d: {  	s13 =	simm.s32 $0x1BE78;
	s11 =	rddreg [dreg:$0x1a];
	[sflag:s30] =	ssyncadd.s32 $0xFFFFDF80  }
.LBB2_8:
0x2e: {  	s1 =	sshll.u32 @p5 s12, $0x6  }
0x2f: {  	s2 =	sshrl.u32 @p5 s0, $0x3;
	s12 =	simm.s32 @p5 $0x1;
	s14 =	simm.s32 @p5 $0x20  }
0x30: {  	s20 =	simm.s32 @p5 $0x10;
	s4 =	rddreg [dreg:$0x16];
	s1 =	sor.u32 @p5 $0x1C10, s1  }
0x31: {  	[hbm:s4@s14], [sflag:s1] =	dma.strided @p5 [spmem:s2@s20], $0x4F0, s12, $0x10   }
0x32: {  	s11 =	sadd.s32 $0x1, s11;
	s23 =	simm.s32 $0x13AF8;
	_ =	swait.ge @p5 [sflag:s20], $0x4F0  }
0x33: {  	s6 =	simm.s32 $0x13B78;
	s7 =	simm.s32 $0x13CF8;
	s30 =	rddreg [dreg:$0x17]  }
0x34: {  	s17 =	simm.s32 $0x1;
	s18 =	simm.s32 $0x13E78;
	p4 =	sne.s32 s11, s30  }
.Ltmp1:
0x35: {  	s24 =	simm.s32 $0x13D78;
	s25 =	simm.s32 $0x13BF8;
	(pc) =	sbr.rel @!p4 .LBB2_9-.Ltmp1, $4  }
0x36: {  	s26 =	simm.s32 $0x2;
	s28 =	simm.s32 $0x17E78;
	s16 =	simm.s32 $0x13DF8  }
0x37: {  	s22 =	simm.s32 $0x13C78;
	s8 =	simm.s32 $0x3;
	[sflag:s20] =	ssyncset.done @p5 $0x0  }
0x38: {  	s2 =	smov.u32 s3;
	s3 =	smov.u32 s29;
	[sflag:s20] =	ssyncadd.s32 @p5 $0xFFFFFB10  }
0x39: {  	s29 =	simm.s32 $0x8;
	s20 =	stileid.u32;
	s1 =	rddreg [dreg:$0x1]  }
.LBB2_1:
0x3a: {  	[dreg:$0x1a] =	wrdreg s11  }
0x3b: {  	s12 =	sshll.u32 @p0 s20, $0x6;
	s4 =	rddreg [dreg:$0xa]  }
0x3c: {  	s12 =	sor.u32 @p0 $0x1C10, s12;
	s14 =	sshrl.u32 @p0 s4, $0x3;
	s4 =	rddreg [dreg:$0xb]  }
0x3d: {  	[spmem:s14], [sflag:s12] =	dma.local @p0 [hbm:s4], $0x2780  }
0x3e: {  	s12 =	simm.s32 @p0 $0x10  }
0x3f: {  	_ =	swait.ge @p0 [sflag:s12], $0x2780  }
0x40: {  	s14 =	simm.s32 @!p1 $0x1C10;
	[sflag:s12] =	ssyncset.done @p0 $0x0  }
0x41: {  	s4 =	rddreg [dreg:$0x8];
	[sflag:s12] =	ssyncadd.s32 @p0 $0xFFFFD880;
	s12 =	sshrl.u32 @!p1 s0, $0x3  }
0x42: {  	[spmem:s12], [sflag:s14] =	dma.local @!p1 [hbm:s4], $0x4F0  }
0x43: {  	s12 =	simm.s32 @!p1 $0x10  }
0x44: {  	_ =	swait.ge @!p1 [sflag:s12], $0x4F0  }
0x45: {  	s14 =	simm.s32 @!p0 $0x1FD0;
	[sflag:s12] =	ssyncset.done @!p1 $0x0;
	s4 =	rddreg [dreg:$0xc]  }
0x46: {  	[sflag:s12] =	ssyncadd.s32 @!p1 $0xFFFFFB10;
	s12 =	sshrl.u32 @!p0 s4, $0x3;
	s4 =	rddreg [dreg:$0xd]  }
0x47: {  	[spmem:s12], [sflag:s14] =	dma.local @!p0 [hbm:s4], $0x2080  }
0x48: {  	s12 =	simm.s32 @!p0 $0x10  }
0x49: {  	_ =	swait.ge @!p0 [sflag:s12], $0x2080  }
0x4a: {  	[sflag:s12] =	ssyncset.done @!p0 $0x0  }
0x4b: {  	s11 =	rddreg [dreg:$0x9];
	[sflag:s12] =	ssyncadd.s32 @!p0 $0xFFFFDF80;
	s12 =	simm.s32 $0x10  }
0x4c: {  	[tilespmem:s23], [sflag:$0x10] =	stream.linear.gather [hbm4b:s11+s5], $0x80, $0x38;
	[tilespmem:$0x1FE78] =	vst v63  }
0x4d: {  	_ =	swait.ge [sflag:s12], $0x80  }
0x4e: {  	[sflag:s12] =	ssyncset.done $0x0  }
0x4f: {  	[sflag:s12] =	ssyncadd.s32 $0xFFFFFF80  }
0x50: {  	[bflag:$0x0] =	sbarrier.arrive $0xFFFF  }
0x51: {  	s14 =	rddreg [dreg:$0xe]  }
0x52: {  	[tilespmem:s6], [sflag:$0x1] =	stream.linear.gather [hbm4b:s14+s5], $0x80, $0x38;
	[tilespmem:$0x1FE78] =	vst v63  }
0x53: {  	s20 =	rddreg [dreg:$0xf]  }
0x54: {  	[tilespmem:s7], [sflag:$0x4] =	stream.linear.gather [hbm4b:s20+s5], $0x80, $0x38;
	[tilespmem:$0x1FE78] =	vst v63  }
0x55: {  	_ =	swait.ge [sflag:s17], $0x80  }
0x56: {  	[sflag:s17] =	ssyncset.done $0x0  }
0x57: {  	[sflag:s17] =	ssyncadd.s32 $0xFFFFFF80  }
0x58: {  	[tilespmem:s18], [sflag:$0x7] =	stream.indirect.gather [hbm4b:s2+s21], $0x80, s6, s21, $0xb8;
	[tilespmem:$0x1FE78] =	vst v63  }
0x59: {  	s30 =	rddreg [dreg:$0x10]  }
0x5a: {  	[tilespmem:s25], [sflag:$0x2] =	stream.linear.gather [hbm4b:s30+s5], $0x80, $0x38;
	[tilespmem:$0x1FE78] =	vst v63  }
0x5b: {  	s11 =	rddreg [dreg:$0x12]  }
0x5c: {  	[tilespmem:s24], [sflag:$0x5] =	stream.linear.gather [hbm4b:s11+s5], $0x80, $0x38;
	[tilespmem:$0x1FE78] =	vst v63  }
0x5d: {  	_ =	swait.ge [sflag:s26], $0x80  }
0x5e: {  	[sflag:s26] =	ssyncset.done $0x0  }
0x5f: {  	[sflag:s26] =	ssyncadd.s32 $0xFFFFFF80  }
0x60: {  	[tilespmem:s28], [sflag:$0x8] =	stream.indirect.gather [hbm4b:s2+s21], $0x80, s25, s21, $0xb8;
	[tilespmem:$0x1FE78] =	vst v63  }
0x61: {  	s12 =	rddreg [dreg:$0x18]  }
0x62: {  	[tilespmem:s22], [sflag:$0x3] =	stream.linear.gather [hbm4b:s12+s5], $0x80, $0x38;
	[tilespmem:$0x1FE78] =	vst v63  }
0x63: {  	s14 =	rddreg [dreg:$0x19]  }
0x64: {  	[tilespmem:s16], [sflag:$0x6] =	stream.linear.gather [hbm4b:s14+s5], $0x80, $0x38;
	[tilespmem:$0x1FE78] =	vst v63  }
0x65: {  	_ =	swait.ge [sflag:s8], $0x80  }
0x66: {  	[sflag:s8] =	ssyncset.done $0x0  }
0x67: {  	s12 =	simm.s32 $0x7;
	[sflag:s8] =	ssyncadd.s32 $0xFFFFFF80  }
0x68: {  	[tilespmem:s13], [sflag:$0x9] =	stream.indirect.gather [hbm4b:s2+s21], $0x80, s22, s21, $0xb8;
	[tilespmem:$0x1FE78] =	vst v63  }
0x69: {  	_ =	swait.ge [sflag:s12], $0x4000  }
0x6a: {  	[sflag:s12] =	ssyncset.done $0x0  }
0x6b: {  	s20 =	simm.s32 $0x4;
	[sflag:s12] =	ssyncadd.s32 $0xFFFFC000  }
0x6c: {  	_ =	swait.ge [sflag:s20], $0x80  }
0x6d: {  	[sflag:s20] =	ssyncset.done $0x0;
	s14 =	rddreg [dreg:$0x7]  }
0x6e: {  	s12 =	simm.s32 $0x3;
	[sflag:s20] =	ssyncadd.s32 $0xFFFFFF80;
	p5 =	seq.s32 s14, $0x0  }
0x6f: {  	[spmem:s3] =	stream.indirect.scatter.add.f32 [tilespmem:s18], [sflag:$0xA], $0x80, s7, s21, $0xb8;
	[tilespmem:$0x1FE78] =	vst v63  }
0x70: {  	s12 =	simm.s32 @p5 $0x0  }
0x71: {  	s20 =	simm.s32 $0x4;
	s12 =	sadd.s32 s10, s12  }
0x72: {  	(drf) =	srem.u32 s20, s31;
	s12 =	sshll.u32 s12, $0x5  }
0x73: {  	[spmem:s0] =	stream.indirect.scatter.add.f32 [tilespmem:s23], [sflag:$0xD], $0x1, s7, s21, $0xb8;
	[tilespmem:$0x1FE78] =	vst v63  }
0x74: {  	s8 =	sadd.s32 s1, s12  }
0x75: {  	[tilespmem:s6], [sflag:$0x1] =	stream.linear.gather [hbm4b:s8+s5], $0x80, $0x38;
	[tilespmem:$0x1FE78] =	vst v63  }
0x76: {  	_ =	swait.ge [sflag:s29], $0x4000  }
0x77: {  	[sflag:s29] =	ssyncset.done $0x0  }
0x78: {  	[sflag:s29] =	ssyncadd.s32 $0xFFFFC000  }
0x79: {  	_ =	swait.ge [sflag:s19], $0x80  }
0x7a: {  	[sflag:s19] =	ssyncset.done $0x0  }
0x7b: {  	s11 =	spop (drf);
	[sflag:s19] =	ssyncadd.s32 $0xFFFFFF80;
	s19 =	simm.s32 $0x5  }
0x7c: {  	[spmem:s3] =	stream.indirect.scatter.add.f32 [tilespmem:s28], [sflag:$0xB], $0x80, s24, s21, $0xb8;
	[tilespmem:$0x1FE78] =	vst v63  }
0x7d: {  	s14 =	sadd.s32 s10, s11;
	(drf) =	srem.u32 s19, s31  }
0x7e: {  	s14 =	sshll.u32 s14, $0x5  }
0x7f: {  	[spmem:s0] =	stream.indirect.scatter.add.f32 [tilespmem:s23], [sflag:$0xE], $0x1, s24, s21, $0xb8;
	[tilespmem:$0x1FE78] =	vst v63  }
0x80: {  	s8 =	sadd.s32 s1, s14  }
0x81: {  	[tilespmem:s25], [sflag:$0x2] =	stream.linear.gather [hbm4b:s8+s5], $0x80, $0x38;
	[tilespmem:$0x1FE78] =	vst v63  }
0x82: {  	_ =	swait.ge [sflag:s9], $0x4000  }
0x83: {  	[sflag:s9] =	ssyncset.done $0x0  }
0x84: {  	s4 =	simm.s32 $0x6;
	[sflag:s9] =	ssyncadd.s32 $0xFFFFC000  }
0x85: {  	_ =	swait.ge [sflag:s4], $0x80  }
0x86: {  	[sflag:s4] =	ssyncset.done $0x0;
	s9 =	spop (drf)  }
0x87: {  	s11 =	simm.s32 $0x1BE78;
	[sflag:s4] =	ssyncadd.s32 $0xFFFFFF80;
	s20 =	sadd.s32 s10, s9  }
0x88: {  	[spmem:s3] =	stream.indirect.scatter.add.f32 [tilespmem:s11], [sflag:$0xC], $0x80, s16, s21, $0xb8;
	[tilespmem:$0x1FE78] =	vst v63  }
0x89: {  	s19 =	sshll.u32 s20, $0x5  }
0x8a: {  	[spmem:s0] =	stream.indirect.scatter.add.f32 [tilespmem:s23], [sflag:$0xF], $0x1, s16, s21, $0xb8;
	[tilespmem:$0x1FE78] =	vst v63  }
0x8b: {  	s13 =	simm.s32 $0xA;
	s20 =	sadd.s32 s1, s19  }
0x8c: {  	[tilespmem:s22], [sflag:$0x3] =	stream.linear.gather [hbm4b:s20+s5], $0x80, $0x38;
	[tilespmem:$0x1FE78] =	vst v63  }
0x8d: {  	_ =	swait.ge [sflag:s13], $0x4000  }
0x8e: {  	[sflag:s13] =	ssyncset.done $0x0  }
0x8f: {  	s30 =	simm.s32 $0xD;
	[sflag:s13] =	ssyncadd.s32 $0xFFFFC000  }
0x90: {  	_ =	swait.ge [sflag:s30], $0x80  }
0x91: {  	[sflag:s30] =	ssyncset.done $0x0  }
0x92: {  	s12 =	sadd.s32 s12, s15;
	[sflag:s30] =	ssyncadd.s32 $0xFFFFFF80  }
0x93: {  	[tilespmem:s7], [sflag:$0x4] =	stream.linear.gather [hbm4b:s12+s5], $0x80, $0x38;
	[tilespmem:$0x1FE78] =	vst v63  }
0x94: {  	_ =	swait.ge [sflag:s17], $0x80  }
0x95: {  	[sflag:s17] =	ssyncset.done $0x0  }
0x96: {  	s20 =	simm.s32 $0xB;
	[sflag:s17] =	ssyncadd.s32 $0xFFFFFF80  }
0x97: {  	[tilespmem:s18], [sflag:$0x7] =	stream.indirect.gather [hbm4b:s2+s21], $0x80, s6, s21, $0xb8;
	[tilespmem:$0x1FE78] =	vst v63  }
0x98: {  	_ =	swait.ge [sflag:s20], $0x4000  }
0x99: {  	[sflag:s20] =	ssyncset.done $0x0  }
0x9a: {  	s22 =	simm.s32 $0xE;
	[sflag:s20] =	ssyncadd.s32 $0xFFFFC000  }
0x9b: {  	_ =	swait.ge [sflag:s22], $0x80  }
0x9c: {  	[sflag:s22] =	ssyncset.done $0x0  }
0x9d: {  	s23 =	sadd.s32 s14, s15;
	[sflag:s22] =	ssyncadd.s32 $0xFFFFFF80  }
0x9e: {  	[tilespmem:s24], [sflag:$0x5] =	stream.linear.gather [hbm4b:s23+s5], $0x80, $0x38;
	[tilespmem:$0x1FE78] =	vst v63  }
0x9f: {  	p6 =	por @p0 $0x0, $0x0;
	p5 =	por @!p1 $0x1, $0x1;
	_ =	swait.ge [sflag:s26], $0x80  }
0xa0: {  	p5 =	por @!p2 p6, p6;
	p6 =	por @!p0 $0x0, $0x0;
	[sflag:s26] =	ssyncset.done $0x0  }
0xa1: {  	p5 =	por @!p0 p6, p6;
	s29 =	smov.u32 s3;
	[sflag:s26] =	ssyncadd.s32 $0xFFFFFF80  }
0xa2: {  	[tilespmem:s28], [sflag:$0x8] =	stream.indirect.gather [hbm4b:s2+s21], $0x80, s25, s21, $0xb8;
	[tilespmem:$0x1FE78] =	vst v63  }
0xa3: {  	s8 =	simm.s32 $0x3;
	s4 =	smov.u32 s1;
	s28 =	simm.s32 $0xC  }
0xa4: {  	s9 =	simm.s32 $0x9;
	s14 =	sadd.s32 s19, s15;
	_ =	swait.ge [sflag:s28], $0x4000  }
0xa5: {  	s16 =	simm.s32 $0x13DF8;
	s19 =	simm.s32 $0x5;
	[sflag:s28] =	ssyncset.done $0x0  }
0xa6: {  	s30 =	simm.s32 $0xF;
	s12 =	simm.s32 $0x3;
	[sflag:s28] =	ssyncadd.s32 $0xFFFFC000  }
0xa7: {  	s7 =	simm.s32 $0x13CF8;
	s17 =	simm.s32 $0x1;
	_ =	swait.ge [sflag:s30], $0x80  }
0xa8: {  	s22 =	simm.s32 $0x8;
	s23 =	simm.s32 $0x13AF8;
	[sflag:s30] =	ssyncset.done $0x0  }
0xa9: {  	s24 =	simm.s32 $0x13D78;
	s26 =	simm.s32 $0x2;
	[sflag:s30] =	ssyncadd.s32 $0xFFFFFF80  }
.LBB2_2:
0xaa: {  	[tilespmem:s16], [sflag:$0x6] =	stream.linear.gather [hbm4b:s14+s5], $0x80, $0x38;
	[tilespmem:$0x1FE78] =	vst v63  }
0xab: {  	_ =	swait.ge [sflag:s8], $0x80  }
0xac: {  	s11 =	simm.s32 $0x13C78;
	[sflag:s8] =	ssyncset.done $0x0  }
0xad: {  	s6 =	simm.s32 $0x1BE78;
	s3 =	simm.s32 $0x7;
	[sflag:s8] =	ssyncadd.s32 $0xFFFFFF80  }
0xae: {  	[tilespmem:s6], [sflag:$0x9] =	stream.indirect.gather [hbm4b:s2+s21], $0x80, s11, s21, $0xb8;
	[tilespmem:$0x1FE78] =	vst v63  }
0xaf: {  	_ =	swait.ge [sflag:s3], $0x4000  }
0xb0: {  	[sflag:s3] =	ssyncset.done $0x0  }
0xb1: {  	s1 =	smov.u32 s12;
	s30 =	simm.s32 $0x4;
	[sflag:s3] =	ssyncadd.s32 $0xFFFFC000  }
0xb2: {  	p6 =	sne.s32 s12, $0x4B;
	s12 =	sadd.s32 $0x3, s12;
	_ =	swait.ge [sflag:s30], $0x80  }
0xb3: {  	s28 =	simm.s32 $0x13E78;
	[sflag:s30] =	ssyncset.done $0x0;
	s13 =	rddreg [dreg:$0x7]  }
0xb4: {  	s20 =	smov.u32 s12;
	[sflag:s30] =	ssyncadd.s32 $0xFFFFFF80;
	p4 =	seq.s32 s13, s1  }
0xb5: {  	[spmem:s29] =	stream.indirect.scatter.add.f32 [tilespmem:s28], [sflag:$0xA], $0x80, s7, s21, $0xb8;
	[tilespmem:$0x1FE78] =	vst v63  }
0xb6: {  	s18 =	sadd.s32 $0x4, s1;
	s20 =	simm.s32 @p4 $0x0  }
0xb7: {  	(drf) =	srem.u32 s18, s31;
	s25 =	sadd.s32 s10, s20  }
0xb8: {  	s20 =	sshll.u32 s25, $0x5  }
0xb9: {  	[spmem:s0] =	stream.indirect.scatter.add.f32 [tilespmem:s23], [sflag:$0xD], $0x1, s7, s21, $0xb8;
	[tilespmem:$0x1FE78] =	vst v63  }
0xba: {  	s25 =	simm.s32 $0x13B78;
	s14 =	sadd.s32 s4, s20  }
0xbb: {  	[tilespmem:s25], [sflag:$0x1] =	stream.linear.gather [hbm4b:s14+s5], $0x80, $0x38;
	[tilespmem:$0x1FE78] =	vst v63  }
0xbc: {  	_ =	swait.ge [sflag:s22], $0x4000  }
0xbd: {  	[sflag:s22] =	ssyncset.done $0x0  }
0xbe: {  	[sflag:s22] =	ssyncadd.s32 $0xFFFFC000  }
0xbf: {  	s1 =	sadd.s32 $0x5, s1;
	_ =	swait.ge [sflag:s19], $0x80  }
0xc0: {  	s30 =	spop (drf);
	[sflag:s19] =	ssyncset.done $0x0;
	(drf) =	srem.u32 s1, s31  }
0xc1: {  	s14 =	sadd.s32 s10, s30;
	[sflag:s19] =	ssyncadd.s32 $0xFFFFFF80;
	s30 =	simm.s32 $0x17E78  }
0xc2: {  	[spmem:s29] =	stream.indirect.scatter.add.f32 [tilespmem:s30], [sflag:$0xB], $0x80, s24, s21, $0xb8;
	[tilespmem:$0x1FE78] =	vst v63  }
0xc3: {  	s14 =	sshll.u32 s14, $0x5  }
0xc4: {  	[spmem:s0] =	stream.indirect.scatter.add.f32 [tilespmem:s23], [sflag:$0xE], $0x1, s24, s21, $0xb8;
	[tilespmem:$0x1FE78] =	vst v63  }
0xc5: {  	s13 =	simm.s32 $0x13BF8;
	s3 =	sadd.s32 s4, s14  }
0xc6: {  	[tilespmem:s13], [sflag:$0x2] =	stream.linear.gather [hbm4b:s3+s5], $0x80, $0x38;
	[tilespmem:$0x1FE78] =	vst v63  }
0xc7: {  	_ =	swait.ge [sflag:s9], $0x4000  }
0xc8: {  	[sflag:s9] =	ssyncset.done $0x0  }
0xc9: {  	s18 =	simm.s32 $0x6;
	[sflag:s9] =	ssyncadd.s32 $0xFFFFC000  }
0xca: {  	_ =	swait.ge [sflag:s18], $0x80  }
0xcb: {  	[sflag:s18] =	ssyncset.done $0x0;
	s3 =	spop (drf)  }
0xcc: {  	[sflag:s18] =	ssyncadd.s32 $0xFFFFFF80;
	s1 =	sadd.s32 s10, s3  }
0xcd: {  	[spmem:s29] =	stream.indirect.scatter.add.f32 [tilespmem:s6], [sflag:$0xC], $0x80, s16, s21, $0xb8;
	[tilespmem:$0x1FE78] =	vst v63  }
0xce: {  	s1 =	sshll.u32 s1, $0x5  }
0xcf: {  	[spmem:s0] =	stream.indirect.scatter.add.f32 [tilespmem:s23], [sflag:$0xF], $0x1, s16, s21, $0xb8;
	[tilespmem:$0x1FE78] =	vst v63  }
0xd0: {  	s3 =	smov.u32 s2;
	s2 =	sadd.s32 s4, s1  }
0xd1: {  	[tilespmem:s11], [sflag:$0x3] =	stream.linear.gather [hbm4b:s2+s5], $0x80, $0x38;
	[tilespmem:$0x1FE78] =	vst v63  }
0xd2: {  	s11 =	simm.s32 $0xA  }
0xd3: {  	_ =	swait.ge [sflag:s11], $0x4000  }
0xd4: {  	[sflag:s11] =	ssyncset.done $0x0  }
0xd5: {  	[sflag:s11] =	ssyncadd.s32 $0xFFFFC000;
	s11 =	simm.s32 $0xD  }
0xd6: {  	_ =	swait.ge [sflag:s11], $0x80  }
0xd7: {  	[sflag:s11] =	ssyncset.done $0x0  }
0xd8: {  	s2 =	sadd.s32 s20, s15;
	[sflag:s11] =	ssyncadd.s32 $0xFFFFFF80  }
0xd9: {  	[tilespmem:s7], [sflag:$0x4] =	stream.linear.gather [hbm4b:s2+s5], $0x80, $0x38;
	[tilespmem:$0x1FE78] =	vst v63  }
0xda: {  	_ =	swait.ge [sflag:s17], $0x80  }
0xdb: {  	[sflag:s17] =	ssyncset.done $0x0  }
0xdc: {  	s20 =	simm.s32 $0xB;
	[sflag:s17] =	ssyncadd.s32 $0xFFFFFF80  }
0xdd: {  	[tilespmem:s28], [sflag:$0x7] =	stream.indirect.gather [hbm4b:s3+s21], $0x80, s25, s21, $0xb8;
	[tilespmem:$0x1FE78] =	vst v63  }
0xde: {  	_ =	swait.ge [sflag:s20], $0x4000  }
0xdf: {  	[sflag:s20] =	ssyncset.done $0x0  }
0xe0: {  	s11 =	simm.s32 $0xE;
	[sflag:s20] =	ssyncadd.s32 $0xFFFFC000  }
0xe1: {  	_ =	swait.ge [sflag:s11], $0x80  }
0xe2: {  	[sflag:s11] =	ssyncset.done $0x0  }
0xe3: {  	s14 =	sadd.s32 s14, s15;
	[sflag:s11] =	ssyncadd.s32 $0xFFFFFF80  }
0xe4: {  	[tilespmem:s24], [sflag:$0x5] =	stream.linear.gather [hbm4b:s14+s5], $0x80, $0x38;
	[tilespmem:$0x1FE78] =	vst v63  }
0xe5: {  	_ =	swait.ge [sflag:s26], $0x80  }
0xe6: {  	[sflag:s26] =	ssyncset.done $0x0  }
0xe7: {  	s28 =	simm.s32 $0xC;
	[sflag:s26] =	ssyncadd.s32 $0xFFFFFF80  }
0xe8: {  	[tilespmem:s30], [sflag:$0x8] =	stream.indirect.gather [hbm4b:s3+s21], $0x80, s13, s21, $0xb8;
	[tilespmem:$0x1FE78] =	vst v63  }
0xe9: {  	_ =	swait.ge [sflag:s28], $0x4000  }
.Ltmp2:
0xea: {  	[sflag:s28] =	ssyncset.done $0x0;
	(pc) =	sbr.rel @p6 .LBB2_2-.Ltmp2, $4  }
0xeb: {  	s25 =	simm.s32 $0xF;
	[sflag:s28] =	ssyncadd.s32 $0xFFFFC000  }
0xec: {  	_ =	swait.ge [sflag:s25], $0x80  }
0xed: {  	s18 =	simm.s32 $0x1BE78;
	s6 =	simm.s32 $0x13C78;
	[sflag:s25] =	ssyncset.done $0x0  }
0xee: {  	s2 =	smov.u32 s3;
	s14 =	sadd.s32 s1, s15;
	[sflag:s25] =	ssyncadd.s32 $0xFFFFFF80  }
0xef: {  	[tilespmem:s16], [sflag:$0x6] =	stream.linear.gather [hbm4b:s14+s5], $0x80, $0x38;
	[tilespmem:$0x1FE78] =	vst v63  }
0xf0: {  	_ =	swait.ge [sflag:s8], $0x80  }
0xf1: {  	[sflag:s8] =	ssyncset.done $0x0  }
0xf2: {  	s1 =	simm.s32 $0x7;
	[sflag:s8] =	ssyncadd.s32 $0xFFFFFF80  }
0xf3: {  	[tilespmem:s18], [sflag:$0x9] =	stream.indirect.gather [hbm4b:s2+s21], $0x80, s6, s21, $0xb8;
	[tilespmem:$0x1FE78] =	vst v63  }
0xf4: {  	_ =	swait.ge [sflag:s1], $0x4000  }
0xf5: {  	[sflag:s1] =	ssyncset.done $0x0  }
0xf6: {  	s28 =	simm.s32 $0x4;
	[sflag:s1] =	ssyncadd.s32 $0xFFFFC000  }
0xf7: {  	_ =	swait.ge [sflag:s28], $0x80  }
0xf8: {  	[sflag:s28] =	ssyncset.done $0x0  }
0xf9: {  	[sflag:s28] =	ssyncadd.s32 $0xFFFFFF80  }
0xfa: {  	_ =	swait.ge [sflag:s22], $0x4000  }
0xfb: {  	[sflag:s22] =	ssyncset.done $0x0  }
0xfc: {  	[sflag:s22] =	ssyncadd.s32 $0xFFFFC000  }
0xfd: {  	_ =	swait.ge [sflag:s19], $0x80  }
0xfe: {  	[sflag:s19] =	ssyncset.done $0x0  }
0xff: {  	[sflag:s19] =	ssyncadd.s32 $0xFFFFFF80  }
0x100: {  	_ =	swait.ge [sflag:s9], $0x4000  }
.Ltmp3:
0x101: {  	[sflag:s9] =	ssyncset.done $0x0;
	(pc) =	sbr.rel @p3 .LBB2_5-.Ltmp3, $4  }
0x102: {  	s30 =	simm.s32 $0x6;
	[sflag:s9] =	ssyncadd.s32 $0xFFFFC000  }
0x103: {  	s4 =	simm.s32 $0x13AF8;
	_ =	swait.ge [sflag:s30], $0x80  }
0x104: {  	s11 =	simm.s32 $0x4;
	s8 =	simm.s32 $0x7;
	[sflag:s30] =	ssyncset.done $0x0  }
0x105: {  	s19 =	simm.s32 $0x5;
	s9 =	simm.s32 $0x9;
	[sflag:s30] =	ssyncadd.s32 $0xFFFFFF80  }
0x106: {  	s1 =	rddreg [dreg:$0x13];
	s6 =	simm.s32 $0x13B78  }
0x107: {  	[tilespmem:s6], [sflag:$0x1] =	stream.linear.gather [hbm4b:s1+s5], $0x80, $0x38;
	[tilespmem:$0x1FE78] =	vst v63  }
0x108: {  	s24 =	rddreg [dreg:$0x14];
	s7 =	simm.s32 $0x13CF8;
	s25 =	simm.s32 $0x1  }
0x109: {  	[tilespmem:s7], [sflag:$0x4] =	stream.linear.gather [hbm4b:s24+s5], $0x80, $0x38;
	[tilespmem:$0x1FE78] =	vst v63  }
0x10a: {  	_ =	swait.ge [sflag:s25], $0x80  }
0x10b: {  	[sflag:s25] =	ssyncset.done $0x0  }
0x10c: {  	[sflag:s25] =	ssyncadd.s32 $0xFFFFFF80  }
0x10d: {  	_ =	swait.ge [sflag:s11], $0x80  }
0x10e: {  	[sflag:s11] =	ssyncset.done $0x0  }
0x10f: {  	s26 =	simm.s32 $0x13E78;
	[sflag:s11] =	ssyncadd.s32 $0xFFFFFF80  }
0x110: {  	[tilespmem:s26], [sflag:$0x7] =	stream.indirect.gather [hbm4b:s2+s21], $0x80, s6, s21, $0xb8;
	[tilespmem:$0x1FE78] =	vst v63  }
0x111: {  	_ =	swait.ge [sflag:s8], $0x4000  }
0x112: {  	[sflag:s8] =	ssyncset.done $0x0  }
0x113: {  	s28 =	simm.s32 $0xA;
	[sflag:s8] =	ssyncadd.s32 $0xFFFFC000  }
0x114: {  	[spmem:s29] =	stream.indirect.scatter.add.f32 [tilespmem:s26], [sflag:$0xA], $0x80, s7, s21, $0xb8;
	[tilespmem:$0x1FE78] =	vst v63  }
0x115: {  	_ =	swait.ge [sflag:s28], $0x4000  }
0x116: {  	[sflag:s28] =	ssyncset.done $0x0  }
0x117: {  	s30 =	simm.s32 $0xD;
	[sflag:s28] =	ssyncadd.s32 $0xFFFFC000  }
0x118: {  	[spmem:s0] =	stream.indirect.scatter.add.f32 [tilespmem:s4], [sflag:$0xD], $0x1, s7, s21, $0xb8;
	[tilespmem:$0x1FE78] =	vst v63  }
.Ltmp4:
0x119: {  	_ =	swait.ge [sflag:s30], $0x80;
	(pc) =	sbr.rel .LBB2_6-.Ltmp4, $4  }
0x11a: {  	[sflag:s30] =	ssyncset.done $0x0  }
0x11b: {  	[sflag:s30] =	ssyncadd.s32 $0xFFFFFF80  }
0x11c: {  	[bflag:$0x0] =	sbarrier.arrive $0xFFFF  }
0x11d: {  	s12 =	stileid.u32  }
.LBB2_5:
0x11e: {  	[bflag:$0x0] =	sbarrier.arrive $0xFFFF  }
0x11f: {  	s1 =	sld [smem:$0x7FD];
	_ =	sdelay $0x2  }
0x120: {  	p4 =	seq.s32 s1, $0x1  }
.Ltmp5:
0x121: {  	_ = 	snop;
	(pc) =	sbr.rel @p4 .LBB2_7-.Ltmp5, $2  }
0x122: {  	_ =	sdelay $0x2  }
0x123: {  	s12 =	stileid.u32  }
.LBB2_6:
0x124: {  	s2 =	rddreg [dreg:$0xa]  }
0x125: {  	s1 =	sshll.u32 s12, $0x6;
	s14 =	rddreg [dreg:$0x11];
	s30 =	simm.s32 $0x10  }
.Ltmp6:
0x126: {  	s1 =	sor.u32 $0x1C10, s1;
	s2 =	sshrl.u32 s2, $0x3;
	(pc) =	sbr.rel .LBB2_8-.Ltmp6, $4  }
0x127: {  	[hbm:s14], [sflag:s1] =	dma.local [spmem:s2], $0x2780  }
0x128: {  	_ =	swait.ge [sflag:s30], $0x2780  }
0x129: {  	[sflag:s30] =	ssyncset.done $0x0  }
0x12a: {  	s13 =	simm.s32 $0x1BE78;
	s11 =	rddreg [dreg:$0x1a];
	[sflag:s30] =	ssyncadd.s32 $0xFFFFD880  }
.LBB2_9:
0x12b: {  	_ =	sfence.sel $0x180000  }
0x12c: {  	[bflag:$0x0] =	sbarrier.arrive $0xFFFF  }
0x12d: {  	_ =	strace $0x90000047  }
0x12e: {  	[bflag:$0x2] =	sbarrier.arrive $0xFFFF  }
0x12f: {  	p0 =	sne.s32 s20, $0x0;
	s0 =	rddreg [dreg:$0x6]  }
0x130: {  	s0 =	sadd.s32 @!p0 $0x100000, s0  }
0x131: {  	[sflag:s0] =	ssyncadd.tile.s32 @!p0 $0x1;
	_ =	shalt  }
.Lfunc_end2:
_tile_overlayer_lowered:
.L_overlay_start_2:
0x132: {  	(tag) =	ssettag $0x2  }
0x133: {  	s0 =	rddreg [dreg:$0x0];
	s2 =	stileid.u32  }
0x134: {  	s1 =	rddreg [dreg:$0x1];
	p0 =	sne.s32 s2, $0x0  }
0x135: {  	s3 =	rddreg [dreg:$0x2];
	[bflag:$0x3] =	sbarrier.arrive $0xFFFF;
	s2 =	simm.s32 @!p0 $0x1C10  }
0x136: {  	[timem:s3], [sflag:s2] =	dma.local @!p0 [hbm:s0], s1  }
0x137: {  	s0 =	simm.s32 @!p0 $0x10  }
0x138: {  	_ =	swait.ge @!p0 [sflag:s0], s1  }
0x139: {  	s1 =	ssub.s32 @!p0 $0x0, s1;
	[sflag:s0] =	ssyncset.done @!p0 $0x0  }
0x13a: {  	[sflag:s0] =	ssyncadd.s32 @!p0 s1  }
0x13b: {  	[bflag:$0x3] =	sbarrier.arrive $0xFFFF  }
0x13c: {  	_ =	shalt  }

</sc_bundles>
